<compile_context>
chip_gen: v7x
topology: tpu7x:2x2x1
jax: 0.10.2.dev20260603
libtpu: 0.0.44.dev20260713+nightly
codegen_flags: <defaults>
</compile_context>

<pallas_src>
import functools

import jax
import jax.numpy as jnp
from jax import lax
from jax.experimental import pallas as pl
from jax.experimental.pallas import tpu as pltpu
from jax.experimental.pallas import tpu_sc as plsc

VOCAB = 100000
WORD_DIM = 300
DOMAIN_DIM = 100
OUT_DIM = WORD_DIM + DOMAIN_DIM
B = 1024
L = 200
N = B * L
NUM_WORKERS = 32
N_PER_W = N // NUM_WORKERS
CHUNK = 80
NCHUNKS = N_PER_W // CHUNK

FUSE_BLOCK = 1024


def _fuse_body(wt_ref, dt_ref, q0_ref, q1_ref, q2_ref, q3_ref):
    q0_ref[...] = wt_ref[pl.ds(0, 128), :].T
    q1_ref[...] = wt_ref[pl.ds(128, 128), :].T
    q2_ref[:, :44] = wt_ref[pl.ds(256, 44), :].T
    q2_ref[:, 44:] = dt_ref[pl.ds(0, 84), :].T
    q3_ref[:, :16] = dt_ref[pl.ds(84, 16), :].T


_fuse_tables = pl.pallas_call(
    _fuse_body,
    grid=(pl.cdiv(VOCAB, FUSE_BLOCK),),
    in_specs=[
        pl.BlockSpec((WORD_DIM, FUSE_BLOCK), lambda i: (0, i)),
        pl.BlockSpec((DOMAIN_DIM, FUSE_BLOCK), lambda i: (0, i)),
    ],
    out_specs=[pl.BlockSpec((FUSE_BLOCK, 128), lambda i: (i, 0))] * 4,
    out_shape=[jax.ShapeDtypeStruct((VOCAB, 128), jnp.float32)] * 4,
)

_mesh = plsc.VectorSubcoreMesh(core_axis_name="c", subcore_axis_name="s")


def _make_gather(n):
    n_per_w = n // NUM_WORKERS
    nchunks = n_per_w // CHUNK

    @functools.partial(
        pl.kernel,
        mesh=_mesh,
        out_type=[jax.ShapeDtypeStruct((n, 128), jnp.float32)] * 4,
        compiler_params=pltpu.CompilerParams(use_tc_tiling_on_sc=False),
        scratch_types=[
            [pltpu.VMEM((CHUNK,), jnp.int32)] * 2,
            [[pltpu.VMEM((CHUNK, 128), jnp.float32)] * 4] * 2,
            [pltpu.SemaphoreType.DMA] * 2,
            [pltpu.SemaphoreType.DMA] * 2,
        ],
    )
    def gather_kernel(q0_hbm, q1_hbm, q2_hbm, q3_hbm, idx_hbm,
                      o0_hbm, o1_hbm, o2_hbm, o3_hbm,
                      idx_v, rows_v, gsem, ssem):
        wid = lax.axis_index("s") * 2 + lax.axis_index("c")
        base0 = wid * n_per_w
        tabs = (q0_hbm, q1_hbm, q2_hbm, q3_hbm)
        outs = (o0_hbm, o1_hbm, o2_hbm, o3_hbm)

        def gather_wait(i, slot):
            base = base0 + i * CHUNK
            pltpu.sync_copy(idx_hbm.at[pl.ds(base, CHUNK)], idx_v[slot])
            cps = [pltpu.async_copy(tabs[q].at[idx_v[slot]],
                                    rows_v[slot][q], gsem[slot])
                   for q in range(4)]
            for cp in cps:
                cp.wait()

        def put(i, slot):
            base = base0 + i * CHUNK
            for q in range(4):
                pltpu.async_copy(rows_v[slot][q],
                                 outs[q].at[pl.ds(base, CHUNK)], ssem[slot])

        def drain_put(slot):
            for q in range(4):
                pltpu.make_async_copy(rows_v[slot][q],
                                      outs[q].at[pl.ds(0, CHUNK)],
                                      ssem[slot]).wait()

        gather_wait(0, 0)
        put(0, 0)
        gather_wait(1, 1)

        def step(i, slot):
            put(i + 1, 1 - slot)
            drain_put(slot)
            gather_wait(i + 2, slot)

        def body(k, carry):
            step(2 * k, 0)
            step(2 * k + 1, 1)
            return carry

        lax.fori_loop(0, (nchunks - 2) // 2, body, 0)

        last = (nchunks - 1) % 2
        put(nchunks - 1, last)
        drain_put(1 - last)
        drain_put(last)

    return gather_kernel




def _xpose_body(g0_ref, g1_ref, g2_ref, g3_ref, out_ref):
    out_ref[0, pl.ds(0, 128), :] = g0_ref[...].T
    out_ref[0, pl.ds(128, 128), :] = g1_ref[...].T
    out_ref[0, pl.ds(256, 128), :] = g2_ref[...].T
    out_ref[0, pl.ds(384, 16), :] = g3_ref[...].T


SLICES = 4
SLICE_L = L // SLICES


def _make_xpose(s, aliased):
    def body(*refs):
        _xpose_body(*refs[-5:])

    in_specs = ([pl.BlockSpec((B, 128), lambda l: (l, 0))] * 3 +
                [pl.BlockSpec((B, 16), lambda l: (l, 0))])
    if aliased:
        in_specs = [pl.BlockSpec(memory_space=pl.ANY)] + in_specs
    return pl.pallas_call(
        body if aliased else _xpose_body,
        grid=(SLICE_L,),
        in_specs=in_specs,
        out_specs=pl.BlockSpec((1, OUT_DIM, B),
                               lambda l, s=s: (l + s * SLICE_L, 0, 0)),
        out_shape=jax.ShapeDtypeStruct((L, OUT_DIM, B), jnp.float32),
        input_output_aliases={0: 0} if aliased else {},
    )


_xpose_slices = [_make_xpose(s, aliased=(s > 0)) for s in range(SLICES)]
_fused_gather_slice = _make_gather(N // SLICES)


def kernel(word_table, domain_table, x):
    q0, q1, q2, q3 = _fuse_tables(word_table.T, domain_table.T)
    idx = x.T.reshape(-1).astype(jnp.int32)
    ns = N // SLICES
    out3 = None
    for s in range(SLICES):
        g0, g1, g2, g3 = _fused_gather_slice(q0, q1, q2, q3,
                                             idx[s * ns:(s + 1) * ns])
        args = (g0, g1, g2, g3[:, :16])
        out3 = (_xpose_slices[0](*args) if s == 0
                else _xpose_slices[s](out3, *args))
    return out3.transpose(2, 0, 1)

# --- scband reference (transcript-rebuilt; emitter-appended) ---
"""Pipeline reference for scband-dcran-89412629168636 (READ-ONLY COPY).

The authoritative reference and input builder live on the scoring server;
editing this copy changes nothing except your own understanding.
"""

import jax, jax.numpy as jnp
import numpy as np

VOCAB = 100000
WORD_DIM = 300
DOMAIN_DIM = 100
B = 1024
L = 200

def setup_inputs(seed: int = 0) -> dict:
    key = jax.random.key(seed)
    k1, k2, k3 = jax.random.split(key, 3)
    word_table = jax.random.normal(k1, (VOCAB, WORD_DIM), dtype=jnp.float32)
    domain_table = jax.random.normal(k2, (VOCAB, DOMAIN_DIM), dtype=jnp.float32)
    x = jax.random.randint(k3, (B, L), 0, VOCAB, dtype=jnp.int64)
    return {"word_table": word_table, "domain_table": domain_table, "x": x}

def reference(word_table, domain_table, x):
    # DCRAN front-end: dual embedding lookup (general word2vec + domain-specific
    # embedding) followed by feature concatenation along the channel dim.
    w = jnp.take(word_table, x, axis=0)      # [B, L, 300]
    d = jnp.take(domain_table, x, axis=0)    # [B, L, 100]
    emb = jnp.concatenate([w, d], axis=-1)   # [B, L, 400]
    return emb

if __name__ == "__main__":
    import jax
    _d = setup_inputs()
    print(jax.jit(kernel)(*tuple(_d.values())))

</pallas_src>

<mosaic_0001>
#map = affine_map<(d0, d1) -> (0, 0)>
#map1 = affine_map<(d0, d1) -> (0)>
module attributes {stable_mosaic.version = 14 : i64} {
  func.func @gather_kernel(%arg0: i32, %arg1: i32, %arg2: memref<100000x128xf32, #tpu.memory_space<hbm>>, %arg3: memref<100000x128xf32, #tpu.memory_space<hbm>>, %arg4: memref<100000x128xf32, #tpu.memory_space<hbm>>, %arg5: memref<100000x128xf32, #tpu.memory_space<hbm>>, %arg6: memref<51200xi32, #tpu.memory_space<hbm>>, %arg7: memref<51200x128xf32, #tpu.memory_space<hbm>>, %arg8: memref<51200x128xf32, #tpu.memory_space<hbm>>, %arg9: memref<51200x128xf32, #tpu.memory_space<hbm>>, %arg10: memref<51200x128xf32, #tpu.memory_space<hbm>>, %arg11: memref<80xi32, #tpu.memory_space<vmem>>, %arg12: memref<80xi32, #tpu.memory_space<vmem>>, %arg13: memref<80x128xf32, #tpu.memory_space<vmem>>, %arg14: memref<80x128xf32, #tpu.memory_space<vmem>>, %arg15: memref<80x128xf32, #tpu.memory_space<vmem>>, %arg16: memref<80x128xf32, #tpu.memory_space<vmem>>, %arg17: memref<80x128xf32, #tpu.memory_space<vmem>>, %arg18: memref<80x128xf32, #tpu.memory_space<vmem>>, %arg19: memref<80x128xf32, #tpu.memory_space<vmem>>, %arg20: memref<80x128xf32, #tpu.memory_space<vmem>>, %arg21: memref<!tpu.dma_semaphore, #tpu.memory_space<semaphore_mem>>, %arg22: memref<!tpu.dma_semaphore, #tpu.memory_space<semaphore_mem>>, %arg23: memref<!tpu.dma_semaphore, #tpu.memory_space<semaphore_mem>>, %arg24: memref<!tpu.dma_semaphore, #tpu.memory_space<semaphore_mem>>) attributes {dimension_semantics = [#tpu.dimension_semantics<core_parallel>, #tpu.dimension_semantics<subcore_parallel>], iteration_bounds = array<i64: 2, 16>, scalar_prefetch = 0 : i64, scratch_operands = 14 : i64, tpu.core_type = #tpu.core_type<sc_vector_subcore>, window_params = [{transform_indices = #map}, {transform_indices = #map}, {transform_indices = #map}, {transform_indices = #map}, {transform_indices = #map1}, {transform_indices = #map}, {transform_indices = #map}, {transform_indices = #map}, {transform_indices = #map}]} {
    %mul3A = arith.constant 2 : i32
    %mul3A_0 = arith.muli %arg1, %mul3A : i32
    %add3A = arith.addi %mul3A_0, %arg0 : i32
    %mul3A_1 = arith.constant 1600 : i32
    %mul3A_2 = arith.muli %add3A, %mul3A_1 : i32
    %add3A_3 = arith.constant 0 : i32
    %add3A_4 = arith.addi %mul3A_2, %add3A_3 : i32
    "tpu.region"() ({
      %run_scoped3A = tpu.sem_alloc : memref<!tpu.dma_semaphore, #tpu.memory_space<semaphore_mem>>
      %dma_start3A_142 = tpu.memref_slice %arg6[%add3A_4] : memref<51200xi32, #tpu.memory_space<hbm>> -> memref<80xi32, #tpu.memory_space<hbm>>
      %dma_start3A_143 = tpu.memref_slice %arg6[%add3A_4] : memref<51200xi32, #tpu.memory_space<hbm>> -> memref<80xi32, #tpu.memory_space<hbm>>
      tpu.enqueue_dma source(%dma_start3A_143 : memref<80xi32, #tpu.memory_space<hbm>>) target(%arg11 : memref<80xi32, #tpu.memory_space<vmem>>) target_semaphore(%run_scoped3A : memref<!tpu.dma_semaphore, #tpu.memory_space<semaphore_mem>>)
      %dma_wait3A_144 = tpu.memref_slice %arg6[%add3A_4] : memref<51200xi32, #tpu.memory_space<hbm>> -> memref<80xi32, #tpu.memory_space<hbm>>
      %dma_wait3A_145 = tpu.memref_slice %arg6[%add3A_4] : memref<51200xi32, #tpu.memory_space<hbm>> -> memref<80xi32, #tpu.memory_space<hbm>>
      tpu.wait_dma2 semaphore(%run_scoped3A : memref<!tpu.dma_semaphore, #tpu.memory_space<semaphore_mem>>) src(%dma_wait3A_145 : memref<80xi32, #tpu.memory_space<hbm>>) dst(%arg11 : memref<80xi32, #tpu.memory_space<vmem>>)
      tpu.yield
    }) : () -> ()
    %dma_start3A = arith.constant 0 : i32
    %dma_start3A_5 = arith.constant 0 : i32
    %dma_start3A_6 = tpu.memref_slice %arg2[%dma_start3A, %dma_start3A_5] : memref<100000x128xf32, #tpu.memory_space<hbm>> -> memref<100000x128xf32, #tpu.memory_space<hbm>>
    tpu.enqueue_indirect_dma source(%dma_start3A_6 : memref<100000x128xf32, #tpu.memory_space<hbm>>) target(%arg13 : memref<80x128xf32, #tpu.memory_space<vmem>>) offsets(%arg11 : memref<80xi32, #tpu.memory_space<vmem>>) semaphore(%arg21 : memref<!tpu.dma_semaphore, #tpu.memory_space<semaphore_mem>>)
    %dma_start3A_7 = arith.constant 0 : i32
    %dma_start3A_8 = arith.constant 0 : i32
    %dma_start3A_9 = tpu.memref_slice %arg3[%dma_start3A_7, %dma_start3A_8] : memref<100000x128xf32, #tpu.memory_space<hbm>> -> memref<100000x128xf32, #tpu.memory_space<hbm>>
    tpu.enqueue_indirect_dma source(%dma_start3A_9 : memref<100000x128xf32, #tpu.memory_space<hbm>>) target(%arg14 : memref<80x128xf32, #tpu.memory_space<vmem>>) offsets(%arg11 : memref<80xi32, #tpu.memory_space<vmem>>) semaphore(%arg21 : memref<!tpu.dma_semaphore, #tpu.memory_space<semaphore_mem>>)
    %dma_start3A_10 = arith.constant 0 : i32
    %dma_start3A_11 = arith.constant 0 : i32
    %dma_start3A_12 = tpu.memref_slice %arg4[%dma_start3A_10, %dma_start3A_11] : memref<100000x128xf32, #tpu.memory_space<hbm>> -> memref<100000x128xf32, #tpu.memory_space<hbm>>
    tpu.enqueue_indirect_dma source(%dma_start3A_12 : memref<100000x128xf32, #tpu.memory_space<hbm>>) target(%arg15 : memref<80x128xf32, #tpu.memory_space<vmem>>) offsets(%arg11 : memref<80xi32, #tpu.memory_space<vmem>>) semaphore(%arg21 : memref<!tpu.dma_semaphore, #tpu.memory_space<semaphore_mem>>)
    %dma_start3A_13 = arith.constant 0 : i32
    %dma_start3A_14 = arith.constant 0 : i32
    %dma_start3A_15 = tpu.memref_slice %arg5[%dma_start3A_13, %dma_start3A_14] : memref<100000x128xf32, #tpu.memory_space<hbm>> -> memref<100000x128xf32, #tpu.memory_space<hbm>>
    tpu.enqueue_indirect_dma source(%dma_start3A_15 : memref<100000x128xf32, #tpu.memory_space<hbm>>) target(%arg16 : memref<80x128xf32, #tpu.memory_space<vmem>>) offsets(%arg11 : memref<80xi32, #tpu.memory_space<vmem>>) semaphore(%arg21 : memref<!tpu.dma_semaphore, #tpu.memory_space<semaphore_mem>>)
    %dma_wait3A = arith.constant 0 : i32
    %dma_wait3A_16 = arith.constant 0 : i32
    %dma_wait3A_17 = tpu.memref_slice %arg2[%dma_wait3A, %dma_wait3A_16] : memref<100000x128xf32, #tpu.memory_space<hbm>> -> memref<100000x128xf32, #tpu.memory_space<hbm>>
    tpu.wait_indirect_dma semaphore(%arg21 : memref<!tpu.dma_semaphore, #tpu.memory_space<semaphore_mem>>) src(%dma_wait3A_17 : memref<100000x128xf32, #tpu.memory_space<hbm>>) dst(%arg13 : memref<80x128xf32, #tpu.memory_space<vmem>>)
    %dma_wait3A_18 = arith.constant 0 : i32
    %dma_wait3A_19 = arith.constant 0 : i32
    %dma_wait3A_20 = tpu.memref_slice %arg3[%dma_wait3A_18, %dma_wait3A_19] : memref<100000x128xf32, #tpu.memory_space<hbm>> -> memref<100000x128xf32, #tpu.memory_space<hbm>>
    tpu.wait_indirect_dma semaphore(%arg21 : memref<!tpu.dma_semaphore, #tpu.memory_space<semaphore_mem>>) src(%dma_wait3A_20 : memref<100000x128xf32, #tpu.memory_space<hbm>>) dst(%arg14 : memref<80x128xf32, #tpu.memory_space<vmem>>)
    %dma_wait3A_21 = arith.constant 0 : i32
    %dma_wait3A_22 = arith.constant 0 : i32
    %dma_wait3A_23 = tpu.memref_slice %arg4[%dma_wait3A_21, %dma_wait3A_22] : memref<100000x128xf32, #tpu.memory_space<hbm>> -> memref<100000x128xf32, #tpu.memory_space<hbm>>
    tpu.wait_indirect_dma semaphore(%arg21 : memref<!tpu.dma_semaphore, #tpu.memory_space<semaphore_mem>>) src(%dma_wait3A_23 : memref<100000x128xf32, #tpu.memory_space<hbm>>) dst(%arg15 : memref<80x128xf32, #tpu.memory_space<vmem>>)
    %dma_wait3A_24 = arith.constant 0 : i32
    %dma_wait3A_25 = arith.constant 0 : i32
    %dma_wait3A_26 = tpu.memref_slice %arg5[%dma_wait3A_24, %dma_wait3A_25] : memref<100000x128xf32, #tpu.memory_space<hbm>> -> memref<100000x128xf32, #tpu.memory_space<hbm>>
    tpu.wait_indirect_dma semaphore(%arg21 : memref<!tpu.dma_semaphore, #tpu.memory_space<semaphore_mem>>) src(%dma_wait3A_26 : memref<100000x128xf32, #tpu.memory_space<hbm>>) dst(%arg16 : memref<80x128xf32, #tpu.memory_space<vmem>>)
    %add3A_27 = arith.constant 0 : i32
    %add3A_28 = arith.addi %mul3A_2, %add3A_27 : i32
    %dma_start3A_29 = arith.constant 0 : i32
    %dma_start3A_30 = tpu.memref_slice %arg7[%add3A_28, %dma_start3A_29] : memref<51200x128xf32, #tpu.memory_space<hbm>> -> memref<80x128xf32, #tpu.memory_space<hbm>>
    %dma_start3A_31 = arith.constant 0 : i32
    %dma_start3A_32 = tpu.memref_slice %arg7[%add3A_28, %dma_start3A_31] : memref<51200x128xf32, #tpu.memory_space<hbm>> -> memref<80x128xf32, #tpu.memory_space<hbm>>
    tpu.enqueue_dma source(%arg13 : memref<80x128xf32, #tpu.memory_space<vmem>>) target(%dma_start3A_32 : memref<80x128xf32, #tpu.memory_space<hbm>>) target_semaphore(%arg23 : memref<!tpu.dma_semaphore, #tpu.memory_space<semaphore_mem>>)
    %dma_start3A_33 = arith.constant 0 : i32
    %dma_start3A_34 = tpu.memref_slice %arg8[%add3A_28, %dma_start3A_33] : memref<51200x128xf32, #tpu.memory_space<hbm>> -> memref<80x128xf32, #tpu.memory_space<hbm>>
    %dma_start3A_35 = arith.constant 0 : i32
    %dma_start3A_36 = tpu.memref_slice %arg8[%add3A_28, %dma_start3A_35] : memref<51200x128xf32, #tpu.memory_space<hbm>> -> memref<80x128xf32, #tpu.memory_space<hbm>>
    tpu.enqueue_dma source(%arg14 : memref<80x128xf32, #tpu.memory_space<vmem>>) target(%dma_start3A_36 : memref<80x128xf32, #tpu.memory_space<hbm>>) target_semaphore(%arg23 : memref<!tpu.dma_semaphore, #tpu.memory_space<semaphore_mem>>)
    %dma_start3A_37 = arith.constant 0 : i32
    %dma_start3A_38 = tpu.memref_slice %arg9[%add3A_28, %dma_start3A_37] : memref<51200x128xf32, #tpu.memory_space<hbm>> -> memref<80x128xf32, #tpu.memory_space<hbm>>
    %dma_start3A_39 = arith.constant 0 : i32
    %dma_start3A_40 = tpu.memref_slice %arg9[%add3A_28, %dma_start3A_39] : memref<51200x128xf32, #tpu.memory_space<hbm>> -> memref<80x128xf32, #tpu.memory_space<hbm>>
    tpu.enqueue_dma source(%arg15 : memref<80x128xf32, #tpu.memory_space<vmem>>) target(%dma_start3A_40 : memref<80x128xf32, #tpu.memory_space<hbm>>) target_semaphore(%arg23 : memref<!tpu.dma_semaphore, #tpu.memory_space<semaphore_mem>>)
    %dma_start3A_41 = arith.constant 0 : i32
    %dma_start3A_42 = tpu.memref_slice %arg10[%add3A_28, %dma_start3A_41] : memref<51200x128xf32, #tpu.memory_space<hbm>> -> memref<80x128xf32, #tpu.memory_space<hbm>>
    %dma_start3A_43 = arith.constant 0 : i32
    %dma_start3A_44 = tpu.memref_slice %arg10[%add3A_28, %dma_start3A_43] : memref<51200x128xf32, #tpu.memory_space<hbm>> -> memref<80x128xf32, #tpu.memory_space<hbm>>
    tpu.enqueue_dma source(%arg16 : memref<80x128xf32, #tpu.memory_space<vmem>>) target(%dma_start3A_44 : memref<80x128xf32, #tpu.memory_space<hbm>>) target_semaphore(%arg23 : memref<!tpu.dma_semaphore, #tpu.memory_space<semaphore_mem>>)
    %add3A_45 = arith.constant 80 : i32
    %add3A_46 = arith.addi %mul3A_2, %add3A_45 : i32
    "tpu.region"() ({
      %run_scoped3A = tpu.sem_alloc : memref<!tpu.dma_semaphore, #tpu.memory_space<semaphore_mem>>
      %dma_start3A_142 = tpu.memref_slice %arg6[%add3A_46] : memref<51200xi32, #tpu.memory_space<hbm>> -> memref<80xi32, #tpu.memory_space<hbm>>
      %dma_start3A_143 = tpu.memref_slice %arg6[%add3A_46] : memref<51200xi32, #tpu.memory_space<hbm>> -> memref<80xi32, #tpu.memory_space<hbm>>
      tpu.enqueue_dma source(%dma_start3A_143 : memref<80xi32, #tpu.memory_space<hbm>>) target(%arg12 : memref<80xi32, #tpu.memory_space<vmem>>) target_semaphore(%run_scoped3A : memref<!tpu.dma_semaphore, #tpu.memory_space<semaphore_mem>>)
      %dma_wait3A_144 = tpu.memref_slice %arg6[%add3A_46] : memref<51200xi32, #tpu.memory_space<hbm>> -> memref<80xi32, #tpu.memory_space<hbm>>
      %dma_wait3A_145 = tpu.memref_slice %arg6[%add3A_46] : memref<51200xi32, #tpu.memory_space<hbm>> -> memref<80xi32, #tpu.memory_space<hbm>>
      tpu.wait_dma2 semaphore(%run_scoped3A : memref<!tpu.dma_semaphore, #tpu.memory_space<semaphore_mem>>) src(%dma_wait3A_145 : memref<80xi32, #tpu.memory_space<hbm>>) dst(%arg12 : memref<80xi32, #tpu.memory_space<vmem>>)
      tpu.yield
    }) : () -> ()
    %dma_start3A_47 = arith.constant 0 : i32
    %dma_start3A_48 = arith.constant 0 : i32
    %dma_start3A_49 = tpu.memref_slice %arg2[%dma_start3A_47, %dma_start3A_48] : memref<100000x128xf32, #tpu.memory_space<hbm>> -> memref<100000x128xf32, #tpu.memory_space<hbm>>
    tpu.enqueue_indirect_dma source(%dma_start3A_49 : memref<100000x128xf32, #tpu.memory_space<hbm>>) target(%arg17 : memref<80x128xf32, #tpu.memory_space<vmem>>) offsets(%arg12 : memref<80xi32, #tpu.memory_space<vmem>>) semaphore(%arg22 : memref<!tpu.dma_semaphore, #tpu.memory_space<semaphore_mem>>)
    %dma_start3A_50 = arith.constant 0 : i32
    %dma_start3A_51 = arith.constant 0 : i32
    %dma_start3A_52 = tpu.memref_slice %arg3[%dma_start3A_50, %dma_start3A_51] : memref<100000x128xf32, #tpu.memory_space<hbm>> -> memref<100000x128xf32, #tpu.memory_space<hbm>>
    tpu.enqueue_indirect_dma source(%dma_start3A_52 : memref<100000x128xf32, #tpu.memory_space<hbm>>) target(%arg18 : memref<80x128xf32, #tpu.memory_space<vmem>>) offsets(%arg12 : memref<80xi32, #tpu.memory_space<vmem>>) semaphore(%arg22 : memref<!tpu.dma_semaphore, #tpu.memory_space<semaphore_mem>>)
    %dma_start3A_53 = arith.constant 0 : i32
    %dma_start3A_54 = arith.constant 0 : i32
    %dma_start3A_55 = tpu.memref_slice %arg4[%dma_start3A_53, %dma_start3A_54] : memref<100000x128xf32, #tpu.memory_space<hbm>> -> memref<100000x128xf32, #tpu.memory_space<hbm>>
    tpu.enqueue_indirect_dma source(%dma_start3A_55 : memref<100000x128xf32, #tpu.memory_space<hbm>>) target(%arg19 : memref<80x128xf32, #tpu.memory_space<vmem>>) offsets(%arg12 : memref<80xi32, #tpu.memory_space<vmem>>) semaphore(%arg22 : memref<!tpu.dma_semaphore, #tpu.memory_space<semaphore_mem>>)
    %dma_start3A_56 = arith.constant 0 : i32
    %dma_start3A_57 = arith.constant 0 : i32
    %dma_start3A_58 = tpu.memref_slice %arg5[%dma_start3A_56, %dma_start3A_57] : memref<100000x128xf32, #tpu.memory_space<hbm>> -> memref<100000x128xf32, #tpu.memory_space<hbm>>
    tpu.enqueue_indirect_dma source(%dma_start3A_58 : memref<100000x128xf32, #tpu.memory_space<hbm>>) target(%arg20 : memref<80x128xf32, #tpu.memory_space<vmem>>) offsets(%arg12 : memref<80xi32, #tpu.memory_space<vmem>>) semaphore(%arg22 : memref<!tpu.dma_semaphore, #tpu.memory_space<semaphore_mem>>)
    %dma_wait3A_59 = arith.constant 0 : i32
    %dma_wait3A_60 = arith.constant 0 : i32
    %dma_wait3A_61 = tpu.memref_slice %arg2[%dma_wait3A_59, %dma_wait3A_60] : memref<100000x128xf32, #tpu.memory_space<hbm>> -> memref<100000x128xf32, #tpu.memory_space<hbm>>
    tpu.wait_indirect_dma semaphore(%arg22 : memref<!tpu.dma_semaphore, #tpu.memory_space<semaphore_mem>>) src(%dma_wait3A_61 : memref<100000x128xf32, #tpu.memory_space<hbm>>) dst(%arg17 : memref<80x128xf32, #tpu.memory_space<vmem>>)
    %dma_wait3A_62 = arith.constant 0 : i32
    %dma_wait3A_63 = arith.constant 0 : i32
    %dma_wait3A_64 = tpu.memref_slice %arg3[%dma_wait3A_62, %dma_wait3A_63] : memref<100000x128xf32, #tpu.memory_space<hbm>> -> memref<100000x128xf32, #tpu.memory_space<hbm>>
    tpu.wait_indirect_dma semaphore(%arg22 : memref<!tpu.dma_semaphore, #tpu.memory_space<semaphore_mem>>) src(%dma_wait3A_64 : memref<100000x128xf32, #tpu.memory_space<hbm>>) dst(%arg18 : memref<80x128xf32, #tpu.memory_space<vmem>>)
    %dma_wait3A_65 = arith.constant 0 : i32
    %dma_wait3A_66 = arith.constant 0 : i32
    %dma_wait3A_67 = tpu.memref_slice %arg4[%dma_wait3A_65, %dma_wait3A_66] : memref<100000x128xf32, #tpu.memory_space<hbm>> -> memref<100000x128xf32, #tpu.memory_space<hbm>>
    tpu.wait_indirect_dma semaphore(%arg22 : memref<!tpu.dma_semaphore, #tpu.memory_space<semaphore_mem>>) src(%dma_wait3A_67 : memref<100000x128xf32, #tpu.memory_space<hbm>>) dst(%arg19 : memref<80x128xf32, #tpu.memory_space<vmem>>)
    %dma_wait3A_68 = arith.constant 0 : i32
    %dma_wait3A_69 = arith.constant 0 : i32
    %dma_wait3A_70 = tpu.memref_slice %arg5[%dma_wait3A_68, %dma_wait3A_69] : memref<100000x128xf32, #tpu.memory_space<hbm>> -> memref<100000x128xf32, #tpu.memory_space<hbm>>
    tpu.wait_indirect_dma semaphore(%arg22 : memref<!tpu.dma_semaphore, #tpu.memory_space<semaphore_mem>>) src(%dma_wait3A_70 : memref<100000x128xf32, #tpu.memory_space<hbm>>) dst(%arg20 : memref<80x128xf32, #tpu.memory_space<vmem>>)
    %scan3A = arith.constant 0 : i32
    %scan3A_71 = arith.constant 0 : i32
    %scan3A_72 = arith.constant 9 : i32
    %scan3A_73 = arith.addi %scan3A_71, %scan3A_72 : i32
    %scan3A_74 = arith.constant 1 : i32
    scf.for %scan3A_142 = %scan3A_71 to %scan3A_73 step %scan3A_74  : i32 {
      %mul3A_143 = arith.constant 2 : i32
      %mul3A_144 = arith.muli %mul3A_143, %scan3A_142 : i32
      %add3A_145 = arith.constant 1 : i32
      %add3A_146 = arith.addi %mul3A_144, %add3A_145 : i32
      %mul3A_147 = arith.constant 80 : i32
      %mul3A_148 = arith.muli %add3A_146, %mul3A_147 : i32
      %add3A_149 = arith.addi %mul3A_2, %mul3A_148 : i32
      %dma_start3A_150 = arith.constant 0 : i32
      %dma_start3A_151 = tpu.memref_slice %arg7[%add3A_149, %dma_start3A_150] : memref<51200x128xf32, #tpu.memory_space<hbm>> -> memref<80x128xf32, #tpu.memory_space<hbm>>
      %dma_start3A_152 = arith.constant 0 : i32
      %dma_start3A_153 = tpu.memref_slice %arg7[%add3A_149, %dma_start3A_152] : memref<51200x128xf32, #tpu.memory_space<hbm>> -> memref<80x128xf32, #tpu.memory_space<hbm>>
      tpu.enqueue_dma source(%arg17 : memref<80x128xf32, #tpu.memory_space<vmem>>) target(%dma_start3A_153 : memref<80x128xf32, #tpu.memory_space<hbm>>) target_semaphore(%arg24 : memref<!tpu.dma_semaphore, #tpu.memory_space<semaphore_mem>>)
      %dma_start3A_154 = arith.constant 0 : i32
      %dma_start3A_155 = tpu.memref_slice %arg8[%add3A_149, %dma_start3A_154] : memref<51200x128xf32, #tpu.memory_space<hbm>> -> memref<80x128xf32, #tpu.memory_space<hbm>>
      %dma_start3A_156 = arith.constant 0 : i32
      %dma_start3A_157 = tpu.memref_slice %arg8[%add3A_149, %dma_start3A_156] : memref<51200x128xf32, #tpu.memory_space<hbm>> -> memref<80x128xf32, #tpu.memory_space<hbm>>
      tpu.enqueue_dma source(%arg18 : memref<80x128xf32, #tpu.memory_space<vmem>>) target(%dma_start3A_157 : memref<80x128xf32, #tpu.memory_space<hbm>>) target_semaphore(%arg24 : memref<!tpu.dma_semaphore, #tpu.memory_space<semaphore_mem>>)
      %dma_start3A_158 = arith.constant 0 : i32
      %dma_start3A_159 = tpu.memref_slice %arg9[%add3A_149, %dma_start3A_158] : memref<51200x128xf32, #tpu.memory_space<hbm>> -> memref<80x128xf32, #tpu.memory_space<hbm>>
      %dma_start3A_160 = arith.constant 0 : i32
      %dma_start3A_161 = tpu.memref_slice %arg9[%add3A_149, %dma_start3A_160] : memref<51200x128xf32, #tpu.memory_space<hbm>> -> memref<80x128xf32, #tpu.memory_space<hbm>>
      tpu.enqueue_dma source(%arg19 : memref<80x128xf32, #tpu.memory_space<vmem>>) target(%dma_start3A_161 : memref<80x128xf32, #tpu.memory_space<hbm>>) target_semaphore(%arg24 : memref<!tpu.dma_semaphore, #tpu.memory_space<semaphore_mem>>)
      %dma_start3A_162 = arith.constant 0 : i32
      %dma_start3A_163 = tpu.memref_slice %arg10[%add3A_149, %dma_start3A_162] : memref<51200x128xf32, #tpu.memory_space<hbm>> -> memref<80x128xf32, #tpu.memory_space<hbm>>
      %dma_start3A_164 = arith.constant 0 : i32
      %dma_start3A_165 = tpu.memref_slice %arg10[%add3A_149, %dma_start3A_164] : memref<51200x128xf32, #tpu.memory_space<hbm>> -> memref<80x128xf32, #tpu.memory_space<hbm>>
      tpu.enqueue_dma source(%arg20 : memref<80x128xf32, #tpu.memory_space<vmem>>) target(%dma_start3A_165 : memref<80x128xf32, #tpu.memory_space<hbm>>) target_semaphore(%arg24 : memref<!tpu.dma_semaphore, #tpu.memory_space<semaphore_mem>>)
      %dma_wait3A_166 = arith.constant 0 : i32
      %dma_wait3A_167 = arith.constant 0 : i32
      %dma_wait3A_168 = tpu.memref_slice %arg7[%dma_wait3A_166, %dma_wait3A_167] : memref<51200x128xf32, #tpu.memory_space<hbm>> -> memref<80x128xf32, #tpu.memory_space<hbm>>
      %dma_wait3A_169 = arith.constant 0 : i32
      %dma_wait3A_170 = arith.constant 0 : i32
      %dma_wait3A_171 = tpu.memref_slice %arg7[%dma_wait3A_169, %dma_wait3A_170] : memref<51200x128xf32, #tpu.memory_space<hbm>> -> memref<80x128xf32, #tpu.memory_space<hbm>>
      tpu.wait_dma2 semaphore(%arg23 : memref<!tpu.dma_semaphore, #tpu.memory_space<semaphore_mem>>) src(%arg13 : memref<80x128xf32, #tpu.memory_space<vmem>>) dst(%dma_wait3A_171 : memref<80x128xf32, #tpu.memory_space<hbm>>)
      %dma_wait3A_172 = arith.constant 0 : i32
      %dma_wait3A_173 = arith.constant 0 : i32
      %dma_wait3A_174 = tpu.memref_slice %arg8[%dma_wait3A_172, %dma_wait3A_173] : memref<51200x128xf32, #tpu.memory_space<hbm>> -> memref<80x128xf32, #tpu.memory_space<hbm>>
      %dma_wait3A_175 = arith.constant 0 : i32
      %dma_wait3A_176 = arith.constant 0 : i32
      %dma_wait3A_177 = tpu.memref_slice %arg8[%dma_wait3A_175, %dma_wait3A_176] : memref<51200x128xf32, #tpu.memory_space<hbm>> -> memref<80x128xf32, #tpu.memory_space<hbm>>
      tpu.wait_dma2 semaphore(%arg23 : memref<!tpu.dma_semaphore, #tpu.memory_space<semaphore_mem>>) src(%arg14 : memref<80x128xf32, #tpu.memory_space<vmem>>) dst(%dma_wait3A_177 : memref<80x128xf32, #tpu.memory_space<hbm>>)
      %dma_wait3A_178 = arith.constant 0 : i32
      %dma_wait3A_179 = arith.constant 0 : i32
      %dma_wait3A_180 = tpu.memref_slice %arg9[%dma_wait3A_178, %dma_wait3A_179] : memref<51200x128xf32, #tpu.memory_space<hbm>> -> memref<80x128xf32, #tpu.memory_space<hbm>>
      %dma_wait3A_181 = arith.constant 0 : i32
      %dma_wait3A_182 = arith.constant 0 : i32
      %dma_wait3A_183 = tpu.memref_slice %arg9[%dma_wait3A_181, %dma_wait3A_182] : memref<51200x128xf32, #tpu.memory_space<hbm>> -> memref<80x128xf32, #tpu.memory_space<hbm>>
      tpu.wait_dma2 semaphore(%arg23 : memref<!tpu.dma_semaphore, #tpu.memory_space<semaphore_mem>>) src(%arg15 : memref<80x128xf32, #tpu.memory_space<vmem>>) dst(%dma_wait3A_183 : memref<80x128xf32, #tpu.memory_space<hbm>>)
      %dma_wait3A_184 = arith.constant 0 : i32
      %dma_wait3A_185 = arith.constant 0 : i32
      %dma_wait3A_186 = tpu.memref_slice %arg10[%dma_wait3A_184, %dma_wait3A_185] : memref<51200x128xf32, #tpu.memory_space<hbm>> -> memref<80x128xf32, #tpu.memory_space<hbm>>
      %dma_wait3A_187 = arith.constant 0 : i32
      %dma_wait3A_188 = arith.constant 0 : i32
      %dma_wait3A_189 = tpu.memref_slice %arg10[%dma_wait3A_187, %dma_wait3A_188] : memref<51200x128xf32, #tpu.memory_space<hbm>> -> memref<80x128xf32, #tpu.memory_space<hbm>>
      tpu.wait_dma2 semaphore(%arg23 : memref<!tpu.dma_semaphore, #tpu.memory_space<semaphore_mem>>) src(%arg16 : memref<80x128xf32, #tpu.memory_space<vmem>>) dst(%dma_wait3A_189 : memref<80x128xf32, #tpu.memory_space<hbm>>)
      %add3A_190 = arith.constant 2 : i32
      %add3A_191 = arith.addi %mul3A_144, %add3A_190 : i32
      %mul3A_192 = arith.constant 80 : i32
      %mul3A_193 = arith.muli %add3A_191, %mul3A_192 : i32
      %add3A_194 = arith.addi %mul3A_2, %mul3A_193 : i32
      "tpu.region"() ({
        %run_scoped3A = tpu.sem_alloc : memref<!tpu.dma_semaphore, #tpu.memory_space<semaphore_mem>>
        %dma_start3A_297 = tpu.memref_slice %arg6[%add3A_194] : memref<51200xi32, #tpu.memory_space<hbm>> -> memref<80xi32, #tpu.memory_space<hbm>>
        %dma_start3A_298 = tpu.memref_slice %arg6[%add3A_194] : memref<51200xi32, #tpu.memory_space<hbm>> -> memref<80xi32, #tpu.memory_space<hbm>>
        tpu.enqueue_dma source(%dma_start3A_298 : memref<80xi32, #tpu.memory_space<hbm>>) target(%arg11 : memref<80xi32, #tpu.memory_space<vmem>>) target_semaphore(%run_scoped3A : memref<!tpu.dma_semaphore, #tpu.memory_space<semaphore_mem>>)
        %dma_wait3A_299 = tpu.memref_slice %arg6[%add3A_194] : memref<51200xi32, #tpu.memory_space<hbm>> -> memref<80xi32, #tpu.memory_space<hbm>>
        %dma_wait3A_300 = tpu.memref_slice %arg6[%add3A_194] : memref<51200xi32, #tpu.memory_space<hbm>> -> memref<80xi32, #tpu.memory_space<hbm>>
        tpu.wait_dma2 semaphore(%run_scoped3A : memref<!tpu.dma_semaphore, #tpu.memory_space<semaphore_mem>>) src(%dma_wait3A_300 : memref<80xi32, #tpu.memory_space<hbm>>) dst(%arg11 : memref<80xi32, #tpu.memory_space<vmem>>)
        tpu.yield
      }) : () -> ()
      %dma_start3A_195 = arith.constant 0 : i32
      %dma_start3A_196 = arith.constant 0 : i32
      %dma_start3A_197 = tpu.memref_slice %arg2[%dma_start3A_195, %dma_start3A_196] : memref<100000x128xf32, #tpu.memory_space<hbm>> -> memref<100000x128xf32, #tpu.memory_space<hbm>>
      tpu.enqueue_indirect_dma source(%dma_start3A_197 : memref<100000x128xf32, #tpu.memory_space<hbm>>) target(%arg13 : memref<80x128xf32, #tpu.memory_space<vmem>>) offsets(%arg11 : memref<80xi32, #tpu.memory_space<vmem>>) semaphore(%arg21 : memref<!tpu.dma_semaphore, #tpu.memory_space<semaphore_mem>>)
      %dma_start3A_198 = arith.constant 0 : i32
      %dma_start3A_199 = arith.constant 0 : i32
      %dma_start3A_200 = tpu.memref_slice %arg3[%dma_start3A_198, %dma_start3A_199] : memref<100000x128xf32, #tpu.memory_space<hbm>> -> memref<100000x128xf32, #tpu.memory_space<hbm>>
      tpu.enqueue_indirect_dma source(%dma_start3A_200 : memref<100000x128xf32, #tpu.memory_space<hbm>>) target(%arg14 : memref<80x128xf32, #tpu.memory_space<vmem>>) offsets(%arg11 : memref<80xi32, #tpu.memory_space<vmem>>) semaphore(%arg21 : memref<!tpu.dma_semaphore, #tpu.memory_space<semaphore_mem>>)
      %dma_start3A_201 = arith.constant 0 : i32
      %dma_start3A_202 = arith.constant 0 : i32
      %dma_start3A_203 = tpu.memref_slice %arg4[%dma_start3A_201, %dma_start3A_202] : memref<100000x128xf32, #tpu.memory_space<hbm>> -> memref<100000x128xf32, #tpu.memory_space<hbm>>
      tpu.enqueue_indirect_dma source(%dma_start3A_203 : memref<100000x128xf32, #tpu.memory_space<hbm>>) target(%arg15 : memref<80x128xf32, #tpu.memory_space<vmem>>) offsets(%arg11 : memref<80xi32, #tpu.memory_space<vmem>>) semaphore(%arg21 : memref<!tpu.dma_semaphore, #tpu.memory_space<semaphore_mem>>)
      %dma_start3A_204 = arith.constant 0 : i32
      %dma_start3A_205 = arith.constant 0 : i32
      %dma_start3A_206 = tpu.memref_slice %arg5[%dma_start3A_204, %dma_start3A_205] : memref<100000x128xf32, #tpu.memory_space<hbm>> -> memref<100000x128xf32, #tpu.memory_space<hbm>>
      tpu.enqueue_indirect_dma source(%dma_start3A_206 : memref<100000x128xf32, #tpu.memory_space<hbm>>) target(%arg16 : memref<80x128xf32, #tpu.memory_space<vmem>>) offsets(%arg11 : memref<80xi32, #tpu.memory_space<vmem>>) semaphore(%arg21 : memref<!tpu.dma_semaphore, #tpu.memory_space<semaphore_mem>>)
      %dma_wait3A_207 = arith.constant 0 : i32
      %dma_wait3A_208 = arith.constant 0 : i32
      %dma_wait3A_209 = tpu.memref_slice %arg2[%dma_wait3A_207, %dma_wait3A_208] : memref<100000x128xf32, #tpu.memory_space<hbm>> -> memref<100000x128xf32, #tpu.memory_space<hbm>>
      tpu.wait_indirect_dma semaphore(%arg21 : memref<!tpu.dma_semaphore, #tpu.memory_space<semaphore_mem>>) src(%dma_wait3A_209 : memref<100000x128xf32, #tpu.memory_space<hbm>>) dst(%arg13 : memref<80x128xf32, #tpu.memory_space<vmem>>)
      %dma_wait3A_210 = arith.constant 0 : i32
      %dma_wait3A_211 = arith.constant 0 : i32
      %dma_wait3A_212 = tpu.memref_slice %arg3[%dma_wait3A_210, %dma_wait3A_211] : memref<100000x128xf32, #tpu.memory_space<hbm>> -> memref<100000x128xf32, #tpu.memory_space<hbm>>
      tpu.wait_indirect_dma semaphore(%arg21 : memref<!tpu.dma_semaphore, #tpu.memory_space<semaphore_mem>>) src(%dma_wait3A_212 : memref<100000x128xf32, #tpu.memory_space<hbm>>) dst(%arg14 : memref<80x128xf32, #tpu.memory_space<vmem>>)
      %dma_wait3A_213 = arith.constant 0 : i32
      %dma_wait3A_214 = arith.constant 0 : i32
      %dma_wait3A_215 = tpu.memref_slice %arg4[%dma_wait3A_213, %dma_wait3A_214] : memref<100000x128xf32, #tpu.memory_space<hbm>> -> memref<100000x128xf32, #tpu.memory_space<hbm>>
      tpu.wait_indirect_dma semaphore(%arg21 : memref<!tpu.dma_semaphore, #tpu.memory_space<semaphore_mem>>) src(%dma_wait3A_215 : memref<100000x128xf32, #tpu.memory_space<hbm>>) dst(%arg15 : memref<80x128xf32, #tpu.memory_space<vmem>>)
      %dma_wait3A_216 = arith.constant 0 : i32
      %dma_wait3A_217 = arith.constant 0 : i32
      %dma_wait3A_218 = tpu.memref_slice %arg5[%dma_wait3A_216, %dma_wait3A_217] : memref<100000x128xf32, #tpu.memory_space<hbm>> -> memref<100000x128xf32, #tpu.memory_space<hbm>>
      tpu.wait_indirect_dma semaphore(%arg21 : memref<!tpu.dma_semaphore, #tpu.memory_space<semaphore_mem>>) src(%dma_wait3A_218 : memref<100000x128xf32, #tpu.memory_space<hbm>>) dst(%arg16 : memref<80x128xf32, #tpu.memory_space<vmem>>)
      %mul3A_219 = arith.constant 2 : i32
      %mul3A_220 = arith.muli %mul3A_219, %scan3A_142 : i32
      %add3A_221 = arith.constant 1 : i32
      %add3A_222 = arith.addi %mul3A_220, %add3A_221 : i32
      %add3A_223 = arith.constant 1 : i32
      %add3A_224 = arith.addi %add3A_222, %add3A_223 : i32
      %mul3A_225 = arith.constant 80 : i32
      %mul3A_226 = arith.muli %add3A_224, %mul3A_225 : i32
      %add3A_227 = arith.addi %mul3A_2, %mul3A_226 : i32
      %dma_start3A_228 = arith.constant 0 : i32
      %dma_start3A_229 = tpu.memref_slice %arg7[%add3A_227, %dma_start3A_228] : memref<51200x128xf32, #tpu.memory_space<hbm>> -> memref<80x128xf32, #tpu.memory_space<hbm>>
      %dma_start3A_230 = arith.constant 0 : i32
      %dma_start3A_231 = tpu.memref_slice %arg7[%add3A_227, %dma_start3A_230] : memref<51200x128xf32, #tpu.memory_space<hbm>> -> memref<80x128xf32, #tpu.memory_space<hbm>>
      tpu.enqueue_dma source(%arg13 : memref<80x128xf32, #tpu.memory_space<vmem>>) target(%dma_start3A_231 : memref<80x128xf32, #tpu.memory_space<hbm>>) target_semaphore(%arg23 : memref<!tpu.dma_semaphore, #tpu.memory_space<semaphore_mem>>)
      %dma_start3A_232 = arith.constant 0 : i32
      %dma_start3A_233 = tpu.memref_slice %arg8[%add3A_227, %dma_start3A_232] : memref<51200x128xf32, #tpu.memory_space<hbm>> -> memref<80x128xf32, #tpu.memory_space<hbm>>
      %dma_start3A_234 = arith.constant 0 : i32
      %dma_start3A_235 = tpu.memref_slice %arg8[%add3A_227, %dma_start3A_234] : memref<51200x128xf32, #tpu.memory_space<hbm>> -> memref<80x128xf32, #tpu.memory_space<hbm>>
      tpu.enqueue_dma source(%arg14 : memref<80x128xf32, #tpu.memory_space<vmem>>) target(%dma_start3A_235 : memref<80x128xf32, #tpu.memory_space<hbm>>) target_semaphore(%arg23 : memref<!tpu.dma_semaphore, #tpu.memory_space<semaphore_mem>>)
      %dma_start3A_236 = arith.constant 0 : i32
      %dma_start3A_237 = tpu.memref_slice %arg9[%add3A_227, %dma_start3A_236] : memref<51200x128xf32, #tpu.memory_space<hbm>> -> memref<80x128xf32, #tpu.memory_space<hbm>>
      %dma_start3A_238 = arith.constant 0 : i32
      %dma_start3A_239 = tpu.memref_slice %arg9[%add3A_227, %dma_start3A_238] : memref<51200x128xf32, #tpu.memory_space<hbm>> -> memref<80x128xf32, #tpu.memory_space<hbm>>
      tpu.enqueue_dma source(%arg15 : memref<80x128xf32, #tpu.memory_space<vmem>>) target(%dma_start3A_239 : memref<80x128xf32, #tpu.memory_space<hbm>>) target_semaphore(%arg23 : memref<!tpu.dma_semaphore, #tpu.memory_space<semaphore_mem>>)
      %dma_start3A_240 = arith.constant 0 : i32
      %dma_start3A_241 = tpu.memref_slice %arg10[%add3A_227, %dma_start3A_240] : memref<51200x128xf32, #tpu.memory_space<hbm>> -> memref<80x128xf32, #tpu.memory_space<hbm>>
      %dma_start3A_242 = arith.constant 0 : i32
      %dma_start3A_243 = tpu.memref_slice %arg10[%add3A_227, %dma_start3A_242] : memref<51200x128xf32, #tpu.memory_space<hbm>> -> memref<80x128xf32, #tpu.memory_space<hbm>>
      tpu.enqueue_dma source(%arg16 : memref<80x128xf32, #tpu.memory_space<vmem>>) target(%dma_start3A_243 : memref<80x128xf32, #tpu.memory_space<hbm>>) target_semaphore(%arg23 : memref<!tpu.dma_semaphore, #tpu.memory_space<semaphore_mem>>)
      %dma_wait3A_244 = arith.constant 0 : i32
      %dma_wait3A_245 = arith.constant 0 : i32
      %dma_wait3A_246 = tpu.memref_slice %arg7[%dma_wait3A_244, %dma_wait3A_245] : memref<51200x128xf32, #tpu.memory_space<hbm>> -> memref<80x128xf32, #tpu.memory_space<hbm>>
      %dma_wait3A_247 = arith.constant 0 : i32
      %dma_wait3A_248 = arith.constant 0 : i32
      %dma_wait3A_249 = tpu.memref_slice %arg7[%dma_wait3A_247, %dma_wait3A_248] : memref<51200x128xf32, #tpu.memory_space<hbm>> -> memref<80x128xf32, #tpu.memory_space<hbm>>
      tpu.wait_dma2 semaphore(%arg24 : memref<!tpu.dma_semaphore, #tpu.memory_space<semaphore_mem>>) src(%arg17 : memref<80x128xf32, #tpu.memory_space<vmem>>) dst(%dma_wait3A_249 : memref<80x128xf32, #tpu.memory_space<hbm>>)
      %dma_wait3A_250 = arith.constant 0 : i32
      %dma_wait3A_251 = arith.constant 0 : i32
      %dma_wait3A_252 = tpu.memref_slice %arg8[%dma_wait3A_250, %dma_wait3A_251] : memref<51200x128xf32, #tpu.memory_space<hbm>> -> memref<80x128xf32, #tpu.memory_space<hbm>>
      %dma_wait3A_253 = arith.constant 0 : i32
      %dma_wait3A_254 = arith.constant 0 : i32
      %dma_wait3A_255 = tpu.memref_slice %arg8[%dma_wait3A_253, %dma_wait3A_254] : memref<51200x128xf32, #tpu.memory_space<hbm>> -> memref<80x128xf32, #tpu.memory_space<hbm>>
      tpu.wait_dma2 semaphore(%arg24 : memref<!tpu.dma_semaphore, #tpu.memory_space<semaphore_mem>>) src(%arg18 : memref<80x128xf32, #tpu.memory_space<vmem>>) dst(%dma_wait3A_255 : memref<80x128xf32, #tpu.memory_space<hbm>>)
      %dma_wait3A_256 = arith.constant 0 : i32
      %dma_wait3A_257 = arith.constant 0 : i32
      %dma_wait3A_258 = tpu.memref_slice %arg9[%dma_wait3A_256, %dma_wait3A_257] : memref<51200x128xf32, #tpu.memory_space<hbm>> -> memref<80x128xf32, #tpu.memory_space<hbm>>
      %dma_wait3A_259 = arith.constant 0 : i32
      %dma_wait3A_260 = arith.constant 0 : i32
      %dma_wait3A_261 = tpu.memref_slice %arg9[%dma_wait3A_259, %dma_wait3A_260] : memref<51200x128xf32, #tpu.memory_space<hbm>> -> memref<80x128xf32, #tpu.memory_space<hbm>>
      tpu.wait_dma2 semaphore(%arg24 : memref<!tpu.dma_semaphore, #tpu.memory_space<semaphore_mem>>) src(%arg19 : memref<80x128xf32, #tpu.memory_space<vmem>>) dst(%dma_wait3A_261 : memref<80x128xf32, #tpu.memory_space<hbm>>)
      %dma_wait3A_262 = arith.constant 0 : i32
      %dma_wait3A_263 = arith.constant 0 : i32
      %dma_wait3A_264 = tpu.memref_slice %arg10[%dma_wait3A_262, %dma_wait3A_263] : memref<51200x128xf32, #tpu.memory_space<hbm>> -> memref<80x128xf32, #tpu.memory_space<hbm>>
      %dma_wait3A_265 = arith.constant 0 : i32
      %dma_wait3A_266 = arith.constant 0 : i32
      %dma_wait3A_267 = tpu.memref_slice %arg10[%dma_wait3A_265, %dma_wait3A_266] : memref<51200x128xf32, #tpu.memory_space<hbm>> -> memref<80x128xf32, #tpu.memory_space<hbm>>
      tpu.wait_dma2 semaphore(%arg24 : memref<!tpu.dma_semaphore, #tpu.memory_space<semaphore_mem>>) src(%arg20 : memref<80x128xf32, #tpu.memory_space<vmem>>) dst(%dma_wait3A_267 : memref<80x128xf32, #tpu.memory_space<hbm>>)
      %add3A_268 = arith.constant 2 : i32
      %add3A_269 = arith.addi %add3A_222, %add3A_268 : i32
      %mul3A_270 = arith.constant 80 : i32
      %mul3A_271 = arith.muli %add3A_269, %mul3A_270 : i32
      %add3A_272 = arith.addi %mul3A_2, %mul3A_271 : i32
      "tpu.region"() ({
        %run_scoped3A = tpu.sem_alloc : memref<!tpu.dma_semaphore, #tpu.memory_space<semaphore_mem>>
        %dma_start3A_297 = tpu.memref_slice %arg6[%add3A_272] : memref<51200xi32, #tpu.memory_space<hbm>> -> memref<80xi32, #tpu.memory_space<hbm>>
        %dma_start3A_298 = tpu.memref_slice %arg6[%add3A_272] : memref<51200xi32, #tpu.memory_space<hbm>> -> memref<80xi32, #tpu.memory_space<hbm>>
        tpu.enqueue_dma source(%dma_start3A_298 : memref<80xi32, #tpu.memory_space<hbm>>) target(%arg12 : memref<80xi32, #tpu.memory_space<vmem>>) target_semaphore(%run_scoped3A : memref<!tpu.dma_semaphore, #tpu.memory_space<semaphore_mem>>)
        %dma_wait3A_299 = tpu.memref_slice %arg6[%add3A_272] : memref<51200xi32, #tpu.memory_space<hbm>> -> memref<80xi32, #tpu.memory_space<hbm>>
        %dma_wait3A_300 = tpu.memref_slice %arg6[%add3A_272] : memref<51200xi32, #tpu.memory_space<hbm>> -> memref<80xi32, #tpu.memory_space<hbm>>
        tpu.wait_dma2 semaphore(%run_scoped3A : memref<!tpu.dma_semaphore, #tpu.memory_space<semaphore_mem>>) src(%dma_wait3A_300 : memref<80xi32, #tpu.memory_space<hbm>>) dst(%arg12 : memref<80xi32, #tpu.memory_space<vmem>>)
        tpu.yield
      }) : () -> ()
      %dma_start3A_273 = arith.constant 0 : i32
      %dma_start3A_274 = arith.constant 0 : i32
      %dma_start3A_275 = tpu.memref_slice %arg2[%dma_start3A_273, %dma_start3A_274] : memref<100000x128xf32, #tpu.memory_space<hbm>> -> memref<100000x128xf32, #tpu.memory_space<hbm>>
      tpu.enqueue_indirect_dma source(%dma_start3A_275 : memref<100000x128xf32, #tpu.memory_space<hbm>>) target(%arg17 : memref<80x128xf32, #tpu.memory_space<vmem>>) offsets(%arg12 : memref<80xi32, #tpu.memory_space<vmem>>) semaphore(%arg22 : memref<!tpu.dma_semaphore, #tpu.memory_space<semaphore_mem>>)
      %dma_start3A_276 = arith.constant 0 : i32
      %dma_start3A_277 = arith.constant 0 : i32
      %dma_start3A_278 = tpu.memref_slice %arg3[%dma_start3A_276, %dma_start3A_277] : memref<100000x128xf32, #tpu.memory_space<hbm>> -> memref<100000x128xf32, #tpu.memory_space<hbm>>
      tpu.enqueue_indirect_dma source(%dma_start3A_278 : memref<100000x128xf32, #tpu.memory_space<hbm>>) target(%arg18 : memref<80x128xf32, #tpu.memory_space<vmem>>) offsets(%arg12 : memref<80xi32, #tpu.memory_space<vmem>>) semaphore(%arg22 : memref<!tpu.dma_semaphore, #tpu.memory_space<semaphore_mem>>)
      %dma_start3A_279 = arith.constant 0 : i32
      %dma_start3A_280 = arith.constant 0 : i32
      %dma_start3A_281 = tpu.memref_slice %arg4[%dma_start3A_279, %dma_start3A_280] : memref<100000x128xf32, #tpu.memory_space<hbm>> -> memref<100000x128xf32, #tpu.memory_space<hbm>>
      tpu.enqueue_indirect_dma source(%dma_start3A_281 : memref<100000x128xf32, #tpu.memory_space<hbm>>) target(%arg19 : memref<80x128xf32, #tpu.memory_space<vmem>>) offsets(%arg12 : memref<80xi32, #tpu.memory_space<vmem>>) semaphore(%arg22 : memref<!tpu.dma_semaphore, #tpu.memory_space<semaphore_mem>>)
      %dma_start3A_282 = arith.constant 0 : i32
      %dma_start3A_283 = arith.constant 0 : i32
      %dma_start3A_284 = tpu.memref_slice %arg5[%dma_start3A_282, %dma_start3A_283] : memref<100000x128xf32, #tpu.memory_space<hbm>> -> memref<100000x128xf32, #tpu.memory_space<hbm>>
      tpu.enqueue_indirect_dma source(%dma_start3A_284 : memref<100000x128xf32, #tpu.memory_space<hbm>>) target(%arg20 : memref<80x128xf32, #tpu.memory_space<vmem>>) offsets(%arg12 : memref<80xi32, #tpu.memory_space<vmem>>) semaphore(%arg22 : memref<!tpu.dma_semaphore, #tpu.memory_space<semaphore_mem>>)
      %dma_wait3A_285 = arith.constant 0 : i32
      %dma_wait3A_286 = arith.constant 0 : i32
      %dma_wait3A_287 = tpu.memref_slice %arg2[%dma_wait3A_285, %dma_wait3A_286] : memref<100000x128xf32, #tpu.memory_space<hbm>> -> memref<100000x128xf32, #tpu.memory_space<hbm>>
      tpu.wait_indirect_dma semaphore(%arg22 : memref<!tpu.dma_semaphore, #tpu.memory_space<semaphore_mem>>) src(%dma_wait3A_287 : memref<100000x128xf32, #tpu.memory_space<hbm>>) dst(%arg17 : memref<80x128xf32, #tpu.memory_space<vmem>>)
      %dma_wait3A_288 = arith.constant 0 : i32
      %dma_wait3A_289 = arith.constant 0 : i32
      %dma_wait3A_290 = tpu.memref_slice %arg3[%dma_wait3A_288, %dma_wait3A_289] : memref<100000x128xf32, #tpu.memory_space<hbm>> -> memref<100000x128xf32, #tpu.memory_space<hbm>>
      tpu.wait_indirect_dma semaphore(%arg22 : memref<!tpu.dma_semaphore, #tpu.memory_space<semaphore_mem>>) src(%dma_wait3A_290 : memref<100000x128xf32, #tpu.memory_space<hbm>>) dst(%arg18 : memref<80x128xf32, #tpu.memory_space<vmem>>)
      %dma_wait3A_291 = arith.constant 0 : i32
      %dma_wait3A_292 = arith.constant 0 : i32
      %dma_wait3A_293 = tpu.memref_slice %arg4[%dma_wait3A_291, %dma_wait3A_292] : memref<100000x128xf32, #tpu.memory_space<hbm>> -> memref<100000x128xf32, #tpu.memory_space<hbm>>
      tpu.wait_indirect_dma semaphore(%arg22 : memref<!tpu.dma_semaphore, #tpu.memory_space<semaphore_mem>>) src(%dma_wait3A_293 : memref<100000x128xf32, #tpu.memory_space<hbm>>) dst(%arg19 : memref<80x128xf32, #tpu.memory_space<vmem>>)
      %dma_wait3A_294 = arith.constant 0 : i32
      %dma_wait3A_295 = arith.constant 0 : i32
      %dma_wait3A_296 = tpu.memref_slice %arg5[%dma_wait3A_294, %dma_wait3A_295] : memref<100000x128xf32, #tpu.memory_space<hbm>> -> memref<100000x128xf32, #tpu.memory_space<hbm>>
      tpu.wait_indirect_dma semaphore(%arg22 : memref<!tpu.dma_semaphore, #tpu.memory_space<semaphore_mem>>) src(%dma_wait3A_296 : memref<100000x128xf32, #tpu.memory_space<hbm>>) dst(%arg20 : memref<80x128xf32, #tpu.memory_space<vmem>>)
    }
    %scan3A_75 = arith.constant 9 : i32
    %add3A_76 = arith.constant 1520 : i32
    %add3A_77 = arith.addi %mul3A_2, %add3A_76 : i32
    %dma_start3A_78 = arith.constant 0 : i32
    %dma_start3A_79 = tpu.memref_slice %arg7[%add3A_77, %dma_start3A_78] : memref<51200x128xf32, #tpu.memory_space<hbm>> -> memref<80x128xf32, #tpu.memory_space<hbm>>
    %dma_start3A_80 = arith.constant 0 : i32
    %dma_start3A_81 = tpu.memref_slice %arg7[%add3A_77, %dma_start3A_80] : memref<51200x128xf32, #tpu.memory_space<hbm>> -> memref<80x128xf32, #tpu.memory_space<hbm>>
    tpu.enqueue_dma source(%arg17 : memref<80x128xf32, #tpu.memory_space<vmem>>) target(%dma_start3A_81 : memref<80x128xf32, #tpu.memory_space<hbm>>) target_semaphore(%arg24 : memref<!tpu.dma_semaphore, #tpu.memory_space<semaphore_mem>>)
    %dma_start3A_82 = arith.constant 0 : i32
    %dma_start3A_83 = tpu.memref_slice %arg8[%add3A_77, %dma_start3A_82] : memref<51200x128xf32, #tpu.memory_space<hbm>> -> memref<80x128xf32, #tpu.memory_space<hbm>>
    %dma_start3A_84 = arith.constant 0 : i32
    %dma_start3A_85 = tpu.memref_slice %arg8[%add3A_77, %dma_start3A_84] : memref<51200x128xf32, #tpu.memory_space<hbm>> -> memref<80x128xf32, #tpu.memory_space<hbm>>
    tpu.enqueue_dma source(%arg18 : memref<80x128xf32, #tpu.memory_space<vmem>>) target(%dma_start3A_85 : memref<80x128xf32, #tpu.memory_space<hbm>>) target_semaphore(%arg24 : memref<!tpu.dma_semaphore, #tpu.memory_space<semaphore_mem>>)
    %dma_start3A_86 = arith.constant 0 : i32
    %dma_start3A_87 = tpu.memref_slice %arg9[%add3A_77, %dma_start3A_86] : memref<51200x128xf32, #tpu.memory_space<hbm>> -> memref<80x128xf32, #tpu.memory_space<hbm>>
    %dma_start3A_88 = arith.constant 0 : i32
    %dma_start3A_89 = tpu.memref_slice %arg9[%add3A_77, %dma_start3A_88] : memref<51200x128xf32, #tpu.memory_space<hbm>> -> memref<80x128xf32, #tpu.memory_space<hbm>>
    tpu.enqueue_dma source(%arg19 : memref<80x128xf32, #tpu.memory_space<vmem>>) target(%dma_start3A_89 : memref<80x128xf32, #tpu.memory_space<hbm>>) target_semaphore(%arg24 : memref<!tpu.dma_semaphore, #tpu.memory_space<semaphore_mem>>)
    %dma_start3A_90 = arith.constant 0 : i32
    %dma_start3A_91 = tpu.memref_slice %arg10[%add3A_77, %dma_start3A_90] : memref<51200x128xf32, #tpu.memory_space<hbm>> -> memref<80x128xf32, #tpu.memory_space<hbm>>
    %dma_start3A_92 = arith.constant 0 : i32
    %dma_start3A_93 = tpu.memref_slice %arg10[%add3A_77, %dma_start3A_92] : memref<51200x128xf32, #tpu.memory_space<hbm>> -> memref<80x128xf32, #tpu.memory_space<hbm>>
    tpu.enqueue_dma source(%arg20 : memref<80x128xf32, #tpu.memory_space<vmem>>) target(%dma_start3A_93 : memref<80x128xf32, #tpu.memory_space<hbm>>) target_semaphore(%arg24 : memref<!tpu.dma_semaphore, #tpu.memory_space<semaphore_mem>>)
    %dma_wait3A_94 = arith.constant 0 : i32
    %dma_wait3A_95 = arith.constant 0 : i32
    %dma_wait3A_96 = tpu.memref_slice %arg7[%dma_wait3A_94, %dma_wait3A_95] : memref<51200x128xf32, #tpu.memory_space<hbm>> -> memref<80x128xf32, #tpu.memory_space<hbm>>
    %dma_wait3A_97 = arith.constant 0 : i32
    %dma_wait3A_98 = arith.constant 0 : i32
    %dma_wait3A_99 = tpu.memref_slice %arg7[%dma_wait3A_97, %dma_wait3A_98] : memref<51200x128xf32, #tpu.memory_space<hbm>> -> memref<80x128xf32, #tpu.memory_space<hbm>>
    tpu.wait_dma2 semaphore(%arg23 : memref<!tpu.dma_semaphore, #tpu.memory_space<semaphore_mem>>) src(%arg13 : memref<80x128xf32, #tpu.memory_space<vmem>>) dst(%dma_wait3A_99 : memref<80x128xf32, #tpu.memory_space<hbm>>)
    %dma_wait3A_100 = arith.constant 0 : i32
    %dma_wait3A_101 = arith.constant 0 : i32
    %dma_wait3A_102 = tpu.memref_slice %arg8[%dma_wait3A_100, %dma_wait3A_101] : memref<51200x128xf32, #tpu.memory_space<hbm>> -> memref<80x128xf32, #tpu.memory_space<hbm>>
    %dma_wait3A_103 = arith.constant 0 : i32
    %dma_wait3A_104 = arith.constant 0 : i32
    %dma_wait3A_105 = tpu.memref_slice %arg8[%dma_wait3A_103, %dma_wait3A_104] : memref<51200x128xf32, #tpu.memory_space<hbm>> -> memref<80x128xf32, #tpu.memory_space<hbm>>
    tpu.wait_dma2 semaphore(%arg23 : memref<!tpu.dma_semaphore, #tpu.memory_space<semaphore_mem>>) src(%arg14 : memref<80x128xf32, #tpu.memory_space<vmem>>) dst(%dma_wait3A_105 : memref<80x128xf32, #tpu.memory_space<hbm>>)
    %dma_wait3A_106 = arith.constant 0 : i32
    %dma_wait3A_107 = arith.constant 0 : i32
    %dma_wait3A_108 = tpu.memref_slice %arg9[%dma_wait3A_106, %dma_wait3A_107] : memref<51200x128xf32, #tpu.memory_space<hbm>> -> memref<80x128xf32, #tpu.memory_space<hbm>>
    %dma_wait3A_109 = arith.constant 0 : i32
    %dma_wait3A_110 = arith.constant 0 : i32
    %dma_wait3A_111 = tpu.memref_slice %arg9[%dma_wait3A_109, %dma_wait3A_110] : memref<51200x128xf32, #tpu.memory_space<hbm>> -> memref<80x128xf32, #tpu.memory_space<hbm>>
    tpu.wait_dma2 semaphore(%arg23 : memref<!tpu.dma_semaphore, #tpu.memory_space<semaphore_mem>>) src(%arg15 : memref<80x128xf32, #tpu.memory_space<vmem>>) dst(%dma_wait3A_111 : memref<80x128xf32, #tpu.memory_space<hbm>>)
    %dma_wait3A_112 = arith.constant 0 : i32
    %dma_wait3A_113 = arith.constant 0 : i32
    %dma_wait3A_114 = tpu.memref_slice %arg10[%dma_wait3A_112, %dma_wait3A_113] : memref<51200x128xf32, #tpu.memory_space<hbm>> -> memref<80x128xf32, #tpu.memory_space<hbm>>
    %dma_wait3A_115 = arith.constant 0 : i32
    %dma_wait3A_116 = arith.constant 0 : i32
    %dma_wait3A_117 = tpu.memref_slice %arg10[%dma_wait3A_115, %dma_wait3A_116] : memref<51200x128xf32, #tpu.memory_space<hbm>> -> memref<80x128xf32, #tpu.memory_space<hbm>>
    tpu.wait_dma2 semaphore(%arg23 : memref<!tpu.dma_semaphore, #tpu.memory_space<semaphore_mem>>) src(%arg16 : memref<80x128xf32, #tpu.memory_space<vmem>>) dst(%dma_wait3A_117 : memref<80x128xf32, #tpu.memory_space<hbm>>)
    %dma_wait3A_118 = arith.constant 0 : i32
    %dma_wait3A_119 = arith.constant 0 : i32
    %dma_wait3A_120 = tpu.memref_slice %arg7[%dma_wait3A_118, %dma_wait3A_119] : memref<51200x128xf32, #tpu.memory_space<hbm>> -> memref<80x128xf32, #tpu.memory_space<hbm>>
    %dma_wait3A_121 = arith.constant 0 : i32
    %dma_wait3A_122 = arith.constant 0 : i32
    %dma_wait3A_123 = tpu.memref_slice %arg7[%dma_wait3A_121, %dma_wait3A_122] : memref<51200x128xf32, #tpu.memory_space<hbm>> -> memref<80x128xf32, #tpu.memory_space<hbm>>
    tpu.wait_dma2 semaphore(%arg24 : memref<!tpu.dma_semaphore, #tpu.memory_space<semaphore_mem>>) src(%arg17 : memref<80x128xf32, #tpu.memory_space<vmem>>) dst(%dma_wait3A_123 : memref<80x128xf32, #tpu.memory_space<hbm>>)
    %dma_wait3A_124 = arith.constant 0 : i32
    %dma_wait3A_125 = arith.constant 0 : i32
    %dma_wait3A_126 = tpu.memref_slice %arg8[%dma_wait3A_124, %dma_wait3A_125] : memref<51200x128xf32, #tpu.memory_space<hbm>> -> memref<80x128xf32, #tpu.memory_space<hbm>>
    %dma_wait3A_127 = arith.constant 0 : i32
    %dma_wait3A_128 = arith.constant 0 : i32
    %dma_wait3A_129 = tpu.memref_slice %arg8[%dma_wait3A_127, %dma_wait3A_128] : memref<51200x128xf32, #tpu.memory_space<hbm>> -> memref<80x128xf32, #tpu.memory_space<hbm>>
    tpu.wait_dma2 semaphore(%arg24 : memref<!tpu.dma_semaphore, #tpu.memory_space<semaphore_mem>>) src(%arg18 : memref<80x128xf32, #tpu.memory_space<vmem>>) dst(%dma_wait3A_129 : memref<80x128xf32, #tpu.memory_space<hbm>>)
    %dma_wait3A_130 = arith.constant 0 : i32
    %dma_wait3A_131 = arith.constant 0 : i32
    %dma_wait3A_132 = tpu.memref_slice %arg9[%dma_wait3A_130, %dma_wait3A_131] : memref<51200x128xf32, #tpu.memory_space<hbm>> -> memref<80x128xf32, #tpu.memory_space<hbm>>
    %dma_wait3A_133 = arith.constant 0 : i32
    %dma_wait3A_134 = arith.constant 0 : i32
    %dma_wait3A_135 = tpu.memref_slice %arg9[%dma_wait3A_133, %dma_wait3A_134] : memref<51200x128xf32, #tpu.memory_space<hbm>> -> memref<80x128xf32, #tpu.memory_space<hbm>>
    tpu.wait_dma2 semaphore(%arg24 : memref<!tpu.dma_semaphore, #tpu.memory_space<semaphore_mem>>) src(%arg19 : memref<80x128xf32, #tpu.memory_space<vmem>>) dst(%dma_wait3A_135 : memref<80x128xf32, #tpu.memory_space<hbm>>)
    %dma_wait3A_136 = arith.constant 0 : i32
    %dma_wait3A_137 = arith.constant 0 : i32
    %dma_wait3A_138 = tpu.memref_slice %arg10[%dma_wait3A_136, %dma_wait3A_137] : memref<51200x128xf32, #tpu.memory_space<hbm>> -> memref<80x128xf32, #tpu.memory_space<hbm>>
    %dma_wait3A_139 = arith.constant 0 : i32
    %dma_wait3A_140 = arith.constant 0 : i32
    %dma_wait3A_141 = tpu.memref_slice %arg10[%dma_wait3A_139, %dma_wait3A_140] : memref<51200x128xf32, #tpu.memory_space<hbm>> -> memref<80x128xf32, #tpu.memory_space<hbm>>
    tpu.wait_dma2 semaphore(%arg24 : memref<!tpu.dma_semaphore, #tpu.memory_space<semaphore_mem>>) src(%arg20 : memref<80x128xf32, #tpu.memory_space<vmem>>) dst(%dma_wait3A_141 : memref<80x128xf32, #tpu.memory_space<hbm>>)
    return
  }
}

#map = affine_map<(d0, d1) -> (0, 0)>
#map1 = affine_map<(d0, d1) -> (0)>
module attributes {stable_mosaic.version = 14 : i64} {
  func.func @gather_kernel(%arg0: i32, %arg1: i32, %arg2: memref<100000x128xf32, #tpu.memory_space<hbm>>, %arg3: memref<100000x128xf32, #tpu.memory_space<hbm>>, %arg4: memref<100000x128xf32, #tpu.memory_space<hbm>>, %arg5: memref<100000x128xf32, #tpu.memory_space<hbm>>, %arg6: memref<51200xi32, #tpu.memory_space<hbm>>, %arg7: memref<51200x128xf32, #tpu.memory_space<hbm>>, %arg8: memref<51200x128xf32, #tpu.memory_space<hbm>>, %arg9: memref<51200x128xf32, #tpu.memory_space<hbm>>, %arg10: memref<51200x128xf32, #tpu.memory_space<hbm>>, %arg11: memref<80xi32, #tpu.memory_space<vmem>>, %arg12: memref<80xi32, #tpu.memory_space<vmem>>, %arg13: memref<80x128xf32, #tpu.memory_space<vmem>>, %arg14: memref<80x128xf32, #tpu.memory_space<vmem>>, %arg15: memref<80x128xf32, #tpu.memory_space<vmem>>, %arg16: memref<80x128xf32, #tpu.memory_space<vmem>>, %arg17: memref<80x128xf32, #tpu.memory_space<vmem>>, %arg18: memref<80x128xf32, #tpu.memory_space<vmem>>, %arg19: memref<80x128xf32, #tpu.memory_space<vmem>>, %arg20: memref<80x128xf32, #tpu.memory_space<vmem>>, %arg21: memref<!tpu.dma_semaphore, #tpu.memory_space<semaphore_mem>>, %arg22: memref<!tpu.dma_semaphore, #tpu.memory_space<semaphore_mem>>, %arg23: memref<!tpu.dma_semaphore, #tpu.memory_space<semaphore_mem>>, %arg24: memref<!tpu.dma_semaphore, #tpu.memory_space<semaphore_mem>>) attributes {dimension_semantics = [#tpu.dimension_semantics<core_parallel>, #tpu.dimension_semantics<subcore_parallel>], iteration_bounds = array<i64: 2, 16>, scalar_prefetch = 0 : i64, scratch_operands = 14 : i64, tpu.core_type = #tpu.core_type<sc_vector_subcore>, window_params = [{transform_indices = #map}, {transform_indices = #map}, {transform_indices = #map}, {transform_indices = #map}, {transform_indices = #map1}, {transform_indices = #map}, {transform_indices = #map}, {transform_indices = #map}, {transform_indices = #map}]} {
    %mul3A = arith.constant 2 : i32
    %mul3A_0 = arith.muli %arg1, %mul3A : i32
    %add3A = arith.addi %mul3A_0, %arg0 : i32
    %mul3A_1 = arith.constant 1600 : i32
    %mul3A_2 = arith.muli %add3A, %mul3A_1 : i32
    %add3A_3 = arith.constant 0 : i32
    %add3A_4 = arith.addi %mul3A_2, %add3A_3 : i32
    "tpu.region"() ({
      %run_scoped3A = tpu.sem_alloc : memref<!tpu.dma_semaphore, #tpu.memory_space<semaphore_mem>>
      %dma_start3A_142 = tpu.memref_slice %arg6[%add3A_4] : memref<51200xi32, #tpu.memory_space<hbm>> -> memref<80xi32, #tpu.memory_space<hbm>>
      %dma_start3A_143 = tpu.memref_slice %arg6[%add3A_4] : memref<51200xi32, #tpu.memory_space<hbm>> -> memref<80xi32, #tpu.memory_space<hbm>>
      tpu.enqueue_dma source(%dma_start3A_143 : memref<80xi32, #tpu.memory_space<hbm>>) target(%arg11 : memref<80xi32, #tpu.memory_space<vmem>>) target_semaphore(%run_scoped3A : memref<!tpu.dma_semaphore, #tpu.memory_space<semaphore_mem>>)
      %dma_wait3A_144 = tpu.memref_slice %arg6[%add3A_4] : memref<51200xi32, #tpu.memory_space<hbm>> -> memref<80xi32, #tpu.memory_space<hbm>>
      %dma_wait3A_145 = tpu.memref_slice %arg6[%add3A_4] : memref<51200xi32, #tpu.memory_space<hbm>> -> memref<80xi32, #tpu.memory_space<hbm>>
      tpu.wait_dma2 semaphore(%run_scoped3A : memref<!tpu.dma_semaphore, #tpu.memory_space<semaphore_mem>>) src(%dma_wait3A_145 : memref<80xi32, #tpu.memory_space<hbm>>) dst(%arg11 : memref<80xi32, #tpu.memory_space<vmem>>)
      tpu.yield
    }) : () -> ()
    %dma_start3A = arith.constant 0 : i32
    %dma_start3A_5 = arith.constant 0 : i32
    %dma_start3A_6 = tpu.memref_slice %arg2[%dma_start3A, %dma_start3A_5] : memref<100000x128xf32, #tpu.memory_space<hbm>> -> memref<100000x128xf32, #tpu.memory_space<hbm>>
    tpu.enqueue_indirect_dma source(%dma_start3A_6 : memref<100000x128xf32, #tpu.memory_space<hbm>>) target(%arg13 : memref<80x128xf32, #tpu.memory_space<vmem>>) offsets(%arg11 : memref<80xi32, #tpu.memory_space<vmem>>) semaphore(%arg21 : memref<!tpu.dma_semaphore, #tpu.memory_space<semaphore_mem>>)
    %dma_start3A_7 = arith.constant 0 : i32
    %dma_start3A_8 = arith.constant 0 : i32
    %dma_start3A_9 = tpu.memref_slice %arg3[%dma_start3A_7, %dma_start3A_8] : memref<100000x128xf32, #tpu.memory_space<hbm>> -> memref<100000x128xf32, #tpu.memory_space<hbm>>
    tpu.enqueue_indirect_dma source(%dma_start3A_9 : memref<100000x128xf32, #tpu.memory_space<hbm>>) target(%arg14 : memref<80x128xf32, #tpu.memory_space<vmem>>) offsets(%arg11 : memref<80xi32, #tpu.memory_space<vmem>>) semaphore(%arg21 : memref<!tpu.dma_semaphore, #tpu.memory_space<semaphore_mem>>)
    %dma_start3A_10 = arith.constant 0 : i32
    %dma_start3A_11 = arith.constant 0 : i32
    %dma_start3A_12 = tpu.memref_slice %arg4[%dma_start3A_10, %dma_start3A_11] : memref<100000x128xf32, #tpu.memory_space<hbm>> -> memref<100000x128xf32, #tpu.memory_space<hbm>>
    tpu.enqueue_indirect_dma source(%dma_start3A_12 : memref<100000x128xf32, #tpu.memory_space<hbm>>) target(%arg15 : memref<80x128xf32, #tpu.memory_space<vmem>>) offsets(%arg11 : memref<80xi32, #tpu.memory_space<vmem>>) semaphore(%arg21 : memref<!tpu.dma_semaphore, #tpu.memory_space<semaphore_mem>>)
    %dma_start3A_13 = arith.constant 0 : i32
    %dma_start3A_14 = arith.constant 0 : i32
    %dma_start3A_15 = tpu.memref_slice %arg5[%dma_start3A_13, %dma_start3A_14] : memref<100000x128xf32, #tpu.memory_space<hbm>> -> memref<100000x128xf32, #tpu.memory_space<hbm>>
    tpu.enqueue_indirect_dma source(%dma_start3A_15 : memref<100000x128xf32, #tpu.memory_space<hbm>>) target(%arg16 : memref<80x128xf32, #tpu.memory_space<vmem>>) offsets(%arg11 : memref<80xi32, #tpu.memory_space<vmem>>) semaphore(%arg21 : memref<!tpu.dma_semaphore, #tpu.memory_space<semaphore_mem>>)
    %dma_wait3A = arith.constant 0 : i32
    %dma_wait3A_16 = arith.constant 0 : i32
    %dma_wait3A_17 = tpu.memref_slice %arg2[%dma_wait3A, %dma_wait3A_16] : memref<100000x128xf32, #tpu.memory_space<hbm>> -> memref<100000x128xf32, #tpu.memory_space<hbm>>
    tpu.wait_indirect_dma semaphore(%arg21 : memref<!tpu.dma_semaphore, #tpu.memory_space<semaphore_mem>>) src(%dma_wait3A_17 : memref<100000x128xf32, #tpu.memory_space<hbm>>) dst(%arg13 : memref<80x128xf32, #tpu.memory_space<vmem>>)
    %dma_wait3A_18 = arith.constant 0 : i32
    %dma_wait3A_19 = arith.constant 0 : i32
    %dma_wait3A_20 = tpu.memref_slice %arg3[%dma_wait3A_18, %dma_wait3A_19] : memref<100000x128xf32, #tpu.memory_space<hbm>> -> memref<100000x128xf32, #tpu.memory_space<hbm>>
    tpu.wait_indirect_dma semaphore(%arg21 : memref<!tpu.dma_semaphore, #tpu.memory_space<semaphore_mem>>) src(%dma_wait3A_20 : memref<100000x128xf32, #tpu.memory_space<hbm>>) dst(%arg14 : memref<80x128xf32, #tpu.memory_space<vmem>>)
    %dma_wait3A_21 = arith.constant 0 : i32
    %dma_wait3A_22 = arith.constant 0 : i32
    %dma_wait3A_23 = tpu.memref_slice %arg4[%dma_wait3A_21, %dma_wait3A_22] : memref<100000x128xf32, #tpu.memory_space<hbm>> -> memref<100000x128xf32, #tpu.memory_space<hbm>>
    tpu.wait_indirect_dma semaphore(%arg21 : memref<!tpu.dma_semaphore, #tpu.memory_space<semaphore_mem>>) src(%dma_wait3A_23 : memref<100000x128xf32, #tpu.memory_space<hbm>>) dst(%arg15 : memref<80x128xf32, #tpu.memory_space<vmem>>)
    %dma_wait3A_24 = arith.constant 0 : i32
    %dma_wait3A_25 = arith.constant 0 : i32
    %dma_wait3A_26 = tpu.memref_slice %arg5[%dma_wait3A_24, %dma_wait3A_25] : memref<100000x128xf32, #tpu.memory_space<hbm>> -> memref<100000x128xf32, #tpu.memory_space<hbm>>
    tpu.wait_indirect_dma semaphore(%arg21 : memref<!tpu.dma_semaphore, #tpu.memory_space<semaphore_mem>>) src(%dma_wait3A_26 : memref<100000x128xf32, #tpu.memory_space<hbm>>) dst(%arg16 : memref<80x128xf32, #tpu.memory_space<vmem>>)
    %add3A_27 = arith.constant 0 : i32
    %add3A_28 = arith.addi %mul3A_2, %add3A_27 : i32
    %dma_start3A_29 = arith.constant 0 : i32
    %dma_start3A_30 = tpu.memref_slice %arg7[%add3A_28, %dma_start3A_29] : memref<51200x128xf32, #tpu.memory_space<hbm>> -> memref<80x128xf32, #tpu.memory_space<hbm>>
    %dma_start3A_31 = arith.constant 0 : i32
    %dma_start3A_32 = tpu.memref_slice %arg7[%add3A_28, %dma_start3A_31] : memref<51200x128xf32, #tpu.memory_space<hbm>> -> memref<80x128xf32, #tpu.memory_space<hbm>>
    tpu.enqueue_dma source(%arg13 : memref<80x128xf32, #tpu.memory_space<vmem>>) target(%dma_start3A_32 : memref<80x128xf32, #tpu.memory_space<hbm>>) target_semaphore(%arg23 : memref<!tpu.dma_semaphore, #tpu.memory_space<semaphore_mem>>)
    %dma_start3A_33 = arith.constant 0 : i32
    %dma_start3A_34 = tpu.memref_slice %arg8[%add3A_28, %dma_start3A_33] : memref<51200x128xf32, #tpu.memory_space<hbm>> -> memref<80x128xf32, #tpu.memory_space<hbm>>
    %dma_start3A_35 = arith.constant 0 : i32
    %dma_start3A_36 = tpu.memref_slice %arg8[%add3A_28, %dma_start3A_35] : memref<51200x128xf32, #tpu.memory_space<hbm>> -> memref<80x128xf32, #tpu.memory_space<hbm>>
    tpu.enqueue_dma source(%arg14 : memref<80x128xf32, #tpu.memory_space<vmem>>) target(%dma_start3A_36 : memref<80x128xf32, #tpu.memory_space<hbm>>) target_semaphore(%arg23 : memref<!tpu.dma_semaphore, #tpu.memory_space<semaphore_mem>>)
    %dma_start3A_37 = arith.constant 0 : i32
    %dma_start3A_38 = tpu.memref_slice %arg9[%add3A_28, %dma_start3A_37] : memref<51200x128xf32, #tpu.memory_space<hbm>> -> memref<80x128xf32, #tpu.memory_space<hbm>>
    %dma_start3A_39 = arith.constant 0 : i32
    %dma_start3A_40 = tpu.memref_slice %arg9[%add3A_28, %dma_start3A_39] : memref<51200x128xf32, #tpu.memory_space<hbm>> -> memref<80x128xf32, #tpu.memory_space<hbm>>
    tpu.enqueue_dma source(%arg15 : memref<80x128xf32, #tpu.memory_space<vmem>>) target(%dma_start3A_40 : memref<80x128xf32, #tpu.memory_space<hbm>>) target_semaphore(%arg23 : memref<!tpu.dma_semaphore, #tpu.memory_space<semaphore_mem>>)
    %dma_start3A_41 = arith.constant 0 : i32
    %dma_start3A_42 = tpu.memref_slice %arg10[%add3A_28, %dma_start3A_41] : memref<51200x128xf32, #tpu.memory_space<hbm>> -> memref<80x128xf32, #tpu.memory_space<hbm>>
    %dma_start3A_43 = arith.constant 0 : i32
    %dma_start3A_44 = tpu.memref_slice %arg10[%add3A_28, %dma_start3A_43] : memref<51200x128xf32, #tpu.memory_space<hbm>> -> memref<80x128xf32, #tpu.memory_space<hbm>>
    tpu.enqueue_dma source(%arg16 : memref<80x128xf32, #tpu.memory_space<vmem>>) target(%dma_start3A_44 : memref<80x128xf32, #tpu.memory_space<hbm>>) target_semaphore(%arg23 : memref<!tpu.dma_semaphore, #tpu.memory_space<semaphore_mem>>)
    %add3A_45 = arith.constant 80 : i32
    %add3A_46 = arith.addi %mul3A_2, %add3A_45 : i32
    "tpu.region"() ({
      %run_scoped3A = tpu.sem_alloc : memref<!tpu.dma_semaphore, #tpu.memory_space<semaphore_mem>>
      %dma_start3A_142 = tpu.memref_slice %arg6[%add3A_46] : memref<51200xi32, #tpu.memory_space<hbm>> -> memref<80xi32, #tpu.memory_space<hbm>>
      %dma_start3A_143 = tpu.memref_slice %arg6[%add3A_46] : memref<51200xi32, #tpu.memory_space<hbm>> -> memref<80xi32, #tpu.memory_space<hbm>>
      tpu.enqueue_dma source(%dma_start3A_143 : memref<80xi32, #tpu.memory_space<hbm>>) target(%arg12 : memref<80xi32, #tpu.memory_space<vmem>>) target_semaphore(%run_scoped3A : memref<!tpu.dma_semaphore, #tpu.memory_space<semaphore_mem>>)
      %dma_wait3A_144 = tpu.memref_slice %arg6[%add3A_46] : memref<51200xi32, #tpu.memory_space<hbm>> -> memref<80xi32, #tpu.memory_space<hbm>>
      %dma_wait3A_145 = tpu.memref_slice %arg6[%add3A_46] : memref<51200xi32, #tpu.memory_space<hbm>> -> memref<80xi32, #tpu.memory_space<hbm>>
      tpu.wait_dma2 semaphore(%run_scoped3A : memref<!tpu.dma_semaphore, #tpu.memory_space<semaphore_mem>>) src(%dma_wait3A_145 : memref<80xi32, #tpu.memory_space<hbm>>) dst(%arg12 : memref<80xi32, #tpu.memory_space<vmem>>)
      tpu.yield
    }) : () -> ()
    %dma_start3A_47 = arith.constant 0 : i32
    %dma_start3A_48 = arith.constant 0 : i32
    %dma_start3A_49 = tpu.memref_slice %arg2[%dma_start3A_47, %dma_start3A_48] : memref<100000x128xf32, #tpu.memory_space<hbm>> -> memref<100000x128xf32, #tpu.memory_space<hbm>>
    tpu.enqueue_indirect_dma source(%dma_start3A_49 : memref<100000x128xf32, #tpu.memory_space<hbm>>) target(%arg17 : memref<80x128xf32, #tpu.memory_space<vmem>>) offsets(%arg12 : memref<80xi32, #tpu.memory_space<vmem>>) semaphore(%arg22 : memref<!tpu.dma_semaphore, #tpu.memory_space<semaphore_mem>>)
    %dma_start3A_50 = arith.constant 0 : i32
    %dma_start3A_51 = arith.constant 0 : i32
    %dma_start3A_52 = tpu.memref_slice %arg3[%dma_start3A_50, %dma_start3A_51] : memref<100000x128xf32, #tpu.memory_space<hbm>> -> memref<100000x128xf32, #tpu.memory_space<hbm>>
    tpu.enqueue_indirect_dma source(%dma_start3A_52 : memref<100000x128xf32, #tpu.memory_space<hbm>>) target(%arg18 : memref<80x128xf32, #tpu.memory_space<vmem>>) offsets(%arg12 : memref<80xi32, #tpu.memory_space<vmem>>) semaphore(%arg22 : memref<!tpu.dma_semaphore, #tpu.memory_space<semaphore_mem>>)
    %dma_start3A_53 = arith.constant 0 : i32
    %dma_start3A_54 = arith.constant 0 : i32
    %dma_start3A_55 = tpu.memref_slice %arg4[%dma_start3A_53, %dma_start3A_54] : memref<100000x128xf32, #tpu.memory_space<hbm>> -> memref<100000x128xf32, #tpu.memory_space<hbm>>
    tpu.enqueue_indirect_dma source(%dma_start3A_55 : memref<100000x128xf32, #tpu.memory_space<hbm>>) target(%arg19 : memref<80x128xf32, #tpu.memory_space<vmem>>) offsets(%arg12 : memref<80xi32, #tpu.memory_space<vmem>>) semaphore(%arg22 : memref<!tpu.dma_semaphore, #tpu.memory_space<semaphore_mem>>)
    %dma_start3A_56 = arith.constant 0 : i32
    %dma_start3A_57 = arith.constant 0 : i32
    %dma_start3A_58 = tpu.memref_slice %arg5[%dma_start3A_56, %dma_start3A_57] : memref<100000x128xf32, #tpu.memory_space<hbm>> -> memref<100000x128xf32, #tpu.memory_space<hbm>>
    tpu.enqueue_indirect_dma source(%dma_start3A_58 : memref<100000x128xf32, #tpu.memory_space<hbm>>) target(%arg20 : memref<80x128xf32, #tpu.memory_space<vmem>>) offsets(%arg12 : memref<80xi32, #tpu.memory_space<vmem>>) semaphore(%arg22 : memref<!tpu.dma_semaphore, #tpu.memory_space<semaphore_mem>>)
    %dma_wait3A_59 = arith.constant 0 : i32
    %dma_wait3A_60 = arith.constant 0 : i32
    %dma_wait3A_61 = tpu.memref_slice %arg2[%dma_wait3A_59, %dma_wait3A_60] : memref<100000x128xf32, #tpu.memory_space<hbm>> -> memref<100000x128xf32, #tpu.memory_space<hbm>>
    tpu.wait_indirect_dma semaphore(%arg22 : memref<!tpu.dma_semaphore, #tpu.memory_space<semaphore_mem>>) src(%dma_wait3A_61 : memref<100000x128xf32, #tpu.memory_space<hbm>>) dst(%arg17 : memref<80x128xf32, #tpu.memory_space<vmem>>)
    %dma_wait3A_62 = arith.constant 0 : i32
    %dma_wait3A_63 = arith.constant 0 : i32
    %dma_wait3A_64 = tpu.memref_slice %arg3[%dma_wait3A_62, %dma_wait3A_63] : memref<100000x128xf32, #tpu.memory_space<hbm>> -> memref<100000x128xf32, #tpu.memory_space<hbm>>
    tpu.wait_indirect_dma semaphore(%arg22 : memref<!tpu.dma_semaphore, #tpu.memory_space<semaphore_mem>>) src(%dma_wait3A_64 : memref<100000x128xf32, #tpu.memory_space<hbm>>) dst(%arg18 : memref<80x128xf32, #tpu.memory_space<vmem>>)
    %dma_wait3A_65 = arith.constant 0 : i32
    %dma_wait3A_66 = arith.constant 0 : i32
    %dma_wait3A_67 = tpu.memref_slice %arg4[%dma_wait3A_65, %dma_wait3A_66] : memref<100000x128xf32, #tpu.memory_space<hbm>> -> memref<100000x128xf32, #tpu.memory_space<hbm>>
    tpu.wait_indirect_dma semaphore(%arg22 : memref<!tpu.dma_semaphore, #tpu.memory_space<semaphore_mem>>) src(%dma_wait3A_67 : memref<100000x128xf32, #tpu.memory_space<hbm>>) dst(%arg19 : memref<80x128xf32, #tpu.memory_space<vmem>>)
    %dma_wait3A_68 = arith.constant 0 : i32
    %dma_wait3A_69 = arith.constant 0 : i32
    %dma_wait3A_70 = tpu.memref_slice %arg5[%dma_wait3A_68, %dma_wait3A_69] : memref<100000x128xf32, #tpu.memory_space<hbm>> -> memref<100000x128xf32, #tpu.memory_space<hbm>>
    tpu.wait_indirect_dma semaphore(%arg22 : memref<!tpu.dma_semaphore, #tpu.memory_space<semaphore_mem>>) src(%dma_wait3A_70 : memref<100000x128xf32, #tpu.memory_space<hbm>>) dst(%arg20 : memref<80x128xf32, #tpu.memory_space<vmem>>)
    %scan3A = arith.constant 0 : i32
    %scan3A_71 = arith.constant 0 : i32
    %scan3A_72 = arith.constant 9 : i32
    %scan3A_73 = arith.addi %scan3A_71, %scan3A_72 : i32
    %scan3A_74 = arith.constant 1 : i32
    scf.for %scan3A_142 = %scan3A_71 to %scan3A_73 step %scan3A_74  : i32 {
      %mul3A_143 = arith.constant 2 : i32
      %mul3A_144 = arith.muli %mul3A_143, %scan3A_142 : i32
      %add3A_145 = arith.constant 1 : i32
      %add3A_146 = arith.addi %mul3A_144, %add3A_145 : i32
      %mul3A_147 = arith.constant 80 : i32
      %mul3A_148 = arith.muli %add3A_146, %mul3A_147 : i32
      %add3A_149 = arith.addi %mul3A_2, %mul3A_148 : i32
      %dma_start3A_150 = arith.constant 0 : i32
      %dma_start3A_151 = tpu.memref_slice %arg7[%add3A_149, %dma_start3A_150] : memref<51200x128xf32, #tpu.memory_space<hbm>> -> memref<80x128xf32, #tpu.memory_space<hbm>>
      %dma_start3A_152 = arith.constant 0 : i32
      %dma_start3A_153 = tpu.memref_slice %arg7[%add3A_149, %dma_start3A_152] : memref<51200x128xf32, #tpu.memory_space<hbm>> -> memref<80x128xf32, #tpu.memory_space<hbm>>
      tpu.enqueue_dma source(%arg17 : memref<80x128xf32, #tpu.memory_space<vmem>>) target(%dma_start3A_153 : memref<80x128xf32, #tpu.memory_space<hbm>>) target_semaphore(%arg24 : memref<!tpu.dma_semaphore, #tpu.memory_space<semaphore_mem>>)
      %dma_start3A_154 = arith.constant 0 : i32
      %dma_start3A_155 = tpu.memref_slice %arg8[%add3A_149, %dma_start3A_154] : memref<51200x128xf32, #tpu.memory_space<hbm>> -> memref<80x128xf32, #tpu.memory_space<hbm>>
      %dma_start3A_156 = arith.constant 0 : i32
      %dma_start3A_157 = tpu.memref_slice %arg8[%add3A_149, %dma_start3A_156] : memref<51200x128xf32, #tpu.memory_space<hbm>> -> memref<80x128xf32, #tpu.memory_space<hbm>>
      tpu.enqueue_dma source(%arg18 : memref<80x128xf32, #tpu.memory_space<vmem>>) target(%dma_start3A_157 : memref<80x128xf32, #tpu.memory_space<hbm>>) target_semaphore(%arg24 : memref<!tpu.dma_semaphore, #tpu.memory_space<semaphore_mem>>)
      %dma_start3A_158 = arith.constant 0 : i32
      %dma_start3A_159 = tpu.memref_slice %arg9[%add3A_149, %dma_start3A_158] : memref<51200x128xf32, #tpu.memory_space<hbm>> -> memref<80x128xf32, #tpu.memory_space<hbm>>
      %dma_start3A_160 = arith.constant 0 : i32
      %dma_start3A_161 = tpu.memref_slice %arg9[%add3A_149, %dma_start3A_160] : memref<51200x128xf32, #tpu.memory_space<hbm>> -> memref<80x128xf32, #tpu.memory_space<hbm>>
      tpu.enqueue_dma source(%arg19 : memref<80x128xf32, #tpu.memory_space<vmem>>) target(%dma_start3A_161 : memref<80x128xf32, #tpu.memory_space<hbm>>) target_semaphore(%arg24 : memref<!tpu.dma_semaphore, #tpu.memory_space<semaphore_mem>>)
      %dma_start3A_162 = arith.constant 0 : i32
      %dma_start3A_163 = tpu.memref_slice %arg10[%add3A_149, %dma_start3A_162] : memref<51200x128xf32, #tpu.memory_space<hbm>> -> memref<80x128xf32, #tpu.memory_space<hbm>>
      %dma_start3A_164 = arith.constant 0 : i32
      %dma_start3A_165 = tpu.memref_slice %arg10[%add3A_149, %dma_start3A_164] : memref<51200x128xf32, #tpu.memory_space<hbm>> -> memref<80x128xf32, #tpu.memory_space<hbm>>
      tpu.enqueue_dma source(%arg20 : memref<80x128xf32, #tpu.memory_space<vmem>>) target(%dma_start3A_165 : memref<80x128xf32, #tpu.memory_space<hbm>>) target_semaphore(%arg24 : memref<!tpu.dma_semaphore, #tpu.memory_space<semaphore_mem>>)
      %dma_wait3A_166 = arith.constant 0 : i32
      %dma_wait3A_167 = arith.constant 0 : i32
      %dma_wait3A_168 = tpu.memref_slice %arg7[%dma_wait3A_166, %dma_wait3A_167] : memref<51200x128xf32, #tpu.memory_space<hbm>> -> memref<80x128xf32, #tpu.memory_space<hbm>>
      %dma_wait3A_169 = arith.constant 0 : i32
      %dma_wait3A_170 = arith.constant 0 : i32
      %dma_wait3A_171 = tpu.memref_slice %arg7[%dma_wait3A_169, %dma_wait3A_170] : memref<51200x128xf32, #tpu.memory_space<hbm>> -> memref<80x128xf32, #tpu.memory_space<hbm>>
      tpu.wait_dma2 semaphore(%arg23 : memref<!tpu.dma_semaphore, #tpu.memory_space<semaphore_mem>>) src(%arg13 : memref<80x128xf32, #tpu.memory_space<vmem>>) dst(%dma_wait3A_171 : memref<80x128xf32, #tpu.memory_space<hbm>>)
      %dma_wait3A_172 = arith.constant 0 : i32
      %dma_wait3A_173 = arith.constant 0 : i32
      %dma_wait3A_174 = tpu.memref_slice %arg8[%dma_wait3A_172, %dma_wait3A_173] : memref<51200x128xf32, #tpu.memory_space<hbm>> -> memref<80x128xf32, #tpu.memory_space<hbm>>
      %dma_wait3A_175 = arith.constant 0 : i32
      %dma_wait3A_176 = arith.constant 0 : i32
      %dma_wait3A_177 = tpu.memref_slice %arg8[%dma_wait3A_175, %dma_wait3A_176] : memref<51200x128xf32, #tpu.memory_space<hbm>> -> memref<80x128xf32, #tpu.memory_space<hbm>>
      tpu.wait_dma2 semaphore(%arg23 : memref<!tpu.dma_semaphore, #tpu.memory_space<semaphore_mem>>) src(%arg14 : memref<80x128xf32, #tpu.memory_space<vmem>>) dst(%dma_wait3A_177 : memref<80x128xf32, #tpu.memory_space<hbm>>)
      %dma_wait3A_178 = arith.constant 0 : i32
      %dma_wait3A_179 = arith.constant 0 : i32
      %dma_wait3A_180 = tpu.memref_slice %arg9[%dma_wait3A_178, %dma_wait3A_179] : memref<51200x128xf32, #tpu.memory_space<hbm>> -> memref<80x128xf32, #tpu.memory_space<hbm>>
      %dma_wait3A_181 = arith.constant 0 : i32
      %dma_wait3A_182 = arith.constant 0 : i32
      %dma_wait3A_183 = tpu.memref_slice %arg9[%dma_wait3A_181, %dma_wait3A_182] : memref<51200x128xf32, #tpu.memory_space<hbm>> -> memref<80x128xf32, #tpu.memory_space<hbm>>
      tpu.wait_dma2 semaphore(%arg23 : memref<!tpu.dma_semaphore, #tpu.memory_space<semaphore_mem>>) src(%arg15 : memref<80x128xf32, #tpu.memory_space<vmem>>) dst(%dma_wait3A_183 : memref<80x128xf32, #tpu.memory_space<hbm>>)
      %dma_wait3A_184 = arith.constant 0 : i32
      %dma_wait3A_185 = arith.constant 0 : i32
      %dma_wait3A_186 = tpu.memref_slice %arg10[%dma_wait3A_184, %dma_wait3A_185] : memref<51200x128xf32, #tpu.memory_space<hbm>> -> memref<80x128xf32, #tpu.memory_space<hbm>>
      %dma_wait3A_187 = arith.constant 0 : i32
      %dma_wait3A_188 = arith.constant 0 : i32
      %dma_wait3A_189 = tpu.memref_slice %arg10[%dma_wait3A_187, %dma_wait3A_188] : memref<51200x128xf32, #tpu.memory_space<hbm>> -> memref<80x128xf32, #tpu.memory_space<hbm>>
      tpu.wait_dma2 semaphore(%arg23 : memref<!tpu.dma_semaphore, #tpu.memory_space<semaphore_mem>>) src(%arg16 : memref<80x128xf32, #tpu.memory_space<vmem>>) dst(%dma_wait3A_189 : memref<80x128xf32, #tpu.memory_space<hbm>>)
      %add3A_190 = arith.constant 2 : i32
      %add3A_191 = arith.addi %mul3A_144, %add3A_190 : i32
      %mul3A_192 = arith.constant 80 : i32
      %mul3A_193 = arith.muli %add3A_191, %mul3A_192 : i32
      %add3A_194 = arith.addi %mul3A_2, %mul3A_193 : i32
      "tpu.region"() ({
        %run_scoped3A = tpu.sem_alloc : memref<!tpu.dma_semaphore, #tpu.memory_space<semaphore_mem>>
        %dma_start3A_297 = tpu.memref_slice %arg6[%add3A_194] : memref<51200xi32, #tpu.memory_space<hbm>> -> memref<80xi32, #tpu.memory_space<hbm>>
        %dma_start3A_298 = tpu.memref_slice %arg6[%add3A_194] : memref<51200xi32, #tpu.memory_space<hbm>> -> memref<80xi32, #tpu.memory_space<hbm>>
        tpu.enqueue_dma source(%dma_start3A_298 : memref<80xi32, #tpu.memory_space<hbm>>) target(%arg11 : memref<80xi32, #tpu.memory_space<vmem>>) target_semaphore(%run_scoped3A : memref<!tpu.dma_semaphore, #tpu.memory_space<semaphore_mem>>)
        %dma_wait3A_299 = tpu.memref_slice %arg6[%add3A_194] : memref<51200xi32, #tpu.memory_space<hbm>> -> memref<80xi32, #tpu.memory_space<hbm>>
        %dma_wait3A_300 = tpu.memref_slice %arg6[%add3A_194] : memref<51200xi32, #tpu.memory_space<hbm>> -> memref<80xi32, #tpu.memory_space<hbm>>
        tpu.wait_dma2 semaphore(%run_scoped3A : memref<!tpu.dma_semaphore, #tpu.memory_space<semaphore_mem>>) src(%dma_wait3A_300 : memref<80xi32, #tpu.memory_space<hbm>>) dst(%arg11 : memref<80xi32, #tpu.memory_space<vmem>>)
        tpu.yield
      }) : () -> ()
      %dma_start3A_195 = arith.constant 0 : i32
      %dma_start3A_196 = arith.constant 0 : i32
      %dma_start3A_197 = tpu.memref_slice %arg2[%dma_start3A_195, %dma_start3A_196] : memref<100000x128xf32, #tpu.memory_space<hbm>> -> memref<100000x128xf32, #tpu.memory_space<hbm>>
      tpu.enqueue_indirect_dma source(%dma_start3A_197 : memref<100000x128xf32, #tpu.memory_space<hbm>>) target(%arg13 : memref<80x128xf32, #tpu.memory_space<vmem>>) offsets(%arg11 : memref<80xi32, #tpu.memory_space<vmem>>) semaphore(%arg21 : memref<!tpu.dma_semaphore, #tpu.memory_space<semaphore_mem>>)
      %dma_start3A_198 = arith.constant 0 : i32
      %dma_start3A_199 = arith.constant 0 : i32
      %dma_start3A_200 = tpu.memref_slice %arg3[%dma_start3A_198, %dma_start3A_199] : memref<100000x128xf32, #tpu.memory_space<hbm>> -> memref<100000x128xf32, #tpu.memory_space<hbm>>
      tpu.enqueue_indirect_dma source(%dma_start3A_200 : memref<100000x128xf32, #tpu.memory_space<hbm>>) target(%arg14 : memref<80x128xf32, #tpu.memory_space<vmem>>) offsets(%arg11 : memref<80xi32, #tpu.memory_space<vmem>>) semaphore(%arg21 : memref<!tpu.dma_semaphore, #tpu.memory_space<semaphore_mem>>)
      %dma_start3A_201 = arith.constant 0 : i32
      %dma_start3A_202 = arith.constant 0 : i32
      %dma_start3A_203 = tpu.memref_slice %arg4[%dma_start3A_201, %dma_start3A_202] : memref<100000x128xf32, #tpu.memory_space<hbm>> -> memref<100000x128xf32, #tpu.memory_space<hbm>>
      tpu.enqueue_indirect_dma source(%dma_start3A_203 : memref<100000x128xf32, #tpu.memory_space<hbm>>) target(%arg15 : memref<80x128xf32, #tpu.memory_space<vmem>>) offsets(%arg11 : memref<80xi32, #tpu.memory_space<vmem>>) semaphore(%arg21 : memref<!tpu.dma_semaphore, #tpu.memory_space<semaphore_mem>>)
      %dma_start3A_204 = arith.constant 0 : i32
      %dma_start3A_205 = arith.constant 0 : i32
      %dma_start3A_206 = tpu.memref_slice %arg5[%dma_start3A_204, %dma_start3A_205] : memref<100000x128xf32, #tpu.memory_space<hbm>> -> memref<100000x128xf32, #tpu.memory_space<hbm>>
      tpu.enqueue_indirect_dma source(%dma_start3A_206 : memref<100000x128xf32, #tpu.memory_space<hbm>>) target(%arg16 : memref<80x128xf32, #tpu.memory_space<vmem>>) offsets(%arg11 : memref<80xi32, #tpu.memory_space<vmem>>) semaphore(%arg21 : memref<!tpu.dma_semaphore, #tpu.memory_space<semaphore_mem>>)
      %dma_wait3A_207 = arith.constant 0 : i32
      %dma_wait3A_208 = arith.constant 0 : i32
      %dma_wait3A_209 = tpu.memref_slice %arg2[%dma_wait3A_207, %dma_wait3A_208] : memref<100000x128xf32, #tpu.memory_space<hbm>> -> memref<100000x128xf32, #tpu.memory_space<hbm>>
      tpu.wait_indirect_dma semaphore(%arg21 : memref<!tpu.dma_semaphore, #tpu.memory_space<semaphore_mem>>) src(%dma_wait3A_209 : memref<100000x128xf32, #tpu.memory_space<hbm>>) dst(%arg13 : memref<80x128xf32, #tpu.memory_space<vmem>>)
      %dma_wait3A_210 = arith.constant 0 : i32
      %dma_wait3A_211 = arith.constant 0 : i32
      %dma_wait3A_212 = tpu.memref_slice %arg3[%dma_wait3A_210, %dma_wait3A_211] : memref<100000x128xf32, #tpu.memory_space<hbm>> -> memref<100000x128xf32, #tpu.memory_space<hbm>>
      tpu.wait_indirect_dma semaphore(%arg21 : memref<!tpu.dma_semaphore, #tpu.memory_space<semaphore_mem>>) src(%dma_wait3A_212 : memref<100000x128xf32, #tpu.memory_space<hbm>>) dst(%arg14 : memref<80x128xf32, #tpu.memory_space<vmem>>)
      %dma_wait3A_213 = arith.constant 0 : i32
      %dma_wait3A_214 = arith.constant 0 : i32
      %dma_wait3A_215 = tpu.memref_slice %arg4[%dma_wait3A_213, %dma_wait3A_214] : memref<100000x128xf32, #tpu.memory_space<hbm>> -> memref<100000x128xf32, #tpu.memory_space<hbm>>
      tpu.wait_indirect_dma semaphore(%arg21 : memref<!tpu.dma_semaphore, #tpu.memory_space<semaphore_mem>>) src(%dma_wait3A_215 : memref<100000x128xf32, #tpu.memory_space<hbm>>) dst(%arg15 : memref<80x128xf32, #tpu.memory_space<vmem>>)
      %dma_wait3A_216 = arith.constant 0 : i32
      %dma_wait3A_217 = arith.constant 0 : i32
      %dma_wait3A_218 = tpu.memref_slice %arg5[%dma_wait3A_216, %dma_wait3A_217] : memref<100000x128xf32, #tpu.memory_space<hbm>> -> memref<100000x128xf32, #tpu.memory_space<hbm>>
      tpu.wait_indirect_dma semaphore(%arg21 : memref<!tpu.dma_semaphore, #tpu.memory_space<semaphore_mem>>) src(%dma_wait3A_218 : memref<100000x128xf32, #tpu.memory_space<hbm>>) dst(%arg16 : memref<80x128xf32, #tpu.memory_space<vmem>>)
      %mul3A_219 = arith.constant 2 : i32
      %mul3A_220 = arith.muli %mul3A_219, %scan3A_142 : i32
      %add3A_221 = arith.constant 1 : i32
      %add3A_222 = arith.addi %mul3A_220, %add3A_221 : i32
      %add3A_223 = arith.constant 1 : i32
      %add3A_224 = arith.addi %add3A_222, %add3A_223 : i32
      %mul3A_225 = arith.constant 80 : i32
      %mul3A_226 = arith.muli %add3A_224, %mul3A_225 : i32
      %add3A_227 = arith.addi %mul3A_2, %mul3A_226 : i32
      %dma_start3A_228 = arith.constant 0 : i32
      %dma_start3A_229 = tpu.memref_slice %arg7[%add3A_227, %dma_start3A_228] : memref<51200x128xf32, #tpu.memory_space<hbm>> -> memref<80x128xf32, #tpu.memory_space<hbm>>
      %dma_start3A_230 = arith.constant 0 : i32
      %dma_start3A_231 = tpu.memref_slice %arg7[%add3A_227, %dma_start3A_230] : memref<51200x128xf32, #tpu.memory_space<hbm>> -> memref<80x128xf32, #tpu.memory_space<hbm>>
      tpu.enqueue_dma source(%arg13 : memref<80x128xf32, #tpu.memory_space<vmem>>) target(%dma_start3A_231 : memref<80x128xf32, #tpu.memory_space<hbm>>) target_semaphore(%arg23 : memref<!tpu.dma_semaphore, #tpu.memory_space<semaphore_mem>>)
      %dma_start3A_232 = arith.constant 0 : i32
      %dma_start3A_233 = tpu.memref_slice %arg8[%add3A_227, %dma_start3A_232] : memref<51200x128xf32, #tpu.memory_space<hbm>> -> memref<80x128xf32, #tpu.memory_space<hbm>>
      %dma_start3A_234 = arith.constant 0 : i32
      %dma_start3A_235 = tpu.memref_slice %arg8[%add3A_227, %dma_start3A_234] : memref<51200x128xf32, #tpu.memory_space<hbm>> -> memref<80x128xf32, #tpu.memory_space<hbm>>
      tpu.enqueue_dma source(%arg14 : memref<80x128xf32, #tpu.memory_space<vmem>>) target(%dma_start3A_235 : memref<80x128xf32, #tpu.memory_space<hbm>>) target_semaphore(%arg23 : memref<!tpu.dma_semaphore, #tpu.memory_space<semaphore_mem>>)
      %dma_start3A_236 = arith.constant 0 : i32
      %dma_start3A_237 = tpu.memref_slice %arg9[%add3A_227, %dma_start3A_236] : memref<51200x128xf32, #tpu.memory_space<hbm>> -> memref<80x128xf32, #tpu.memory_space<hbm>>
      %dma_start3A_238 = arith.constant 0 : i32
      %dma_start3A_239 = tpu.memref_slice %arg9[%add3A_227, %dma_start3A_238] : memref<51200x128xf32, #tpu.memory_space<hbm>> -> memref<80x128xf32, #tpu.memory_space<hbm>>
      tpu.enqueue_dma source(%arg15 : memref<80x128xf32, #tpu.memory_space<vmem>>) target(%dma_start3A_239 : memref<80x128xf32, #tpu.memory_space<hbm>>) target_semaphore(%arg23 : memref<!tpu.dma_semaphore, #tpu.memory_space<semaphore_mem>>)
      %dma_start3A_240 = arith.constant 0 : i32
      %dma_start3A_241 = tpu.memref_slice %arg10[%add3A_227, %dma_start3A_240] : memref<51200x128xf32, #tpu.memory_space<hbm>> -> memref<80x128xf32, #tpu.memory_space<hbm>>
      %dma_start3A_242 = arith.constant 0 : i32
      %dma_start3A_243 = tpu.memref_slice %arg10[%add3A_227, %dma_start3A_242] : memref<51200x128xf32, #tpu.memory_space<hbm>> -> memref<80x128xf32, #tpu.memory_space<hbm>>
      tpu.enqueue_dma source(%arg16 : memref<80x128xf32, #tpu.memory_space<vmem>>) target(%dma_start3A_243 : memref<80x128xf32, #tpu.memory_space<hbm>>) target_semaphore(%arg23 : memref<!tpu.dma_semaphore, #tpu.memory_space<semaphore_mem>>)
      %dma_wait3A_244 = arith.constant 0 : i32
      %dma_wait3A_245 = arith.constant 0 : i32
      %dma_wait3A_246 = tpu.memref_slice %arg7[%dma_wait3A_244, %dma_wait3A_245] : memref<51200x128xf32, #tpu.memory_space<hbm>> -> memref<80x128xf32, #tpu.memory_space<hbm>>
      %dma_wait3A_247 = arith.constant 0 : i32
      %dma_wait3A_248 = arith.constant 0 : i32
      %dma_wait3A_249 = tpu.memref_slice %arg7[%dma_wait3A_247, %dma_wait3A_248] : memref<51200x128xf32, #tpu.memory_space<hbm>> -> memref<80x128xf32, #tpu.memory_space<hbm>>
      tpu.wait_dma2 semaphore(%arg24 : memref<!tpu.dma_semaphore, #tpu.memory_space<semaphore_mem>>) src(%arg17 : memref<80x128xf32, #tpu.memory_space<vmem>>) dst(%dma_wait3A_249 : memref<80x128xf32, #tpu.memory_space<hbm>>)
      %dma_wait3A_250 = arith.constant 0 : i32
      %dma_wait3A_251 = arith.constant 0 : i32
      %dma_wait3A_252 = tpu.memref_slice %arg8[%dma_wait3A_250, %dma_wait3A_251] : memref<51200x128xf32, #tpu.memory_space<hbm>> -> memref<80x128xf32, #tpu.memory_space<hbm>>
      %dma_wait3A_253 = arith.constant 0 : i32
      %dma_wait3A_254 = arith.constant 0 : i32
      %dma_wait3A_255 = tpu.memref_slice %arg8[%dma_wait3A_253, %dma_wait3A_254] : memref<51200x128xf32, #tpu.memory_space<hbm>> -> memref<80x128xf32, #tpu.memory_space<hbm>>
      tpu.wait_dma2 semaphore(%arg24 : memref<!tpu.dma_semaphore, #tpu.memory_space<semaphore_mem>>) src(%arg18 : memref<80x128xf32, #tpu.memory_space<vmem>>) dst(%dma_wait3A_255 : memref<80x128xf32, #tpu.memory_space<hbm>>)
      %dma_wait3A_256 = arith.constant 0 : i32
      %dma_wait3A_257 = arith.constant 0 : i32
      %dma_wait3A_258 = tpu.memref_slice %arg9[%dma_wait3A_256, %dma_wait3A_257] : memref<51200x128xf32, #tpu.memory_space<hbm>> -> memref<80x128xf32, #tpu.memory_space<hbm>>
      %dma_wait3A_259 = arith.constant 0 : i32
      %dma_wait3A_260 = arith.constant 0 : i32
      %dma_wait3A_261 = tpu.memref_slice %arg9[%dma_wait3A_259, %dma_wait3A_260] : memref<51200x128xf32, #tpu.memory_space<hbm>> -> memref<80x128xf32, #tpu.memory_space<hbm>>
      tpu.wait_dma2 semaphore(%arg24 : memref<!tpu.dma_semaphore, #tpu.memory_space<semaphore_mem>>) src(%arg19 : memref<80x128xf32, #tpu.memory_space<vmem>>) dst(%dma_wait3A_261 : memref<80x128xf32, #tpu.memory_space<hbm>>)
      %dma_wait3A_262 = arith.constant 0 : i32
      %dma_wait3A_263 = arith.constant 0 : i32
      %dma_wait3A_264 = tpu.memref_slice %arg10[%dma_wait3A_262, %dma_wait3A_263] : memref<51200x128xf32, #tpu.memory_space<hbm>> -> memref<80x128xf32, #tpu.memory_space<hbm>>
      %dma_wait3A_265 = arith.constant 0 : i32
      %dma_wait3A_266 = arith.constant 0 : i32
      %dma_wait3A_267 = tpu.memref_slice %arg10[%dma_wait3A_265, %dma_wait3A_266] : memref<51200x128xf32, #tpu.memory_space<hbm>> -> memref<80x128xf32, #tpu.memory_space<hbm>>
      tpu.wait_dma2 semaphore(%arg24 : memref<!tpu.dma_semaphore, #tpu.memory_space<semaphore_mem>>) src(%arg20 : memref<80x128xf32, #tpu.memory_space<vmem>>) dst(%dma_wait3A_267 : memref<80x128xf32, #tpu.memory_space<hbm>>)
      %add3A_268 = arith.constant 2 : i32
      %add3A_269 = arith.addi %add3A_222, %add3A_268 : i32
      %mul3A_270 = arith.constant 80 : i32
      %mul3A_271 = arith.muli %add3A_269, %mul3A_270 : i32
      %add3A_272 = arith.addi %mul3A_2, %mul3A_271 : i32
      "tpu.region"() ({
        %run_scoped3A = tpu.sem_alloc : memref<!tpu.dma_semaphore, #tpu.memory_space<semaphore_mem>>
        %dma_start3A_297 = tpu.memref_slice %arg6[%add3A_272] : memref<51200xi32, #tpu.memory_space<hbm>> -> memref<80xi32, #tpu.memory_space<hbm>>
        %dma_start3A_298 = tpu.memref_slice %arg6[%add3A_272] : memref<51200xi32, #tpu.memory_space<hbm>> -> memref<80xi32, #tpu.memory_space<hbm>>
        tpu.enqueue_dma source(%dma_start3A_298 : memref<80xi32, #tpu.memory_space<hbm>>) target(%arg12 : memref<80xi32, #tpu.memory_space<vmem>>) target_semaphore(%run_scoped3A : memref<!tpu.dma_semaphore, #tpu.memory_space<semaphore_mem>>)
        %dma_wait3A_299 = tpu.memref_slice %arg6[%add3A_272] : memref<51200xi32, #tpu.memory_space<hbm>> -> memref<80xi32, #tpu.memory_space<hbm>>
        %dma_wait3A_300 = tpu.memref_slice %arg6[%add3A_272] : memref<51200xi32, #tpu.memory_space<hbm>> -> memref<80xi32, #tpu.memory_space<hbm>>
        tpu.wait_dma2 semaphore(%run_scoped3A : memref<!tpu.dma_semaphore, #tpu.memory_space<semaphore_mem>>) src(%dma_wait3A_300 : memref<80xi32, #tpu.memory_space<hbm>>) dst(%arg12 : memref<80xi32, #tpu.memory_space<vmem>>)
        tpu.yield
      }) : () -> ()
      %dma_start3A_273 = arith.constant 0 : i32
      %dma_start3A_274 = arith.constant 0 : i32
      %dma_start3A_275 = tpu.memref_slice %arg2[%dma_start3A_273, %dma_start3A_274] : memref<100000x128xf32, #tpu.memory_space<hbm>> -> memref<100000x128xf32, #tpu.memory_space<hbm>>
      tpu.enqueue_indirect_dma source(%dma_start3A_275 : memref<100000x128xf32, #tpu.memory_space<hbm>>) target(%arg17 : memref<80x128xf32, #tpu.memory_space<vmem>>) offsets(%arg12 : memref<80xi32, #tpu.memory_space<vmem>>) semaphore(%arg22 : memref<!tpu.dma_semaphore, #tpu.memory_space<semaphore_mem>>)
      %dma_start3A_276 = arith.constant 0 : i32
      %dma_start3A_277 = arith.constant 0 : i32
      %dma_start3A_278 = tpu.memref_slice %arg3[%dma_start3A_276, %dma_start3A_277] : memref<100000x128xf32, #tpu.memory_space<hbm>> -> memref<100000x128xf32, #tpu.memory_space<hbm>>
      tpu.enqueue_indirect_dma source(%dma_start3A_278 : memref<100000x128xf32, #tpu.memory_space<hbm>>) target(%arg18 : memref<80x128xf32, #tpu.memory_space<vmem>>) offsets(%arg12 : memref<80xi32, #tpu.memory_space<vmem>>) semaphore(%arg22 : memref<!tpu.dma_semaphore, #tpu.memory_space<semaphore_mem>>)
      %dma_start3A_279 = arith.constant 0 : i32
      %dma_start3A_280 = arith.constant 0 : i32
      %dma_start3A_281 = tpu.memref_slice %arg4[%dma_start3A_279, %dma_start3A_280] : memref<100000x128xf32, #tpu.memory_space<hbm>> -> memref<100000x128xf32, #tpu.memory_space<hbm>>
      tpu.enqueue_indirect_dma source(%dma_start3A_281 : memref<100000x128xf32, #tpu.memory_space<hbm>>) target(%arg19 : memref<80x128xf32, #tpu.memory_space<vmem>>) offsets(%arg12 : memref<80xi32, #tpu.memory_space<vmem>>) semaphore(%arg22 : memref<!tpu.dma_semaphore, #tpu.memory_space<semaphore_mem>>)
      %dma_start3A_282 = arith.constant 0 : i32
      %dma_start3A_283 = arith.constant 0 : i32
      %dma_start3A_284 = tpu.memref_slice %arg5[%dma_start3A_282, %dma_start3A_283] : memref<100000x128xf32, #tpu.memory_space<hbm>> -> memref<100000x128xf32, #tpu.memory_space<hbm>>
      tpu.enqueue_indirect_dma source(%dma_start3A_284 : memref<100000x128xf32, #tpu.memory_space<hbm>>) target(%arg20 : memref<80x128xf32, #tpu.memory_space<vmem>>) offsets(%arg12 : memref<80xi32, #tpu.memory_space<vmem>>) semaphore(%arg22 : memref<!tpu.dma_semaphore, #tpu.memory_space<semaphore_mem>>)
      %dma_wait3A_285 = arith.constant 0 : i32
      %dma_wait3A_286 = arith.constant 0 : i32
      %dma_wait3A_287 = tpu.memref_slice %arg2[%dma_wait3A_285, %dma_wait3A_286] : memref<100000x128xf32, #tpu.memory_space<hbm>> -> memref<100000x128xf32, #tpu.memory_space<hbm>>
      tpu.wait_indirect_dma semaphore(%arg22 : memref<!tpu.dma_semaphore, #tpu.memory_space<semaphore_mem>>) src(%dma_wait3A_287 : memref<100000x128xf32, #tpu.memory_space<hbm>>) dst(%arg17 : memref<80x128xf32, #tpu.memory_space<vmem>>)
      %dma_wait3A_288 = arith.constant 0 : i32
      %dma_wait3A_289 = arith.constant 0 : i32
      %dma_wait3A_290 = tpu.memref_slice %arg3[%dma_wait3A_288, %dma_wait3A_289] : memref<100000x128xf32, #tpu.memory_space<hbm>> -> memref<100000x128xf32, #tpu.memory_space<hbm>>
      tpu.wait_indirect_dma semaphore(%arg22 : memref<!tpu.dma_semaphore, #tpu.memory_space<semaphore_mem>>) src(%dma_wait3A_290 : memref<100000x128xf32, #tpu.memory_space<hbm>>) dst(%arg18 : memref<80x128xf32, #tpu.memory_space<vmem>>)
      %dma_wait3A_291 = arith.constant 0 : i32
      %dma_wait3A_292 = arith.constant 0 : i32
      %dma_wait3A_293 = tpu.memref_slice %arg4[%dma_wait3A_291, %dma_wait3A_292] : memref<100000x128xf32, #tpu.memory_space<hbm>> -> memref<100000x128xf32, #tpu.memory_space<hbm>>
      tpu.wait_indirect_dma semaphore(%arg22 : memref<!tpu.dma_semaphore, #tpu.memory_space<semaphore_mem>>) src(%dma_wait3A_293 : memref<100000x128xf32, #tpu.memory_space<hbm>>) dst(%arg19 : memref<80x128xf32, #tpu.memory_space<vmem>>)
      %dma_wait3A_294 = arith.constant 0 : i32
      %dma_wait3A_295 = arith.constant 0 : i32
      %dma_wait3A_296 = tpu.memref_slice %arg5[%dma_wait3A_294, %dma_wait3A_295] : memref<100000x128xf32, #tpu.memory_space<hbm>> -> memref<100000x128xf32, #tpu.memory_space<hbm>>
      tpu.wait_indirect_dma semaphore(%arg22 : memref<!tpu.dma_semaphore, #tpu.memory_space<semaphore_mem>>) src(%dma_wait3A_296 : memref<100000x128xf32, #tpu.memory_space<hbm>>) dst(%arg20 : memref<80x128xf32, #tpu.memory_space<vmem>>)
    }
    %scan3A_75 = arith.constant 9 : i32
    %add3A_76 = arith.constant 1520 : i32
    %add3A_77 = arith.addi %mul3A_2, %add3A_76 : i32
    %dma_start3A_78 = arith.constant 0 : i32
    %dma_start3A_79 = tpu.memref_slice %arg7[%add3A_77, %dma_start3A_78] : memref<51200x128xf32, #tpu.memory_space<hbm>> -> memref<80x128xf32, #tpu.memory_space<hbm>>
    %dma_start3A_80 = arith.constant 0 : i32
    %dma_start3A_81 = tpu.memref_slice %arg7[%add3A_77, %dma_start3A_80] : memref<51200x128xf32, #tpu.memory_space<hbm>> -> memref<80x128xf32, #tpu.memory_space<hbm>>
    tpu.enqueue_dma source(%arg17 : memref<80x128xf32, #tpu.memory_space<vmem>>) target(%dma_start3A_81 : memref<80x128xf32, #tpu.memory_space<hbm>>) target_semaphore(%arg24 : memref<!tpu.dma_semaphore, #tpu.memory_space<semaphore_mem>>)
    %dma_start3A_82 = arith.constant 0 : i32
    %dma_start3A_83 = tpu.memref_slice %arg8[%add3A_77, %dma_start3A_82] : memref<51200x128xf32, #tpu.memory_space<hbm>> -> memref<80x128xf32, #tpu.memory_space<hbm>>
    %dma_start3A_84 = arith.constant 0 : i32
    %dma_start3A_85 = tpu.memref_slice %arg8[%add3A_77, %dma_start3A_84] : memref<51200x128xf32, #tpu.memory_space<hbm>> -> memref<80x128xf32, #tpu.memory_space<hbm>>
    tpu.enqueue_dma source(%arg18 : memref<80x128xf32, #tpu.memory_space<vmem>>) target(%dma_start3A_85 : memref<80x128xf32, #tpu.memory_space<hbm>>) target_semaphore(%arg24 : memref<!tpu.dma_semaphore, #tpu.memory_space<semaphore_mem>>)
    %dma_start3A_86 = arith.constant 0 : i32
    %dma_start3A_87 = tpu.memref_slice %arg9[%add3A_77, %dma_start3A_86] : memref<51200x128xf32, #tpu.memory_space<hbm>> -> memref<80x128xf32, #tpu.memory_space<hbm>>
    %dma_start3A_88 = arith.constant 0 : i32
    %dma_start3A_89 = tpu.memref_slice %arg9[%add3A_77, %dma_start3A_88] : memref<51200x128xf32, #tpu.memory_space<hbm>> -> memref<80x128xf32, #tpu.memory_space<hbm>>
    tpu.enqueue_dma source(%arg19 : memref<80x128xf32, #tpu.memory_space<vmem>>) target(%dma_start3A_89 : memref<80x128xf32, #tpu.memory_space<hbm>>) target_semaphore(%arg24 : memref<!tpu.dma_semaphore, #tpu.memory_space<semaphore_mem>>)
    %dma_start3A_90 = arith.constant 0 : i32
    %dma_start3A_91 = tpu.memref_slice %arg10[%add3A_77, %dma_start3A_90] : memref<51200x128xf32, #tpu.memory_space<hbm>> -> memref<80x128xf32, #tpu.memory_space<hbm>>
    %dma_start3A_92 = arith.constant 0 : i32
    %dma_start3A_93 = tpu.memref_slice %arg10[%add3A_77, %dma_start3A_92] : memref<51200x128xf32, #tpu.memory_space<hbm>> -> memref<80x128xf32, #tpu.memory_space<hbm>>
    tpu.enqueue_dma source(%arg20 : memref<80x128xf32, #tpu.memory_space<vmem>>) target(%dma_start3A_93 : memref<80x128xf32, #tpu.memory_space<hbm>>) target_semaphore(%arg24 : memref<!tpu.dma_semaphore, #tpu.memory_space<semaphore_mem>>)
    %dma_wait3A_94 = arith.constant 0 : i32
    %dma_wait3A_95 = arith.constant 0 : i32
    %dma_wait3A_96 = tpu.memref_slice %arg7[%dma_wait3A_94, %dma_wait3A_95] : memref<51200x128xf32, #tpu.memory_space<hbm>> -> memref<80x128xf32, #tpu.memory_space<hbm>>
    %dma_wait3A_97 = arith.constant 0 : i32
    %dma_wait3A_98 = arith.constant 0 : i32
    %dma_wait3A_99 = tpu.memref_slice %arg7[%dma_wait3A_97, %dma_wait3A_98] : memref<51200x128xf32, #tpu.memory_space<hbm>> -> memref<80x128xf32, #tpu.memory_space<hbm>>
    tpu.wait_dma2 semaphore(%arg23 : memref<!tpu.dma_semaphore, #tpu.memory_space<semaphore_mem>>) src(%arg13 : memref<80x128xf32, #tpu.memory_space<vmem>>) dst(%dma_wait3A_99 : memref<80x128xf32, #tpu.memory_space<hbm>>)
    %dma_wait3A_100 = arith.constant 0 : i32
    %dma_wait3A_101 = arith.constant 0 : i32
    %dma_wait3A_102 = tpu.memref_slice %arg8[%dma_wait3A_100, %dma_wait3A_101] : memref<51200x128xf32, #tpu.memory_space<hbm>> -> memref<80x128xf32, #tpu.memory_space<hbm>>
    %dma_wait3A_103 = arith.constant 0 : i32
    %dma_wait3A_104 = arith.constant 0 : i32
    %dma_wait3A_105 = tpu.memref_slice %arg8[%dma_wait3A_103, %dma_wait3A_104] : memref<51200x128xf32, #tpu.memory_space<hbm>> -> memref<80x128xf32, #tpu.memory_space<hbm>>
    tpu.wait_dma2 semaphore(%arg23 : memref<!tpu.dma_semaphore, #tpu.memory_space<semaphore_mem>>) src(%arg14 : memref<80x128xf32, #tpu.memory_space<vmem>>) dst(%dma_wait3A_105 : memref<80x128xf32, #tpu.memory_space<hbm>>)
    %dma_wait3A_106 = arith.constant 0 : i32
    %dma_wait3A_107 = arith.constant 0 : i32
    %dma_wait3A_108 = tpu.memref_slice %arg9[%dma_wait3A_106, %dma_wait3A_107] : memref<51200x128xf32, #tpu.memory_space<hbm>> -> memref<80x128xf32, #tpu.memory_space<hbm>>
    %dma_wait3A_109 = arith.constant 0 : i32
    %dma_wait3A_110 = arith.constant 0 : i32
    %dma_wait3A_111 = tpu.memref_slice %arg9[%dma_wait3A_109, %dma_wait3A_110] : memref<51200x128xf32, #tpu.memory_space<hbm>> -> memref<80x128xf32, #tpu.memory_space<hbm>>
    tpu.wait_dma2 semaphore(%arg23 : memref<!tpu.dma_semaphore, #tpu.memory_space<semaphore_mem>>) src(%arg15 : memref<80x128xf32, #tpu.memory_space<vmem>>) dst(%dma_wait3A_111 : memref<80x128xf32, #tpu.memory_space<hbm>>)
    %dma_wait3A_112 = arith.constant 0 : i32
    %dma_wait3A_113 = arith.constant 0 : i32
    %dma_wait3A_114 = tpu.memref_slice %arg10[%dma_wait3A_112, %dma_wait3A_113] : memref<51200x128xf32, #tpu.memory_space<hbm>> -> memref<80x128xf32, #tpu.memory_space<hbm>>
    %dma_wait3A_115 = arith.constant 0 : i32
    %dma_wait3A_116 = arith.constant 0 : i32
    %dma_wait3A_117 = tpu.memref_slice %arg10[%dma_wait3A_115, %dma_wait3A_116] : memref<51200x128xf32, #tpu.memory_space<hbm>> -> memref<80x128xf32, #tpu.memory_space<hbm>>
    tpu.wait_dma2 semaphore(%arg23 : memref<!tpu.dma_semaphore, #tpu.memory_space<semaphore_mem>>) src(%arg16 : memref<80x128xf32, #tpu.memory_space<vmem>>) dst(%dma_wait3A_117 : memref<80x128xf32, #tpu.memory_space<hbm>>)
    %dma_wait3A_118 = arith.constant 0 : i32
    %dma_wait3A_119 = arith.constant 0 : i32
    %dma_wait3A_120 = tpu.memref_slice %arg7[%dma_wait3A_118, %dma_wait3A_119] : memref<51200x128xf32, #tpu.memory_space<hbm>> -> memref<80x128xf32, #tpu.memory_space<hbm>>
    %dma_wait3A_121 = arith.constant 0 : i32
    %dma_wait3A_122 = arith.constant 0 : i32
    %dma_wait3A_123 = tpu.memref_slice %arg7[%dma_wait3A_121, %dma_wait3A_122] : memref<51200x128xf32, #tpu.memory_space<hbm>> -> memref<80x128xf32, #tpu.memory_space<hbm>>
    tpu.wait_dma2 semaphore(%arg24 : memref<!tpu.dma_semaphore, #tpu.memory_space<semaphore_mem>>) src(%arg17 : memref<80x128xf32, #tpu.memory_space<vmem>>) dst(%dma_wait3A_123 : memref<80x128xf32, #tpu.memory_space<hbm>>)
    %dma_wait3A_124 = arith.constant 0 : i32
    %dma_wait3A_125 = arith.constant 0 : i32
    %dma_wait3A_126 = tpu.memref_slice %arg8[%dma_wait3A_124, %dma_wait3A_125] : memref<51200x128xf32, #tpu.memory_space<hbm>> -> memref<80x128xf32, #tpu.memory_space<hbm>>
    %dma_wait3A_127 = arith.constant 0 : i32
    %dma_wait3A_128 = arith.constant 0 : i32
    %dma_wait3A_129 = tpu.memref_slice %arg8[%dma_wait3A_127, %dma_wait3A_128] : memref<51200x128xf32, #tpu.memory_space<hbm>> -> memref<80x128xf32, #tpu.memory_space<hbm>>
    tpu.wait_dma2 semaphore(%arg24 : memref<!tpu.dma_semaphore, #tpu.memory_space<semaphore_mem>>) src(%arg18 : memref<80x128xf32, #tpu.memory_space<vmem>>) dst(%dma_wait3A_129 : memref<80x128xf32, #tpu.memory_space<hbm>>)
    %dma_wait3A_130 = arith.constant 0 : i32
    %dma_wait3A_131 = arith.constant 0 : i32
    %dma_wait3A_132 = tpu.memref_slice %arg9[%dma_wait3A_130, %dma_wait3A_131] : memref<51200x128xf32, #tpu.memory_space<hbm>> -> memref<80x128xf32, #tpu.memory_space<hbm>>
    %dma_wait3A_133 = arith.constant 0 : i32
    %dma_wait3A_134 = arith.constant 0 : i32
    %dma_wait3A_135 = tpu.memref_slice %arg9[%dma_wait3A_133, %dma_wait3A_134] : memref<51200x128xf32, #tpu.memory_space<hbm>> -> memref<80x128xf32, #tpu.memory_space<hbm>>
    tpu.wait_dma2 semaphore(%arg24 : memref<!tpu.dma_semaphore, #tpu.memory_space<semaphore_mem>>) src(%arg19 : memref<80x128xf32, #tpu.memory_space<vmem>>) dst(%dma_wait3A_135 : memref<80x128xf32, #tpu.memory_space<hbm>>)
    %dma_wait3A_136 = arith.constant 0 : i32
    %dma_wait3A_137 = arith.constant 0 : i32
    %dma_wait3A_138 = tpu.memref_slice %arg10[%dma_wait3A_136, %dma_wait3A_137] : memref<51200x128xf32, #tpu.memory_space<hbm>> -> memref<80x128xf32, #tpu.memory_space<hbm>>
    %dma_wait3A_139 = arith.constant 0 : i32
    %dma_wait3A_140 = arith.constant 0 : i32
    %dma_wait3A_141 = tpu.memref_slice %arg10[%dma_wait3A_139, %dma_wait3A_140] : memref<51200x128xf32, #tpu.memory_space<hbm>> -> memref<80x128xf32, #tpu.memory_space<hbm>>
    tpu.wait_dma2 semaphore(%arg24 : memref<!tpu.dma_semaphore, #tpu.memory_space<semaphore_mem>>) src(%arg20 : memref<80x128xf32, #tpu.memory_space<vmem>>) dst(%dma_wait3A_141 : memref<80x128xf32, #tpu.memory_space<hbm>>)
    return
  }
}

#map = affine_map<(d0, d1) -> (0, 0)>
#map1 = affine_map<(d0, d1) -> (0)>
module attributes {stable_mosaic.version = 14 : i64} {
  func.func @gather_kernel(%arg0: i32, %arg1: i32, %arg2: memref<100000x128xf32, #tpu.memory_space<hbm>>, %arg3: memref<100000x128xf32, #tpu.memory_space<hbm>>, %arg4: memref<100000x128xf32, #tpu.memory_space<hbm>>, %arg5: memref<100000x128xf32, #tpu.memory_space<hbm>>, %arg6: memref<51200xi32, #tpu.memory_space<hbm>>, %arg7: memref<51200x128xf32, #tpu.memory_space<hbm>>, %arg8: memref<51200x128xf32, #tpu.memory_space<hbm>>, %arg9: memref<51200x128xf32, #tpu.memory_space<hbm>>, %arg10: memref<51200x128xf32, #tpu.memory_space<hbm>>, %arg11: memref<80xi32, #tpu.memory_space<vmem>>, %arg12: memref<80xi32, #tpu.memory_space<vmem>>, %arg13: memref<80x128xf32, #tpu.memory_space<vmem>>, %arg14: memref<80x128xf32, #tpu.memory_space<vmem>>, %arg15: memref<80x128xf32, #tpu.memory_space<vmem>>, %arg16: memref<80x128xf32, #tpu.memory_space<vmem>>, %arg17: memref<80x128xf32, #tpu.memory_space<vmem>>, %arg18: memref<80x128xf32, #tpu.memory_space<vmem>>, %arg19: memref<80x128xf32, #tpu.memory_space<vmem>>, %arg20: memref<80x128xf32, #tpu.memory_space<vmem>>, %arg21: memref<!tpu.dma_semaphore, #tpu.memory_space<semaphore_mem>>, %arg22: memref<!tpu.dma_semaphore, #tpu.memory_space<semaphore_mem>>, %arg23: memref<!tpu.dma_semaphore, #tpu.memory_space<semaphore_mem>>, %arg24: memref<!tpu.dma_semaphore, #tpu.memory_space<semaphore_mem>>) attributes {dimension_semantics = [#tpu.dimension_semantics<core_parallel>, #tpu.dimension_semantics<subcore_parallel>], iteration_bounds = array<i64: 2, 16>, scalar_prefetch = 0 : i64, scratch_operands = 14 : i64, tpu.core_type = #tpu.core_type<sc_vector_subcore>, window_params = [{transform_indices = #map}, {transform_indices = #map}, {transform_indices = #map}, {transform_indices = #map}, {transform_indices = #map1}, {transform_indices = #map}, {transform_indices = #map}, {transform_indices = #map}, {transform_indices = #map}]} {
    %mul3A = arith.constant 2 : i32
    %mul3A_0 = arith.muli %arg1, %mul3A : i32
    %add3A = arith.addi %mul3A_0, %arg0 : i32
    %mul3A_1 = arith.constant 1600 : i32
    %mul3A_2 = arith.muli %add3A, %mul3A_1 : i32
    %add3A_3 = arith.constant 0 : i32
    %add3A_4 = arith.addi %mul3A_2, %add3A_3 : i32
    "tpu.region"() ({
      %run_scoped3A = tpu.sem_alloc : memref<!tpu.dma_semaphore, #tpu.memory_space<semaphore_mem>>
      %dma_start3A_142 = tpu.memref_slice %arg6[%add3A_4] : memref<51200xi32, #tpu.memory_space<hbm>> -> memref<80xi32, #tpu.memory_space<hbm>>
      %dma_start3A_143 = tpu.memref_slice %arg6[%add3A_4] : memref<51200xi32, #tpu.memory_space<hbm>> -> memref<80xi32, #tpu.memory_space<hbm>>
      tpu.enqueue_dma source(%dma_start3A_143 : memref<80xi32, #tpu.memory_space<hbm>>) target(%arg11 : memref<80xi32, #tpu.memory_space<vmem>>) target_semaphore(%run_scoped3A : memref<!tpu.dma_semaphore, #tpu.memory_space<semaphore_mem>>)
      %dma_wait3A_144 = tpu.memref_slice %arg6[%add3A_4] : memref<51200xi32, #tpu.memory_space<hbm>> -> memref<80xi32, #tpu.memory_space<hbm>>
      %dma_wait3A_145 = tpu.memref_slice %arg6[%add3A_4] : memref<51200xi32, #tpu.memory_space<hbm>> -> memref<80xi32, #tpu.memory_space<hbm>>
      tpu.wait_dma2 semaphore(%run_scoped3A : memref<!tpu.dma_semaphore, #tpu.memory_space<semaphore_mem>>) src(%dma_wait3A_145 : memref<80xi32, #tpu.memory_space<hbm>>) dst(%arg11 : memref<80xi32, #tpu.memory_space<vmem>>)
      tpu.yield
    }) : () -> ()
    %dma_start3A = arith.constant 0 : i32
    %dma_start3A_5 = arith.constant 0 : i32
    %dma_start3A_6 = tpu.memref_slice %arg2[%dma_start3A, %dma_start3A_5] : memref<100000x128xf32, #tpu.memory_space<hbm>> -> memref<100000x128xf32, #tpu.memory_space<hbm>>
    tpu.enqueue_indirect_dma source(%dma_start3A_6 : memref<100000x128xf32, #tpu.memory_space<hbm>>) target(%arg13 : memref<80x128xf32, #tpu.memory_space<vmem>>) offsets(%arg11 : memref<80xi32, #tpu.memory_space<vmem>>) semaphore(%arg21 : memref<!tpu.dma_semaphore, #tpu.memory_space<semaphore_mem>>)
    %dma_start3A_7 = arith.constant 0 : i32
    %dma_start3A_8 = arith.constant 0 : i32
    %dma_start3A_9 = tpu.memref_slice %arg3[%dma_start3A_7, %dma_start3A_8] : memref<100000x128xf32, #tpu.memory_space<hbm>> -> memref<100000x128xf32, #tpu.memory_space<hbm>>
    tpu.enqueue_indirect_dma source(%dma_start3A_9 : memref<100000x128xf32, #tpu.memory_space<hbm>>) target(%arg14 : memref<80x128xf32, #tpu.memory_space<vmem>>) offsets(%arg11 : memref<80xi32, #tpu.memory_space<vmem>>) semaphore(%arg21 : memref<!tpu.dma_semaphore, #tpu.memory_space<semaphore_mem>>)
    %dma_start3A_10 = arith.constant 0 : i32
    %dma_start3A_11 = arith.constant 0 : i32
    %dma_start3A_12 = tpu.memref_slice %arg4[%dma_start3A_10, %dma_start3A_11] : memref<100000x128xf32, #tpu.memory_space<hbm>> -> memref<100000x128xf32, #tpu.memory_space<hbm>>
    tpu.enqueue_indirect_dma source(%dma_start3A_12 : memref<100000x128xf32, #tpu.memory_space<hbm>>) target(%arg15 : memref<80x128xf32, #tpu.memory_space<vmem>>) offsets(%arg11 : memref<80xi32, #tpu.memory_space<vmem>>) semaphore(%arg21 : memref<!tpu.dma_semaphore, #tpu.memory_space<semaphore_mem>>)
    %dma_start3A_13 = arith.constant 0 : i32
    %dma_start3A_14 = arith.constant 0 : i32
    %dma_start3A_15 = tpu.memref_slice %arg5[%dma_start3A_13, %dma_start3A_14] : memref<100000x128xf32, #tpu.memory_space<hbm>> -> memref<100000x128xf32, #tpu.memory_space<hbm>>
    tpu.enqueue_indirect_dma source(%dma_start3A_15 : memref<100000x128xf32, #tpu.memory_space<hbm>>) target(%arg16 : memref<80x128xf32, #tpu.memory_space<vmem>>) offsets(%arg11 : memref<80xi32, #tpu.memory_space<vmem>>) semaphore(%arg21 : memref<!tpu.dma_semaphore, #tpu.memory_space<semaphore_mem>>)
    %dma_wait3A = arith.constant 0 : i32
    %dma_wait3A_16 = arith.constant 0 : i32
    %dma_wait3A_17 = tpu.memref_slice %arg2[%dma_wait3A, %dma_wait3A_16] : memref<100000x128xf32, #tpu.memory_space<hbm>> -> memref<100000x128xf32, #tpu.memory_space<hbm>>
    tpu.wait_indirect_dma semaphore(%arg21 : memref<!tpu.dma_semaphore, #tpu.memory_space<semaphore_mem>>) src(%dma_wait3A_17 : memref<100000x128xf32, #tpu.memory_space<hbm>>) dst(%arg13 : memref<80x128xf32, #tpu.memory_space<vmem>>)
    %dma_wait3A_18 = arith.constant 0 : i32
    %dma_wait3A_19 = arith.constant 0 : i32
    %dma_wait3A_20 = tpu.memref_slice %arg3[%dma_wait3A_18, %dma_wait3A_19] : memref<100000x128xf32, #tpu.memory_space<hbm>> -> memref<100000x128xf32, #tpu.memory_space<hbm>>
    tpu.wait_indirect_dma semaphore(%arg21 : memref<!tpu.dma_semaphore, #tpu.memory_space<semaphore_mem>>) src(%dma_wait3A_20 : memref<100000x128xf32, #tpu.memory_space<hbm>>) dst(%arg14 : memref<80x128xf32, #tpu.memory_space<vmem>>)
    %dma_wait3A_21 = arith.constant 0 : i32
    %dma_wait3A_22 = arith.constant 0 : i32
    %dma_wait3A_23 = tpu.memref_slice %arg4[%dma_wait3A_21, %dma_wait3A_22] : memref<100000x128xf32, #tpu.memory_space<hbm>> -> memref<100000x128xf32, #tpu.memory_space<hbm>>
    tpu.wait_indirect_dma semaphore(%arg21 : memref<!tpu.dma_semaphore, #tpu.memory_space<semaphore_mem>>) src(%dma_wait3A_23 : memref<100000x128xf32, #tpu.memory_space<hbm>>) dst(%arg15 : memref<80x128xf32, #tpu.memory_space<vmem>>)
    %dma_wait3A_24 = arith.constant 0 : i32
    %dma_wait3A_25 = arith.constant 0 : i32
    %dma_wait3A_26 = tpu.memref_slice %arg5[%dma_wait3A_24, %dma_wait3A_25] : memref<100000x128xf32, #tpu.memory_space<hbm>> -> memref<100000x128xf32, #tpu.memory_space<hbm>>
    tpu.wait_indirect_dma semaphore(%arg21 : memref<!tpu.dma_semaphore, #tpu.memory_space<semaphore_mem>>) src(%dma_wait3A_26 : memref<100000x128xf32, #tpu.memory_space<hbm>>) dst(%arg16 : memref<80x128xf32, #tpu.memory_space<vmem>>)
    %add3A_27 = arith.constant 0 : i32
    %add3A_28 = arith.addi %mul3A_2, %add3A_27 : i32
    %dma_start3A_29 = arith.constant 0 : i32
    %dma_start3A_30 = tpu.memref_slice %arg7[%add3A_28, %dma_start3A_29] : memref<51200x128xf32, #tpu.memory_space<hbm>> -> memref<80x128xf32, #tpu.memory_space<hbm>>
    %dma_start3A_31 = arith.constant 0 : i32
    %dma_start3A_32 = tpu.memref_slice %arg7[%add3A_28, %dma_start3A_31] : memref<51200x128xf32, #tpu.memory_space<hbm>> -> memref<80x128xf32, #tpu.memory_space<hbm>>
    tpu.enqueue_dma source(%arg13 : memref<80x128xf32, #tpu.memory_space<vmem>>) target(%dma_start3A_32 : memref<80x128xf32, #tpu.memory_space<hbm>>) target_semaphore(%arg23 : memref<!tpu.dma_semaphore, #tpu.memory_space<semaphore_mem>>)
    %dma_start3A_33 = arith.constant 0 : i32
    %dma_start3A_34 = tpu.memref_slice %arg8[%add3A_28, %dma_start3A_33] : memref<51200x128xf32, #tpu.memory_space<hbm>> -> memref<80x128xf32, #tpu.memory_space<hbm>>
    %dma_start3A_35 = arith.constant 0 : i32
    %dma_start3A_36 = tpu.memref_slice %arg8[%add3A_28, %dma_start3A_35] : memref<51200x128xf32, #tpu.memory_space<hbm>> -> memref<80x128xf32, #tpu.memory_space<hbm>>
    tpu.enqueue_dma source(%arg14 : memref<80x128xf32, #tpu.memory_space<vmem>>) target(%dma_start3A_36 : memref<80x128xf32, #tpu.memory_space<hbm>>) target_semaphore(%arg23 : memref<!tpu.dma_semaphore, #tpu.memory_space<semaphore_mem>>)
    %dma_start3A_37 = arith.constant 0 : i32
    %dma_start3A_38 = tpu.memref_slice %arg9[%add3A_28, %dma_start3A_37] : memref<51200x128xf32, #tpu.memory_space<hbm>> -> memref<80x128xf32, #tpu.memory_space<hbm>>
    %dma_start3A_39 = arith.constant 0 : i32
    %dma_start3A_40 = tpu.memref_slice %arg9[%add3A_28, %dma_start3A_39] : memref<51200x128xf32, #tpu.memory_space<hbm>> -> memref<80x128xf32, #tpu.memory_space<hbm>>
    tpu.enqueue_dma source(%arg15 : memref<80x128xf32, #tpu.memory_space<vmem>>) target(%dma_start3A_40 : memref<80x128xf32, #tpu.memory_space<hbm>>) target_semaphore(%arg23 : memref<!tpu.dma_semaphore, #tpu.memory_space<semaphore_mem>>)
    %dma_start3A_41 = arith.constant 0 : i32
    %dma_start3A_42 = tpu.memref_slice %arg10[%add3A_28, %dma_start3A_41] : memref<51200x128xf32, #tpu.memory_space<hbm>> -> memref<80x128xf32, #tpu.memory_space<hbm>>
    %dma_start3A_43 = arith.constant 0 : i32
    %dma_start3A_44 = tpu.memref_slice %arg10[%add3A_28, %dma_start3A_43] : memref<51200x128xf32, #tpu.memory_space<hbm>> -> memref<80x128xf32, #tpu.memory_space<hbm>>
    tpu.enqueue_dma source(%arg16 : memref<80x128xf32, #tpu.memory_space<vmem>>) target(%dma_start3A_44 : memref<80x128xf32, #tpu.memory_space<hbm>>) target_semaphore(%arg23 : memref<!tpu.dma_semaphore, #tpu.memory_space<semaphore_mem>>)
    %add3A_45 = arith.constant 80 : i32
    %add3A_46 = arith.addi %mul3A_2, %add3A_45 : i32
    "tpu.region"() ({
      %run_scoped3A = tpu.sem_alloc : memref<!tpu.dma_semaphore, #tpu.memory_space<semaphore_mem>>
      %dma_start3A_142 = tpu.memref_slice %arg6[%add3A_46] : memref<51200xi32, #tpu.memory_space<hbm>> -> memref<80xi32, #tpu.memory_space<hbm>>
      %dma_start3A_143 = tpu.memref_slice %arg6[%add3A_46] : memref<51200xi32, #tpu.memory_space<hbm>> -> memref<80xi32, #tpu.memory_space<hbm>>
      tpu.enqueue_dma source(%dma_start3A_143 : memref<80xi32, #tpu.memory_space<hbm>>) target(%arg12 : memref<80xi32, #tpu.memory_space<vmem>>) target_semaphore(%run_scoped3A : memref<!tpu.dma_semaphore, #tpu.memory_space<semaphore_mem>>)
      %dma_wait3A_144 = tpu.memref_slice %arg6[%add3A_46] : memref<51200xi32, #tpu.memory_space<hbm>> -> memref<80xi32, #tpu.memory_space<hbm>>
      %dma_wait3A_145 = tpu.memref_slice %arg6[%add3A_46] : memref<51200xi32, #tpu.memory_space<hbm>> -> memref<80xi32, #tpu.memory_space<hbm>>
      tpu.wait_dma2 semaphore(%run_scoped3A : memref<!tpu.dma_semaphore, #tpu.memory_space<semaphore_mem>>) src(%dma_wait3A_145 : memref<80xi32, #tpu.memory_space<hbm>>) dst(%arg12 : memref<80xi32, #tpu.memory_space<vmem>>)
      tpu.yield
    }) : () -> ()
    %dma_start3A_47 = arith.constant 0 : i32
    %dma_start3A_48 = arith.constant 0 : i32
    %dma_start3A_49 = tpu.memref_slice %arg2[%dma_start3A_47, %dma_start3A_48] : memref<100000x128xf32, #tpu.memory_space<hbm>> -> memref<100000x128xf32, #tpu.memory_space<hbm>>
    tpu.enqueue_indirect_dma source(%dma_start3A_49 : memref<100000x128xf32, #tpu.memory_space<hbm>>) target(%arg17 : memref<80x128xf32, #tpu.memory_space<vmem>>) offsets(%arg12 : memref<80xi32, #tpu.memory_space<vmem>>) semaphore(%arg22 : memref<!tpu.dma_semaphore, #tpu.memory_space<semaphore_mem>>)
    %dma_start3A_50 = arith.constant 0 : i32
    %dma_start3A_51 = arith.constant 0 : i32
    %dma_start3A_52 = tpu.memref_slice %arg3[%dma_start3A_50, %dma_start3A_51] : memref<100000x128xf32, #tpu.memory_space<hbm>> -> memref<100000x128xf32, #tpu.memory_space<hbm>>
    tpu.enqueue_indirect_dma source(%dma_start3A_52 : memref<100000x128xf32, #tpu.memory_space<hbm>>) target(%arg18 : memref<80x128xf32, #tpu.memory_space<vmem>>) offsets(%arg12 : memref<80xi32, #tpu.memory_space<vmem>>) semaphore(%arg22 : memref<!tpu.dma_semaphore, #tpu.memory_space<semaphore_mem>>)
    %dma_start3A_53 = arith.constant 0 : i32
    %dma_start3A_54 = arith.constant 0 : i32
    %dma_start3A_55 = tpu.memref_slice %arg4[%dma_start3A_53, %dma_start3A_54] : memref<100000x128xf32, #tpu.memory_space<hbm>> -> memref<100000x128xf32, #tpu.memory_space<hbm>>
    tpu.enqueue_indirect_dma source(%dma_start3A_55 : memref<100000x128xf32, #tpu.memory_space<hbm>>) target(%arg19 : memref<80x128xf32, #tpu.memory_space<vmem>>) offsets(%arg12 : memref<80xi32, #tpu.memory_space<vmem>>) semaphore(%arg22 : memref<!tpu.dma_semaphore, #tpu.memory_space<semaphore_mem>>)
    %dma_start3A_56 = arith.constant 0 : i32
    %dma_start3A_57 = arith.constant 0 : i32
    %dma_start3A_58 = tpu.memref_slice %arg5[%dma_start3A_56, %dma_start3A_57] : memref<100000x128xf32, #tpu.memory_space<hbm>> -> memref<100000x128xf32, #tpu.memory_space<hbm>>
    tpu.enqueue_indirect_dma source(%dma_start3A_58 : memref<100000x128xf32, #tpu.memory_space<hbm>>) target(%arg20 : memref<80x128xf32, #tpu.memory_space<vmem>>) offsets(%arg12 : memref<80xi32, #tpu.memory_space<vmem>>) semaphore(%arg22 : memref<!tpu.dma_semaphore, #tpu.memory_space<semaphore_mem>>)
    %dma_wait3A_59 = arith.constant 0 : i32
    %dma_wait3A_60 = arith.constant 0 : i32
    %dma_wait3A_61 = tpu.memref_slice %arg2[%dma_wait3A_59, %dma_wait3A_60] : memref<100000x128xf32, #tpu.memory_space<hbm>> -> memref<100000x128xf32, #tpu.memory_space<hbm>>
    tpu.wait_indirect_dma semaphore(%arg22 : memref<!tpu.dma_semaphore, #tpu.memory_space<semaphore_mem>>) src(%dma_wait3A_61 : memref<100000x128xf32, #tpu.memory_space<hbm>>) dst(%arg17 : memref<80x128xf32, #tpu.memory_space<vmem>>)
    %dma_wait3A_62 = arith.constant 0 : i32
    %dma_wait3A_63 = arith.constant 0 : i32
    %dma_wait3A_64 = tpu.memref_slice %arg3[%dma_wait3A_62, %dma_wait3A_63] : memref<100000x128xf32, #tpu.memory_space<hbm>> -> memref<100000x128xf32, #tpu.memory_space<hbm>>
    tpu.wait_indirect_dma semaphore(%arg22 : memref<!tpu.dma_semaphore, #tpu.memory_space<semaphore_mem>>) src(%dma_wait3A_64 : memref<100000x128xf32, #tpu.memory_space<hbm>>) dst(%arg18 : memref<80x128xf32, #tpu.memory_space<vmem>>)
    %dma_wait3A_65 = arith.constant 0 : i32
    %dma_wait3A_66 = arith.constant 0 : i32
    %dma_wait3A_67 = tpu.memref_slice %arg4[%dma_wait3A_65, %dma_wait3A_66] : memref<100000x128xf32, #tpu.memory_space<hbm>> -> memref<100000x128xf32, #tpu.memory_space<hbm>>
    tpu.wait_indirect_dma semaphore(%arg22 : memref<!tpu.dma_semaphore, #tpu.memory_space<semaphore_mem>>) src(%dma_wait3A_67 : memref<100000x128xf32, #tpu.memory_space<hbm>>) dst(%arg19 : memref<80x128xf32, #tpu.memory_space<vmem>>)
    %dma_wait3A_68 = arith.constant 0 : i32
    %dma_wait3A_69 = arith.constant 0 : i32
    %dma_wait3A_70 = tpu.memref_slice %arg5[%dma_wait3A_68, %dma_wait3A_69] : memref<100000x128xf32, #tpu.memory_space<hbm>> -> memref<100000x128xf32, #tpu.memory_space<hbm>>
    tpu.wait_indirect_dma semaphore(%arg22 : memref<!tpu.dma_semaphore, #tpu.memory_space<semaphore_mem>>) src(%dma_wait3A_70 : memref<100000x128xf32, #tpu.memory_space<hbm>>) dst(%arg20 : memref<80x128xf32, #tpu.memory_space<vmem>>)
    %scan3A = arith.constant 0 : i32
    %scan3A_71 = arith.constant 0 : i32
    %scan3A_72 = arith.constant 9 : i32
    %scan3A_73 = arith.addi %scan3A_71, %scan3A_72 : i32
    %scan3A_74 = arith.constant 1 : i32
    scf.for %scan3A_142 = %scan3A_71 to %scan3A_73 step %scan3A_74  : i32 {
      %mul3A_143 = arith.constant 2 : i32
      %mul3A_144 = arith.muli %mul3A_143, %scan3A_142 : i32
      %add3A_145 = arith.constant 1 : i32
      %add3A_146 = arith.addi %mul3A_144, %add3A_145 : i32
      %mul3A_147 = arith.constant 80 : i32
      %mul3A_148 = arith.muli %add3A_146, %mul3A_147 : i32
      %add3A_149 = arith.addi %mul3A_2, %mul3A_148 : i32
      %dma_start3A_150 = arith.constant 0 : i32
      %dma_start3A_151 = tpu.memref_slice %arg7[%add3A_149, %dma_start3A_150] : memref<51200x128xf32, #tpu.memory_space<hbm>> -> memref<80x128xf32, #tpu.memory_space<hbm>>
      %dma_start3A_152 = arith.constant 0 : i32
      %dma_start3A_153 = tpu.memref_slice %arg7[%add3A_149, %dma_start3A_152] : memref<51200x128xf32, #tpu.memory_space<hbm>> -> memref<80x128xf32, #tpu.memory_space<hbm>>
      tpu.enqueue_dma source(%arg17 : memref<80x128xf32, #tpu.memory_space<vmem>>) target(%dma_start3A_153 : memref<80x128xf32, #tpu.memory_space<hbm>>) target_semaphore(%arg24 : memref<!tpu.dma_semaphore, #tpu.memory_space<semaphore_mem>>)
      %dma_start3A_154 = arith.constant 0 : i32
      %dma_start3A_155 = tpu.memref_slice %arg8[%add3A_149, %dma_start3A_154] : memref<51200x128xf32, #tpu.memory_space<hbm>> -> memref<80x128xf32, #tpu.memory_space<hbm>>
      %dma_start3A_156 = arith.constant 0 : i32
      %dma_start3A_157 = tpu.memref_slice %arg8[%add3A_149, %dma_start3A_156] : memref<51200x128xf32, #tpu.memory_space<hbm>> -> memref<80x128xf32, #tpu.memory_space<hbm>>
      tpu.enqueue_dma source(%arg18 : memref<80x128xf32, #tpu.memory_space<vmem>>) target(%dma_start3A_157 : memref<80x128xf32, #tpu.memory_space<hbm>>) target_semaphore(%arg24 : memref<!tpu.dma_semaphore, #tpu.memory_space<semaphore_mem>>)
      %dma_start3A_158 = arith.constant 0 : i32
      %dma_start3A_159 = tpu.memref_slice %arg9[%add3A_149, %dma_start3A_158] : memref<51200x128xf32, #tpu.memory_space<hbm>> -> memref<80x128xf32, #tpu.memory_space<hbm>>
      %dma_start3A_160 = arith.constant 0 : i32
      %dma_start3A_161 = tpu.memref_slice %arg9[%add3A_149, %dma_start3A_160] : memref<51200x128xf32, #tpu.memory_space<hbm>> -> memref<80x128xf32, #tpu.memory_space<hbm>>
      tpu.enqueue_dma source(%arg19 : memref<80x128xf32, #tpu.memory_space<vmem>>) target(%dma_start3A_161 : memref<80x128xf32, #tpu.memory_space<hbm>>) target_semaphore(%arg24 : memref<!tpu.dma_semaphore, #tpu.memory_space<semaphore_mem>>)
      %dma_start3A_162 = arith.constant 0 : i32
      %dma_start3A_163 = tpu.memref_slice %arg10[%add3A_149, %dma_start3A_162] : memref<51200x128xf32, #tpu.memory_space<hbm>> -> memref<80x128xf32, #tpu.memory_space<hbm>>
      %dma_start3A_164 = arith.constant 0 : i32
      %dma_start3A_165 = tpu.memref_slice %arg10[%add3A_149, %dma_start3A_164] : memref<51200x128xf32, #tpu.memory_space<hbm>> -> memref<80x128xf32, #tpu.memory_space<hbm>>
      tpu.enqueue_dma source(%arg20 : memref<80x128xf32, #tpu.memory_space<vmem>>) target(%dma_start3A_165 : memref<80x128xf32, #tpu.memory_space<hbm>>) target_semaphore(%arg24 : memref<!tpu.dma_semaphore, #tpu.memory_space<semaphore_mem>>)
      %dma_wait3A_166 = arith.constant 0 : i32
      %dma_wait3A_167 = arith.constant 0 : i32
      %dma_wait3A_168 = tpu.memref_slice %arg7[%dma_wait3A_166, %dma_wait3A_167] : memref<51200x128xf32, #tpu.memory_space<hbm>> -> memref<80x128xf32, #tpu.memory_space<hbm>>
      %dma_wait3A_169 = arith.constant 0 : i32
      %dma_wait3A_170 = arith.constant 0 : i32
      %dma_wait3A_171 = tpu.memref_slice %arg7[%dma_wait3A_169, %dma_wait3A_170] : memref<51200x128xf32, #tpu.memory_space<hbm>> -> memref<80x128xf32, #tpu.memory_space<hbm>>
      tpu.wait_dma2 semaphore(%arg23 : memref<!tpu.dma_semaphore, #tpu.memory_space<semaphore_mem>>) src(%arg13 : memref<80x128xf32, #tpu.memory_space<vmem>>) dst(%dma_wait3A_171 : memref<80x128xf32, #tpu.memory_space<hbm>>)
      %dma_wait3A_172 = arith.constant 0 : i32
      %dma_wait3A_173 = arith.constant 0 : i32
      %dma_wait3A_174 = tpu.memref_slice %arg8[%dma_wait3A_172, %dma_wait3A_173] : memref<51200x128xf32, #tpu.memory_space<hbm>> -> memref<80x128xf32, #tpu.memory_space<hbm>>
      %dma_wait3A_175 = arith.constant 0 : i32
      %dma_wait3A_176 = arith.constant 0 : i32
      %dma_wait3A_177 = tpu.memref_slice %arg8[%dma_wait3A_175, %dma_wait3A_176] : memref<51200x128xf32, #tpu.memory_space<hbm>> -> memref<80x128xf32, #tpu.memory_space<hbm>>
      tpu.wait_dma2 semaphore(%arg23 : memref<!tpu.dma_semaphore, #tpu.memory_space<semaphore_mem>>) src(%arg14 : memref<80x128xf32, #tpu.memory_space<vmem>>) dst(%dma_wait3A_177 : memref<80x128xf32, #tpu.memory_space<hbm>>)
      %dma_wait3A_178 = arith.constant 0 : i32
      %dma_wait3A_179 = arith.constant 0 : i32
      %dma_wait3A_180 = tpu.memref_slice %arg9[%dma_wait3A_178, %dma_wait3A_179] : memref<51200x128xf32, #tpu.memory_space<hbm>> -> memref<80x128xf32, #tpu.memory_space<hbm>>
      %dma_wait3A_181 = arith.constant 0 : i32
      %dma_wait3A_182 = arith.constant 0 : i32
      %dma_wait3A_183 = tpu.memref_slice %arg9[%dma_wait3A_181, %dma_wait3A_182] : memref<51200x128xf32, #tpu.memory_space<hbm>> -> memref<80x128xf32, #tpu.memory_space<hbm>>
      tpu.wait_dma2 semaphore(%arg23 : memref<!tpu.dma_semaphore, #tpu.memory_space<semaphore_mem>>) src(%arg15 : memref<80x128xf32, #tpu.memory_space<vmem>>) dst(%dma_wait3A_183 : memref<80x128xf32, #tpu.memory_space<hbm>>)
      %dma_wait3A_184 = arith.constant 0 : i32
      %dma_wait3A_185 = arith.constant 0 : i32
      %dma_wait3A_186 = tpu.memref_slice %arg10[%dma_wait3A_184, %dma_wait3A_185] : memref<51200x128xf32, #tpu.memory_space<hbm>> -> memref<80x128xf32, #tpu.memory_space<hbm>>
      %dma_wait3A_187 = arith.constant 0 : i32
      %dma_wait3A_188 = arith.constant 0 : i32
      %dma_wait3A_189 = tpu.memref_slice %arg10[%dma_wait3A_187, %dma_wait3A_188] : memref<51200x128xf32, #tpu.memory_space<hbm>> -> memref<80x128xf32, #tpu.memory_space<hbm>>
      tpu.wait_dma2 semaphore(%arg23 : memref<!tpu.dma_semaphore, #tpu.memory_space<semaphore_mem>>) src(%arg16 : memref<80x128xf32, #tpu.memory_space<vmem>>) dst(%dma_wait3A_189 : memref<80x128xf32, #tpu.memory_space<hbm>>)
      %add3A_190 = arith.constant 2 : i32
      %add3A_191 = arith.addi %mul3A_144, %add3A_190 : i32
      %mul3A_192 = arith.constant 80 : i32
      %mul3A_193 = arith.muli %add3A_191, %mul3A_192 : i32
      %add3A_194 = arith.addi %mul3A_2, %mul3A_193 : i32
      "tpu.region"() ({
        %run_scoped3A = tpu.sem_alloc : memref<!tpu.dma_semaphore, #tpu.memory_space<semaphore_mem>>
        %dma_start3A_297 = tpu.memref_slice %arg6[%add3A_194] : memref<51200xi32, #tpu.memory_space<hbm>> -> memref<80xi32, #tpu.memory_space<hbm>>
        %dma_start3A_298 = tpu.memref_slice %arg6[%add3A_194] : memref<51200xi32, #tpu.memory_space<hbm>> -> memref<80xi32, #tpu.memory_space<hbm>>
        tpu.enqueue_dma source(%dma_start3A_298 : memref<80xi32, #tpu.memory_space<hbm>>) target(%arg11 : memref<80xi32, #tpu.memory_space<vmem>>) target_semaphore(%run_scoped3A : memref<!tpu.dma_semaphore, #tpu.memory_space<semaphore_mem>>)
        %dma_wait3A_299 = tpu.memref_slice %arg6[%add3A_194] : memref<51200xi32, #tpu.memory_space<hbm>> -> memref<80xi32, #tpu.memory_space<hbm>>
        %dma_wait3A_300 = tpu.memref_slice %arg6[%add3A_194] : memref<51200xi32, #tpu.memory_space<hbm>> -> memref<80xi32, #tpu.memory_space<hbm>>
        tpu.wait_dma2 semaphore(%run_scoped3A : memref<!tpu.dma_semaphore, #tpu.memory_space<semaphore_mem>>) src(%dma_wait3A_300 : memref<80xi32, #tpu.memory_space<hbm>>) dst(%arg11 : memref<80xi32, #tpu.memory_space<vmem>>)
        tpu.yield
      }) : () -> ()
      %dma_start3A_195 = arith.constant 0 : i32
      %dma_start3A_196 = arith.constant 0 : i32
      %dma_start3A_197 = tpu.memref_slice %arg2[%dma_start3A_195, %dma_start3A_196] : memref<100000x128xf32, #tpu.memory_space<hbm>> -> memref<100000x128xf32, #tpu.memory_space<hbm>>
      tpu.enqueue_indirect_dma source(%dma_start3A_197 : memref<100000x128xf32, #tpu.memory_space<hbm>>) target(%arg13 : memref<80x128xf32, #tpu.memory_space<vmem>>) offsets(%arg11 : memref<80xi32, #tpu.memory_space<vmem>>) semaphore(%arg21 : memref<!tpu.dma_semaphore, #tpu.memory_space<semaphore_mem>>)
      %dma_start3A_198 = arith.constant 0 : i32
      %dma_start3A_199 = arith.constant 0 : i32
      %dma_start3A_200 = tpu.memref_slice %arg3[%dma_start3A_198, %dma_start3A_199] : memref<100000x128xf32, #tpu.memory_space<hbm>> -> memref<100000x128xf32, #tpu.memory_space<hbm>>
      tpu.enqueue_indirect_dma source(%dma_start3A_200 : memref<100000x128xf32, #tpu.memory_space<hbm>>) target(%arg14 : memref<80x128xf32, #tpu.memory_space<vmem>>) offsets(%arg11 : memref<80xi32, #tpu.memory_space<vmem>>) semaphore(%arg21 : memref<!tpu.dma_semaphore, #tpu.memory_space<semaphore_mem>>)
      %dma_start3A_201 = arith.constant 0 : i32
      %dma_start3A_202 = arith.constant 0 : i32
      %dma_start3A_203 = tpu.memref_slice %arg4[%dma_start3A_201, %dma_start3A_202] : memref<100000x128xf32, #tpu.memory_space<hbm>> -> memref<100000x128xf32, #tpu.memory_space<hbm>>
      tpu.enqueue_indirect_dma source(%dma_start3A_203 : memref<100000x128xf32, #tpu.memory_space<hbm>>) target(%arg15 : memref<80x128xf32, #tpu.memory_space<vmem>>) offsets(%arg11 : memref<80xi32, #tpu.memory_space<vmem>>) semaphore(%arg21 : memref<!tpu.dma_semaphore, #tpu.memory_space<semaphore_mem>>)
      %dma_start3A_204 = arith.constant 0 : i32
      %dma_start3A_205 = arith.constant 0 : i32
      %dma_start3A_206 = tpu.memref_slice %arg5[%dma_start3A_204, %dma_start3A_205] : memref<100000x128xf32, #tpu.memory_space<hbm>> -> memref<100000x128xf32, #tpu.memory_space<hbm>>
      tpu.enqueue_indirect_dma source(%dma_start3A_206 : memref<100000x128xf32, #tpu.memory_space<hbm>>) target(%arg16 : memref<80x128xf32, #tpu.memory_space<vmem>>) offsets(%arg11 : memref<80xi32, #tpu.memory_space<vmem>>) semaphore(%arg21 : memref<!tpu.dma_semaphore, #tpu.memory_space<semaphore_mem>>)
      %dma_wait3A_207 = arith.constant 0 : i32
      %dma_wait3A_208 = arith.constant 0 : i32
      %dma_wait3A_209 = tpu.memref_slice %arg2[%dma_wait3A_207, %dma_wait3A_208] : memref<100000x128xf32, #tpu.memory_space<hbm>> -> memref<100000x128xf32, #tpu.memory_space<hbm>>
      tpu.wait_indirect_dma semaphore(%arg21 : memref<!tpu.dma_semaphore, #tpu.memory_space<semaphore_mem>>) src(%dma_wait3A_209 : memref<100000x128xf32, #tpu.memory_space<hbm>>) dst(%arg13 : memref<80x128xf32, #tpu.memory_space<vmem>>)
      %dma_wait3A_210 = arith.constant 0 : i32
      %dma_wait3A_211 = arith.constant 0 : i32
      %dma_wait3A_212 = tpu.memref_slice %arg3[%dma_wait3A_210, %dma_wait3A_211] : memref<100000x128xf32, #tpu.memory_space<hbm>> -> memref<100000x128xf32, #tpu.memory_space<hbm>>
      tpu.wait_indirect_dma semaphore(%arg21 : memref<!tpu.dma_semaphore, #tpu.memory_space<semaphore_mem>>) src(%dma_wait3A_212 : memref<100000x128xf32, #tpu.memory_space<hbm>>) dst(%arg14 : memref<80x128xf32, #tpu.memory_space<vmem>>)
      %dma_wait3A_213 = arith.constant 0 : i32
      %dma_wait3A_214 = arith.constant 0 : i32
      %dma_wait3A_215 = tpu.memref_slice %arg4[%dma_wait3A_213, %dma_wait3A_214] : memref<100000x128xf32, #tpu.memory_space<hbm>> -> memref<100000x128xf32, #tpu.memory_space<hbm>>
      tpu.wait_indirect_dma semaphore(%arg21 : memref<!tpu.dma_semaphore, #tpu.memory_space<semaphore_mem>>) src(%dma_wait3A_215 : memref<100000x128xf32, #tpu.memory_space<hbm>>) dst(%arg15 : memref<80x128xf32, #tpu.memory_space<vmem>>)
      %dma_wait3A_216 = arith.constant 0 : i32
      %dma_wait3A_217 = arith.constant 0 : i32
      %dma_wait3A_218 = tpu.memref_slice %arg5[%dma_wait3A_216, %dma_wait3A_217] : memref<100000x128xf32, #tpu.memory_space<hbm>> -> memref<100000x128xf32, #tpu.memory_space<hbm>>
      tpu.wait_indirect_dma semaphore(%arg21 : memref<!tpu.dma_semaphore, #tpu.memory_space<semaphore_mem>>) src(%dma_wait3A_218 : memref<100000x128xf32, #tpu.memory_space<hbm>>) dst(%arg16 : memref<80x128xf32, #tpu.memory_space<vmem>>)
      %mul3A_219 = arith.constant 2 : i32
      %mul3A_220 = arith.muli %mul3A_219, %scan3A_142 : i32
      %add3A_221 = arith.constant 1 : i32
      %add3A_222 = arith.addi %mul3A_220, %add3A_221 : i32
      %add3A_223 = arith.constant 1 : i32
      %add3A_224 = arith.addi %add3A_222, %add3A_223 : i32
      %mul3A_225 = arith.constant 80 : i32
      %mul3A_226 = arith.muli %add3A_224, %mul3A_225 : i32
      %add3A_227 = arith.addi %mul3A_2, %mul3A_226 : i32
      %dma_start3A_228 = arith.constant 0 : i32
      %dma_start3A_229 = tpu.memref_slice %arg7[%add3A_227, %dma_start3A_228] : memref<51200x128xf32, #tpu.memory_space<hbm>> -> memref<80x128xf32, #tpu.memory_space<hbm>>
      %dma_start3A_230 = arith.constant 0 : i32
      %dma_start3A_231 = tpu.memref_slice %arg7[%add3A_227, %dma_start3A_230] : memref<51200x128xf32, #tpu.memory_space<hbm>> -> memref<80x128xf32, #tpu.memory_space<hbm>>
      tpu.enqueue_dma source(%arg13 : memref<80x128xf32, #tpu.memory_space<vmem>>) target(%dma_start3A_231 : memref<80x128xf32, #tpu.memory_space<hbm>>) target_semaphore(%arg23 : memref<!tpu.dma_semaphore, #tpu.memory_space<semaphore_mem>>)
      %dma_start3A_232 = arith.constant 0 : i32
      %dma_start3A_233 = tpu.memref_slice %arg8[%add3A_227, %dma_start3A_232] : memref<51200x128xf32, #tpu.memory_space<hbm>> -> memref<80x128xf32, #tpu.memory_space<hbm>>
      %dma_start3A_234 = arith.constant 0 : i32
      %dma_start3A_235 = tpu.memref_slice %arg8[%add3A_227, %dma_start3A_234] : memref<51200x128xf32, #tpu.memory_space<hbm>> -> memref<80x128xf32, #tpu.memory_space<hbm>>
      tpu.enqueue_dma source(%arg14 : memref<80x128xf32, #tpu.memory_space<vmem>>) target(%dma_start3A_235 : memref<80x128xf32, #tpu.memory_space<hbm>>) target_semaphore(%arg23 : memref<!tpu.dma_semaphore, #tpu.memory_space<semaphore_mem>>)
      %dma_start3A_236 = arith.constant 0 : i32
      %dma_start3A_237 = tpu.memref_slice %arg9[%add3A_227, %dma_start3A_236] : memref<51200x128xf32, #tpu.memory_space<hbm>> -> memref<80x128xf32, #tpu.memory_space<hbm>>
      %dma_start3A_238 = arith.constant 0 : i32
      %dma_start3A_239 = tpu.memref_slice %arg9[%add3A_227, %dma_start3A_238] : memref<51200x128xf32, #tpu.memory_space<hbm>> -> memref<80x128xf32, #tpu.memory_space<hbm>>
      tpu.enqueue_dma source(%arg15 : memref<80x128xf32, #tpu.memory_space<vmem>>) target(%dma_start3A_239 : memref<80x128xf32, #tpu.memory_space<hbm>>) target_semaphore(%arg23 : memref<!tpu.dma_semaphore, #tpu.memory_space<semaphore_mem>>)
      %dma_start3A_240 = arith.constant 0 : i32
      %dma_start3A_241 = tpu.memref_slice %arg10[%add3A_227, %dma_start3A_240] : memref<51200x128xf32, #tpu.memory_space<hbm>> -> memref<80x128xf32, #tpu.memory_space<hbm>>
      %dma_start3A_242 = arith.constant 0 : i32
      %dma_start3A_243 = tpu.memref_slice %arg10[%add3A_227, %dma_start3A_242] : memref<51200x128xf32, #tpu.memory_space<hbm>> -> memref<80x128xf32, #tpu.memory_space<hbm>>
      tpu.enqueue_dma source(%arg16 : memref<80x128xf32, #tpu.memory_space<vmem>>) target(%dma_start3A_243 : memref<80x128xf32, #tpu.memory_space<hbm>>) target_semaphore(%arg23 : memref<!tpu.dma_semaphore, #tpu.memory_space<semaphore_mem>>)
      %dma_wait3A_244 = arith.constant 0 : i32
      %dma_wait3A_245 = arith.constant 0 : i32
      %dma_wait3A_246 = tpu.memref_slice %arg7[%dma_wait3A_244, %dma_wait3A_245] : memref<51200x128xf32, #tpu.memory_space<hbm>> -> memref<80x128xf32, #tpu.memory_space<hbm>>
      %dma_wait3A_247 = arith.constant 0 : i32
      %dma_wait3A_248 = arith.constant 0 : i32
      %dma_wait3A_249 = tpu.memref_slice %arg7[%dma_wait3A_247, %dma_wait3A_248] : memref<51200x128xf32, #tpu.memory_space<hbm>> -> memref<80x128xf32, #tpu.memory_space<hbm>>
      tpu.wait_dma2 semaphore(%arg24 : memref<!tpu.dma_semaphore, #tpu.memory_space<semaphore_mem>>) src(%arg17 : memref<80x128xf32, #tpu.memory_space<vmem>>) dst(%dma_wait3A_249 : memref<80x128xf32, #tpu.memory_space<hbm>>)
      %dma_wait3A_250 = arith.constant 0 : i32
      %dma_wait3A_251 = arith.constant 0 : i32
      %dma_wait3A_252 = tpu.memref_slice %arg8[%dma_wait3A_250, %dma_wait3A_251] : memref<51200x128xf32, #tpu.memory_space<hbm>> -> memref<80x128xf32, #tpu.memory_space<hbm>>
      %dma_wait3A_253 = arith.constant 0 : i32
      %dma_wait3A_254 = arith.constant 0 : i32
      %dma_wait3A_255 = tpu.memref_slice %arg8[%dma_wait3A_253, %dma_wait3A_254] : memref<51200x128xf32, #tpu.memory_space<hbm>> -> memref<80x128xf32, #tpu.memory_space<hbm>>
      tpu.wait_dma2 semaphore(%arg24 : memref<!tpu.dma_semaphore, #tpu.memory_space<semaphore_mem>>) src(%arg18 : memref<80x128xf32, #tpu.memory_space<vmem>>) dst(%dma_wait3A_255 : memref<80x128xf32, #tpu.memory_space<hbm>>)
      %dma_wait3A_256 = arith.constant 0 : i32
      %dma_wait3A_257 = arith.constant 0 : i32
      %dma_wait3A_258 = tpu.memref_slice %arg9[%dma_wait3A_256, %dma_wait3A_257] : memref<51200x128xf32, #tpu.memory_space<hbm>> -> memref<80x128xf32, #tpu.memory_space<hbm>>
      %dma_wait3A_259 = arith.constant 0 : i32
      %dma_wait3A_260 = arith.constant 0 : i32
      %dma_wait3A_261 = tpu.memref_slice %arg9[%dma_wait3A_259, %dma_wait3A_260] : memref<51200x128xf32, #tpu.memory_space<hbm>> -> memref<80x128xf32, #tpu.memory_space<hbm>>
      tpu.wait_dma2 semaphore(%arg24 : memref<!tpu.dma_semaphore, #tpu.memory_space<semaphore_mem>>) src(%arg19 : memref<80x128xf32, #tpu.memory_space<vmem>>) dst(%dma_wait3A_261 : memref<80x128xf32, #tpu.memory_space<hbm>>)
      %dma_wait3A_262 = arith.constant 0 : i32
      %dma_wait3A_263 = arith.constant 0 : i32
      %dma_wait3A_264 = tpu.memref_slice %arg10[%dma_wait3A_262, %dma_wait3A_263] : memref<51200x128xf32, #tpu.memory_space<hbm>> -> memref<80x128xf32, #tpu.memory_space<hbm>>
      %dma_wait3A_265 = arith.constant 0 : i32
      %dma_wait3A_266 = arith.constant 0 : i32
      %dma_wait3A_267 = tpu.memref_slice %arg10[%dma_wait3A_265, %dma_wait3A_266] : memref<51200x128xf32, #tpu.memory_space<hbm>> -> memref<80x128xf32, #tpu.memory_space<hbm>>
      tpu.wait_dma2 semaphore(%arg24 : memref<!tpu.dma_semaphore, #tpu.memory_space<semaphore_mem>>) src(%arg20 : memref<80x128xf32, #tpu.memory_space<vmem>>) dst(%dma_wait3A_267 : memref<80x128xf32, #tpu.memory_space<hbm>>)
      %add3A_268 = arith.constant 2 : i32
      %add3A_269 = arith.addi %add3A_222, %add3A_268 : i32
      %mul3A_270 = arith.constant 80 : i32
      %mul3A_271 = arith.muli %add3A_269, %mul3A_270 : i32
      %add3A_272 = arith.addi %mul3A_2, %mul3A_271 : i32
      "tpu.region"() ({
        %run_scoped3A = tpu.sem_alloc : memref<!tpu.dma_semaphore, #tpu.memory_space<semaphore_mem>>
        %dma_start3A_297 = tpu.memref_slice %arg6[%add3A_272] : memref<51200xi32, #tpu.memory_space<hbm>> -> memref<80xi32, #tpu.memory_space<hbm>>
        %dma_start3A_298 = tpu.memref_slice %arg6[%add3A_272] : memref<51200xi32, #tpu.memory_space<hbm>> -> memref<80xi32, #tpu.memory_space<hbm>>
        tpu.enqueue_dma source(%dma_start3A_298 : memref<80xi32, #tpu.memory_space<hbm>>) target(%arg12 : memref<80xi32, #tpu.memory_space<vmem>>) target_semaphore(%run_scoped3A : memref<!tpu.dma_semaphore, #tpu.memory_space<semaphore_mem>>)
        %dma_wait3A_299 = tpu.memref_slice %arg6[%add3A_272] : memref<51200xi32, #tpu.memory_space<hbm>> -> memref<80xi32, #tpu.memory_space<hbm>>
        %dma_wait3A_300 = tpu.memref_slice %arg6[%add3A_272] : memref<51200xi32, #tpu.memory_space<hbm>> -> memref<80xi32, #tpu.memory_space<hbm>>
        tpu.wait_dma2 semaphore(%run_scoped3A : memref<!tpu.dma_semaphore, #tpu.memory_space<semaphore_mem>>) src(%dma_wait3A_300 : memref<80xi32, #tpu.memory_space<hbm>>) dst(%arg12 : memref<80xi32, #tpu.memory_space<vmem>>)
        tpu.yield
      }) : () -> ()
      %dma_start3A_273 = arith.constant 0 : i32
      %dma_start3A_274 = arith.constant 0 : i32
      %dma_start3A_275 = tpu.memref_slice %arg2[%dma_start3A_273, %dma_start3A_274] : memref<100000x128xf32, #tpu.memory_space<hbm>> -> memref<100000x128xf32, #tpu.memory_space<hbm>>
      tpu.enqueue_indirect_dma source(%dma_start3A_275 : memref<100000x128xf32, #tpu.memory_space<hbm>>) target(%arg17 : memref<80x128xf32, #tpu.memory_space<vmem>>) offsets(%arg12 : memref<80xi32, #tpu.memory_space<vmem>>) semaphore(%arg22 : memref<!tpu.dma_semaphore, #tpu.memory_space<semaphore_mem>>)
      %dma_start3A_276 = arith.constant 0 : i32
      %dma_start3A_277 = arith.constant 0 : i32
      %dma_start3A_278 = tpu.memref_slice %arg3[%dma_start3A_276, %dma_start3A_277] : memref<100000x128xf32, #tpu.memory_space<hbm>> -> memref<100000x128xf32, #tpu.memory_space<hbm>>
      tpu.enqueue_indirect_dma source(%dma_start3A_278 : memref<100000x128xf32, #tpu.memory_space<hbm>>) target(%arg18 : memref<80x128xf32, #tpu.memory_space<vmem>>) offsets(%arg12 : memref<80xi32, #tpu.memory_space<vmem>>) semaphore(%arg22 : memref<!tpu.dma_semaphore, #tpu.memory_space<semaphore_mem>>)
      %dma_start3A_279 = arith.constant 0 : i32
      %dma_start3A_280 = arith.constant 0 : i32
      %dma_start3A_281 = tpu.memref_slice %arg4[%dma_start3A_279, %dma_start3A_280] : memref<100000x128xf32, #tpu.memory_space<hbm>> -> memref<100000x128xf32, #tpu.memory_space<hbm>>
      tpu.enqueue_indirect_dma source(%dma_start3A_281 : memref<100000x128xf32, #tpu.memory_space<hbm>>) target(%arg19 : memref<80x128xf32, #tpu.memory_space<vmem>>) offsets(%arg12 : memref<80xi32, #tpu.memory_space<vmem>>) semaphore(%arg22 : memref<!tpu.dma_semaphore, #tpu.memory_space<semaphore_mem>>)
      %dma_start3A_282 = arith.constant 0 : i32
      %dma_start3A_283 = arith.constant 0 : i32
      %dma_start3A_284 = tpu.memref_slice %arg5[%dma_start3A_282, %dma_start3A_283] : memref<100000x128xf32, #tpu.memory_space<hbm>> -> memref<100000x128xf32, #tpu.memory_space<hbm>>
      tpu.enqueue_indirect_dma source(%dma_start3A_284 : memref<100000x128xf32, #tpu.memory_space<hbm>>) target(%arg20 : memref<80x128xf32, #tpu.memory_space<vmem>>) offsets(%arg12 : memref<80xi32, #tpu.memory_space<vmem>>) semaphore(%arg22 : memref<!tpu.dma_semaphore, #tpu.memory_space<semaphore_mem>>)
      %dma_wait3A_285 = arith.constant 0 : i32
      %dma_wait3A_286 = arith.constant 0 : i32
      %dma_wait3A_287 = tpu.memref_slice %arg2[%dma_wait3A_285, %dma_wait3A_286] : memref<100000x128xf32, #tpu.memory_space<hbm>> -> memref<100000x128xf32, #tpu.memory_space<hbm>>
      tpu.wait_indirect_dma semaphore(%arg22 : memref<!tpu.dma_semaphore, #tpu.memory_space<semaphore_mem>>) src(%dma_wait3A_287 : memref<100000x128xf32, #tpu.memory_space<hbm>>) dst(%arg17 : memref<80x128xf32, #tpu.memory_space<vmem>>)
      %dma_wait3A_288 = arith.constant 0 : i32
      %dma_wait3A_289 = arith.constant 0 : i32
      %dma_wait3A_290 = tpu.memref_slice %arg3[%dma_wait3A_288, %dma_wait3A_289] : memref<100000x128xf32, #tpu.memory_space<hbm>> -> memref<100000x128xf32, #tpu.memory_space<hbm>>
      tpu.wait_indirect_dma semaphore(%arg22 : memref<!tpu.dma_semaphore, #tpu.memory_space<semaphore_mem>>) src(%dma_wait3A_290 : memref<100000x128xf32, #tpu.memory_space<hbm>>) dst(%arg18 : memref<80x128xf32, #tpu.memory_space<vmem>>)
      %dma_wait3A_291 = arith.constant 0 : i32
      %dma_wait3A_292 = arith.constant 0 : i32
      %dma_wait3A_293 = tpu.memref_slice %arg4[%dma_wait3A_291, %dma_wait3A_292] : memref<100000x128xf32, #tpu.memory_space<hbm>> -> memref<100000x128xf32, #tpu.memory_space<hbm>>
      tpu.wait_indirect_dma semaphore(%arg22 : memref<!tpu.dma_semaphore, #tpu.memory_space<semaphore_mem>>) src(%dma_wait3A_293 : memref<100000x128xf32, #tpu.memory_space<hbm>>) dst(%arg19 : memref<80x128xf32, #tpu.memory_space<vmem>>)
      %dma_wait3A_294 = arith.constant 0 : i32
      %dma_wait3A_295 = arith.constant 0 : i32
      %dma_wait3A_296 = tpu.memref_slice %arg5[%dma_wait3A_294, %dma_wait3A_295] : memref<100000x128xf32, #tpu.memory_space<hbm>> -> memref<100000x128xf32, #tpu.memory_space<hbm>>
      tpu.wait_indirect_dma semaphore(%arg22 : memref<!tpu.dma_semaphore, #tpu.memory_space<semaphore_mem>>) src(%dma_wait3A_296 : memref<100000x128xf32, #tpu.memory_space<hbm>>) dst(%arg20 : memref<80x128xf32, #tpu.memory_space<vmem>>)
    }
    %scan3A_75 = arith.constant 9 : i32
    %add3A_76 = arith.constant 1520 : i32
    %add3A_77 = arith.addi %mul3A_2, %add3A_76 : i32
    %dma_start3A_78 = arith.constant 0 : i32
    %dma_start3A_79 = tpu.memref_slice %arg7[%add3A_77, %dma_start3A_78] : memref<51200x128xf32, #tpu.memory_space<hbm>> -> memref<80x128xf32, #tpu.memory_space<hbm>>
    %dma_start3A_80 = arith.constant 0 : i32
    %dma_start3A_81 = tpu.memref_slice %arg7[%add3A_77, %dma_start3A_80] : memref<51200x128xf32, #tpu.memory_space<hbm>> -> memref<80x128xf32, #tpu.memory_space<hbm>>
    tpu.enqueue_dma source(%arg17 : memref<80x128xf32, #tpu.memory_space<vmem>>) target(%dma_start3A_81 : memref<80x128xf32, #tpu.memory_space<hbm>>) target_semaphore(%arg24 : memref<!tpu.dma_semaphore, #tpu.memory_space<semaphore_mem>>)
    %dma_start3A_82 = arith.constant 0 : i32
    %dma_start3A_83 = tpu.memref_slice %arg8[%add3A_77, %dma_start3A_82] : memref<51200x128xf32, #tpu.memory_space<hbm>> -> memref<80x128xf32, #tpu.memory_space<hbm>>
    %dma_start3A_84 = arith.constant 0 : i32
    %dma_start3A_85 = tpu.memref_slice %arg8[%add3A_77, %dma_start3A_84] : memref<51200x128xf32, #tpu.memory_space<hbm>> -> memref<80x128xf32, #tpu.memory_space<hbm>>
    tpu.enqueue_dma source(%arg18 : memref<80x128xf32, #tpu.memory_space<vmem>>) target(%dma_start3A_85 : memref<80x128xf32, #tpu.memory_space<hbm>>) target_semaphore(%arg24 : memref<!tpu.dma_semaphore, #tpu.memory_space<semaphore_mem>>)
    %dma_start3A_86 = arith.constant 0 : i32
    %dma_start3A_87 = tpu.memref_slice %arg9[%add3A_77, %dma_start3A_86] : memref<51200x128xf32, #tpu.memory_space<hbm>> -> memref<80x128xf32, #tpu.memory_space<hbm>>
    %dma_start3A_88 = arith.constant 0 : i32
    %dma_start3A_89 = tpu.memref_slice %arg9[%add3A_77, %dma_start3A_88] : memref<51200x128xf32, #tpu.memory_space<hbm>> -> memref<80x128xf32, #tpu.memory_space<hbm>>
    tpu.enqueue_dma source(%arg19 : memref<80x128xf32, #tpu.memory_space<vmem>>) target(%dma_start3A_89 : memref<80x128xf32, #tpu.memory_space<hbm>>) target_semaphore(%arg24 : memref<!tpu.dma_semaphore, #tpu.memory_space<semaphore_mem>>)
    %dma_start3A_90 = arith.constant 0 : i32
    %dma_start3A_91 = tpu.memref_slice %arg10[%add3A_77, %dma_start3A_90] : memref<51200x128xf32, #tpu.memory_space<hbm>> -> memref<80x128xf32, #tpu.memory_space<hbm>>
    %dma_start3A_92 = arith.constant 0 : i32
    %dma_start3A_93 = tpu.memref_slice %arg10[%add3A_77, %dma_start3A_92] : memref<51200x128xf32, #tpu.memory_space<hbm>> -> memref<80x128xf32, #tpu.memory_space<hbm>>
    tpu.enqueue_dma source(%arg20 : memref<80x128xf32, #tpu.memory_space<vmem>>) target(%dma_start3A_93 : memref<80x128xf32, #tpu.memory_space<hbm>>) target_semaphore(%arg24 : memref<!tpu.dma_semaphore, #tpu.memory_space<semaphore_mem>>)
    %dma_wait3A_94 = arith.constant 0 : i32
    %dma_wait3A_95 = arith.constant 0 : i32
    %dma_wait3A_96 = tpu.memref_slice %arg7[%dma_wait3A_94, %dma_wait3A_95] : memref<51200x128xf32, #tpu.memory_space<hbm>> -> memref<80x128xf32, #tpu.memory_space<hbm>>
    %dma_wait3A_97 = arith.constant 0 : i32
    %dma_wait3A_98 = arith.constant 0 : i32
    %dma_wait3A_99 = tpu.memref_slice %arg7[%dma_wait3A_97, %dma_wait3A_98] : memref<51200x128xf32, #tpu.memory_space<hbm>> -> memref<80x128xf32, #tpu.memory_space<hbm>>
    tpu.wait_dma2 semaphore(%arg23 : memref<!tpu.dma_semaphore, #tpu.memory_space<semaphore_mem>>) src(%arg13 : memref<80x128xf32, #tpu.memory_space<vmem>>) dst(%dma_wait3A_99 : memref<80x128xf32, #tpu.memory_space<hbm>>)
    %dma_wait3A_100 = arith.constant 0 : i32
    %dma_wait3A_101 = arith.constant 0 : i32
    %dma_wait3A_102 = tpu.memref_slice %arg8[%dma_wait3A_100, %dma_wait3A_101] : memref<51200x128xf32, #tpu.memory_space<hbm>> -> memref<80x128xf32, #tpu.memory_space<hbm>>
    %dma_wait3A_103 = arith.constant 0 : i32
    %dma_wait3A_104 = arith.constant 0 : i32
    %dma_wait3A_105 = tpu.memref_slice %arg8[%dma_wait3A_103, %dma_wait3A_104] : memref<51200x128xf32, #tpu.memory_space<hbm>> -> memref<80x128xf32, #tpu.memory_space<hbm>>
    tpu.wait_dma2 semaphore(%arg23 : memref<!tpu.dma_semaphore, #tpu.memory_space<semaphore_mem>>) src(%arg14 : memref<80x128xf32, #tpu.memory_space<vmem>>) dst(%dma_wait3A_105 : memref<80x128xf32, #tpu.memory_space<hbm>>)
    %dma_wait3A_106 = arith.constant 0 : i32
    %dma_wait3A_107 = arith.constant 0 : i32
    %dma_wait3A_108 = tpu.memref_slice %arg9[%dma_wait3A_106, %dma_wait3A_107] : memref<51200x128xf32, #tpu.memory_space<hbm>> -> memref<80x128xf32, #tpu.memory_space<hbm>>
    %dma_wait3A_109 = arith.constant 0 : i32
    %dma_wait3A_110 = arith.constant 0 : i32
    %dma_wait3A_111 = tpu.memref_slice %arg9[%dma_wait3A_109, %dma_wait3A_110] : memref<51200x128xf32, #tpu.memory_space<hbm>> -> memref<80x128xf32, #tpu.memory_space<hbm>>
    tpu.wait_dma2 semaphore(%arg23 : memref<!tpu.dma_semaphore, #tpu.memory_space<semaphore_mem>>) src(%arg15 : memref<80x128xf32, #tpu.memory_space<vmem>>) dst(%dma_wait3A_111 : memref<80x128xf32, #tpu.memory_space<hbm>>)
    %dma_wait3A_112 = arith.constant 0 : i32
    %dma_wait3A_113 = arith.constant 0 : i32
    %dma_wait3A_114 = tpu.memref_slice %arg10[%dma_wait3A_112, %dma_wait3A_113] : memref<51200x128xf32, #tpu.memory_space<hbm>> -> memref<80x128xf32, #tpu.memory_space<hbm>>
    %dma_wait3A_115 = arith.constant 0 : i32
    %dma_wait3A_116 = arith.constant 0 : i32
    %dma_wait3A_117 = tpu.memref_slice %arg10[%dma_wait3A_115, %dma_wait3A_116] : memref<51200x128xf32, #tpu.memory_space<hbm>> -> memref<80x128xf32, #tpu.memory_space<hbm>>
    tpu.wait_dma2 semaphore(%arg23 : memref<!tpu.dma_semaphore, #tpu.memory_space<semaphore_mem>>) src(%arg16 : memref<80x128xf32, #tpu.memory_space<vmem>>) dst(%dma_wait3A_117 : memref<80x128xf32, #tpu.memory_space<hbm>>)
    %dma_wait3A_118 = arith.constant 0 : i32
    %dma_wait3A_119 = arith.constant 0 : i32
    %dma_wait3A_120 = tpu.memref_slice %arg7[%dma_wait3A_118, %dma_wait3A_119] : memref<51200x128xf32, #tpu.memory_space<hbm>> -> memref<80x128xf32, #tpu.memory_space<hbm>>
    %dma_wait3A_121 = arith.constant 0 : i32
    %dma_wait3A_122 = arith.constant 0 : i32
    %dma_wait3A_123 = tpu.memref_slice %arg7[%dma_wait3A_121, %dma_wait3A_122] : memref<51200x128xf32, #tpu.memory_space<hbm>> -> memref<80x128xf32, #tpu.memory_space<hbm>>
    tpu.wait_dma2 semaphore(%arg24 : memref<!tpu.dma_semaphore, #tpu.memory_space<semaphore_mem>>) src(%arg17 : memref<80x128xf32, #tpu.memory_space<vmem>>) dst(%dma_wait3A_123 : memref<80x128xf32, #tpu.memory_space<hbm>>)
    %dma_wait3A_124 = arith.constant 0 : i32
    %dma_wait3A_125 = arith.constant 0 : i32
    %dma_wait3A_126 = tpu.memref_slice %arg8[%dma_wait3A_124, %dma_wait3A_125] : memref<51200x128xf32, #tpu.memory_space<hbm>> -> memref<80x128xf32, #tpu.memory_space<hbm>>
    %dma_wait3A_127 = arith.constant 0 : i32
    %dma_wait3A_128 = arith.constant 0 : i32
    %dma_wait3A_129 = tpu.memref_slice %arg8[%dma_wait3A_127, %dma_wait3A_128] : memref<51200x128xf32, #tpu.memory_space<hbm>> -> memref<80x128xf32, #tpu.memory_space<hbm>>
    tpu.wait_dma2 semaphore(%arg24 : memref<!tpu.dma_semaphore, #tpu.memory_space<semaphore_mem>>) src(%arg18 : memref<80x128xf32, #tpu.memory_space<vmem>>) dst(%dma_wait3A_129 : memref<80x128xf32, #tpu.memory_space<hbm>>)
    %dma_wait3A_130 = arith.constant 0 : i32
    %dma_wait3A_131 = arith.constant 0 : i32
    %dma_wait3A_132 = tpu.memref_slice %arg9[%dma_wait3A_130, %dma_wait3A_131] : memref<51200x128xf32, #tpu.memory_space<hbm>> -> memref<80x128xf32, #tpu.memory_space<hbm>>
    %dma_wait3A_133 = arith.constant 0 : i32
    %dma_wait3A_134 = arith.constant 0 : i32
    %dma_wait3A_135 = tpu.memref_slice %arg9[%dma_wait3A_133, %dma_wait3A_134] : memref<51200x128xf32, #tpu.memory_space<hbm>> -> memref<80x128xf32, #tpu.memory_space<hbm>>
    tpu.wait_dma2 semaphore(%arg24 : memref<!tpu.dma_semaphore, #tpu.memory_space<semaphore_mem>>) src(%arg19 : memref<80x128xf32, #tpu.memory_space<vmem>>) dst(%dma_wait3A_135 : memref<80x128xf32, #tpu.memory_space<hbm>>)
    %dma_wait3A_136 = arith.constant 0 : i32
    %dma_wait3A_137 = arith.constant 0 : i32
    %dma_wait3A_138 = tpu.memref_slice %arg10[%dma_wait3A_136, %dma_wait3A_137] : memref<51200x128xf32, #tpu.memory_space<hbm>> -> memref<80x128xf32, #tpu.memory_space<hbm>>
    %dma_wait3A_139 = arith.constant 0 : i32
    %dma_wait3A_140 = arith.constant 0 : i32
    %dma_wait3A_141 = tpu.memref_slice %arg10[%dma_wait3A_139, %dma_wait3A_140] : memref<51200x128xf32, #tpu.memory_space<hbm>> -> memref<80x128xf32, #tpu.memory_space<hbm>>
    tpu.wait_dma2 semaphore(%arg24 : memref<!tpu.dma_semaphore, #tpu.memory_space<semaphore_mem>>) src(%arg20 : memref<80x128xf32, #tpu.memory_space<vmem>>) dst(%dma_wait3A_141 : memref<80x128xf32, #tpu.memory_space<hbm>>)
    return
  }
}

#map = affine_map<(d0, d1) -> (0, 0)>
#map1 = affine_map<(d0, d1) -> (0)>
module attributes {stable_mosaic.version = 14 : i64} {
  func.func @gather_kernel(%arg0: i32, %arg1: i32, %arg2: memref<100000x128xf32, #tpu.memory_space<hbm>>, %arg3: memref<100000x128xf32, #tpu.memory_space<hbm>>, %arg4: memref<100000x128xf32, #tpu.memory_space<hbm>>, %arg5: memref<100000x128xf32, #tpu.memory_space<hbm>>, %arg6: memref<51200xi32, #tpu.memory_space<hbm>>, %arg7: memref<51200x128xf32, #tpu.memory_space<hbm>>, %arg8: memref<51200x128xf32, #tpu.memory_space<hbm>>, %arg9: memref<51200x128xf32, #tpu.memory_space<hbm>>, %arg10: memref<51200x128xf32, #tpu.memory_space<hbm>>, %arg11: memref<80xi32, #tpu.memory_space<vmem>>, %arg12: memref<80xi32, #tpu.memory_space<vmem>>, %arg13: memref<80x128xf32, #tpu.memory_space<vmem>>, %arg14: memref<80x128xf32, #tpu.memory_space<vmem>>, %arg15: memref<80x128xf32, #tpu.memory_space<vmem>>, %arg16: memref<80x128xf32, #tpu.memory_space<vmem>>, %arg17: memref<80x128xf32, #tpu.memory_space<vmem>>, %arg18: memref<80x128xf32, #tpu.memory_space<vmem>>, %arg19: memref<80x128xf32, #tpu.memory_space<vmem>>, %arg20: memref<80x128xf32, #tpu.memory_space<vmem>>, %arg21: memref<!tpu.dma_semaphore, #tpu.memory_space<semaphore_mem>>, %arg22: memref<!tpu.dma_semaphore, #tpu.memory_space<semaphore_mem>>, %arg23: memref<!tpu.dma_semaphore, #tpu.memory_space<semaphore_mem>>, %arg24: memref<!tpu.dma_semaphore, #tpu.memory_space<semaphore_mem>>) attributes {dimension_semantics = [#tpu.dimension_semantics<core_parallel>, #tpu.dimension_semantics<subcore_parallel>], iteration_bounds = array<i64: 2, 16>, scalar_prefetch = 0 : i64, scratch_operands = 14 : i64, tpu.core_type = #tpu.core_type<sc_vector_subcore>, window_params = [{transform_indices = #map}, {transform_indices = #map}, {transform_indices = #map}, {transform_indices = #map}, {transform_indices = #map1}, {transform_indices = #map}, {transform_indices = #map}, {transform_indices = #map}, {transform_indices = #map}]} {
    %mul3A = arith.constant 2 : i32
    %mul3A_0 = arith.muli %arg1, %mul3A : i32
    %add3A = arith.addi %mul3A_0, %arg0 : i32
    %mul3A_1 = arith.constant 1600 : i32
    %mul3A_2 = arith.muli %add3A, %mul3A_1 : i32
    %add3A_3 = arith.constant 0 : i32
    %add3A_4 = arith.addi %mul3A_2, %add3A_3 : i32
    "tpu.region"() ({
      %run_scoped3A = tpu.sem_alloc : memref<!tpu.dma_semaphore, #tpu.memory_space<semaphore_mem>>
      %dma_start3A_142 = tpu.memref_slice %arg6[%add3A_4] : memref<51200xi32, #tpu.memory_space<hbm>> -> memref<80xi32, #tpu.memory_space<hbm>>
      %dma_start3A_143 = tpu.memref_slice %arg6[%add3A_4] : memref<51200xi32, #tpu.memory_space<hbm>> -> memref<80xi32, #tpu.memory_space<hbm>>
      tpu.enqueue_dma source(%dma_start3A_143 : memref<80xi32, #tpu.memory_space<hbm>>) target(%arg11 : memref<80xi32, #tpu.memory_space<vmem>>) target_semaphore(%run_scoped3A : memref<!tpu.dma_semaphore, #tpu.memory_space<semaphore_mem>>)
      %dma_wait3A_144 = tpu.memref_slice %arg6[%add3A_4] : memref<51200xi32, #tpu.memory_space<hbm>> -> memref<80xi32, #tpu.memory_space<hbm>>
      %dma_wait3A_145 = tpu.memref_slice %arg6[%add3A_4] : memref<51200xi32, #tpu.memory_space<hbm>> -> memref<80xi32, #tpu.memory_space<hbm>>
      tpu.wait_dma2 semaphore(%run_scoped3A : memref<!tpu.dma_semaphore, #tpu.memory_space<semaphore_mem>>) src(%dma_wait3A_145 : memref<80xi32, #tpu.memory_space<hbm>>) dst(%arg11 : memref<80xi32, #tpu.memory_space<vmem>>)
      tpu.yield
    }) : () -> ()
    %dma_start3A = arith.constant 0 : i32
    %dma_start3A_5 = arith.constant 0 : i32
    %dma_start3A_6 = tpu.memref_slice %arg2[%dma_start3A, %dma_start3A_5] : memref<100000x128xf32, #tpu.memory_space<hbm>> -> memref<100000x128xf32, #tpu.memory_space<hbm>>
    tpu.enqueue_indirect_dma source(%dma_start3A_6 : memref<100000x128xf32, #tpu.memory_space<hbm>>) target(%arg13 : memref<80x128xf32, #tpu.memory_space<vmem>>) offsets(%arg11 : memref<80xi32, #tpu.memory_space<vmem>>) semaphore(%arg21 : memref<!tpu.dma_semaphore, #tpu.memory_space<semaphore_mem>>)
    %dma_start3A_7 = arith.constant 0 : i32
    %dma_start3A_8 = arith.constant 0 : i32
    %dma_start3A_9 = tpu.memref_slice %arg3[%dma_start3A_7, %dma_start3A_8] : memref<100000x128xf32, #tpu.memory_space<hbm>> -> memref<100000x128xf32, #tpu.memory_space<hbm>>
    tpu.enqueue_indirect_dma source(%dma_start3A_9 : memref<100000x128xf32, #tpu.memory_space<hbm>>) target(%arg14 : memref<80x128xf32, #tpu.memory_space<vmem>>) offsets(%arg11 : memref<80xi32, #tpu.memory_space<vmem>>) semaphore(%arg21 : memref<!tpu.dma_semaphore, #tpu.memory_space<semaphore_mem>>)
    %dma_start3A_10 = arith.constant 0 : i32
    %dma_start3A_11 = arith.constant 0 : i32
    %dma_start3A_12 = tpu.memref_slice %arg4[%dma_start3A_10, %dma_start3A_11] : memref<100000x128xf32, #tpu.memory_space<hbm>> -> memref<100000x128xf32, #tpu.memory_space<hbm>>
    tpu.enqueue_indirect_dma source(%dma_start3A_12 : memref<100000x128xf32, #tpu.memory_space<hbm>>) target(%arg15 : memref<80x128xf32, #tpu.memory_space<vmem>>) offsets(%arg11 : memref<80xi32, #tpu.memory_space<vmem>>) semaphore(%arg21 : memref<!tpu.dma_semaphore, #tpu.memory_space<semaphore_mem>>)
    %dma_start3A_13 = arith.constant 0 : i32
    %dma_start3A_14 = arith.constant 0 : i32
    %dma_start3A_15 = tpu.memref_slice %arg5[%dma_start3A_13, %dma_start3A_14] : memref<100000x128xf32, #tpu.memory_space<hbm>> -> memref<100000x128xf32, #tpu.memory_space<hbm>>
    tpu.enqueue_indirect_dma source(%dma_start3A_15 : memref<100000x128xf32, #tpu.memory_space<hbm>>) target(%arg16 : memref<80x128xf32, #tpu.memory_space<vmem>>) offsets(%arg11 : memref<80xi32, #tpu.memory_space<vmem>>) semaphore(%arg21 : memref<!tpu.dma_semaphore, #tpu.memory_space<semaphore_mem>>)
    %dma_wait3A = arith.constant 0 : i32
    %dma_wait3A_16 = arith.constant 0 : i32
    %dma_wait3A_17 = tpu.memref_slice %arg2[%dma_wait3A, %dma_wait3A_16] : memref<100000x128xf32, #tpu.memory_space<hbm>> -> memref<100000x128xf32, #tpu.memory_space<hbm>>
    tpu.wait_indirect_dma semaphore(%arg21 : memref<!tpu.dma_semaphore, #tpu.memory_space<semaphore_mem>>) src(%dma_wait3A_17 : memref<100000x128xf32, #tpu.memory_space<hbm>>) dst(%arg13 : memref<80x128xf32, #tpu.memory_space<vmem>>)
    %dma_wait3A_18 = arith.constant 0 : i32
    %dma_wait3A_19 = arith.constant 0 : i32
    %dma_wait3A_20 = tpu.memref_slice %arg3[%dma_wait3A_18, %dma_wait3A_19] : memref<100000x128xf32, #tpu.memory_space<hbm>> -> memref<100000x128xf32, #tpu.memory_space<hbm>>
    tpu.wait_indirect_dma semaphore(%arg21 : memref<!tpu.dma_semaphore, #tpu.memory_space<semaphore_mem>>) src(%dma_wait3A_20 : memref<100000x128xf32, #tpu.memory_space<hbm>>) dst(%arg14 : memref<80x128xf32, #tpu.memory_space<vmem>>)
    %dma_wait3A_21 = arith.constant 0 : i32
    %dma_wait3A_22 = arith.constant 0 : i32
    %dma_wait3A_23 = tpu.memref_slice %arg4[%dma_wait3A_21, %dma_wait3A_22] : memref<100000x128xf32, #tpu.memory_space<hbm>> -> memref<100000x128xf32, #tpu.memory_space<hbm>>
    tpu.wait_indirect_dma semaphore(%arg21 : memref<!tpu.dma_semaphore, #tpu.memory_space<semaphore_mem>>) src(%dma_wait3A_23 : memref<100000x128xf32, #tpu.memory_space<hbm>>) dst(%arg15 : memref<80x128xf32, #tpu.memory_space<vmem>>)
    %dma_wait3A_24 = arith.constant 0 : i32
    %dma_wait3A_25 = arith.constant 0 : i32
    %dma_wait3A_26 = tpu.memref_slice %arg5[%dma_wait3A_24, %dma_wait3A_25] : memref<100000x128xf32, #tpu.memory_space<hbm>> -> memref<100000x128xf32, #tpu.memory_space<hbm>>
    tpu.wait_indirect_dma semaphore(%arg21 : memref<!tpu.dma_semaphore, #tpu.memory_space<semaphore_mem>>) src(%dma_wait3A_26 : memref<100000x128xf32, #tpu.memory_space<hbm>>) dst(%arg16 : memref<80x128xf32, #tpu.memory_space<vmem>>)
    %add3A_27 = arith.constant 0 : i32
    %add3A_28 = arith.addi %mul3A_2, %add3A_27 : i32
    %dma_start3A_29 = arith.constant 0 : i32
    %dma_start3A_30 = tpu.memref_slice %arg7[%add3A_28, %dma_start3A_29] : memref<51200x128xf32, #tpu.memory_space<hbm>> -> memref<80x128xf32, #tpu.memory_space<hbm>>
    %dma_start3A_31 = arith.constant 0 : i32
    %dma_start3A_32 = tpu.memref_slice %arg7[%add3A_28, %dma_start3A_31] : memref<51200x128xf32, #tpu.memory_space<hbm>> -> memref<80x128xf32, #tpu.memory_space<hbm>>
    tpu.enqueue_dma source(%arg13 : memref<80x128xf32, #tpu.memory_space<vmem>>) target(%dma_start3A_32 : memref<80x128xf32, #tpu.memory_space<hbm>>) target_semaphore(%arg23 : memref<!tpu.dma_semaphore, #tpu.memory_space<semaphore_mem>>)
    %dma_start3A_33 = arith.constant 0 : i32
    %dma_start3A_34 = tpu.memref_slice %arg8[%add3A_28, %dma_start3A_33] : memref<51200x128xf32, #tpu.memory_space<hbm>> -> memref<80x128xf32, #tpu.memory_space<hbm>>
    %dma_start3A_35 = arith.constant 0 : i32
    %dma_start3A_36 = tpu.memref_slice %arg8[%add3A_28, %dma_start3A_35] : memref<51200x128xf32, #tpu.memory_space<hbm>> -> memref<80x128xf32, #tpu.memory_space<hbm>>
    tpu.enqueue_dma source(%arg14 : memref<80x128xf32, #tpu.memory_space<vmem>>) target(%dma_start3A_36 : memref<80x128xf32, #tpu.memory_space<hbm>>) target_semaphore(%arg23 : memref<!tpu.dma_semaphore, #tpu.memory_space<semaphore_mem>>)
    %dma_start3A_37 = arith.constant 0 : i32
    %dma_start3A_38 = tpu.memref_slice %arg9[%add3A_28, %dma_start3A_37] : memref<51200x128xf32, #tpu.memory_space<hbm>> -> memref<80x128xf32, #tpu.memory_space<hbm>>
    %dma_start3A_39 = arith.constant 0 : i32
    %dma_start3A_40 = tpu.memref_slice %arg9[%add3A_28, %dma_start3A_39] : memref<51200x128xf32, #tpu.memory_space<hbm>> -> memref<80x128xf32, #tpu.memory_space<hbm>>
    tpu.enqueue_dma source(%arg15 : memref<80x128xf32, #tpu.memory_space<vmem>>) target(%dma_start3A_40 : memref<80x128xf32, #tpu.memory_space<hbm>>) target_semaphore(%arg23 : memref<!tpu.dma_semaphore, #tpu.memory_space<semaphore_mem>>)
    %dma_start3A_41 = arith.constant 0 : i32
    %dma_start3A_42 = tpu.memref_slice %arg10[%add3A_28, %dma_start3A_41] : memref<51200x128xf32, #tpu.memory_space<hbm>> -> memref<80x128xf32, #tpu.memory_space<hbm>>
    %dma_start3A_43 = arith.constant 0 : i32
    %dma_start3A_44 = tpu.memref_slice %arg10[%add3A_28, %dma_start3A_43] : memref<51200x128xf32, #tpu.memory_space<hbm>> -> memref<80x128xf32, #tpu.memory_space<hbm>>
    tpu.enqueue_dma source(%arg16 : memref<80x128xf32, #tpu.memory_space<vmem>>) target(%dma_start3A_44 : memref<80x128xf32, #tpu.memory_space<hbm>>) target_semaphore(%arg23 : memref<!tpu.dma_semaphore, #tpu.memory_space<semaphore_mem>>)
    %add3A_45 = arith.constant 80 : i32
    %add3A_46 = arith.addi %mul3A_2, %add3A_45 : i32
    "tpu.region"() ({
      %run_scoped3A = tpu.sem_alloc : memref<!tpu.dma_semaphore, #tpu.memory_space<semaphore_mem>>
      %dma_start3A_142 = tpu.memref_slice %arg6[%add3A_46] : memref<51200xi32, #tpu.memory_space<hbm>> -> memref<80xi32, #tpu.memory_space<hbm>>
      %dma_start3A_143 = tpu.memref_slice %arg6[%add3A_46] : memref<51200xi32, #tpu.memory_space<hbm>> -> memref<80xi32, #tpu.memory_space<hbm>>
      tpu.enqueue_dma source(%dma_start3A_143 : memref<80xi32, #tpu.memory_space<hbm>>) target(%arg12 : memref<80xi32, #tpu.memory_space<vmem>>) target_semaphore(%run_scoped3A : memref<!tpu.dma_semaphore, #tpu.memory_space<semaphore_mem>>)
      %dma_wait3A_144 = tpu.memref_slice %arg6[%add3A_46] : memref<51200xi32, #tpu.memory_space<hbm>> -> memref<80xi32, #tpu.memory_space<hbm>>
      %dma_wait3A_145 = tpu.memref_slice %arg6[%add3A_46] : memref<51200xi32, #tpu.memory_space<hbm>> -> memref<80xi32, #tpu.memory_space<hbm>>
      tpu.wait_dma2 semaphore(%run_scoped3A : memref<!tpu.dma_semaphore, #tpu.memory_space<semaphore_mem>>) src(%dma_wait3A_145 : memref<80xi32, #tpu.memory_space<hbm>>) dst(%arg12 : memref<80xi32, #tpu.memory_space<vmem>>)
      tpu.yield
    }) : () -> ()
    %dma_start3A_47 = arith.constant 0 : i32
    %dma_start3A_48 = arith.constant 0 : i32
    %dma_start3A_49 = tpu.memref_slice %arg2[%dma_start3A_47, %dma_start3A_48] : memref<100000x128xf32, #tpu.memory_space<hbm>> -> memref<100000x128xf32, #tpu.memory_space<hbm>>
    tpu.enqueue_indirect_dma source(%dma_start3A_49 : memref<100000x128xf32, #tpu.memory_space<hbm>>) target(%arg17 : memref<80x128xf32, #tpu.memory_space<vmem>>) offsets(%arg12 : memref<80xi32, #tpu.memory_space<vmem>>) semaphore(%arg22 : memref<!tpu.dma_semaphore, #tpu.memory_space<semaphore_mem>>)
    %dma_start3A_50 = arith.constant 0 : i32
    %dma_start3A_51 = arith.constant 0 : i32
    %dma_start3A_52 = tpu.memref_slice %arg3[%dma_start3A_50, %dma_start3A_51] : memref<100000x128xf32, #tpu.memory_space<hbm>> -> memref<100000x128xf32, #tpu.memory_space<hbm>>
    tpu.enqueue_indirect_dma source(%dma_start3A_52 : memref<100000x128xf32, #tpu.memory_space<hbm>>) target(%arg18 : memref<80x128xf32, #tpu.memory_space<vmem>>) offsets(%arg12 : memref<80xi32, #tpu.memory_space<vmem>>) semaphore(%arg22 : memref<!tpu.dma_semaphore, #tpu.memory_space<semaphore_mem>>)
    %dma_start3A_53 = arith.constant 0 : i32
    %dma_start3A_54 = arith.constant 0 : i32
    %dma_start3A_55 = tpu.memref_slice %arg4[%dma_start3A_53, %dma_start3A_54] : memref<100000x128xf32, #tpu.memory_space<hbm>> -> memref<100000x128xf32, #tpu.memory_space<hbm>>
    tpu.enqueue_indirect_dma source(%dma_start3A_55 : memref<100000x128xf32, #tpu.memory_space<hbm>>) target(%arg19 : memref<80x128xf32, #tpu.memory_space<vmem>>) offsets(%arg12 : memref<80xi32, #tpu.memory_space<vmem>>) semaphore(%arg22 : memref<!tpu.dma_semaphore, #tpu.memory_space<semaphore_mem>>)
    %dma_start3A_56 = arith.constant 0 : i32
    %dma_start3A_57 = arith.constant 0 : i32
    %dma_start3A_58 = tpu.memref_slice %arg5[%dma_start3A_56, %dma_start3A_57] : memref<100000x128xf32, #tpu.memory_space<hbm>> -> memref<100000x128xf32, #tpu.memory_space<hbm>>
    tpu.enqueue_indirect_dma source(%dma_start3A_58 : memref<100000x128xf32, #tpu.memory_space<hbm>>) target(%arg20 : memref<80x128xf32, #tpu.memory_space<vmem>>) offsets(%arg12 : memref<80xi32, #tpu.memory_space<vmem>>) semaphore(%arg22 : memref<!tpu.dma_semaphore, #tpu.memory_space<semaphore_mem>>)
    %dma_wait3A_59 = arith.constant 0 : i32
    %dma_wait3A_60 = arith.constant 0 : i32
    %dma_wait3A_61 = tpu.memref_slice %arg2[%dma_wait3A_59, %dma_wait3A_60] : memref<100000x128xf32, #tpu.memory_space<hbm>> -> memref<100000x128xf32, #tpu.memory_space<hbm>>
    tpu.wait_indirect_dma semaphore(%arg22 : memref<!tpu.dma_semaphore, #tpu.memory_space<semaphore_mem>>) src(%dma_wait3A_61 : memref<100000x128xf32, #tpu.memory_space<hbm>>) dst(%arg17 : memref<80x128xf32, #tpu.memory_space<vmem>>)
    %dma_wait3A_62 = arith.constant 0 : i32
    %dma_wait3A_63 = arith.constant 0 : i32
    %dma_wait3A_64 = tpu.memref_slice %arg3[%dma_wait3A_62, %dma_wait3A_63] : memref<100000x128xf32, #tpu.memory_space<hbm>> -> memref<100000x128xf32, #tpu.memory_space<hbm>>
    tpu.wait_indirect_dma semaphore(%arg22 : memref<!tpu.dma_semaphore, #tpu.memory_space<semaphore_mem>>) src(%dma_wait3A_64 : memref<100000x128xf32, #tpu.memory_space<hbm>>) dst(%arg18 : memref<80x128xf32, #tpu.memory_space<vmem>>)
    %dma_wait3A_65 = arith.constant 0 : i32
    %dma_wait3A_66 = arith.constant 0 : i32
    %dma_wait3A_67 = tpu.memref_slice %arg4[%dma_wait3A_65, %dma_wait3A_66] : memref<100000x128xf32, #tpu.memory_space<hbm>> -> memref<100000x128xf32, #tpu.memory_space<hbm>>
    tpu.wait_indirect_dma semaphore(%arg22 : memref<!tpu.dma_semaphore, #tpu.memory_space<semaphore_mem>>) src(%dma_wait3A_67 : memref<100000x128xf32, #tpu.memory_space<hbm>>) dst(%arg19 : memref<80x128xf32, #tpu.memory_space<vmem>>)
    %dma_wait3A_68 = arith.constant 0 : i32
    %dma_wait3A_69 = arith.constant 0 : i32
    %dma_wait3A_70 = tpu.memref_slice %arg5[%dma_wait3A_68, %dma_wait3A_69] : memref<100000x128xf32, #tpu.memory_space<hbm>> -> memref<100000x128xf32, #tpu.memory_space<hbm>>
    tpu.wait_indirect_dma semaphore(%arg22 : memref<!tpu.dma_semaphore, #tpu.memory_space<semaphore_mem>>) src(%dma_wait3A_70 : memref<100000x128xf32, #tpu.memory_space<hbm>>) dst(%arg20 : memref<80x128xf32, #tpu.memory_space<vmem>>)
    %scan3A = arith.constant 0 : i32
    %scan3A_71 = arith.constant 0 : i32
    %scan3A_72 = arith.constant 9 : i32
    %scan3A_73 = arith.addi %scan3A_71, %scan3A_72 : i32
    %scan3A_74 = arith.constant 1 : i32
    scf.for %scan3A_142 = %scan3A_71 to %scan3A_73 step %scan3A_74  : i32 {
      %mul3A_143 = arith.constant 2 : i32
      %mul3A_144 = arith.muli %mul3A_143, %scan3A_142 : i32
      %add3A_145 = arith.constant 1 : i32
      %add3A_146 = arith.addi %mul3A_144, %add3A_145 : i32
      %mul3A_147 = arith.constant 80 : i32
      %mul3A_148 = arith.muli %add3A_146, %mul3A_147 : i32
      %add3A_149 = arith.addi %mul3A_2, %mul3A_148 : i32
      %dma_start3A_150 = arith.constant 0 : i32
      %dma_start3A_151 = tpu.memref_slice %arg7[%add3A_149, %dma_start3A_150] : memref<51200x128xf32, #tpu.memory_space<hbm>> -> memref<80x128xf32, #tpu.memory_space<hbm>>
      %dma_start3A_152 = arith.constant 0 : i32
      %dma_start3A_153 = tpu.memref_slice %arg7[%add3A_149, %dma_start3A_152] : memref<51200x128xf32, #tpu.memory_space<hbm>> -> memref<80x128xf32, #tpu.memory_space<hbm>>
      tpu.enqueue_dma source(%arg17 : memref<80x128xf32, #tpu.memory_space<vmem>>) target(%dma_start3A_153 : memref<80x128xf32, #tpu.memory_space<hbm>>) target_semaphore(%arg24 : memref<!tpu.dma_semaphore, #tpu.memory_space<semaphore_mem>>)
      %dma_start3A_154 = arith.constant 0 : i32
      %dma_start3A_155 = tpu.memref_slice %arg8[%add3A_149, %dma_start3A_154] : memref<51200x128xf32, #tpu.memory_space<hbm>> -> memref<80x128xf32, #tpu.memory_space<hbm>>
      %dma_start3A_156 = arith.constant 0 : i32
      %dma_start3A_157 = tpu.memref_slice %arg8[%add3A_149, %dma_start3A_156] : memref<51200x128xf32, #tpu.memory_space<hbm>> -> memref<80x128xf32, #tpu.memory_space<hbm>>
      tpu.enqueue_dma source(%arg18 : memref<80x128xf32, #tpu.memory_space<vmem>>) target(%dma_start3A_157 : memref<80x128xf32, #tpu.memory_space<hbm>>) target_semaphore(%arg24 : memref<!tpu.dma_semaphore, #tpu.memory_space<semaphore_mem>>)
      %dma_start3A_158 = arith.constant 0 : i32
      %dma_start3A_159 = tpu.memref_slice %arg9[%add3A_149, %dma_start3A_158] : memref<51200x128xf32, #tpu.memory_space<hbm>> -> memref<80x128xf32, #tpu.memory_space<hbm>>
      %dma_start3A_160 = arith.constant 0 : i32
      %dma_start3A_161 = tpu.memref_slice %arg9[%add3A_149, %dma_start3A_160] : memref<51200x128xf32, #tpu.memory_space<hbm>> -> memref<80x128xf32, #tpu.memory_space<hbm>>
      tpu.enqueue_dma source(%arg19 : memref<80x128xf32, #tpu.memory_space<vmem>>) target(%dma_start3A_161 : memref<80x128xf32, #tpu.memory_space<hbm>>) target_semaphore(%arg24 : memref<!tpu.dma_semaphore, #tpu.memory_space<semaphore_mem>>)
      %dma_start3A_162 = arith.constant 0 : i32
      %dma_start3A_163 = tpu.memref_slice %arg10[%add3A_149, %dma_start3A_162] : memref<51200x128xf32, #tpu.memory_space<hbm>> -> memref<80x128xf32, #tpu.memory_space<hbm>>
      %dma_start3A_164 = arith.constant 0 : i32
      %dma_start3A_165 = tpu.memref_slice %arg10[%add3A_149, %dma_start3A_164] : memref<51200x128xf32, #tpu.memory_space<hbm>> -> memref<80x128xf32, #tpu.memory_space<hbm>>
      tpu.enqueue_dma source(%arg20 : memref<80x128xf32, #tpu.memory_space<vmem>>) target(%dma_start3A_165 : memref<80x128xf32, #tpu.memory_space<hbm>>) target_semaphore(%arg24 : memref<!tpu.dma_semaphore, #tpu.memory_space<semaphore_mem>>)
      %dma_wait3A_166 = arith.constant 0 : i32
      %dma_wait3A_167 = arith.constant 0 : i32
      %dma_wait3A_168 = tpu.memref_slice %arg7[%dma_wait3A_166, %dma_wait3A_167] : memref<51200x128xf32, #tpu.memory_space<hbm>> -> memref<80x128xf32, #tpu.memory_space<hbm>>
      %dma_wait3A_169 = arith.constant 0 : i32
      %dma_wait3A_170 = arith.constant 0 : i32
      %dma_wait3A_171 = tpu.memref_slice %arg7[%dma_wait3A_169, %dma_wait3A_170] : memref<51200x128xf32, #tpu.memory_space<hbm>> -> memref<80x128xf32, #tpu.memory_space<hbm>>
      tpu.wait_dma2 semaphore(%arg23 : memref<!tpu.dma_semaphore, #tpu.memory_space<semaphore_mem>>) src(%arg13 : memref<80x128xf32, #tpu.memory_space<vmem>>) dst(%dma_wait3A_171 : memref<80x128xf32, #tpu.memory_space<hbm>>)
      %dma_wait3A_172 = arith.constant 0 : i32
      %dma_wait3A_173 = arith.constant 0 : i32
      %dma_wait3A_174 = tpu.memref_slice %arg8[%dma_wait3A_172, %dma_wait3A_173] : memref<51200x128xf32, #tpu.memory_space<hbm>> -> memref<80x128xf32, #tpu.memory_space<hbm>>
      %dma_wait3A_175 = arith.constant 0 : i32
      %dma_wait3A_176 = arith.constant 0 : i32
      %dma_wait3A_177 = tpu.memref_slice %arg8[%dma_wait3A_175, %dma_wait3A_176] : memref<51200x128xf32, #tpu.memory_space<hbm>> -> memref<80x128xf32, #tpu.memory_space<hbm>>
      tpu.wait_dma2 semaphore(%arg23 : memref<!tpu.dma_semaphore, #tpu.memory_space<semaphore_mem>>) src(%arg14 : memref<80x128xf32, #tpu.memory_space<vmem>>) dst(%dma_wait3A_177 : memref<80x128xf32, #tpu.memory_space<hbm>>)
      %dma_wait3A_178 = arith.constant 0 : i32
      %dma_wait3A_179 = arith.constant 0 : i32
      %dma_wait3A_180 = tpu.memref_slice %arg9[%dma_wait3A_178, %dma_wait3A_179] : memref<51200x128xf32, #tpu.memory_space<hbm>> -> memref<80x128xf32, #tpu.memory_space<hbm>>
      %dma_wait3A_181 = arith.constant 0 : i32
      %dma_wait3A_182 = arith.constant 0 : i32
      %dma_wait3A_183 = tpu.memref_slice %arg9[%dma_wait3A_181, %dma_wait3A_182] : memref<51200x128xf32, #tpu.memory_space<hbm>> -> memref<80x128xf32, #tpu.memory_space<hbm>>
      tpu.wait_dma2 semaphore(%arg23 : memref<!tpu.dma_semaphore, #tpu.memory_space<semaphore_mem>>) src(%arg15 : memref<80x128xf32, #tpu.memory_space<vmem>>) dst(%dma_wait3A_183 : memref<80x128xf32, #tpu.memory_space<hbm>>)
      %dma_wait3A_184 = arith.constant 0 : i32
      %dma_wait3A_185 = arith.constant 0 : i32
      %dma_wait3A_186 = tpu.memref_slice %arg10[%dma_wait3A_184, %dma_wait3A_185] : memref<51200x128xf32, #tpu.memory_space<hbm>> -> memref<80x128xf32, #tpu.memory_space<hbm>>
      %dma_wait3A_187 = arith.constant 0 : i32
      %dma_wait3A_188 = arith.constant 0 : i32
      %dma_wait3A_189 = tpu.memref_slice %arg10[%dma_wait3A_187, %dma_wait3A_188] : memref<51200x128xf32, #tpu.memory_space<hbm>> -> memref<80x128xf32, #tpu.memory_space<hbm>>
      tpu.wait_dma2 semaphore(%arg23 : memref<!tpu.dma_semaphore, #tpu.memory_space<semaphore_mem>>) src(%arg16 : memref<80x128xf32, #tpu.memory_space<vmem>>) dst(%dma_wait3A_189 : memref<80x128xf32, #tpu.memory_space<hbm>>)
      %add3A_190 = arith.constant 2 : i32
      %add3A_191 = arith.addi %mul3A_144, %add3A_190 : i32
      %mul3A_192 = arith.constant 80 : i32
      %mul3A_193 = arith.muli %add3A_191, %mul3A_192 : i32
      %add3A_194 = arith.addi %mul3A_2, %mul3A_193 : i32
      "tpu.region"() ({
        %run_scoped3A = tpu.sem_alloc : memref<!tpu.dma_semaphore, #tpu.memory_space<semaphore_mem>>
        %dma_start3A_297 = tpu.memref_slice %arg6[%add3A_194] : memref<51200xi32, #tpu.memory_space<hbm>> -> memref<80xi32, #tpu.memory_space<hbm>>
        %dma_start3A_298 = tpu.memref_slice %arg6[%add3A_194] : memref<51200xi32, #tpu.memory_space<hbm>> -> memref<80xi32, #tpu.memory_space<hbm>>
        tpu.enqueue_dma source(%dma_start3A_298 : memref<80xi32, #tpu.memory_space<hbm>>) target(%arg11 : memref<80xi32, #tpu.memory_space<vmem>>) target_semaphore(%run_scoped3A : memref<!tpu.dma_semaphore, #tpu.memory_space<semaphore_mem>>)
        %dma_wait3A_299 = tpu.memref_slice %arg6[%add3A_194] : memref<51200xi32, #tpu.memory_space<hbm>> -> memref<80xi32, #tpu.memory_space<hbm>>
        %dma_wait3A_300 = tpu.memref_slice %arg6[%add3A_194] : memref<51200xi32, #tpu.memory_space<hbm>> -> memref<80xi32, #tpu.memory_space<hbm>>
        tpu.wait_dma2 semaphore(%run_scoped3A : memref<!tpu.dma_semaphore, #tpu.memory_space<semaphore_mem>>) src(%dma_wait3A_300 : memref<80xi32, #tpu.memory_space<hbm>>) dst(%arg11 : memref<80xi32, #tpu.memory_space<vmem>>)
        tpu.yield
      }) : () -> ()
      %dma_start3A_195 = arith.constant 0 : i32
      %dma_start3A_196 = arith.constant 0 : i32
      %dma_start3A_197 = tpu.memref_slice %arg2[%dma_start3A_195, %dma_start3A_196] : memref<100000x128xf32, #tpu.memory_space<hbm>> -> memref<100000x128xf32, #tpu.memory_space<hbm>>
      tpu.enqueue_indirect_dma source(%dma_start3A_197 : memref<100000x128xf32, #tpu.memory_space<hbm>>) target(%arg13 : memref<80x128xf32, #tpu.memory_space<vmem>>) offsets(%arg11 : memref<80xi32, #tpu.memory_space<vmem>>) semaphore(%arg21 : memref<!tpu.dma_semaphore, #tpu.memory_space<semaphore_mem>>)
      %dma_start3A_198 = arith.constant 0 : i32
      %dma_start3A_199 = arith.constant 0 : i32
      %dma_start3A_200 = tpu.memref_slice %arg3[%dma_start3A_198, %dma_start3A_199] : memref<100000x128xf32, #tpu.memory_space<hbm>> -> memref<100000x128xf32, #tpu.memory_space<hbm>>
      tpu.enqueue_indirect_dma source(%dma_start3A_200 : memref<100000x128xf32, #tpu.memory_space<hbm>>) target(%arg14 : memref<80x128xf32, #tpu.memory_space<vmem>>) offsets(%arg11 : memref<80xi32, #tpu.memory_space<vmem>>) semaphore(%arg21 : memref<!tpu.dma_semaphore, #tpu.memory_space<semaphore_mem>>)
      %dma_start3A_201 = arith.constant 0 : i32
      %dma_start3A_202 = arith.constant 0 : i32
      %dma_start3A_203 = tpu.memref_slice %arg4[%dma_start3A_201, %dma_start3A_202] : memref<100000x128xf32, #tpu.memory_space<hbm>> -> memref<100000x128xf32, #tpu.memory_space<hbm>>
      tpu.enqueue_indirect_dma source(%dma_start3A_203 : memref<100000x128xf32, #tpu.memory_space<hbm>>) target(%arg15 : memref<80x128xf32, #tpu.memory_space<vmem>>) offsets(%arg11 : memref<80xi32, #tpu.memory_space<vmem>>) semaphore(%arg21 : memref<!tpu.dma_semaphore, #tpu.memory_space<semaphore_mem>>)
      %dma_start3A_204 = arith.constant 0 : i32
      %dma_start3A_205 = arith.constant 0 : i32
      %dma_start3A_206 = tpu.memref_slice %arg5[%dma_start3A_204, %dma_start3A_205] : memref<100000x128xf32, #tpu.memory_space<hbm>> -> memref<100000x128xf32, #tpu.memory_space<hbm>>
      tpu.enqueue_indirect_dma source(%dma_start3A_206 : memref<100000x128xf32, #tpu.memory_space<hbm>>) target(%arg16 : memref<80x128xf32, #tpu.memory_space<vmem>>) offsets(%arg11 : memref<80xi32, #tpu.memory_space<vmem>>) semaphore(%arg21 : memref<!tpu.dma_semaphore, #tpu.memory_space<semaphore_mem>>)
      %dma_wait3A_207 = arith.constant 0 : i32
      %dma_wait3A_208 = arith.constant 0 : i32
      %dma_wait3A_209 = tpu.memref_slice %arg2[%dma_wait3A_207, %dma_wait3A_208] : memref<100000x128xf32, #tpu.memory_space<hbm>> -> memref<100000x128xf32, #tpu.memory_space<hbm>>
      tpu.wait_indirect_dma semaphore(%arg21 : memref<!tpu.dma_semaphore, #tpu.memory_space<semaphore_mem>>) src(%dma_wait3A_209 : memref<100000x128xf32, #tpu.memory_space<hbm>>) dst(%arg13 : memref<80x128xf32, #tpu.memory_space<vmem>>)
      %dma_wait3A_210 = arith.constant 0 : i32
      %dma_wait3A_211 = arith.constant 0 : i32
      %dma_wait3A_212 = tpu.memref_slice %arg3[%dma_wait3A_210, %dma_wait3A_211] : memref<100000x128xf32, #tpu.memory_space<hbm>> -> memref<100000x128xf32, #tpu.memory_space<hbm>>
      tpu.wait_indirect_dma semaphore(%arg21 : memref<!tpu.dma_semaphore, #tpu.memory_space<semaphore_mem>>) src(%dma_wait3A_212 : memref<100000x128xf32, #tpu.memory_space<hbm>>) dst(%arg14 : memref<80x128xf32, #tpu.memory_space<vmem>>)
      %dma_wait3A_213 = arith.constant 0 : i32
      %dma_wait3A_214 = arith.constant 0 : i32
      %dma_wait3A_215 = tpu.memref_slice %arg4[%dma_wait3A_213, %dma_wait3A_214] : memref<100000x128xf32, #tpu.memory_space<hbm>> -> memref<100000x128xf32, #tpu.memory_space<hbm>>
      tpu.wait_indirect_dma semaphore(%arg21 : memref<!tpu.dma_semaphore, #tpu.memory_space<semaphore_mem>>) src(%dma_wait3A_215 : memref<100000x128xf32, #tpu.memory_space<hbm>>) dst(%arg15 : memref<80x128xf32, #tpu.memory_space<vmem>>)
      %dma_wait3A_216 = arith.constant 0 : i32
      %dma_wait3A_217 = arith.constant 0 : i32
      %dma_wait3A_218 = tpu.memref_slice %arg5[%dma_wait3A_216, %dma_wait3A_217] : memref<100000x128xf32, #tpu.memory_space<hbm>> -> memref<100000x128xf32, #tpu.memory_space<hbm>>
      tpu.wait_indirect_dma semaphore(%arg21 : memref<!tpu.dma_semaphore, #tpu.memory_space<semaphore_mem>>) src(%dma_wait3A_218 : memref<100000x128xf32, #tpu.memory_space<hbm>>) dst(%arg16 : memref<80x128xf32, #tpu.memory_space<vmem>>)
      %mul3A_219 = arith.constant 2 : i32
      %mul3A_220 = arith.muli %mul3A_219, %scan3A_142 : i32
      %add3A_221 = arith.constant 1 : i32
      %add3A_222 = arith.addi %mul3A_220, %add3A_221 : i32
      %add3A_223 = arith.constant 1 : i32
      %add3A_224 = arith.addi %add3A_222, %add3A_223 : i32
      %mul3A_225 = arith.constant 80 : i32
      %mul3A_226 = arith.muli %add3A_224, %mul3A_225 : i32
      %add3A_227 = arith.addi %mul3A_2, %mul3A_226 : i32
      %dma_start3A_228 = arith.constant 0 : i32
      %dma_start3A_229 = tpu.memref_slice %arg7[%add3A_227, %dma_start3A_228] : memref<51200x128xf32, #tpu.memory_space<hbm>> -> memref<80x128xf32, #tpu.memory_space<hbm>>
      %dma_start3A_230 = arith.constant 0 : i32
      %dma_start3A_231 = tpu.memref_slice %arg7[%add3A_227, %dma_start3A_230] : memref<51200x128xf32, #tpu.memory_space<hbm>> -> memref<80x128xf32, #tpu.memory_space<hbm>>
      tpu.enqueue_dma source(%arg13 : memref<80x128xf32, #tpu.memory_space<vmem>>) target(%dma_start3A_231 : memref<80x128xf32, #tpu.memory_space<hbm>>) target_semaphore(%arg23 : memref<!tpu.dma_semaphore, #tpu.memory_space<semaphore_mem>>)
      %dma_start3A_232 = arith.constant 0 : i32
      %dma_start3A_233 = tpu.memref_slice %arg8[%add3A_227, %dma_start3A_232] : memref<51200x128xf32, #tpu.memory_space<hbm>> -> memref<80x128xf32, #tpu.memory_space<hbm>>
      %dma_start3A_234 = arith.constant 0 : i32
      %dma_start3A_235 = tpu.memref_slice %arg8[%add3A_227, %dma_start3A_234] : memref<51200x128xf32, #tpu.memory_space<hbm>> -> memref<80x128xf32, #tpu.memory_space<hbm>>
      tpu.enqueue_dma source(%arg14 : memref<80x128xf32, #tpu.memory_space<vmem>>) target(%dma_start3A_235 : memref<80x128xf32, #tpu.memory_space<hbm>>) target_semaphore(%arg23 : memref<!tpu.dma_semaphore, #tpu.memory_space<semaphore_mem>>)
      %dma_start3A_236 = arith.constant 0 : i32
      %dma_start3A_237 = tpu.memref_slice %arg9[%add3A_227, %dma_start3A_236] : memref<51200x128xf32, #tpu.memory_space<hbm>> -> memref<80x128xf32, #tpu.memory_space<hbm>>
      %dma_start3A_238 = arith.constant 0 : i32
      %dma_start3A_239 = tpu.memref_slice %arg9[%add3A_227, %dma_start3A_238] : memref<51200x128xf32, #tpu.memory_space<hbm>> -> memref<80x128xf32, #tpu.memory_space<hbm>>
      tpu.enqueue_dma source(%arg15 : memref<80x128xf32, #tpu.memory_space<vmem>>) target(%dma_start3A_239 : memref<80x128xf32, #tpu.memory_space<hbm>>) target_semaphore(%arg23 : memref<!tpu.dma_semaphore, #tpu.memory_space<semaphore_mem>>)
      %dma_start3A_240 = arith.constant 0 : i32
      %dma_start3A_241 = tpu.memref_slice %arg10[%add3A_227, %dma_start3A_240] : memref<51200x128xf32, #tpu.memory_space<hbm>> -> memref<80x128xf32, #tpu.memory_space<hbm>>
      %dma_start3A_242 = arith.constant 0 : i32
      %dma_start3A_243 = tpu.memref_slice %arg10[%add3A_227, %dma_start3A_242] : memref<51200x128xf32, #tpu.memory_space<hbm>> -> memref<80x128xf32, #tpu.memory_space<hbm>>
      tpu.enqueue_dma source(%arg16 : memref<80x128xf32, #tpu.memory_space<vmem>>) target(%dma_start3A_243 : memref<80x128xf32, #tpu.memory_space<hbm>>) target_semaphore(%arg23 : memref<!tpu.dma_semaphore, #tpu.memory_space<semaphore_mem>>)
      %dma_wait3A_244 = arith.constant 0 : i32
      %dma_wait3A_245 = arith.constant 0 : i32
      %dma_wait3A_246 = tpu.memref_slice %arg7[%dma_wait3A_244, %dma_wait3A_245] : memref<51200x128xf32, #tpu.memory_space<hbm>> -> memref<80x128xf32, #tpu.memory_space<hbm>>
      %dma_wait3A_247 = arith.constant 0 : i32
      %dma_wait3A_248 = arith.constant 0 : i32
      %dma_wait3A_249 = tpu.memref_slice %arg7[%dma_wait3A_247, %dma_wait3A_248] : memref<51200x128xf32, #tpu.memory_space<hbm>> -> memref<80x128xf32, #tpu.memory_space<hbm>>
      tpu.wait_dma2 semaphore(%arg24 : memref<!tpu.dma_semaphore, #tpu.memory_space<semaphore_mem>>) src(%arg17 : memref<80x128xf32, #tpu.memory_space<vmem>>) dst(%dma_wait3A_249 : memref<80x128xf32, #tpu.memory_space<hbm>>)
      %dma_wait3A_250 = arith.constant 0 : i32
      %dma_wait3A_251 = arith.constant 0 : i32
      %dma_wait3A_252 = tpu.memref_slice %arg8[%dma_wait3A_250, %dma_wait3A_251] : memref<51200x128xf32, #tpu.memory_space<hbm>> -> memref<80x128xf32, #tpu.memory_space<hbm>>
      %dma_wait3A_253 = arith.constant 0 : i32
      %dma_wait3A_254 = arith.constant 0 : i32
      %dma_wait3A_255 = tpu.memref_slice %arg8[%dma_wait3A_253, %dma_wait3A_254] : memref<51200x128xf32, #tpu.memory_space<hbm>> -> memref<80x128xf32, #tpu.memory_space<hbm>>
      tpu.wait_dma2 semaphore(%arg24 : memref<!tpu.dma_semaphore, #tpu.memory_space<semaphore_mem>>) src(%arg18 : memref<80x128xf32, #tpu.memory_space<vmem>>) dst(%dma_wait3A_255 : memref<80x128xf32, #tpu.memory_space<hbm>>)
      %dma_wait3A_256 = arith.constant 0 : i32
      %dma_wait3A_257 = arith.constant 0 : i32
      %dma_wait3A_258 = tpu.memref_slice %arg9[%dma_wait3A_256, %dma_wait3A_257] : memref<51200x128xf32, #tpu.memory_space<hbm>> -> memref<80x128xf32, #tpu.memory_space<hbm>>
      %dma_wait3A_259 = arith.constant 0 : i32
      %dma_wait3A_260 = arith.constant 0 : i32
      %dma_wait3A_261 = tpu.memref_slice %arg9[%dma_wait3A_259, %dma_wait3A_260] : memref<51200x128xf32, #tpu.memory_space<hbm>> -> memref<80x128xf32, #tpu.memory_space<hbm>>
      tpu.wait_dma2 semaphore(%arg24 : memref<!tpu.dma_semaphore, #tpu.memory_space<semaphore_mem>>) src(%arg19 : memref<80x128xf32, #tpu.memory_space<vmem>>) dst(%dma_wait3A_261 : memref<80x128xf32, #tpu.memory_space<hbm>>)
      %dma_wait3A_262 = arith.constant 0 : i32
      %dma_wait3A_263 = arith.constant 0 : i32
      %dma_wait3A_264 = tpu.memref_slice %arg10[%dma_wait3A_262, %dma_wait3A_263] : memref<51200x128xf32, #tpu.memory_space<hbm>> -> memref<80x128xf32, #tpu.memory_space<hbm>>
      %dma_wait3A_265 = arith.constant 0 : i32
      %dma_wait3A_266 = arith.constant 0 : i32
      %dma_wait3A_267 = tpu.memref_slice %arg10[%dma_wait3A_265, %dma_wait3A_266] : memref<51200x128xf32, #tpu.memory_space<hbm>> -> memref<80x128xf32, #tpu.memory_space<hbm>>
      tpu.wait_dma2 semaphore(%arg24 : memref<!tpu.dma_semaphore, #tpu.memory_space<semaphore_mem>>) src(%arg20 : memref<80x128xf32, #tpu.memory_space<vmem>>) dst(%dma_wait3A_267 : memref<80x128xf32, #tpu.memory_space<hbm>>)
      %add3A_268 = arith.constant 2 : i32
      %add3A_269 = arith.addi %add3A_222, %add3A_268 : i32
      %mul3A_270 = arith.constant 80 : i32
      %mul3A_271 = arith.muli %add3A_269, %mul3A_270 : i32
      %add3A_272 = arith.addi %mul3A_2, %mul3A_271 : i32
      "tpu.region"() ({
        %run_scoped3A = tpu.sem_alloc : memref<!tpu.dma_semaphore, #tpu.memory_space<semaphore_mem>>
        %dma_start3A_297 = tpu.memref_slice %arg6[%add3A_272] : memref<51200xi32, #tpu.memory_space<hbm>> -> memref<80xi32, #tpu.memory_space<hbm>>
        %dma_start3A_298 = tpu.memref_slice %arg6[%add3A_272] : memref<51200xi32, #tpu.memory_space<hbm>> -> memref<80xi32, #tpu.memory_space<hbm>>
        tpu.enqueue_dma source(%dma_start3A_298 : memref<80xi32, #tpu.memory_space<hbm>>) target(%arg12 : memref<80xi32, #tpu.memory_space<vmem>>) target_semaphore(%run_scoped3A : memref<!tpu.dma_semaphore, #tpu.memory_space<semaphore_mem>>)
        %dma_wait3A_299 = tpu.memref_slice %arg6[%add3A_272] : memref<51200xi32, #tpu.memory_space<hbm>> -> memref<80xi32, #tpu.memory_space<hbm>>
        %dma_wait3A_300 = tpu.memref_slice %arg6[%add3A_272] : memref<51200xi32, #tpu.memory_space<hbm>> -> memref<80xi32, #tpu.memory_space<hbm>>
        tpu.wait_dma2 semaphore(%run_scoped3A : memref<!tpu.dma_semaphore, #tpu.memory_space<semaphore_mem>>) src(%dma_wait3A_300 : memref<80xi32, #tpu.memory_space<hbm>>) dst(%arg12 : memref<80xi32, #tpu.memory_space<vmem>>)
        tpu.yield
      }) : () -> ()
      %dma_start3A_273 = arith.constant 0 : i32
      %dma_start3A_274 = arith.constant 0 : i32
      %dma_start3A_275 = tpu.memref_slice %arg2[%dma_start3A_273, %dma_start3A_274] : memref<100000x128xf32, #tpu.memory_space<hbm>> -> memref<100000x128xf32, #tpu.memory_space<hbm>>
      tpu.enqueue_indirect_dma source(%dma_start3A_275 : memref<100000x128xf32, #tpu.memory_space<hbm>>) target(%arg17 : memref<80x128xf32, #tpu.memory_space<vmem>>) offsets(%arg12 : memref<80xi32, #tpu.memory_space<vmem>>) semaphore(%arg22 : memref<!tpu.dma_semaphore, #tpu.memory_space<semaphore_mem>>)
      %dma_start3A_276 = arith.constant 0 : i32
      %dma_start3A_277 = arith.constant 0 : i32
      %dma_start3A_278 = tpu.memref_slice %arg3[%dma_start3A_276, %dma_start3A_277] : memref<100000x128xf32, #tpu.memory_space<hbm>> -> memref<100000x128xf32, #tpu.memory_space<hbm>>
      tpu.enqueue_indirect_dma source(%dma_start3A_278 : memref<100000x128xf32, #tpu.memory_space<hbm>>) target(%arg18 : memref<80x128xf32, #tpu.memory_space<vmem>>) offsets(%arg12 : memref<80xi32, #tpu.memory_space<vmem>>) semaphore(%arg22 : memref<!tpu.dma_semaphore, #tpu.memory_space<semaphore_mem>>)
      %dma_start3A_279 = arith.constant 0 : i32
      %dma_start3A_280 = arith.constant 0 : i32
      %dma_start3A_281 = tpu.memref_slice %arg4[%dma_start3A_279, %dma_start3A_280] : memref<100000x128xf32, #tpu.memory_space<hbm>> -> memref<100000x128xf32, #tpu.memory_space<hbm>>
      tpu.enqueue_indirect_dma source(%dma_start3A_281 : memref<100000x128xf32, #tpu.memory_space<hbm>>) target(%arg19 : memref<80x128xf32, #tpu.memory_space<vmem>>) offsets(%arg12 : memref<80xi32, #tpu.memory_space<vmem>>) semaphore(%arg22 : memref<!tpu.dma_semaphore, #tpu.memory_space<semaphore_mem>>)
      %dma_start3A_282 = arith.constant 0 : i32
      %dma_start3A_283 = arith.constant 0 : i32
      %dma_start3A_284 = tpu.memref_slice %arg5[%dma_start3A_282, %dma_start3A_283] : memref<100000x128xf32, #tpu.memory_space<hbm>> -> memref<100000x128xf32, #tpu.memory_space<hbm>>
      tpu.enqueue_indirect_dma source(%dma_start3A_284 : memref<100000x128xf32, #tpu.memory_space<hbm>>) target(%arg20 : memref<80x128xf32, #tpu.memory_space<vmem>>) offsets(%arg12 : memref<80xi32, #tpu.memory_space<vmem>>) semaphore(%arg22 : memref<!tpu.dma_semaphore, #tpu.memory_space<semaphore_mem>>)
      %dma_wait3A_285 = arith.constant 0 : i32
      %dma_wait3A_286 = arith.constant 0 : i32
      %dma_wait3A_287 = tpu.memref_slice %arg2[%dma_wait3A_285, %dma_wait3A_286] : memref<100000x128xf32, #tpu.memory_space<hbm>> -> memref<100000x128xf32, #tpu.memory_space<hbm>>
      tpu.wait_indirect_dma semaphore(%arg22 : memref<!tpu.dma_semaphore, #tpu.memory_space<semaphore_mem>>) src(%dma_wait3A_287 : memref<100000x128xf32, #tpu.memory_space<hbm>>) dst(%arg17 : memref<80x128xf32, #tpu.memory_space<vmem>>)
      %dma_wait3A_288 = arith.constant 0 : i32
      %dma_wait3A_289 = arith.constant 0 : i32
      %dma_wait3A_290 = tpu.memref_slice %arg3[%dma_wait3A_288, %dma_wait3A_289] : memref<100000x128xf32, #tpu.memory_space<hbm>> -> memref<100000x128xf32, #tpu.memory_space<hbm>>
      tpu.wait_indirect_dma semaphore(%arg22 : memref<!tpu.dma_semaphore, #tpu.memory_space<semaphore_mem>>) src(%dma_wait3A_290 : memref<100000x128xf32, #tpu.memory_space<hbm>>) dst(%arg18 : memref<80x128xf32, #tpu.memory_space<vmem>>)
      %dma_wait3A_291 = arith.constant 0 : i32
      %dma_wait3A_292 = arith.constant 0 : i32
      %dma_wait3A_293 = tpu.memref_slice %arg4[%dma_wait3A_291, %dma_wait3A_292] : memref<100000x128xf32, #tpu.memory_space<hbm>> -> memref<100000x128xf32, #tpu.memory_space<hbm>>
      tpu.wait_indirect_dma semaphore(%arg22 : memref<!tpu.dma_semaphore, #tpu.memory_space<semaphore_mem>>) src(%dma_wait3A_293 : memref<100000x128xf32, #tpu.memory_space<hbm>>) dst(%arg19 : memref<80x128xf32, #tpu.memory_space<vmem>>)
      %dma_wait3A_294 = arith.constant 0 : i32
      %dma_wait3A_295 = arith.constant 0 : i32
      %dma_wait3A_296 = tpu.memref_slice %arg5[%dma_wait3A_294, %dma_wait3A_295] : memref<100000x128xf32, #tpu.memory_space<hbm>> -> memref<100000x128xf32, #tpu.memory_space<hbm>>
      tpu.wait_indirect_dma semaphore(%arg22 : memref<!tpu.dma_semaphore, #tpu.memory_space<semaphore_mem>>) src(%dma_wait3A_296 : memref<100000x128xf32, #tpu.memory_space<hbm>>) dst(%arg20 : memref<80x128xf32, #tpu.memory_space<vmem>>)
    }
    %scan3A_75 = arith.constant 9 : i32
    %add3A_76 = arith.constant 1520 : i32
    %add3A_77 = arith.addi %mul3A_2, %add3A_76 : i32
    %dma_start3A_78 = arith.constant 0 : i32
    %dma_start3A_79 = tpu.memref_slice %arg7[%add3A_77, %dma_start3A_78] : memref<51200x128xf32, #tpu.memory_space<hbm>> -> memref<80x128xf32, #tpu.memory_space<hbm>>
    %dma_start3A_80 = arith.constant 0 : i32
    %dma_start3A_81 = tpu.memref_slice %arg7[%add3A_77, %dma_start3A_80] : memref<51200x128xf32, #tpu.memory_space<hbm>> -> memref<80x128xf32, #tpu.memory_space<hbm>>
    tpu.enqueue_dma source(%arg17 : memref<80x128xf32, #tpu.memory_space<vmem>>) target(%dma_start3A_81 : memref<80x128xf32, #tpu.memory_space<hbm>>) target_semaphore(%arg24 : memref<!tpu.dma_semaphore, #tpu.memory_space<semaphore_mem>>)
    %dma_start3A_82 = arith.constant 0 : i32
    %dma_start3A_83 = tpu.memref_slice %arg8[%add3A_77, %dma_start3A_82] : memref<51200x128xf32, #tpu.memory_space<hbm>> -> memref<80x128xf32, #tpu.memory_space<hbm>>
    %dma_start3A_84 = arith.constant 0 : i32
    %dma_start3A_85 = tpu.memref_slice %arg8[%add3A_77, %dma_start3A_84] : memref<51200x128xf32, #tpu.memory_space<hbm>> -> memref<80x128xf32, #tpu.memory_space<hbm>>
    tpu.enqueue_dma source(%arg18 : memref<80x128xf32, #tpu.memory_space<vmem>>) target(%dma_start3A_85 : memref<80x128xf32, #tpu.memory_space<hbm>>) target_semaphore(%arg24 : memref<!tpu.dma_semaphore, #tpu.memory_space<semaphore_mem>>)
    %dma_start3A_86 = arith.constant 0 : i32
    %dma_start3A_87 = tpu.memref_slice %arg9[%add3A_77, %dma_start3A_86] : memref<51200x128xf32, #tpu.memory_space<hbm>> -> memref<80x128xf32, #tpu.memory_space<hbm>>
    %dma_start3A_88 = arith.constant 0 : i32
    %dma_start3A_89 = tpu.memref_slice %arg9[%add3A_77, %dma_start3A_88] : memref<51200x128xf32, #tpu.memory_space<hbm>> -> memref<80x128xf32, #tpu.memory_space<hbm>>
    tpu.enqueue_dma source(%arg19 : memref<80x128xf32, #tpu.memory_space<vmem>>) target(%dma_start3A_89 : memref<80x128xf32, #tpu.memory_space<hbm>>) target_semaphore(%arg24 : memref<!tpu.dma_semaphore, #tpu.memory_space<semaphore_mem>>)
    %dma_start3A_90 = arith.constant 0 : i32
    %dma_start3A_91 = tpu.memref_slice %arg10[%add3A_77, %dma_start3A_90] : memref<51200x128xf32, #tpu.memory_space<hbm>> -> memref<80x128xf32, #tpu.memory_space<hbm>>
    %dma_start3A_92 = arith.constant 0 : i32
    %dma_start3A_93 = tpu.memref_slice %arg10[%add3A_77, %dma_start3A_92] : memref<51200x128xf32, #tpu.memory_space<hbm>> -> memref<80x128xf32, #tpu.memory_space<hbm>>
    tpu.enqueue_dma source(%arg20 : memref<80x128xf32, #tpu.memory_space<vmem>>) target(%dma_start3A_93 : memref<80x128xf32, #tpu.memory_space<hbm>>) target_semaphore(%arg24 : memref<!tpu.dma_semaphore, #tpu.memory_space<semaphore_mem>>)
    %dma_wait3A_94 = arith.constant 0 : i32
    %dma_wait3A_95 = arith.constant 0 : i32
    %dma_wait3A_96 = tpu.memref_slice %arg7[%dma_wait3A_94, %dma_wait3A_95] : memref<51200x128xf32, #tpu.memory_space<hbm>> -> memref<80x128xf32, #tpu.memory_space<hbm>>
    %dma_wait3A_97 = arith.constant 0 : i32
    %dma_wait3A_98 = arith.constant 0 : i32
    %dma_wait3A_99 = tpu.memref_slice %arg7[%dma_wait3A_97, %dma_wait3A_98] : memref<51200x128xf32, #tpu.memory_space<hbm>> -> memref<80x128xf32, #tpu.memory_space<hbm>>
    tpu.wait_dma2 semaphore(%arg23 : memref<!tpu.dma_semaphore, #tpu.memory_space<semaphore_mem>>) src(%arg13 : memref<80x128xf32, #tpu.memory_space<vmem>>) dst(%dma_wait3A_99 : memref<80x128xf32, #tpu.memory_space<hbm>>)
    %dma_wait3A_100 = arith.constant 0 : i32
    %dma_wait3A_101 = arith.constant 0 : i32
    %dma_wait3A_102 = tpu.memref_slice %arg8[%dma_wait3A_100, %dma_wait3A_101] : memref<51200x128xf32, #tpu.memory_space<hbm>> -> memref<80x128xf32, #tpu.memory_space<hbm>>
    %dma_wait3A_103 = arith.constant 0 : i32
    %dma_wait3A_104 = arith.constant 0 : i32
    %dma_wait3A_105 = tpu.memref_slice %arg8[%dma_wait3A_103, %dma_wait3A_104] : memref<51200x128xf32, #tpu.memory_space<hbm>> -> memref<80x128xf32, #tpu.memory_space<hbm>>
    tpu.wait_dma2 semaphore(%arg23 : memref<!tpu.dma_semaphore, #tpu.memory_space<semaphore_mem>>) src(%arg14 : memref<80x128xf32, #tpu.memory_space<vmem>>) dst(%dma_wait3A_105 : memref<80x128xf32, #tpu.memory_space<hbm>>)
    %dma_wait3A_106 = arith.constant 0 : i32
    %dma_wait3A_107 = arith.constant 0 : i32
    %dma_wait3A_108 = tpu.memref_slice %arg9[%dma_wait3A_106, %dma_wait3A_107] : memref<51200x128xf32, #tpu.memory_space<hbm>> -> memref<80x128xf32, #tpu.memory_space<hbm>>
    %dma_wait3A_109 = arith.constant 0 : i32
    %dma_wait3A_110 = arith.constant 0 : i32
    %dma_wait3A_111 = tpu.memref_slice %arg9[%dma_wait3A_109, %dma_wait3A_110] : memref<51200x128xf32, #tpu.memory_space<hbm>> -> memref<80x128xf32, #tpu.memory_space<hbm>>
    tpu.wait_dma2 semaphore(%arg23 : memref<!tpu.dma_semaphore, #tpu.memory_space<semaphore_mem>>) src(%arg15 : memref<80x128xf32, #tpu.memory_space<vmem>>) dst(%dma_wait3A_111 : memref<80x128xf32, #tpu.memory_space<hbm>>)
    %dma_wait3A_112 = arith.constant 0 : i32
    %dma_wait3A_113 = arith.constant 0 : i32
    %dma_wait3A_114 = tpu.memref_slice %arg10[%dma_wait3A_112, %dma_wait3A_113] : memref<51200x128xf32, #tpu.memory_space<hbm>> -> memref<80x128xf32, #tpu.memory_space<hbm>>
    %dma_wait3A_115 = arith.constant 0 : i32
    %dma_wait3A_116 = arith.constant 0 : i32
    %dma_wait3A_117 = tpu.memref_slice %arg10[%dma_wait3A_115, %dma_wait3A_116] : memref<51200x128xf32, #tpu.memory_space<hbm>> -> memref<80x128xf32, #tpu.memory_space<hbm>>
    tpu.wait_dma2 semaphore(%arg23 : memref<!tpu.dma_semaphore, #tpu.memory_space<semaphore_mem>>) src(%arg16 : memref<80x128xf32, #tpu.memory_space<vmem>>) dst(%dma_wait3A_117 : memref<80x128xf32, #tpu.memory_space<hbm>>)
    %dma_wait3A_118 = arith.constant 0 : i32
    %dma_wait3A_119 = arith.constant 0 : i32
    %dma_wait3A_120 = tpu.memref_slice %arg7[%dma_wait3A_118, %dma_wait3A_119] : memref<51200x128xf32, #tpu.memory_space<hbm>> -> memref<80x128xf32, #tpu.memory_space<hbm>>
    %dma_wait3A_121 = arith.constant 0 : i32
    %dma_wait3A_122 = arith.constant 0 : i32
    %dma_wait3A_123 = tpu.memref_slice %arg7[%dma_wait3A_121, %dma_wait3A_122] : memref<51200x128xf32, #tpu.memory_space<hbm>> -> memref<80x128xf32, #tpu.memory_space<hbm>>
    tpu.wait_dma2 semaphore(%arg24 : memref<!tpu.dma_semaphore, #tpu.memory_space<semaphore_mem>>) src(%arg17 : memref<80x128xf32, #tpu.memory_space<vmem>>) dst(%dma_wait3A_123 : memref<80x128xf32, #tpu.memory_space<hbm>>)
    %dma_wait3A_124 = arith.constant 0 : i32
    %dma_wait3A_125 = arith.constant 0 : i32
    %dma_wait3A_126 = tpu.memref_slice %arg8[%dma_wait3A_124, %dma_wait3A_125] : memref<51200x128xf32, #tpu.memory_space<hbm>> -> memref<80x128xf32, #tpu.memory_space<hbm>>
    %dma_wait3A_127 = arith.constant 0 : i32
    %dma_wait3A_128 = arith.constant 0 : i32
    %dma_wait3A_129 = tpu.memref_slice %arg8[%dma_wait3A_127, %dma_wait3A_128] : memref<51200x128xf32, #tpu.memory_space<hbm>> -> memref<80x128xf32, #tpu.memory_space<hbm>>
    tpu.wait_dma2 semaphore(%arg24 : memref<!tpu.dma_semaphore, #tpu.memory_space<semaphore_mem>>) src(%arg18 : memref<80x128xf32, #tpu.memory_space<vmem>>) dst(%dma_wait3A_129 : memref<80x128xf32, #tpu.memory_space<hbm>>)
    %dma_wait3A_130 = arith.constant 0 : i32
    %dma_wait3A_131 = arith.constant 0 : i32
    %dma_wait3A_132 = tpu.memref_slice %arg9[%dma_wait3A_130, %dma_wait3A_131] : memref<51200x128xf32, #tpu.memory_space<hbm>> -> memref<80x128xf32, #tpu.memory_space<hbm>>
    %dma_wait3A_133 = arith.constant 0 : i32
    %dma_wait3A_134 = arith.constant 0 : i32
    %dma_wait3A_135 = tpu.memref_slice %arg9[%dma_wait3A_133, %dma_wait3A_134] : memref<51200x128xf32, #tpu.memory_space<hbm>> -> memref<80x128xf32, #tpu.memory_space<hbm>>
    tpu.wait_dma2 semaphore(%arg24 : memref<!tpu.dma_semaphore, #tpu.memory_space<semaphore_mem>>) src(%arg19 : memref<80x128xf32, #tpu.memory_space<vmem>>) dst(%dma_wait3A_135 : memref<80x128xf32, #tpu.memory_space<hbm>>)
    %dma_wait3A_136 = arith.constant 0 : i32
    %dma_wait3A_137 = arith.constant 0 : i32
    %dma_wait3A_138 = tpu.memref_slice %arg10[%dma_wait3A_136, %dma_wait3A_137] : memref<51200x128xf32, #tpu.memory_space<hbm>> -> memref<80x128xf32, #tpu.memory_space<hbm>>
    %dma_wait3A_139 = arith.constant 0 : i32
    %dma_wait3A_140 = arith.constant 0 : i32
    %dma_wait3A_141 = tpu.memref_slice %arg10[%dma_wait3A_139, %dma_wait3A_140] : memref<51200x128xf32, #tpu.memory_space<hbm>> -> memref<80x128xf32, #tpu.memory_space<hbm>>
    tpu.wait_dma2 semaphore(%arg24 : memref<!tpu.dma_semaphore, #tpu.memory_space<semaphore_mem>>) src(%arg20 : memref<80x128xf32, #tpu.memory_space<vmem>>) dst(%dma_wait3A_141 : memref<80x128xf32, #tpu.memory_space<hbm>>)
    return
  }
}

module attributes {stable_mosaic.version = 14 : i64} {
  func.func @_fuse_body(%arg0: i32, %arg1: memref<300x1024xf32, #tpu.memory_space<vmem>>, %arg2: memref<100x1024xf32, #tpu.memory_space<vmem>>, %arg3: memref<1024x128xf32, #tpu.memory_space<vmem>>, %arg4: memref<1024x128xf32, #tpu.memory_space<vmem>>, %arg5: memref<1024x128xf32, #tpu.memory_space<vmem>>, %arg6: memref<1024x128xf32, #tpu.memory_space<vmem>>) attributes {dimension_semantics = [#tpu.dimension_semantics<arbitrary>], iteration_bounds = array<i64: 98>, scalar_prefetch = 0 : i64, scratch_operands = 0 : i64, tpu.core_type = #tpu.core_type<tc>, window_params = [{transform_indices = @transform_0, window_bounds = array<i64: 300, 1024>}, {transform_indices = @transform_1, window_bounds = array<i64: 100, 1024>}, {transform_indices = @transform_2, window_bounds = array<i64: 1024, 128>}, {transform_indices = @transform_3, window_bounds = array<i64: 1024, 128>}, {transform_indices = @transform_4, window_bounds = array<i64: 1024, 128>}, {transform_indices = @transform_5, window_bounds = array<i64: 1024, 128>}]} {
    %get3A = arith.constant 0 : index
    %get3A_0 = arith.constant 0 : index
    %get3A_1 = vector.load %arg1[%get3A, %get3A_0] : memref<300x1024xf32, #tpu.memory_space<vmem>>, vector<128x1024xf32>
    %transpose3A = tpu.transpose %get3A_1, [1, 0] : vector<128x1024xf32> -> vector<1024x128xf32>
    %swap3A = arith.constant 0 : index
    %swap3A_2 = arith.constant 0 : index
    %swap3A_3 = vector.load %arg3[%swap3A, %swap3A_2] : memref<1024x128xf32, #tpu.memory_space<vmem>>, vector<1024x128xf32>
    tpu.vector_store %arg3[%swap3A, %swap3A_2], %transpose3A {strides = array<i32>} : memref<1024x128xf32, #tpu.memory_space<vmem>>, vector<1024x128xf32>,
    %get3A_4 = arith.constant 128 : index
    %get3A_5 = arith.constant 0 : index
    %get3A_6 = vector.load %arg1[%get3A_4, %get3A_5] : memref<300x1024xf32, #tpu.memory_space<vmem>>, vector<128x1024xf32>
    %transpose3A_7 = tpu.transpose %get3A_6, [1, 0] : vector<128x1024xf32> -> vector<1024x128xf32>
    %swap3A_8 = arith.constant 0 : index
    %swap3A_9 = arith.constant 0 : index
    %swap3A_10 = vector.load %arg4[%swap3A_8, %swap3A_9] : memref<1024x128xf32, #tpu.memory_space<vmem>>, vector<1024x128xf32>
    tpu.vector_store %arg4[%swap3A_8, %swap3A_9], %transpose3A_7 {strides = array<i32>} : memref<1024x128xf32, #tpu.memory_space<vmem>>, vector<1024x128xf32>,
    %get3A_11 = arith.constant 256 : index
    %get3A_12 = arith.constant 0 : index
    %get3A_13 = vector.load %arg1[%get3A_11, %get3A_12] : memref<300x1024xf32, #tpu.memory_space<vmem>>, vector<44x1024xf32>
    %transpose3A_14 = tpu.transpose %get3A_13, [1, 0] : vector<44x1024xf32> -> vector<1024x44xf32>
    %swap3A_15 = arith.constant 0 : index
    %swap3A_16 = arith.constant 0 : index
    %swap3A_17 = vector.load %arg5[%swap3A_15, %swap3A_16] : memref<1024x128xf32, #tpu.memory_space<vmem>>, vector<1024x44xf32>
    tpu.vector_store %arg5[%swap3A_15, %swap3A_16], %transpose3A_14 {strides = array<i32>} : memref<1024x128xf32, #tpu.memory_space<vmem>>, vector<1024x44xf32>,
    %get3A_18 = arith.constant 0 : index
    %get3A_19 = arith.constant 0 : index
    %get3A_20 = vector.load %arg2[%get3A_18, %get3A_19] : memref<100x1024xf32, #tpu.memory_space<vmem>>, vector<84x1024xf32>
    %transpose3A_21 = tpu.transpose %get3A_20, [1, 0] : vector<84x1024xf32> -> vector<1024x84xf32>
    %swap3A_22 = arith.constant 0 : index
    %swap3A_23 = arith.constant 44 : index
    %swap3A_24 = vector.load %arg5[%swap3A_22, %swap3A_23] : memref<1024x128xf32, #tpu.memory_space<vmem>>, vector<1024x84xf32>
    tpu.vector_store %arg5[%swap3A_22, %swap3A_23], %transpose3A_21 {strides = array<i32>} : memref<1024x128xf32, #tpu.memory_space<vmem>>, vector<1024x84xf32>,
    %get3A_25 = arith.constant 84 : index
    %get3A_26 = arith.constant 0 : index
    %get3A_27 = vector.load %arg2[%get3A_25, %get3A_26] : memref<100x1024xf32, #tpu.memory_space<vmem>>, vector<16x1024xf32>
    %transpose3A_28 = tpu.transpose %get3A_27, [1, 0] : vector<16x1024xf32> -> vector<1024x16xf32>
    %swap3A_29 = arith.constant 0 : index
    %swap3A_30 = arith.constant 0 : index
    %swap3A_31 = vector.load %arg6[%swap3A_29, %swap3A_30] : memref<1024x128xf32, #tpu.memory_space<vmem>>, vector<1024x16xf32>
    tpu.vector_store %arg6[%swap3A_29, %swap3A_30], %transpose3A_28 {strides = array<i32>} : memref<1024x128xf32, #tpu.memory_space<vmem>>, vector<1024x16xf32>,
    return
  }
  func.func @transform_0(%arg0: i32) -> (i32, i32) {
    %c0_i32 = arith.constant 0 : i32
    %c0_i32_0 = arith.constant 0 : i32
    return %c0_i32, %arg0 : i32, i32
  }
  func.func @transform_1(%arg0: i32) -> (i32, i32) {
    %c0_i32 = arith.constant 0 : i32
    %c0_i32_0 = arith.constant 0 : i32
    return %c0_i32, %arg0 : i32, i32
  }
  func.func @transform_2(%arg0: i32) -> (i32, i32) {
    %c0_i32 = arith.constant 0 : i32
    %c0_i32_0 = arith.constant 0 : i32
    return %arg0, %c0_i32 : i32, i32
  }
  func.func @transform_3(%arg0: i32) -> (i32, i32) {
    %c0_i32 = arith.constant 0 : i32
    %c0_i32_0 = arith.constant 0 : i32
    return %arg0, %c0_i32 : i32, i32
  }
  func.func @transform_4(%arg0: i32) -> (i32, i32) {
    %c0_i32 = arith.constant 0 : i32
    %c0_i32_0 = arith.constant 0 : i32
    return %arg0, %c0_i32 : i32, i32
  }
  func.func @transform_5(%arg0: i32) -> (i32, i32) {
    %c0_i32 = arith.constant 0 : i32
    %c0_i32_0 = arith.constant 0 : i32
    return %arg0, %c0_i32 : i32, i32
  }
}

module attributes {stable_mosaic.version = 14 : i64} {
  func.func @_xpose_body(%arg0: i32, %arg1: memref<1024x128xf32, #tpu.memory_space<vmem>>, %arg2: memref<1024x128xf32, #tpu.memory_space<vmem>>, %arg3: memref<1024x128xf32, #tpu.memory_space<vmem>>, %arg4: memref<1024x16xf32, #tpu.memory_space<vmem>>, %arg5: memref<1x400x1024xf32, #tpu.memory_space<vmem>>) attributes {dimension_semantics = [#tpu.dimension_semantics<arbitrary>], iteration_bounds = array<i64: 50>, scalar_prefetch = 0 : i64, scratch_operands = 0 : i64, tpu.core_type = #tpu.core_type<tc>, window_params = [{transform_indices = @transform_0, window_bounds = array<i64: 1024, 128>}, {transform_indices = @transform_1, window_bounds = array<i64: 1024, 128>}, {transform_indices = @transform_2, window_bounds = array<i64: 1024, 128>}, {transform_indices = @transform_3, window_bounds = array<i64: 1024, 16>}, {transform_indices = @transform_4, window_bounds = array<i64: 1, 400, 1024>}]} {
    %get3A = arith.constant 0 : index
    %get3A_0 = arith.constant 0 : index
    %get3A_1 = vector.load %arg1[%get3A, %get3A_0] : memref<1024x128xf32, #tpu.memory_space<vmem>>, vector<1024x128xf32>
    %transpose3A = tpu.transpose %get3A_1, [1, 0] : vector<1024x128xf32> -> vector<128x1024xf32>
    %swap3A = arith.constant 0 : index
    %swap3A_2 = arith.constant 0 : index
    %swap3A_3 = arith.constant 0 : index
    %swap3A_4 = vector.load %arg5[%swap3A, %swap3A_2, %swap3A_3] : memref<1x400x1024xf32, #tpu.memory_space<vmem>>, vector<1x128x1024xf32>
    %swap3A_5 = vector.shape_cast %swap3A_4 : vector<1x128x1024xf32> to vector<128x1024xf32>
    %swap3A_6 = vector.shape_cast %transpose3A : vector<128x1024xf32> to vector<1x128x1024xf32>
    tpu.vector_store %arg5[%swap3A, %swap3A_2, %swap3A_3], %swap3A_6 {strides = array<i32>} : memref<1x400x1024xf32, #tpu.memory_space<vmem>>, vector<1x128x1024xf32>,
    %get3A_7 = arith.constant 0 : index
    %get3A_8 = arith.constant 0 : index
    %get3A_9 = vector.load %arg2[%get3A_7, %get3A_8] : memref<1024x128xf32, #tpu.memory_space<vmem>>, vector<1024x128xf32>
    %transpose3A_10 = tpu.transpose %get3A_9, [1, 0] : vector<1024x128xf32> -> vector<128x1024xf32>
    %swap3A_11 = arith.constant 0 : index
    %swap3A_12 = arith.constant 128 : index
    %swap3A_13 = arith.constant 0 : index
    %swap3A_14 = vector.load %arg5[%swap3A_11, %swap3A_12, %swap3A_13] : memref<1x400x1024xf32, #tpu.memory_space<vmem>>, vector<1x128x1024xf32>
    %swap3A_15 = vector.shape_cast %swap3A_14 : vector<1x128x1024xf32> to vector<128x1024xf32>
    %swap3A_16 = vector.shape_cast %transpose3A_10 : vector<128x1024xf32> to vector<1x128x1024xf32>
    tpu.vector_store %arg5[%swap3A_11, %swap3A_12, %swap3A_13], %swap3A_16 {strides = array<i32>} : memref<1x400x1024xf32, #tpu.memory_space<vmem>>, vector<1x128x1024xf32>,
    %get3A_17 = arith.constant 0 : index
    %get3A_18 = arith.constant 0 : index
    %get3A_19 = vector.load %arg3[%get3A_17, %get3A_18] : memref<1024x128xf32, #tpu.memory_space<vmem>>, vector<1024x128xf32>
    %transpose3A_20 = tpu.transpose %get3A_19, [1, 0] : vector<1024x128xf32> -> vector<128x1024xf32>
    %swap3A_21 = arith.constant 0 : index
    %swap3A_22 = arith.constant 256 : index
    %swap3A_23 = arith.constant 0 : index
    %swap3A_24 = vector.load %arg5[%swap3A_21, %swap3A_22, %swap3A_23] : memref<1x400x1024xf32, #tpu.memory_space<vmem>>, vector<1x128x1024xf32>
    %swap3A_25 = vector.shape_cast %swap3A_24 : vector<1x128x1024xf32> to vector<128x1024xf32>
    %swap3A_26 = vector.shape_cast %transpose3A_20 : vector<128x1024xf32> to vector<1x128x1024xf32>
    tpu.vector_store %arg5[%swap3A_21, %swap3A_22, %swap3A_23], %swap3A_26 {strides = array<i32>} : memref<1x400x1024xf32, #tpu.memory_space<vmem>>, vector<1x128x1024xf32>,
    %get3A_27 = arith.constant 0 : index
    %get3A_28 = arith.constant 0 : index
    %get3A_29 = vector.load %arg4[%get3A_27, %get3A_28] : memref<1024x16xf32, #tpu.memory_space<vmem>>, vector<1024x16xf32>
    %transpose3A_30 = tpu.transpose %get3A_29, [1, 0] : vector<1024x16xf32> -> vector<16x1024xf32>
    %swap3A_31 = arith.constant 0 : index
    %swap3A_32 = arith.constant 384 : index
    %swap3A_33 = arith.constant 0 : index
    %swap3A_34 = vector.load %arg5[%swap3A_31, %swap3A_32, %swap3A_33] : memref<1x400x1024xf32, #tpu.memory_space<vmem>>, vector<1x16x1024xf32>
    %swap3A_35 = vector.shape_cast %swap3A_34 : vector<1x16x1024xf32> to vector<16x1024xf32>
    %swap3A_36 = vector.shape_cast %transpose3A_30 : vector<16x1024xf32> to vector<1x16x1024xf32>
    tpu.vector_store %arg5[%swap3A_31, %swap3A_32, %swap3A_33], %swap3A_36 {strides = array<i32>} : memref<1x400x1024xf32, #tpu.memory_space<vmem>>, vector<1x16x1024xf32>,
    return
  }
  func.func @transform_0(%arg0: i32) -> (i32, i32) {
    %c0_i32 = arith.constant 0 : i32
    %c0_i32_0 = arith.constant 0 : i32
    return %arg0, %c0_i32 : i32, i32
  }
  func.func @transform_1(%arg0: i32) -> (i32, i32) {
    %c0_i32 = arith.constant 0 : i32
    %c0_i32_0 = arith.constant 0 : i32
    return %arg0, %c0_i32 : i32, i32
  }
  func.func @transform_2(%arg0: i32) -> (i32, i32) {
    %c0_i32 = arith.constant 0 : i32
    %c0_i32_0 = arith.constant 0 : i32
    return %arg0, %c0_i32 : i32, i32
  }
  func.func @transform_3(%arg0: i32) -> (i32, i32) {
    %c0_i32 = arith.constant 0 : i32
    %c0_i32_0 = arith.constant 0 : i32
    return %arg0, %c0_i32 : i32, i32
  }
  func.func @transform_4(%arg0: i32) -> (i32, i32, i32) {
    %add3A = arith.constant 0 : i32
    %add3A_0 = arith.addi %arg0, %add3A : i32
    %c0_i32 = arith.constant 0 : i32
    %c0_i32_1 = arith.constant 0 : i32
    %c0_i32_2 = arith.constant 0 : i32
    return %add3A_0, %c0_i32, %c0_i32_1 : i32, i32, i32
  }
}

module attributes {stable_mosaic.version = 14 : i64} {
  func.func @body(%arg0: i32, %arg1: memref<200x400x1024xf32, #tpu.memory_space<any>>, %arg2: memref<1024x128xf32, #tpu.memory_space<vmem>>, %arg3: memref<1024x128xf32, #tpu.memory_space<vmem>>, %arg4: memref<1024x128xf32, #tpu.memory_space<vmem>>, %arg5: memref<1024x16xf32, #tpu.memory_space<vmem>>, %arg6: memref<1x400x1024xf32, #tpu.memory_space<vmem>>) attributes {dimension_semantics = [#tpu.dimension_semantics<arbitrary>], iteration_bounds = array<i64: 50>, scalar_prefetch = 0 : i64, scratch_operands = 0 : i64, tpu.core_type = #tpu.core_type<tc>, window_params = [{}, {transform_indices = @transform_1, window_bounds = array<i64: 1024, 128>}, {transform_indices = @transform_2, window_bounds = array<i64: 1024, 128>}, {transform_indices = @transform_3, window_bounds = array<i64: 1024, 128>}, {transform_indices = @transform_4, window_bounds = array<i64: 1024, 16>}, {transform_indices = @transform_5, window_bounds = array<i64: 1, 400, 1024>}]} {
    %get3A = arith.constant 0 : index
    %get3A_0 = arith.constant 0 : index
    %get3A_1 = vector.load %arg2[%get3A, %get3A_0] : memref<1024x128xf32, #tpu.memory_space<vmem>>, vector<1024x128xf32>
    %transpose3A = tpu.transpose %get3A_1, [1, 0] : vector<1024x128xf32> -> vector<128x1024xf32>
    %swap3A = arith.constant 0 : index
    %swap3A_2 = arith.constant 0 : index
    %swap3A_3 = arith.constant 0 : index
    %swap3A_4 = vector.load %arg6[%swap3A, %swap3A_2, %swap3A_3] : memref<1x400x1024xf32, #tpu.memory_space<vmem>>, vector<1x128x1024xf32>
    %swap3A_5 = vector.shape_cast %swap3A_4 : vector<1x128x1024xf32> to vector<128x1024xf32>
    %swap3A_6 = vector.shape_cast %transpose3A : vector<128x1024xf32> to vector<1x128x1024xf32>
    tpu.vector_store %arg6[%swap3A, %swap3A_2, %swap3A_3], %swap3A_6 {strides = array<i32>} : memref<1x400x1024xf32, #tpu.memory_space<vmem>>, vector<1x128x1024xf32>,
    %get3A_7 = arith.constant 0 : index
    %get3A_8 = arith.constant 0 : index
    %get3A_9 = vector.load %arg3[%get3A_7, %get3A_8] : memref<1024x128xf32, #tpu.memory_space<vmem>>, vector<1024x128xf32>
    %transpose3A_10 = tpu.transpose %get3A_9, [1, 0] : vector<1024x128xf32> -> vector<128x1024xf32>
    %swap3A_11 = arith.constant 0 : index
    %swap3A_12 = arith.constant 128 : index
    %swap3A_13 = arith.constant 0 : index
    %swap3A_14 = vector.load %arg6[%swap3A_11, %swap3A_12, %swap3A_13] : memref<1x400x1024xf32, #tpu.memory_space<vmem>>, vector<1x128x1024xf32>
    %swap3A_15 = vector.shape_cast %swap3A_14 : vector<1x128x1024xf32> to vector<128x1024xf32>
    %swap3A_16 = vector.shape_cast %transpose3A_10 : vector<128x1024xf32> to vector<1x128x1024xf32>
    tpu.vector_store %arg6[%swap3A_11, %swap3A_12, %swap3A_13], %swap3A_16 {strides = array<i32>} : memref<1x400x1024xf32, #tpu.memory_space<vmem>>, vector<1x128x1024xf32>,
    %get3A_17 = arith.constant 0 : index
    %get3A_18 = arith.constant 0 : index
    %get3A_19 = vector.load %arg4[%get3A_17, %get3A_18] : memref<1024x128xf32, #tpu.memory_space<vmem>>, vector<1024x128xf32>
    %transpose3A_20 = tpu.transpose %get3A_19, [1, 0] : vector<1024x128xf32> -> vector<128x1024xf32>
    %swap3A_21 = arith.constant 0 : index
    %swap3A_22 = arith.constant 256 : index
    %swap3A_23 = arith.constant 0 : index
    %swap3A_24 = vector.load %arg6[%swap3A_21, %swap3A_22, %swap3A_23] : memref<1x400x1024xf32, #tpu.memory_space<vmem>>, vector<1x128x1024xf32>
    %swap3A_25 = vector.shape_cast %swap3A_24 : vector<1x128x1024xf32> to vector<128x1024xf32>
    %swap3A_26 = vector.shape_cast %transpose3A_20 : vector<128x1024xf32> to vector<1x128x1024xf32>
    tpu.vector_store %arg6[%swap3A_21, %swap3A_22, %swap3A_23], %swap3A_26 {strides = array<i32>} : memref<1x400x1024xf32, #tpu.memory_space<vmem>>, vector<1x128x1024xf32>,
    %get3A_27 = arith.constant 0 : index
    %get3A_28 = arith.constant 0 : index
    %get3A_29 = vector.load %arg5[%get3A_27, %get3A_28] : memref<1024x16xf32, #tpu.memory_space<vmem>>, vector<1024x16xf32>
    %transpose3A_30 = tpu.transpose %get3A_29, [1, 0] : vector<1024x16xf32> -> vector<16x1024xf32>
    %swap3A_31 = arith.constant 0 : index
    %swap3A_32 = arith.constant 384 : index
    %swap3A_33 = arith.constant 0 : index
    %swap3A_34 = vector.load %arg6[%swap3A_31, %swap3A_32, %swap3A_33] : memref<1x400x1024xf32, #tpu.memory_space<vmem>>, vector<1x16x1024xf32>
    %swap3A_35 = vector.shape_cast %swap3A_34 : vector<1x16x1024xf32> to vector<16x1024xf32>
    %swap3A_36 = vector.shape_cast %transpose3A_30 : vector<16x1024xf32> to vector<1x16x1024xf32>
    tpu.vector_store %arg6[%swap3A_31, %swap3A_32, %swap3A_33], %swap3A_36 {strides = array<i32>} : memref<1x400x1024xf32, #tpu.memory_space<vmem>>, vector<1x16x1024xf32>,
    return
  }
  func.func @transform_1(%arg0: i32) -> (i32, i32) {
    %c0_i32 = arith.constant 0 : i32
    %c0_i32_0 = arith.constant 0 : i32
    return %arg0, %c0_i32 : i32, i32
  }
  func.func @transform_2(%arg0: i32) -> (i32, i32) {
    %c0_i32 = arith.constant 0 : i32
    %c0_i32_0 = arith.constant 0 : i32
    return %arg0, %c0_i32 : i32, i32
  }
  func.func @transform_3(%arg0: i32) -> (i32, i32) {
    %c0_i32 = arith.constant 0 : i32
    %c0_i32_0 = arith.constant 0 : i32
    return %arg0, %c0_i32 : i32, i32
  }
  func.func @transform_4(%arg0: i32) -> (i32, i32) {
    %c0_i32 = arith.constant 0 : i32
    %c0_i32_0 = arith.constant 0 : i32
    return %arg0, %c0_i32 : i32, i32
  }
  func.func @transform_5(%arg0: i32) -> (i32, i32, i32) {
    %add3A = arith.constant 50 : i32
    %add3A_0 = arith.addi %arg0, %add3A : i32
    %c0_i32 = arith.constant 0 : i32
    %c0_i32_1 = arith.constant 0 : i32
    %c0_i32_2 = arith.constant 0 : i32
    return %add3A_0, %c0_i32, %c0_i32_1 : i32, i32, i32
  }
}

module attributes {stable_mosaic.version = 14 : i64} {
  func.func @body(%arg0: i32, %arg1: memref<200x400x1024xf32, #tpu.memory_space<any>>, %arg2: memref<1024x128xf32, #tpu.memory_space<vmem>>, %arg3: memref<1024x128xf32, #tpu.memory_space<vmem>>, %arg4: memref<1024x128xf32, #tpu.memory_space<vmem>>, %arg5: memref<1024x16xf32, #tpu.memory_space<vmem>>, %arg6: memref<1x400x1024xf32, #tpu.memory_space<vmem>>) attributes {dimension_semantics = [#tpu.dimension_semantics<arbitrary>], iteration_bounds = array<i64: 50>, scalar_prefetch = 0 : i64, scratch_operands = 0 : i64, tpu.core_type = #tpu.core_type<tc>, window_params = [{}, {transform_indices = @transform_1, window_bounds = array<i64: 1024, 128>}, {transform_indices = @transform_2, window_bounds = array<i64: 1024, 128>}, {transform_indices = @transform_3, window_bounds = array<i64: 1024, 128>}, {transform_indices = @transform_4, window_bounds = array<i64: 1024, 16>}, {transform_indices = @transform_5, window_bounds = array<i64: 1, 400, 1024>}]} {
    %get3A = arith.constant 0 : index
    %get3A_0 = arith.constant 0 : index
    %get3A_1 = vector.load %arg2[%get3A, %get3A_0] : memref<1024x128xf32, #tpu.memory_space<vmem>>, vector<1024x128xf32>
    %transpose3A = tpu.transpose %get3A_1, [1, 0] : vector<1024x128xf32> -> vector<128x1024xf32>
    %swap3A = arith.constant 0 : index
    %swap3A_2 = arith.constant 0 : index
    %swap3A_3 = arith.constant 0 : index
    %swap3A_4 = vector.load %arg6[%swap3A, %swap3A_2, %swap3A_3] : memref<1x400x1024xf32, #tpu.memory_space<vmem>>, vector<1x128x1024xf32>
    %swap3A_5 = vector.shape_cast %swap3A_4 : vector<1x128x1024xf32> to vector<128x1024xf32>
    %swap3A_6 = vector.shape_cast %transpose3A : vector<128x1024xf32> to vector<1x128x1024xf32>
    tpu.vector_store %arg6[%swap3A, %swap3A_2, %swap3A_3], %swap3A_6 {strides = array<i32>} : memref<1x400x1024xf32, #tpu.memory_space<vmem>>, vector<1x128x1024xf32>,
    %get3A_7 = arith.constant 0 : index
    %get3A_8 = arith.constant 0 : index
    %get3A_9 = vector.load %arg3[%get3A_7, %get3A_8] : memref<1024x128xf32, #tpu.memory_space<vmem>>, vector<1024x128xf32>
    %transpose3A_10 = tpu.transpose %get3A_9, [1, 0] : vector<1024x128xf32> -> vector<128x1024xf32>
    %swap3A_11 = arith.constant 0 : index
    %swap3A_12 = arith.constant 128 : index
    %swap3A_13 = arith.constant 0 : index
    %swap3A_14 = vector.load %arg6[%swap3A_11, %swap3A_12, %swap3A_13] : memref<1x400x1024xf32, #tpu.memory_space<vmem>>, vector<1x128x1024xf32>
    %swap3A_15 = vector.shape_cast %swap3A_14 : vector<1x128x1024xf32> to vector<128x1024xf32>
    %swap3A_16 = vector.shape_cast %transpose3A_10 : vector<128x1024xf32> to vector<1x128x1024xf32>
    tpu.vector_store %arg6[%swap3A_11, %swap3A_12, %swap3A_13], %swap3A_16 {strides = array<i32>} : memref<1x400x1024xf32, #tpu.memory_space<vmem>>, vector<1x128x1024xf32>,
    %get3A_17 = arith.constant 0 : index
    %get3A_18 = arith.constant 0 : index
    %get3A_19 = vector.load %arg4[%get3A_17, %get3A_18] : memref<1024x128xf32, #tpu.memory_space<vmem>>, vector<1024x128xf32>
    %transpose3A_20 = tpu.transpose %get3A_19, [1, 0] : vector<1024x128xf32> -> vector<128x1024xf32>
    %swap3A_21 = arith.constant 0 : index
    %swap3A_22 = arith.constant 256 : index
    %swap3A_23 = arith.constant 0 : index
    %swap3A_24 = vector.load %arg6[%swap3A_21, %swap3A_22, %swap3A_23] : memref<1x400x1024xf32, #tpu.memory_space<vmem>>, vector<1x128x1024xf32>
    %swap3A_25 = vector.shape_cast %swap3A_24 : vector<1x128x1024xf32> to vector<128x1024xf32>
    %swap3A_26 = vector.shape_cast %transpose3A_20 : vector<128x1024xf32> to vector<1x128x1024xf32>
    tpu.vector_store %arg6[%swap3A_21, %swap3A_22, %swap3A_23], %swap3A_26 {strides = array<i32>} : memref<1x400x1024xf32, #tpu.memory_space<vmem>>, vector<1x128x1024xf32>,
    %get3A_27 = arith.constant 0 : index
    %get3A_28 = arith.constant 0 : index
    %get3A_29 = vector.load %arg5[%get3A_27, %get3A_28] : memref<1024x16xf32, #tpu.memory_space<vmem>>, vector<1024x16xf32>
    %transpose3A_30 = tpu.transpose %get3A_29, [1, 0] : vector<1024x16xf32> -> vector<16x1024xf32>
    %swap3A_31 = arith.constant 0 : index
    %swap3A_32 = arith.constant 384 : index
    %swap3A_33 = arith.constant 0 : index
    %swap3A_34 = vector.load %arg6[%swap3A_31, %swap3A_32, %swap3A_33] : memref<1x400x1024xf32, #tpu.memory_space<vmem>>, vector<1x16x1024xf32>
    %swap3A_35 = vector.shape_cast %swap3A_34 : vector<1x16x1024xf32> to vector<16x1024xf32>
    %swap3A_36 = vector.shape_cast %transpose3A_30 : vector<16x1024xf32> to vector<1x16x1024xf32>
    tpu.vector_store %arg6[%swap3A_31, %swap3A_32, %swap3A_33], %swap3A_36 {strides = array<i32>} : memref<1x400x1024xf32, #tpu.memory_space<vmem>>, vector<1x16x1024xf32>,
    return
  }
  func.func @transform_1(%arg0: i32) -> (i32, i32) {
    %c0_i32 = arith.constant 0 : i32
    %c0_i32_0 = arith.constant 0 : i32
    return %arg0, %c0_i32 : i32, i32
  }
  func.func @transform_2(%arg0: i32) -> (i32, i32) {
    %c0_i32 = arith.constant 0 : i32
    %c0_i32_0 = arith.constant 0 : i32
    return %arg0, %c0_i32 : i32, i32
  }
  func.func @transform_3(%arg0: i32) -> (i32, i32) {
    %c0_i32 = arith.constant 0 : i32
    %c0_i32_0 = arith.constant 0 : i32
    return %arg0, %c0_i32 : i32, i32
  }
  func.func @transform_4(%arg0: i32) -> (i32, i32) {
    %c0_i32 = arith.constant 0 : i32
    %c0_i32_0 = arith.constant 0 : i32
    return %arg0, %c0_i32 : i32, i32
  }
  func.func @transform_5(%arg0: i32) -> (i32, i32, i32) {
    %add3A = arith.constant 100 : i32
    %add3A_0 = arith.addi %arg0, %add3A : i32
    %c0_i32 = arith.constant 0 : i32
    %c0_i32_1 = arith.constant 0 : i32
    %c0_i32_2 = arith.constant 0 : i32
    return %add3A_0, %c0_i32, %c0_i32_1 : i32, i32, i32
  }
}

module attributes {stable_mosaic.version = 14 : i64} {
  func.func @body(%arg0: i32, %arg1: memref<200x400x1024xf32, #tpu.memory_space<any>>, %arg2: memref<1024x128xf32, #tpu.memory_space<vmem>>, %arg3: memref<1024x128xf32, #tpu.memory_space<vmem>>, %arg4: memref<1024x128xf32, #tpu.memory_space<vmem>>, %arg5: memref<1024x16xf32, #tpu.memory_space<vmem>>, %arg6: memref<1x400x1024xf32, #tpu.memory_space<vmem>>) attributes {dimension_semantics = [#tpu.dimension_semantics<arbitrary>], iteration_bounds = array<i64: 50>, scalar_prefetch = 0 : i64, scratch_operands = 0 : i64, tpu.core_type = #tpu.core_type<tc>, window_params = [{}, {transform_indices = @transform_1, window_bounds = array<i64: 1024, 128>}, {transform_indices = @transform_2, window_bounds = array<i64: 1024, 128>}, {transform_indices = @transform_3, window_bounds = array<i64: 1024, 128>}, {transform_indices = @transform_4, window_bounds = array<i64: 1024, 16>}, {transform_indices = @transform_5, window_bounds = array<i64: 1, 400, 1024>}]} {
    %get3A = arith.constant 0 : index
    %get3A_0 = arith.constant 0 : index
    %get3A_1 = vector.load %arg2[%get3A, %get3A_0] : memref<1024x128xf32, #tpu.memory_space<vmem>>, vector<1024x128xf32>
    %transpose3A = tpu.transpose %get3A_1, [1, 0] : vector<1024x128xf32> -> vector<128x1024xf32>
    %swap3A = arith.constant 0 : index
    %swap3A_2 = arith.constant 0 : index
    %swap3A_3 = arith.constant 0 : index
    %swap3A_4 = vector.load %arg6[%swap3A, %swap3A_2, %swap3A_3] : memref<1x400x1024xf32, #tpu.memory_space<vmem>>, vector<1x128x1024xf32>
    %swap3A_5 = vector.shape_cast %swap3A_4 : vector<1x128x1024xf32> to vector<128x1024xf32>
    %swap3A_6 = vector.shape_cast %transpose3A : vector<128x1024xf32> to vector<1x128x1024xf32>
    tpu.vector_store %arg6[%swap3A, %swap3A_2, %swap3A_3], %swap3A_6 {strides = array<i32>} : memref<1x400x1024xf32, #tpu.memory_space<vmem>>, vector<1x128x1024xf32>,
    %get3A_7 = arith.constant 0 : index
    %get3A_8 = arith.constant 0 : index
    %get3A_9 = vector.load %arg3[%get3A_7, %get3A_8] : memref<1024x128xf32, #tpu.memory_space<vmem>>, vector<1024x128xf32>
    %transpose3A_10 = tpu.transpose %get3A_9, [1, 0] : vector<1024x128xf32> -> vector<128x1024xf32>
    %swap3A_11 = arith.constant 0 : index
    %swap3A_12 = arith.constant 128 : index
    %swap3A_13 = arith.constant 0 : index
    %swap3A_14 = vector.load %arg6[%swap3A_11, %swap3A_12, %swap3A_13] : memref<1x400x1024xf32, #tpu.memory_space<vmem>>, vector<1x128x1024xf32>
    %swap3A_15 = vector.shape_cast %swap3A_14 : vector<1x128x1024xf32> to vector<128x1024xf32>
    %swap3A_16 = vector.shape_cast %transpose3A_10 : vector<128x1024xf32> to vector<1x128x1024xf32>
    tpu.vector_store %arg6[%swap3A_11, %swap3A_12, %swap3A_13], %swap3A_16 {strides = array<i32>} : memref<1x400x1024xf32, #tpu.memory_space<vmem>>, vector<1x128x1024xf32>,
    %get3A_17 = arith.constant 0 : index
    %get3A_18 = arith.constant 0 : index
    %get3A_19 = vector.load %arg4[%get3A_17, %get3A_18] : memref<1024x128xf32, #tpu.memory_space<vmem>>, vector<1024x128xf32>
    %transpose3A_20 = tpu.transpose %get3A_19, [1, 0] : vector<1024x128xf32> -> vector<128x1024xf32>
    %swap3A_21 = arith.constant 0 : index
    %swap3A_22 = arith.constant 256 : index
    %swap3A_23 = arith.constant 0 : index
    %swap3A_24 = vector.load %arg6[%swap3A_21, %swap3A_22, %swap3A_23] : memref<1x400x1024xf32, #tpu.memory_space<vmem>>, vector<1x128x1024xf32>
    %swap3A_25 = vector.shape_cast %swap3A_24 : vector<1x128x1024xf32> to vector<128x1024xf32>
    %swap3A_26 = vector.shape_cast %transpose3A_20 : vector<128x1024xf32> to vector<1x128x1024xf32>
    tpu.vector_store %arg6[%swap3A_21, %swap3A_22, %swap3A_23], %swap3A_26 {strides = array<i32>} : memref<1x400x1024xf32, #tpu.memory_space<vmem>>, vector<1x128x1024xf32>,
    %get3A_27 = arith.constant 0 : index
    %get3A_28 = arith.constant 0 : index
    %get3A_29 = vector.load %arg5[%get3A_27, %get3A_28] : memref<1024x16xf32, #tpu.memory_space<vmem>>, vector<1024x16xf32>
    %transpose3A_30 = tpu.transpose %get3A_29, [1, 0] : vector<1024x16xf32> -> vector<16x1024xf32>
    %swap3A_31 = arith.constant 0 : index
    %swap3A_32 = arith.constant 384 : index
    %swap3A_33 = arith.constant 0 : index
    %swap3A_34 = vector.load %arg6[%swap3A_31, %swap3A_32, %swap3A_33] : memref<1x400x1024xf32, #tpu.memory_space<vmem>>, vector<1x16x1024xf32>
    %swap3A_35 = vector.shape_cast %swap3A_34 : vector<1x16x1024xf32> to vector<16x1024xf32>
    %swap3A_36 = vector.shape_cast %transpose3A_30 : vector<16x1024xf32> to vector<1x16x1024xf32>
    tpu.vector_store %arg6[%swap3A_31, %swap3A_32, %swap3A_33], %swap3A_36 {strides = array<i32>} : memref<1x400x1024xf32, #tpu.memory_space<vmem>>, vector<1x16x1024xf32>,
    return
  }
  func.func @transform_1(%arg0: i32) -> (i32, i32) {
    %c0_i32 = arith.constant 0 : i32
    %c0_i32_0 = arith.constant 0 : i32
    return %arg0, %c0_i32 : i32, i32
  }
  func.func @transform_2(%arg0: i32) -> (i32, i32) {
    %c0_i32 = arith.constant 0 : i32
    %c0_i32_0 = arith.constant 0 : i32
    return %arg0, %c0_i32 : i32, i32
  }
  func.func @transform_3(%arg0: i32) -> (i32, i32) {
    %c0_i32 = arith.constant 0 : i32
    %c0_i32_0 = arith.constant 0 : i32
    return %arg0, %c0_i32 : i32, i32
  }
  func.func @transform_4(%arg0: i32) -> (i32, i32) {
    %c0_i32 = arith.constant 0 : i32
    %c0_i32_0 = arith.constant 0 : i32
    return %arg0, %c0_i32 : i32, i32
  }
  func.func @transform_5(%arg0: i32) -> (i32, i32, i32) {
    %add3A = arith.constant 150 : i32
    %add3A_0 = arith.addi %arg0, %add3A : i32
    %c0_i32 = arith.constant 0 : i32
    %c0_i32_1 = arith.constant 0 : i32
    %c0_i32_2 = arith.constant 0 : i32
    return %add3A_0, %c0_i32, %c0_i32_1 : i32, i32, i32
  }
}

</mosaic_0001>

<sc_bundles>
// kernel: kernel.11.cloned.1.call-start
scs
__scs_entry_jumppad:
0x0: {  	(pc) =	sbr.rel $0x88, $3  }
0x1: {  	(tag) =	ssettag $0x0;
	lr =	simm.s32 $0x1  }
0x2: {  	[smem:$0x3F9E] =	sst lr;
	_ =	strace $0xD0000000  }
0x3: {  	_ = 	snop  }
0x4: {  	_ = 	snop  }
0x5: {  	_ = 	snop  }
0x6: {  	_ = 	snop  }
0x7: {  	_ = 	snop  }
__scs_overlays_trampoline_lowered:
0x8: {  	[smem:$0x3FAD] =	sst s0  }
0x9: {  	[smem:$0x3FAE] =	sst s1  }
0xa: {  	[smem:$0x3FAF] =	sst s2  }
0xb: {  	[smem:$0x3FB0] =	sst s3  }
0xc: {  	[smem:$0x3FB1] =	sst s4  }
0xd: {  	[smem:$0x3FB2] =	sst s5  }
0xe: {  	[smem:$0x3FB3] =	sst s6  }
0xf: {  	[smem:$0x3FB4] =	sst s7  }
0x10: {  	[smem:$0x3FB5] =	sst s8  }
0x11: {  	[smem:$0x3FB6] =	sst s9;
	s0 =	simm.s32 @!p0 $0x0  }
0x12: {  	s1 =	sld [smem:$0x3F9C];
	s0 =	simm.s32 @p0 $0x1  }
0x13: {  	[smem:$0x3FB7] =	sst s0;
	s0 =	simm.s32 @!p1 $0x0  }
0x14: {  	s2 =	sld [smem:$0x3F9B];
	s0 =	simm.s32 @p1 $0x1  }
0x15: {  	[smem:$0x3FB8] =	sst s0;
	s0 =	simm.s32 @!p2 $0x0  }
0x16: {  	s3 =	sld [smem:$0x3FDB];
	s0 =	simm.s32 @p2 $0x1  }
0x17: {  	s4 =	simm.s32 $0x1BF5;
	[smem:$0x3FBA] =	sst s0  }
0x18: {  	s0 =	sld [smem:$0x3F9D];
	_ =	swait.ge [sflag:s4], $0x0  }
0x19: {  	s7 =	sld [smem:$0x3F9E]  }
0x1a: {  	s8 =	sadd.s32 $0xFFFFE003, lr  }
0x1b: {  	s9 =	sadd.s32 $0xFFFFFEF7, lr;
	s5 =	simm.s32 $0xFFFFFFFF;
	p2 =	slt.u32 s8, $0xFFFFF086  }
0x1c: {  	p1 =	slt.u32 s9, $0xF7A;
	s5 =	simm.s32 @!p2 $0x0  }
0x1d: {  	s5 =	simm.s32 @p1 $0x1;
	p0 =	seq.s32 s7, s2  }
0x1e: {  	s7 =	smul.u32 @!p0 $0xF7A, s2;
	p2 =	seq.s32 @!p0 s5, $0x0  }
0x1f: {  	s9 =	smul.u32 $0xF7A, s1;
	s8 =	simm.s32 @!p0 $0x1BF5;
	p2 =	por !p2, p0  }
0x20: {  	[sflag:s8] =	ssyncset.s32 @!p0 $0xFFFFF086;
	s6 =	sadd.s32 @!p0 s3, s7;
	s7 =	simm.s32 @!p0 $0x108  }
0x21: {  	s3 =	sadd.s32 s3, s9;
	s6 =	sadd.s32 @!p0 $0x88, s6;
	s7 =	simm.s32 @p2 $0x1082  }
0x22: {  	[simem:s7], [sflag:s8] =	dma.local @!p0 [hbm:s6], $0xF7A  }
0x23: {  	s9 =	sor.u32 $0xD0000000, s2;
	s6 =	simm.s32 $0x108;
	_ =	swait.ge @!p0 [sflag:s8], $0x0  }
0x24: {  	s3 =	sadd.s32 $0x88, s3;
	s6 =	simm.s32 @!p1 $0x1082;
	[sflag:s4] =	ssyncset.s32 $0xFFFFF086  }
0x25: {  	[simem:s6], [sflag:s4] =	dma.local [hbm:s3], $0xF7A  }
0x26: {  	[smem:$0x3F9E] =	sst s1;
	(tag) =	ssettag s2;
	_ =	strace s9  }
0x27: {  	s1 =	sld [smem:$0x3FAE]  }
0x28: {  	s2 =	sld [smem:$0x3FAF]  }
0x29: {  	s4 =	sld [smem:$0x3FB1]  }
0x2a: {  	p0 =	seq.s32 s5, $0x0;
	s5 =	sld [smem:$0x3FB2]  }
0x2b: {  	s6 =	sld [smem:$0x3FB3]  }
0x2c: {  	s7 =	sld [smem:$0x3FB4]  }
0x2d: {  	s3 =	simm.s32 $0x108;
	s8 =	sld [smem:$0x3FB5]  }
0x2e: {  	s3 =	simm.s32 @!p0 $0x1082;
	s9 =	sld [smem:$0x3FB6]  }
0x2f: {  	lr =	sadd.s32 s0, s3;
	s0 =	sld [smem:$0x3FAD]  }
0x30: {  	s3 =	sld [smem:$0x3FB0]  }
0x31: {  	[smem:$0x3FB9] =	sst s10  }
0x32: {  	s10 =	sld [smem:$0x3FB7];
	_ =	sdelay $0x3  }
0x33: {  	p0 =	seq.s32 s10, $0x1;
	s10 =	sld [smem:$0x3FB9];
	_ =	sdelay $0x3  }
0x34: {  	[smem:$0x3FB9] =	sst s10  }
0x35: {  	s10 =	sld [smem:$0x3FB8];
	_ =	sdelay $0x3  }
0x36: {  	p1 =	seq.s32 s10, $0x1;
	s10 =	sld [smem:$0x3FB9];
	_ =	sdelay $0x3  }
0x37: {  	[smem:$0x3FB9] =	sst s10  }
0x38: {  	s10 =	sld [smem:$0x3FBA]  }
0x39: {  	_ = 	snop;
	(pc) =	sbr.ind lr, $3  }
0x3a: {  	_ = 	snop  }
0x3b: {  	_ = 	snop  }
0x3c: {  	p2 =	seq.s32 s10, $0x1;
	s10 =	sld [smem:$0x3FB9]  }
0x3d: {  	_ =	shalt  }
0x3e: {  	_ =	shalt  }
0x3f: {  	_ =	shalt  }
0x40: {  	_ =	shalt  }
0x41: {  	_ =	shalt  }
0x42: {  	_ =	shalt  }
0x43: {  	_ =	shalt  }
0x44: {  	_ =	shalt  }
0x45: {  	_ =	shalt  }
0x46: {  	_ =	shalt  }
0x47: {  	_ =	shalt  }
0x48: {  	_ =	shalt  }
0x49: {  	_ =	shalt  }
0x4a: {  	_ =	shalt  }
0x4b: {  	_ =	shalt  }
0x4c: {  	_ =	shalt  }
0x4d: {  	_ =	shalt  }
0x4e: {  	_ =	shalt  }
0x4f: {  	_ =	shalt  }
0x50: {  	_ =	shalt  }
0x51: {  	_ =	shalt  }
0x52: {  	_ =	shalt  }
0x53: {  	_ =	shalt  }
0x54: {  	_ =	shalt  }
0x55: {  	_ =	shalt  }
0x56: {  	_ =	shalt  }
0x57: {  	_ =	shalt  }
0x58: {  	_ =	shalt  }
0x59: {  	_ =	shalt  }
0x5a: {  	_ =	shalt  }
0x5b: {  	_ =	shalt  }
0x5c: {  	_ =	shalt  }
0x5d: {  	_ =	shalt  }
0x5e: {  	_ =	shalt  }
0x5f: {  	_ =	shalt  }
0x60: {  	_ =	shalt  }
0x61: {  	_ =	shalt  }
0x62: {  	_ =	shalt  }
0x63: {  	_ =	shalt  }
0x64: {  	_ =	shalt  }
0x65: {  	_ =	shalt  }
0x66: {  	_ =	shalt  }
0x67: {  	_ =	shalt  }
0x68: {  	_ =	shalt  }
0x69: {  	_ =	shalt  }
0x6a: {  	_ =	shalt  }
0x6b: {  	_ =	shalt  }
0x6c: {  	_ =	shalt  }
0x6d: {  	_ =	shalt  }
0x6e: {  	_ =	shalt  }
0x6f: {  	_ =	shalt  }
0x70: {  	_ =	shalt  }
0x71: {  	_ =	shalt  }
0x72: {  	_ =	shalt  }
0x73: {  	_ =	shalt  }
0x74: {  	_ =	shalt  }
0x75: {  	_ =	shalt  }
0x76: {  	_ =	shalt  }
0x77: {  	_ =	shalt  }
0x78: {  	_ =	shalt  }
0x79: {  	_ =	shalt  }
0x7a: {  	_ =	shalt  }
0x7b: {  	_ =	shalt  }
0x7c: {  	_ =	shalt  }
0x7d: {  	_ =	shalt  }
0x7e: {  	_ =	shalt  }
0x7f: {  	_ =	shalt  }
0x80: {  	_ =	shalt  }
0x81: {  	_ =	shalt  }
0x82: {  	_ =	shalt  }
0x83: {  	_ =	shalt  }
0x84: {  	_ =	shalt  }
0x85: {  	_ =	shalt  }
0x86: {  	_ =	shalt  }
0x87: {  	_ =	shalt  }
.Lfunc_end0:
.L_simem_size_0:
called_computation_lowered:
.L_overlay_start_0:
0x88: {  	s2 =	sld [smem:$0x3FD9]  }
0x89: {  	s3 =	sld [smem:$0x3FFE];
	_ =	sdelay $0x1  }
0x8a: {  	s1 =	srdreg.scid  }
0x8b: {  	s0 =	sand.u32 $0x1, s1  }
0x8c: {  	s17 =	sshll.u32 s0, $0xA;
	s2 =	sadd.s32 s3, s2  }
0x8d: {  	s2 =	sadd.s32 s2, s17  }
0x8e: {  	[smem:$0x3FC5] =	sst s2  }
0x8f: {  	_ = 	snop  }
0x90: {  	s2 =	sld [smem:$0x3FD0];
	(tm) =	ssettm $0x1  }
0x91: {  	s18 =	sld [smem:$0x3FFB];
	_ =	sdelay $0x3  }
0x92: {  	_ =	strace s18  }
0x93: {  	s3 =	sld [smem:$0x3FFC];
	_ =	sdelay $0x3  }
0x94: {  	_ =	strace s3  }
0x95: {  	s3 =	sld [smem:$0x3FFD];
	_ =	sdelay $0x3  }
0x96: {  	_ =	strace s3  }
0x97: {  	_ =	strace $0x8FFFFFFF  }
0x98: {  	s19 =	sld [smem:$0x3FDB];
	_ =	sdelay $0x1  }
0x99: {  	s4 =	simm.s32 $_scs_section_size  }
0x9a: {  	s5 =	simm.s32 $_size__tile_overlayer_lowered;
	s6 =	simm.s32 $_tile_overlayer_lowered  }
0x9b: {  	s22 =	simm.s32 $0x1BFF;
	s21 =	sshll.u32 s6, $0x1;
	s3 =	sadd.s32 s4, s19  }
0x9c: {  	s7 =	simm.s32 $0x0;
	s20 =	sshll.u32 s5, $0x1;
	s5 =	sadd.s32 s21, s3  }
0x9d: {  	[timem:s7], [sflag:s22] =	dma.local [hbm:s5], s20  }
0x9e: {  	_ =	swait.ge [sflag:s22], s20  }
0x9f: {  	s4 =	ssub.s32 $0x0, s20;
	[sflag:s22] =	ssyncset.done $0x0  }
0xa0: {  	[sflag:s22] =	ssyncadd.s32 s4;
	_ =	sdelay $0x1  }
0xa1: {  	s23 =	simm.s32 $0x1B8B  }
0xa2: {  	_ =	swait.ge [sflag:s23], $0x1  }
0xa3: {  	[sflag:s23] =	ssyncset.done $0x0  }
0xa4: {  	s25 =	simm.s32 $0x1B8E;
	s24 =	sld [smem:$0x3FFE];
	[sflag:s23] =	ssyncadd.s32 $0xFFFFFFFF  }
0xa5: {  	s26 =	simm.s32 $execute0_lowered;
	[smem:$0x3FD2] =	sst s25  }
0xa6: {  	s5 =	sshll.u32 s26, $0x1;
	_ =	strace $0x80000046;
	[dreg:$0x1] =	wrdreg $0xFFFFFFFF  }
0xa7: {  	s28 =	simm.s32 $_size_execute0_lowered;
	s3 =	sadd.s32 s3, s5;
	[dreg:$0x0] =	wrdreg $0x0  }
0xa8: {  	s5 =	sshll.u32 s28, $0x1;
	[dreg:$0x2] =	wrdreg s3  }
0xa9: {  	[dreg:$0x3] =	wrdreg s5  }
0xaa: {  	[dreg:$0x4] =	wrdreg $0xC0  }
0xab: {  	_ =	task [dreg:s7], $0x5FFFF  }
0xac: {  	[dreg:$0x1] =	wrdreg $0xFFFFFFFF  }
0xad: {  	[dreg:$0x0] =	wrdreg $0x60  }
0xae: {  	[dreg:$0x2] =	wrdreg s24  }
0xaf: {  	[dreg:$0x3] =	wrdreg s2  }
0xb0: {  	[dreg:$0x4] =	wrdreg $0x9  }
0xb1: {  	_ =	task.clear_ibuf [dreg:s7], $0x5FFFF;
	_ =	strace $0x90000046  }
0xb2: {  	s29 =	simm.s32 $0x9;
	_ =	strace $0x80000048  }
0xb3: {  	_ =	swait.ge [sflag:s29], $0x1  }
0xb4: {  	[sflag:s29] =	ssyncadd.s32 $0xFFFFFFFF  }
0xb5: {  	_ =	strace $0x90000048  }
0xb6: {  	_ =	sfence  }
0xb7: {  	s30 =	sld [smem:$0x0];
	_ =	sdelay $0x2  }
0xb8: {  	s31 =	sshll.u32 s1, $0xD;
	s1 =	sshrl.u32 s1, $0x2  }
0xb9: {  	s3 =	sand.u32 $0x4000, s31;
	s1 =	sadd.s32 s1, s30  }
0xba: {  	s0 =	sor.u32 s3, s0;
	s1 =	sshll.u32 s1, $0x11  }
0xbb: {  	s0 =	sor.u32 s1, s0  }
0xbc: {  	s0 =	sadd.s32 $0x8F2B, s0  }
0xbd: {  	[sflag:s0] =	ssyncadd.remote.s32 $0x1  }
0xbe: {  	_ =	sfence.sel $0xFFFF  }
0xbf: {  	[dreg:$0x0] =	wrdreg $0xFFFFFFFF;
	(pc) =	sbr.abs _section_cstart, $3  }
0xc0: {  	[dreg:$0x1] =	wrdreg $0xFFFFFFFF  }
0xc1: {  	_ =	task.clear_ibuf [dreg:s7], $0x2FFFF;
	_ =	strace $0x9FFFFFFF  }
0xc2: {  	(tm) =	ssettm $0x7FFFFFFF  }
0xc3: {  	_ =	shalt  }
tec
execute0_lowered:
.L_overlay_start_1:
0x0: {  	(tag) =	ssettag $0x1  }
0x1: {  	s0 =	rddreg [dreg:$0x0]  }
0x2: {  	s1 =	rddreg [dreg:$0x1];
	s3 =	simm.s32 $0x0  }
0x3: {  	s2 =	srdreg.scid;
	s13 =	stileid.u32;
	s29 =	simm.s32 $0xA0A0  }
0x4: {  	s30 =	simm.s32 $0xC8A0;
	s31 =	simm.s32 $0xF0A0;
	[smem:$0x7FF] =	sst s3  }
0x5: {  	s28 =	simm.s32 $0x1;
	s4 =	sadd.s32 $0x30FA00, s0;
	s5 =	sadd.s32 $0x496400, s0  }
0x6: {  	s2 =	sand.u32 $0x1, s2;
	s9 =	sadd.s32 $0x61CE00, s0;
	s11 =	sadd.s32 $0x6E4E00, s0  }
0x7: {  	s6 =	sshll.u32 s13, $0x1;
	s12 =	sadd.s32 $0x7ACE00, s0;
	s13 =	smul.u32 $0xC80, s13  }
0x8: {  	s10 =	sor.u32 s2, s6;
	s14 =	ssub.s32 $0x2, s2;
	s2 =	smul.u32 $0x640, s2  }
0x9: {  	s7 =	sadd.s32 $0x189000, s0;
	_ =	strace $0x80000047;
	s16 =	smul.u32 $0x6400, s10  }
0xa: {  	s6 =	sadd.s32 $0x2600, s0;
	s0 =	sadd.s32 $0x874E00, s0;
	s8 =	smul.u32 $0x640, s10  }
0xb: {  	s15 =	sshrl.u32 s14, $0x1;
	s10 =	smul.u32 $0x32000, s10;
	s23 =	sadd.s32 s9, s16  }
0xc: {  	s14 =	ssub.s32 s14, s15;
	s24 =	sadd.s32 s11, s16;
	[dreg:$0xc] =	wrdreg s23  }
0xd: {  	s2 =	sadd.s32 s2, s13;
	s25 =	sadd.s32 s12, s16;
	[dreg:$0xd] =	wrdreg s24  }
0xe: {  	s8 =	sshrl.u32 s8, $0x3;
	s16 =	sadd.s32 s0, s16;
	[dreg:$0xe] =	wrdreg s25  }
0xf: {  	s10 =	sshrl.u32 s10, $0x3;
	s22 =	sadd.s32 s1, s8;
	[dreg:$0xf] =	wrdreg s16  }
0x10: {  	s10 =	sadd.s32 $0x5F00, s10;
	[dreg:$0xb] =	wrdreg s22;
	s15 =	sadd.s32 $0xA, s22  }
0x11: {  	s21 =	sshll.u32 s2, $0x4;
	s20 =	sadd.s32 s9, s10;
	[dreg:$0x10] =	wrdreg s15  }
0x12: {  	s8 =	sadd.s32 $0xA0, s2;
	s22 =	sadd.s32 s11, s10;
	[dreg:$0x11] =	wrdreg s20  }
0x13: {  	s2 =	sadd.s32 $0xF0, s2;
	s23 =	sadd.s32 s12, s10;
	[dreg:$0x12] =	wrdreg s22  }
0x14: {  	s26 =	sshll.u32 s8, $0x4;
	s10 =	sadd.s32 s0, s10;
	[dreg:$0x13] =	wrdreg s23  }
0x15: {  	s2 =	sshrl.u32 s2, $0x3;
	s17 =	sadd.s32 s26, s9;
	[dreg:$0x14] =	wrdreg s10  }
0x16: {  	s18 =	sadd.s32 s26, s11;
	s19 =	sadd.s32 s26, s12;
	[dreg:$0x3] =	wrdreg s17  }
0x17: {  	s13 =	sadd.s32 s26, s0;
	s15 =	sadd.s32 $0x500, s21;
	[dreg:$0x4] =	wrdreg s18  }
0x18: {  	s26 =	smax.u32 s14, $0x1;
	s21 =	simm.s32 $0x5;
	[dreg:$0x5] =	wrdreg s19  }
0x19: {  	s22 =	simm.s32 $0x50;
	s23 =	simm.s32 $0xA0;
	[dreg:$0x6] =	wrdreg s13  }
0x1a: {  	s10 =	simm.s32 $0x4;
	s9 =	sadd.s32 s15, s9;
	[dreg:$0x15] =	wrdreg s26  }
0x1b: {  	s24 =	sadd.s32 s15, s11;
	s25 =	sadd.s32 s15, s12;
	[dreg:$0x7] =	wrdreg s9  }
0x1c: {  	s0 =	sadd.s32 s15, s0;
	s13 =	sadd.s32 s2, s1;
	[dreg:$0x8] =	wrdreg s24  }
0x1d: {  	s26 =	simm.s32 $0x78A0;
	s2 =	simm.s32 $0x2;
	[dreg:$0x9] =	wrdreg s25  }
0x1e: {  	s12 =	simm.s32 $0x0;
	[dreg:$0xa] =	wrdreg s0;
	s24 =	simm.s32 $0x28A0  }
0x1f: {  	s25 =	simm.s32 $0x50A0;
	s0 =	simm.s32 $0x118A0;
	s9 =	simm.s32 $0x3  }
.LBB2_1:
0x20: {  	s11 =	rddreg [dreg:$0xb]  }
0x21: {  	[tilespmem:s3], [sflag:$0x5] =	stream.linear.gather [hbm4b:s11+s3], $0x50, $0x38;
	[tilespmem:$0x140A0] =	vst v63  }
0x22: {  	_ =	swait.ge [sflag:s21], $0x50  }
0x23: {  	[sflag:s21] =	ssyncset.done $0x0  }
0x24: {  	[sflag:s21] =	ssyncadd.s32 $0xFFFFFFB0  }
0x25: {  	[tilespmem:s23], [sflag:$0x1] =	stream.indirect.gather [hbm4b:s6+s22], $0x80, s3, s22, $0xb8;
	[tilespmem:$0x140A0] =	vst v63  }
0x26: {  	_ = 	snop  }
0x27: {  	[tilespmem:s24], [sflag:$0x1] =	stream.indirect.gather [hbm4b:s7+s22], $0x80, s3, s22, $0xb8;
	[tilespmem:$0x140A0] =	vst v63  }
0x28: {  	_ = 	snop  }
0x29: {  	[tilespmem:s25], [sflag:$0x1] =	stream.indirect.gather [hbm4b:s4+s22], $0x80, s3, s22, $0xb8;
	[tilespmem:$0x140A0] =	vst v63  }
0x2a: {  	_ = 	snop  }
0x2b: {  	[tilespmem:s26], [sflag:$0x1] =	stream.indirect.gather [hbm4b:s5+s22], $0x80, s3, s22, $0xb8;
	[tilespmem:$0x140A0] =	vst v63  }
0x2c: {  	_ =	swait.ge [sflag:s28], $0x2800  }
0x2d: {  	[sflag:s28] =	ssyncset.done $0x0  }
0x2e: {  	[sflag:s28] =	ssyncadd.s32 $0xFFFFD800  }
0x2f: {  	_ =	swait.ge [sflag:s28], $0x2800  }
0x30: {  	[sflag:s28] =	ssyncset.done $0x0  }
0x31: {  	[sflag:s28] =	ssyncadd.s32 $0xFFFFD800  }
0x32: {  	_ =	swait.ge [sflag:s28], $0x2800  }
0x33: {  	[sflag:s28] =	ssyncset.done $0x0  }
0x34: {  	[sflag:s28] =	ssyncadd.s32 $0xFFFFD800  }
0x35: {  	_ =	swait.ge [sflag:s28], $0x2800  }
0x36: {  	[sflag:s28] =	ssyncset.done $0x0  }
0x37: {  	s17 =	rddreg [dreg:$0xc];
	[sflag:s28] =	ssyncadd.s32 $0xFFFFD800  }
0x38: {  	[hbm4b:s17+s3] =	stream.linear.scatter [tilespmem:s23], [sflag:$0x3], $0x2800, $0x38;
	[tilespmem:$0x140A0] =	vst v63  }
0x39: {  	s18 =	rddreg [dreg:$0xd]  }
0x3a: {  	[hbm4b:s18+s3] =	stream.linear.scatter [tilespmem:s24], [sflag:$0x3], $0x2800, $0x38;
	[tilespmem:$0x140A0] =	vst v63  }
0x3b: {  	s19 =	rddreg [dreg:$0xe]  }
0x3c: {  	[hbm4b:s19+s3] =	stream.linear.scatter [tilespmem:s25], [sflag:$0x3], $0x2800, $0x38;
	[tilespmem:$0x140A0] =	vst v63  }
0x3d: {  	s20 =	rddreg [dreg:$0xf]  }
0x3e: {  	[hbm4b:s20+s3] =	stream.linear.scatter [tilespmem:s26], [sflag:$0x3], $0x2800, $0x38;
	[tilespmem:$0x140A0] =	vst v63  }
0x3f: {  	s14 =	rddreg [dreg:$0x10]  }
0x40: {  	[tilespmem:s22], [sflag:$0x5] =	stream.linear.gather [hbm4b:s14+s3], $0x50, $0x38;
	[tilespmem:$0x140A0] =	vst v63  }
0x41: {  	_ =	swait.ge [sflag:s21], $0x50  }
0x42: {  	[sflag:s21] =	ssyncset.done $0x0  }
0x43: {  	[sflag:s21] =	ssyncadd.s32 $0xFFFFFFB0  }
0x44: {  	[tilespmem:s29], [sflag:$0x2] =	stream.indirect.gather [hbm4b:s6+s22], $0x80, s22, s22, $0xb8;
	[tilespmem:$0x140A0] =	vst v63  }
0x45: {  	_ = 	snop  }
0x46: {  	[tilespmem:s30], [sflag:$0x2] =	stream.indirect.gather [hbm4b:s7+s22], $0x80, s22, s22, $0xb8;
	[tilespmem:$0x140A0] =	vst v63  }
0x47: {  	_ = 	snop  }
0x48: {  	[tilespmem:s31], [sflag:$0x2] =	stream.indirect.gather [hbm4b:s4+s22], $0x80, s22, s22, $0xb8;
	[tilespmem:$0x140A0] =	vst v63  }
0x49: {  	_ = 	snop  }
0x4a: {  	[tilespmem:s0], [sflag:$0x2] =	stream.indirect.gather [hbm4b:s5+s22], $0x80, s22, s22, $0xb8;
	[tilespmem:$0x140A0] =	vst v63  }
0x4b: {  	_ =	swait.ge [sflag:s2], $0x2800  }
0x4c: {  	[sflag:s2] =	ssyncset.done $0x0  }
0x4d: {  	[sflag:s2] =	ssyncadd.s32 $0xFFFFD800  }
0x4e: {  	_ =	swait.ge [sflag:s2], $0x2800  }
0x4f: {  	[sflag:s2] =	ssyncset.done $0x0  }
0x50: {  	[sflag:s2] =	ssyncadd.s32 $0xFFFFD800  }
0x51: {  	_ =	swait.ge [sflag:s2], $0x2800  }
0x52: {  	[sflag:s2] =	ssyncset.done $0x0  }
0x53: {  	[sflag:s2] =	ssyncadd.s32 $0xFFFFD800  }
0x54: {  	_ =	swait.ge [sflag:s2], $0x2800  }
0x55: {  	s15 =	rddreg [dreg:$0x7];
	[sflag:s2] =	ssyncset.done $0x0  }
0x56: {  	s14 =	rddreg [dreg:$0x8];
	[sflag:s2] =	ssyncadd.s32 $0xFFFFD800;
	s11 =	sadd.s32 $0x0, s15  }
0x57: {  	[hbm4b:s11+s3] =	stream.linear.scatter [tilespmem:s29], [sflag:$0x4], $0x2800, $0x38;
	[tilespmem:$0x140A0] =	vst v63  }
0x58: {  	s15 =	rddreg [dreg:$0x9];
	s16 =	sadd.s32 $0x0, s14  }
0x59: {  	[hbm4b:s16+s3] =	stream.linear.scatter [tilespmem:s30], [sflag:$0x4], $0x2800, $0x38;
	[tilespmem:$0x140A0] =	vst v63  }
0x5a: {  	s17 =	rddreg [dreg:$0xa];
	s18 =	sadd.s32 $0x0, s15  }
0x5b: {  	[hbm4b:s18+s3] =	stream.linear.scatter [tilespmem:s31], [sflag:$0x4], $0x2800, $0x38;
	[tilespmem:$0x140A0] =	vst v63  }
0x5c: {  	s19 =	sadd.s32 $0x0, s17  }
0x5d: {  	[hbm4b:s19+s3] =	stream.linear.scatter [tilespmem:s0], [sflag:$0x4], $0x2800, $0x38;
	[tilespmem:$0x140A0] =	vst v63  }
0x5e: {  	_ =	swait.ge [sflag:s9], $0x2800  }
0x5f: {  	[sflag:s9] =	ssyncset.done $0x0  }
0x60: {  	[sflag:s9] =	ssyncadd.s32 $0xFFFFD800  }
0x61: {  	_ =	swait.ge [sflag:s9], $0x2800  }
0x62: {  	[sflag:s9] =	ssyncset.done $0x0  }
0x63: {  	[sflag:s9] =	ssyncadd.s32 $0xFFFFD800  }
0x64: {  	_ =	swait.ge [sflag:s9], $0x2800  }
0x65: {  	[sflag:s9] =	ssyncset.done $0x0  }
0x66: {  	[sflag:s9] =	ssyncadd.s32 $0xFFFFD800  }
0x67: {  	_ =	swait.ge [sflag:s9], $0x2800  }
0x68: {  	s20 =	sshrl.u32 s8, $0x3;
	[sflag:s9] =	ssyncset.done $0x0  }
0x69: {  	s11 =	sadd.s32 s1, s20;
	[sflag:s9] =	ssyncadd.s32 $0xFFFFD800  }
0x6a: {  	[tilespmem:s3], [sflag:$0x5] =	stream.linear.gather [hbm4b:s11+s3], $0x50, $0x38;
	[tilespmem:$0x140A0] =	vst v63  }
0x6b: {  	_ =	swait.ge [sflag:s21], $0x50  }
0x6c: {  	[sflag:s21] =	ssyncset.done $0x0  }
0x6d: {  	[sflag:s21] =	ssyncadd.s32 $0xFFFFFFB0  }
0x6e: {  	[tilespmem:s23], [sflag:$0x1] =	stream.indirect.gather [hbm4b:s6+s22], $0x80, s3, s22, $0xb8;
	[tilespmem:$0x140A0] =	vst v63  }
0x6f: {  	_ = 	snop  }
0x70: {  	[tilespmem:s24], [sflag:$0x1] =	stream.indirect.gather [hbm4b:s7+s22], $0x80, s3, s22, $0xb8;
	[tilespmem:$0x140A0] =	vst v63  }
0x71: {  	_ = 	snop  }
0x72: {  	[tilespmem:s25], [sflag:$0x1] =	stream.indirect.gather [hbm4b:s4+s22], $0x80, s3, s22, $0xb8;
	[tilespmem:$0x140A0] =	vst v63  }
0x73: {  	_ = 	snop  }
0x74: {  	[tilespmem:s26], [sflag:$0x1] =	stream.indirect.gather [hbm4b:s5+s22], $0x80, s3, s22, $0xb8;
	[tilespmem:$0x140A0] =	vst v63  }
0x75: {  	_ =	swait.ge [sflag:s28], $0x2800  }
0x76: {  	[sflag:s28] =	ssyncset.done $0x0  }
0x77: {  	[sflag:s28] =	ssyncadd.s32 $0xFFFFD800  }
0x78: {  	_ =	swait.ge [sflag:s28], $0x2800  }
0x79: {  	[sflag:s28] =	ssyncset.done $0x0  }
0x7a: {  	[sflag:s28] =	ssyncadd.s32 $0xFFFFD800  }
0x7b: {  	_ =	swait.ge [sflag:s28], $0x2800  }
0x7c: {  	[sflag:s28] =	ssyncset.done $0x0  }
0x7d: {  	[sflag:s28] =	ssyncadd.s32 $0xFFFFD800  }
0x7e: {  	_ =	swait.ge [sflag:s28], $0x2800  }
0x7f: {  	s14 =	rddreg [dreg:$0x3];
	[sflag:s28] =	ssyncset.done $0x0  }
0x80: {  	s15 =	rddreg [dreg:$0x4];
	[sflag:s28] =	ssyncadd.s32 $0xFFFFD800;
	s11 =	sadd.s32 $0x0, s14  }
0x81: {  	[hbm4b:s11+s3] =	stream.linear.scatter [tilespmem:s23], [sflag:$0x3], $0x2800, $0x38;
	[tilespmem:$0x140A0] =	vst v63  }
0x82: {  	s16 =	rddreg [dreg:$0x5];
	s17 =	sadd.s32 $0x0, s15  }
0x83: {  	[hbm4b:s17+s3] =	stream.linear.scatter [tilespmem:s24], [sflag:$0x3], $0x2800, $0x38;
	[tilespmem:$0x140A0] =	vst v63  }
0x84: {  	s18 =	rddreg [dreg:$0x6];
	s19 =	sadd.s32 $0x0, s16  }
0x85: {  	[hbm4b:s19+s3] =	stream.linear.scatter [tilespmem:s25], [sflag:$0x3], $0x2800, $0x38;
	[tilespmem:$0x140A0] =	vst v63  }
0x86: {  	s20 =	sadd.s32 $0x0, s18  }
0x87: {  	[hbm4b:s20+s3] =	stream.linear.scatter [tilespmem:s26], [sflag:$0x3], $0x2800, $0x38;
	[tilespmem:$0x140A0] =	vst v63  }
0x88: {  	_ =	swait.ge [sflag:s10], $0x2800  }
0x89: {  	[sflag:s10] =	ssyncset.done $0x0  }
0x8a: {  	[sflag:s10] =	ssyncadd.s32 $0xFFFFD800  }
0x8b: {  	_ =	swait.ge [sflag:s10], $0x2800  }
0x8c: {  	[sflag:s10] =	ssyncset.done $0x0  }
0x8d: {  	[sflag:s10] =	ssyncadd.s32 $0xFFFFD800  }
0x8e: {  	_ =	swait.ge [sflag:s10], $0x2800  }
0x8f: {  	[sflag:s10] =	ssyncset.done $0x0  }
0x90: {  	[sflag:s10] =	ssyncadd.s32 $0xFFFFD800  }
0x91: {  	_ =	swait.ge [sflag:s10], $0x2800  }
0x92: {  	[sflag:s10] =	ssyncset.done $0x0  }
0x93: {  	[sflag:s10] =	ssyncadd.s32 $0xFFFFD800  }
0x94: {  	[tilespmem:s22], [sflag:$0x5] =	stream.linear.gather [hbm4b:s13+s3], $0x50, $0x38;
	[tilespmem:$0x140A0] =	vst v63  }
0x95: {  	_ =	swait.ge [sflag:s21], $0x50  }
0x96: {  	[sflag:s21] =	ssyncset.done $0x0  }
0x97: {  	[sflag:s21] =	ssyncadd.s32 $0xFFFFFFB0  }
0x98: {  	[tilespmem:s29], [sflag:$0x2] =	stream.indirect.gather [hbm4b:s6+s22], $0x80, s22, s22, $0xb8;
	[tilespmem:$0x140A0] =	vst v63  }
0x99: {  	_ = 	snop  }
0x9a: {  	[tilespmem:s30], [sflag:$0x2] =	stream.indirect.gather [hbm4b:s7+s22], $0x80, s22, s22, $0xb8;
	[tilespmem:$0x140A0] =	vst v63  }
0x9b: {  	_ = 	snop  }
0x9c: {  	[tilespmem:s31], [sflag:$0x2] =	stream.indirect.gather [hbm4b:s4+s22], $0x80, s22, s22, $0xb8;
	[tilespmem:$0x140A0] =	vst v63  }
0x9d: {  	_ = 	snop  }
0x9e: {  	[tilespmem:s0], [sflag:$0x2] =	stream.indirect.gather [hbm4b:s5+s22], $0x80, s22, s22, $0xb8;
	[tilespmem:$0x140A0] =	vst v63  }
0x9f: {  	_ =	swait.ge [sflag:s2], $0x2800  }
0xa0: {  	[sflag:s2] =	ssyncset.done $0x0  }
0xa1: {  	[sflag:s2] =	ssyncadd.s32 $0xFFFFD800  }
0xa2: {  	_ =	swait.ge [sflag:s2], $0x2800  }
0xa3: {  	[sflag:s2] =	ssyncset.done $0x0  }
0xa4: {  	[sflag:s2] =	ssyncadd.s32 $0xFFFFD800  }
0xa5: {  	_ =	swait.ge [sflag:s2], $0x2800  }
0xa6: {  	[sflag:s2] =	ssyncset.done $0x0  }
0xa7: {  	s14 =	simm.s32 $0xA00;
	[sflag:s2] =	ssyncadd.s32 $0xFFFFD800  }
0xa8: {  	s15 =	simm.s32 $0x1400;
	s11 =	smov.u32 s8;
	_ =	swait.ge [sflag:s2], $0x2800  }
0xa9: {  	s20 =	smov.u32 s13;
	s17 =	rddreg [dreg:$0x7];
	[sflag:s2] =	ssyncset.done $0x0  }
.LBB2_2:
0xaa: {  	[sflag:s2] =	ssyncadd.s32 $0xFFFFD800;
	s18 =	rddreg [dreg:$0x8];
	s17 =	sadd.s32 s14, s17  }
0xab: {  	[hbm4b:s17+s3] =	stream.linear.scatter [tilespmem:s29], [sflag:$0x4], $0x2800, $0x38;
	[tilespmem:$0x140A0] =	vst v63  }
0xac: {  	s19 =	rddreg [dreg:$0x9];
	s17 =	sadd.s32 s14, s18  }
0xad: {  	[hbm4b:s17+s3] =	stream.linear.scatter [tilespmem:s30], [sflag:$0x4], $0x2800, $0x38;
	[tilespmem:$0x140A0] =	vst v63  }
0xae: {  	s18 =	rddreg [dreg:$0xa];
	s19 =	sadd.s32 s14, s19  }
0xaf: {  	[hbm4b:s19+s3] =	stream.linear.scatter [tilespmem:s31], [sflag:$0x4], $0x2800, $0x38;
	[tilespmem:$0x140A0] =	vst v63  }
0xb0: {  	s19 =	sadd.s32 s14, s18  }
0xb1: {  	[hbm4b:s19+s3] =	stream.linear.scatter [tilespmem:s0], [sflag:$0x4], $0x2800, $0x38;
	[tilespmem:$0x140A0] =	vst v63  }
0xb2: {  	_ =	swait.ge [sflag:s9], $0x2800  }
0xb3: {  	[sflag:s9] =	ssyncset.done $0x0  }
0xb4: {  	[sflag:s9] =	ssyncadd.s32 $0xFFFFD800  }
0xb5: {  	_ =	swait.ge [sflag:s9], $0x2800  }
0xb6: {  	[sflag:s9] =	ssyncset.done $0x0  }
0xb7: {  	[sflag:s9] =	ssyncadd.s32 $0xFFFFD800  }
0xb8: {  	_ =	swait.ge [sflag:s9], $0x2800  }
0xb9: {  	[sflag:s9] =	ssyncset.done $0x0  }
0xba: {  	[sflag:s9] =	ssyncadd.s32 $0xFFFFD800  }
0xbb: {  	s11 =	sadd.s32 $0xA0, s11;
	_ =	swait.ge [sflag:s9], $0x2800  }
0xbc: {  	s18 =	sshrl.u32 s11, $0x3;
	[sflag:s9] =	ssyncset.done $0x0  }
0xbd: {  	s17 =	sadd.s32 s1, s18;
	[sflag:s9] =	ssyncadd.s32 $0xFFFFD800  }
0xbe: {  	[tilespmem:s3], [sflag:$0x5] =	stream.linear.gather [hbm4b:s17+s3], $0x50, $0x38;
	[tilespmem:$0x140A0] =	vst v63  }
0xbf: {  	_ =	swait.ge [sflag:s21], $0x50  }
0xc0: {  	[sflag:s21] =	ssyncset.done $0x0  }
0xc1: {  	[sflag:s21] =	ssyncadd.s32 $0xFFFFFFB0  }
0xc2: {  	[tilespmem:s23], [sflag:$0x1] =	stream.indirect.gather [hbm4b:s6+s22], $0x80, s3, s22, $0xb8;
	[tilespmem:$0x140A0] =	vst v63  }
0xc3: {  	_ = 	snop  }
0xc4: {  	[tilespmem:s24], [sflag:$0x1] =	stream.indirect.gather [hbm4b:s7+s22], $0x80, s3, s22, $0xb8;
	[tilespmem:$0x140A0] =	vst v63  }
0xc5: {  	_ = 	snop  }
0xc6: {  	[tilespmem:s25], [sflag:$0x1] =	stream.indirect.gather [hbm4b:s4+s22], $0x80, s3, s22, $0xb8;
	[tilespmem:$0x140A0] =	vst v63  }
0xc7: {  	_ = 	snop  }
0xc8: {  	[tilespmem:s26], [sflag:$0x1] =	stream.indirect.gather [hbm4b:s5+s22], $0x80, s3, s22, $0xb8;
	[tilespmem:$0x140A0] =	vst v63  }
0xc9: {  	_ =	swait.ge [sflag:s28], $0x2800  }
0xca: {  	[sflag:s28] =	ssyncset.done $0x0  }
0xcb: {  	[sflag:s28] =	ssyncadd.s32 $0xFFFFD800  }
0xcc: {  	_ =	swait.ge [sflag:s28], $0x2800  }
0xcd: {  	[sflag:s28] =	ssyncset.done $0x0  }
0xce: {  	[sflag:s28] =	ssyncadd.s32 $0xFFFFD800  }
0xcf: {  	_ =	swait.ge [sflag:s28], $0x2800  }
0xd0: {  	[sflag:s28] =	ssyncset.done $0x0  }
0xd1: {  	[sflag:s28] =	ssyncadd.s32 $0xFFFFD800  }
0xd2: {  	_ =	swait.ge [sflag:s28], $0x2800  }
0xd3: {  	s19 =	rddreg [dreg:$0x3];
	[sflag:s28] =	ssyncset.done $0x0  }
0xd4: {  	s18 =	rddreg [dreg:$0x4];
	[sflag:s28] =	ssyncadd.s32 $0xFFFFD800;
	s17 =	sadd.s32 s14, s19  }
0xd5: {  	[hbm4b:s17+s3] =	stream.linear.scatter [tilespmem:s23], [sflag:$0x3], $0x2800, $0x38;
	[tilespmem:$0x140A0] =	vst v63  }
0xd6: {  	s19 =	rddreg [dreg:$0x5];
	s17 =	sadd.s32 s14, s18  }
0xd7: {  	[hbm4b:s17+s3] =	stream.linear.scatter [tilespmem:s24], [sflag:$0x3], $0x2800, $0x38;
	[tilespmem:$0x140A0] =	vst v63  }
0xd8: {  	s18 =	rddreg [dreg:$0x6];
	s19 =	sadd.s32 s14, s19  }
0xd9: {  	[hbm4b:s19+s3] =	stream.linear.scatter [tilespmem:s25], [sflag:$0x3], $0x2800, $0x38;
	[tilespmem:$0x140A0] =	vst v63  }
0xda: {  	s19 =	sadd.s32 s14, s18  }
0xdb: {  	[hbm4b:s19+s3] =	stream.linear.scatter [tilespmem:s26], [sflag:$0x3], $0x2800, $0x38;
	[tilespmem:$0x140A0] =	vst v63  }
0xdc: {  	_ =	swait.ge [sflag:s10], $0x2800  }
0xdd: {  	[sflag:s10] =	ssyncset.done $0x0  }
0xde: {  	[sflag:s10] =	ssyncadd.s32 $0xFFFFD800  }
0xdf: {  	_ =	swait.ge [sflag:s10], $0x2800  }
0xe0: {  	[sflag:s10] =	ssyncset.done $0x0  }
0xe1: {  	[sflag:s10] =	ssyncadd.s32 $0xFFFFD800  }
0xe2: {  	_ =	swait.ge [sflag:s10], $0x2800  }
0xe3: {  	[sflag:s10] =	ssyncset.done $0x0  }
0xe4: {  	[sflag:s10] =	ssyncadd.s32 $0xFFFFD800  }
0xe5: {  	_ =	swait.ge [sflag:s10], $0x2800  }
0xe6: {  	[sflag:s10] =	ssyncset.done $0x0  }
0xe7: {  	s20 =	sadd.s32 $0x14, s20;
	[sflag:s10] =	ssyncadd.s32 $0xFFFFD800  }
0xe8: {  	[tilespmem:s22], [sflag:$0x5] =	stream.linear.gather [hbm4b:s20+s3], $0x50, $0x38;
	[tilespmem:$0x140A0] =	vst v63  }
0xe9: {  	_ =	swait.ge [sflag:s21], $0x50  }
0xea: {  	[sflag:s21] =	ssyncset.done $0x0  }
0xeb: {  	[sflag:s21] =	ssyncadd.s32 $0xFFFFFFB0  }
0xec: {  	[tilespmem:s29], [sflag:$0x2] =	stream.indirect.gather [hbm4b:s6+s22], $0x80, s22, s22, $0xb8;
	[tilespmem:$0x140A0] =	vst v63  }
0xed: {  	_ = 	snop  }
0xee: {  	[tilespmem:s30], [sflag:$0x2] =	stream.indirect.gather [hbm4b:s7+s22], $0x80, s22, s22, $0xb8;
	[tilespmem:$0x140A0] =	vst v63  }
0xef: {  	_ = 	snop  }
0xf0: {  	[tilespmem:s31], [sflag:$0x2] =	stream.indirect.gather [hbm4b:s4+s22], $0x80, s22, s22, $0xb8;
	[tilespmem:$0x140A0] =	vst v63  }
0xf1: {  	_ = 	snop  }
0xf2: {  	[tilespmem:s0], [sflag:$0x2] =	stream.indirect.gather [hbm4b:s5+s22], $0x80, s22, s22, $0xb8;
	[tilespmem:$0x140A0] =	vst v63  }
0xf3: {  	_ =	swait.ge [sflag:s2], $0x2800  }
0xf4: {  	[sflag:s2] =	ssyncset.done $0x0  }
0xf5: {  	[sflag:s2] =	ssyncadd.s32 $0xFFFFD800  }
0xf6: {  	_ =	swait.ge [sflag:s2], $0x2800  }
0xf7: {  	[sflag:s2] =	ssyncset.done $0x0  }
0xf8: {  	p0 =	sne.s32 s15, $0x5000;
	[sflag:s2] =	ssyncadd.s32 $0xFFFFD800  }
.Ltmp0:
0xf9: {  	_ =	swait.ge [sflag:s2], $0x2800;
	(pc) =	sbr.rel @p0 .LBB2_2-.Ltmp0, $4  }
0xfa: {  	[sflag:s2] =	ssyncset.done $0x0  }
0xfb: {  	[sflag:s2] =	ssyncadd.s32 $0xFFFFD800  }
0xfc: {  	s16 =	smov.u32 s15;
	s15 =	sadd.s32 $0xA00, s15;
	_ =	swait.ge [sflag:s2], $0x2800  }
0xfd: {  	s14 =	smov.u32 s16;
	s17 =	rddreg [dreg:$0x7];
	[sflag:s2] =	ssyncset.done $0x0  }
0xfe: {  	s15 =	rddreg [dreg:$0x8];
	[sflag:s2] =	ssyncadd.s32 $0xFFFFD800;
	s16 =	sadd.s32 s14, s17  }
0xff: {  	[hbm4b:s16+s3] =	stream.linear.scatter [tilespmem:s29], [sflag:$0x4], $0x2800, $0x38;
	[tilespmem:$0x140A0] =	vst v63  }
0x100: {  	s18 =	rddreg [dreg:$0x9];
	s15 =	sadd.s32 s14, s15  }
0x101: {  	[hbm4b:s15+s3] =	stream.linear.scatter [tilespmem:s30], [sflag:$0x4], $0x2800, $0x38;
	[tilespmem:$0x140A0] =	vst v63  }
0x102: {  	s19 =	rddreg [dreg:$0xa];
	s16 =	sadd.s32 s14, s18  }
0x103: {  	[hbm4b:s16+s3] =	stream.linear.scatter [tilespmem:s31], [sflag:$0x4], $0x2800, $0x38;
	[tilespmem:$0x140A0] =	vst v63  }
0x104: {  	s15 =	sadd.s32 s14, s19  }
0x105: {  	[hbm4b:s15+s3] =	stream.linear.scatter [tilespmem:s0], [sflag:$0x4], $0x2800, $0x38;
	[tilespmem:$0x140A0] =	vst v63  }
0x106: {  	_ =	swait.ge [sflag:s9], $0x2800  }
0x107: {  	[sflag:s9] =	ssyncset.done $0x0  }
0x108: {  	[sflag:s9] =	ssyncadd.s32 $0xFFFFD800  }
0x109: {  	_ =	swait.ge [sflag:s9], $0x2800  }
0x10a: {  	[sflag:s9] =	ssyncset.done $0x0  }
0x10b: {  	[sflag:s9] =	ssyncadd.s32 $0xFFFFD800  }
0x10c: {  	_ =	swait.ge [sflag:s9], $0x2800  }
0x10d: {  	[sflag:s9] =	ssyncset.done $0x0  }
0x10e: {  	[sflag:s9] =	ssyncadd.s32 $0xFFFFD800  }
0x10f: {  	s11 =	sadd.s32 $0xA0, s11;
	_ =	swait.ge [sflag:s9], $0x2800  }
0x110: {  	s11 =	sshrl.u32 s11, $0x3;
	[sflag:s9] =	ssyncset.done $0x0  }
0x111: {  	s11 =	sadd.s32 s1, s11;
	[sflag:s9] =	ssyncadd.s32 $0xFFFFD800  }
0x112: {  	[tilespmem:s3], [sflag:$0x5] =	stream.linear.gather [hbm4b:s11+s3], $0x50, $0x38;
	[tilespmem:$0x140A0] =	vst v63  }
0x113: {  	_ =	swait.ge [sflag:s21], $0x50  }
0x114: {  	[sflag:s21] =	ssyncset.done $0x0  }
0x115: {  	[sflag:s21] =	ssyncadd.s32 $0xFFFFFFB0  }
0x116: {  	[tilespmem:s23], [sflag:$0x1] =	stream.indirect.gather [hbm4b:s6+s22], $0x80, s3, s22, $0xb8;
	[tilespmem:$0x140A0] =	vst v63  }
0x117: {  	_ = 	snop  }
0x118: {  	[tilespmem:s24], [sflag:$0x1] =	stream.indirect.gather [hbm4b:s7+s22], $0x80, s3, s22, $0xb8;
	[tilespmem:$0x140A0] =	vst v63  }
0x119: {  	_ = 	snop  }
0x11a: {  	[tilespmem:s25], [sflag:$0x1] =	stream.indirect.gather [hbm4b:s4+s22], $0x80, s3, s22, $0xb8;
	[tilespmem:$0x140A0] =	vst v63  }
0x11b: {  	_ = 	snop  }
0x11c: {  	[tilespmem:s26], [sflag:$0x1] =	stream.indirect.gather [hbm4b:s5+s22], $0x80, s3, s22, $0xb8;
	[tilespmem:$0x140A0] =	vst v63  }
0x11d: {  	_ =	swait.ge [sflag:s28], $0x2800  }
0x11e: {  	[sflag:s28] =	ssyncset.done $0x0  }
0x11f: {  	[sflag:s28] =	ssyncadd.s32 $0xFFFFD800  }
0x120: {  	_ =	swait.ge [sflag:s28], $0x2800  }
0x121: {  	[sflag:s28] =	ssyncset.done $0x0  }
0x122: {  	[sflag:s28] =	ssyncadd.s32 $0xFFFFD800  }
0x123: {  	_ =	swait.ge [sflag:s28], $0x2800  }
0x124: {  	[sflag:s28] =	ssyncset.done $0x0  }
0x125: {  	[sflag:s28] =	ssyncadd.s32 $0xFFFFD800  }
0x126: {  	_ =	swait.ge [sflag:s28], $0x2800  }
0x127: {  	s16 =	rddreg [dreg:$0x3];
	[sflag:s28] =	ssyncset.done $0x0  }
0x128: {  	s17 =	rddreg [dreg:$0x4];
	[sflag:s28] =	ssyncadd.s32 $0xFFFFD800;
	s11 =	sadd.s32 s14, s16  }
0x129: {  	[hbm4b:s11+s3] =	stream.linear.scatter [tilespmem:s23], [sflag:$0x3], $0x2800, $0x38;
	[tilespmem:$0x140A0] =	vst v63  }
0x12a: {  	s18 =	rddreg [dreg:$0x5];
	s15 =	sadd.s32 s14, s17  }
0x12b: {  	[hbm4b:s15+s3] =	stream.linear.scatter [tilespmem:s24], [sflag:$0x3], $0x2800, $0x38;
	[tilespmem:$0x140A0] =	vst v63  }
0x12c: {  	s19 =	rddreg [dreg:$0x6];
	s11 =	sadd.s32 s14, s18  }
0x12d: {  	[hbm4b:s11+s3] =	stream.linear.scatter [tilespmem:s25], [sflag:$0x3], $0x2800, $0x38;
	[tilespmem:$0x140A0] =	vst v63  }
0x12e: {  	s14 =	sadd.s32 s14, s19  }
0x12f: {  	[hbm4b:s14+s3] =	stream.linear.scatter [tilespmem:s26], [sflag:$0x3], $0x2800, $0x38;
	[tilespmem:$0x140A0] =	vst v63  }
0x130: {  	_ =	swait.ge [sflag:s10], $0x2800  }
0x131: {  	[sflag:s10] =	ssyncset.done $0x0  }
0x132: {  	[sflag:s10] =	ssyncadd.s32 $0xFFFFD800  }
0x133: {  	_ =	swait.ge [sflag:s10], $0x2800  }
0x134: {  	[sflag:s10] =	ssyncset.done $0x0  }
0x135: {  	[sflag:s10] =	ssyncadd.s32 $0xFFFFD800  }
0x136: {  	_ =	swait.ge [sflag:s10], $0x2800  }
0x137: {  	[sflag:s10] =	ssyncset.done $0x0  }
0x138: {  	[sflag:s10] =	ssyncadd.s32 $0xFFFFD800  }
0x139: {  	_ =	swait.ge [sflag:s10], $0x2800  }
0x13a: {  	[sflag:s10] =	ssyncset.done $0x0  }
0x13b: {  	s15 =	sadd.s32 $0x14, s20;
	[sflag:s10] =	ssyncadd.s32 $0xFFFFD800  }
0x13c: {  	[tilespmem:s22], [sflag:$0x5] =	stream.linear.gather [hbm4b:s15+s3], $0x50, $0x38;
	[tilespmem:$0x140A0] =	vst v63  }
0x13d: {  	_ =	swait.ge [sflag:s21], $0x50  }
0x13e: {  	[sflag:s21] =	ssyncset.done $0x0  }
0x13f: {  	[sflag:s21] =	ssyncadd.s32 $0xFFFFFFB0  }
0x140: {  	[tilespmem:s29], [sflag:$0x2] =	stream.indirect.gather [hbm4b:s6+s22], $0x80, s22, s22, $0xb8;
	[tilespmem:$0x140A0] =	vst v63  }
0x141: {  	_ = 	snop  }
0x142: {  	[tilespmem:s30], [sflag:$0x2] =	stream.indirect.gather [hbm4b:s7+s22], $0x80, s22, s22, $0xb8;
	[tilespmem:$0x140A0] =	vst v63  }
0x143: {  	_ = 	snop  }
0x144: {  	[tilespmem:s31], [sflag:$0x2] =	stream.indirect.gather [hbm4b:s4+s22], $0x80, s22, s22, $0xb8;
	[tilespmem:$0x140A0] =	vst v63  }
0x145: {  	_ = 	snop  }
0x146: {  	[tilespmem:s0], [sflag:$0x2] =	stream.indirect.gather [hbm4b:s5+s22], $0x80, s22, s22, $0xb8;
	[tilespmem:$0x140A0] =	vst v63  }
0x147: {  	_ =	swait.ge [sflag:s2], $0x2800  }
0x148: {  	[sflag:s2] =	ssyncset.done $0x0  }
0x149: {  	[sflag:s2] =	ssyncadd.s32 $0xFFFFD800  }
0x14a: {  	_ =	swait.ge [sflag:s2], $0x2800  }
0x14b: {  	[sflag:s2] =	ssyncset.done $0x0  }
0x14c: {  	[sflag:s2] =	ssyncadd.s32 $0xFFFFD800  }
0x14d: {  	_ =	swait.ge [sflag:s2], $0x2800  }
0x14e: {  	[sflag:s2] =	ssyncset.done $0x0  }
0x14f: {  	[sflag:s2] =	ssyncadd.s32 $0xFFFFD800  }
0x150: {  	_ =	swait.ge [sflag:s2], $0x2800  }
0x151: {  	[sflag:s2] =	ssyncset.done $0x0  }
0x152: {  	s16 =	rddreg [dreg:$0x11];
	[sflag:s2] =	ssyncadd.s32 $0xFFFFD800  }
0x153: {  	[hbm4b:s16+s3] =	stream.linear.scatter [tilespmem:s29], [sflag:$0x4], $0x2800, $0x38;
	[tilespmem:$0x140A0] =	vst v63  }
0x154: {  	s17 =	rddreg [dreg:$0x12]  }
0x155: {  	[hbm4b:s17+s3] =	stream.linear.scatter [tilespmem:s30], [sflag:$0x4], $0x2800, $0x38;
	[tilespmem:$0x140A0] =	vst v63  }
0x156: {  	s18 =	rddreg [dreg:$0x13]  }
0x157: {  	[hbm4b:s18+s3] =	stream.linear.scatter [tilespmem:s31], [sflag:$0x4], $0x2800, $0x38;
	[tilespmem:$0x140A0] =	vst v63  }
0x158: {  	s19 =	rddreg [dreg:$0x14]  }
0x159: {  	[hbm4b:s19+s3] =	stream.linear.scatter [tilespmem:s0], [sflag:$0x4], $0x2800, $0x38;
	[tilespmem:$0x140A0] =	vst v63  }
0x15a: {  	_ =	swait.ge [sflag:s9], $0x2800  }
0x15b: {  	[sflag:s9] =	ssyncset.done $0x0  }
0x15c: {  	[sflag:s9] =	ssyncadd.s32 $0xFFFFD800  }
0x15d: {  	_ =	swait.ge [sflag:s9], $0x2800  }
0x15e: {  	[sflag:s9] =	ssyncset.done $0x0  }
0x15f: {  	[sflag:s9] =	ssyncadd.s32 $0xFFFFD800  }
0x160: {  	_ =	swait.ge [sflag:s9], $0x2800  }
0x161: {  	[sflag:s9] =	ssyncset.done $0x0  }
0x162: {  	[sflag:s9] =	ssyncadd.s32 $0xFFFFD800  }
0x163: {  	_ =	swait.ge [sflag:s9], $0x2800  }
0x164: {  	[sflag:s9] =	ssyncset.done $0x0  }
0x165: {  	[sflag:s9] =	ssyncadd.s32 $0xFFFFD800  }
0x166: {  	_ =	swait.ge [sflag:s10], $0x2800  }
0x167: {  	[sflag:s10] =	ssyncset.done $0x0  }
0x168: {  	[sflag:s10] =	ssyncadd.s32 $0xFFFFD800  }
0x169: {  	_ =	swait.ge [sflag:s10], $0x2800  }
0x16a: {  	[sflag:s10] =	ssyncset.done $0x0  }
0x16b: {  	[sflag:s10] =	ssyncadd.s32 $0xFFFFD800  }
0x16c: {  	_ =	swait.ge [sflag:s10], $0x2800  }
0x16d: {  	[sflag:s10] =	ssyncset.done $0x0  }
0x16e: {  	[sflag:s10] =	ssyncadd.s32 $0xFFFFD800  }
0x16f: {  	_ =	swait.ge [sflag:s10], $0x2800  }
0x170: {  	s12 =	sadd.s32 $0x1, s12;
	s20 =	rddreg [dreg:$0x15]  }
0x171: {  	p0 =	sne.s32 s12, s20  }
.Ltmp1:
0x172: {  	_ = 	snop;
	(pc) =	sbr.rel @p0 .LBB2_1-.Ltmp1, $3  }
0x173: {  	_ =	sdelay $0x1  }
0x174: {  	[sflag:s10] =	ssyncset.done $0x0  }
0x175: {  	[sflag:s10] =	ssyncadd.s32 $0xFFFFD800  }
0x176: {  	_ =	sfence.sel $0x180000  }
0x177: {  	[bflag:$0x0] =	sbarrier.arrive $0xFFFF  }
0x178: {  	_ =	strace $0x90000047  }
0x179: {  	s0 =	stileid.u32;
	[bflag:$0x2] =	sbarrier.arrive $0xFFFF  }
0x17a: {  	p0 =	sne.s32 s0, $0x0;
	s0 =	rddreg [dreg:$0x2]  }
0x17b: {  	s0 =	sadd.s32 @!p0 $0x100000, s0  }
0x17c: {  	[sflag:s0] =	ssyncadd.tile.s32 @!p0 $0x1;
	_ =	shalt  }
.Lfunc_end2:
_tile_overlayer_lowered:
.L_overlay_start_2:
0x17d: {  	(tag) =	ssettag $0x2  }
0x17e: {  	s0 =	rddreg [dreg:$0x0];
	s2 =	stileid.u32  }
0x17f: {  	s1 =	rddreg [dreg:$0x1];
	p0 =	sne.s32 s2, $0x0  }
0x180: {  	s3 =	rddreg [dreg:$0x2];
	[bflag:$0x3] =	sbarrier.arrive $0xFFFF;
	s2 =	simm.s32 @!p0 $0x1C05  }
0x181: {  	[timem:s3], [sflag:s2] =	dma.local @!p0 [hbm:s0], s1  }
0x182: {  	s0 =	simm.s32 @!p0 $0x5  }
0x183: {  	_ =	swait.ge @!p0 [sflag:s0], s1  }
0x184: {  	s1 =	ssub.s32 @!p0 $0x0, s1;
	[sflag:s0] =	ssyncset.done @!p0 $0x0  }
0x185: {  	[sflag:s0] =	ssyncadd.s32 @!p0 s1  }
0x186: {  	[bflag:$0x3] =	sbarrier.arrive $0xFFFF  }
0x187: {  	_ =	shalt  }

// kernel: kernel.14.cloned.1.call-start
scs
__scs_entry_jumppad:
0x0: {  	(pc) =	sbr.rel $0x88, $3  }
0x1: {  	(tag) =	ssettag $0x0;
	lr =	simm.s32 $0x1  }
0x2: {  	[smem:$0x3F9E] =	sst lr;
	_ =	strace $0xD0000000  }
0x3: {  	_ = 	snop  }
0x4: {  	_ = 	snop  }
0x5: {  	_ = 	snop  }
0x6: {  	_ = 	snop  }
0x7: {  	_ = 	snop  }
__scs_overlays_trampoline_lowered:
0x8: {  	[smem:$0x3FAD] =	sst s0  }
0x9: {  	[smem:$0x3FAE] =	sst s1  }
0xa: {  	[smem:$0x3FAF] =	sst s2  }
0xb: {  	[smem:$0x3FB0] =	sst s3  }
0xc: {  	[smem:$0x3FB1] =	sst s4  }
0xd: {  	[smem:$0x3FB2] =	sst s5  }
0xe: {  	[smem:$0x3FB3] =	sst s6  }
0xf: {  	[smem:$0x3FB4] =	sst s7  }
0x10: {  	[smem:$0x3FB5] =	sst s8  }
0x11: {  	[smem:$0x3FB6] =	sst s9;
	s0 =	simm.s32 @!p0 $0x0  }
0x12: {  	s1 =	sld [smem:$0x3F9C];
	s0 =	simm.s32 @p0 $0x1  }
0x13: {  	[smem:$0x3FB7] =	sst s0;
	s0 =	simm.s32 @!p1 $0x0  }
0x14: {  	s2 =	sld [smem:$0x3F9B];
	s0 =	simm.s32 @p1 $0x1  }
0x15: {  	[smem:$0x3FB8] =	sst s0;
	s0 =	simm.s32 @!p2 $0x0  }
0x16: {  	s3 =	sld [smem:$0x3FDB];
	s0 =	simm.s32 @p2 $0x1  }
0x17: {  	s4 =	simm.s32 $0x1BF5;
	[smem:$0x3FBA] =	sst s0  }
0x18: {  	s0 =	sld [smem:$0x3F9D];
	_ =	swait.ge [sflag:s4], $0x0  }
0x19: {  	s7 =	sld [smem:$0x3F9E]  }
0x1a: {  	s8 =	sadd.s32 $0xFFFFE003, lr  }
0x1b: {  	s9 =	sadd.s32 $0xFFFFFEF7, lr;
	s5 =	simm.s32 $0xFFFFFFFF;
	p2 =	slt.u32 s8, $0xFFFFF086  }
0x1c: {  	p1 =	slt.u32 s9, $0xF7A;
	s5 =	simm.s32 @!p2 $0x0  }
0x1d: {  	s5 =	simm.s32 @p1 $0x1;
	p0 =	seq.s32 s7, s2  }
0x1e: {  	s7 =	smul.u32 @!p0 $0xF7A, s2;
	p2 =	seq.s32 @!p0 s5, $0x0  }
0x1f: {  	s9 =	smul.u32 $0xF7A, s1;
	s8 =	simm.s32 @!p0 $0x1BF5;
	p2 =	por !p2, p0  }
0x20: {  	[sflag:s8] =	ssyncset.s32 @!p0 $0xFFFFF086;
	s6 =	sadd.s32 @!p0 s3, s7;
	s7 =	simm.s32 @!p0 $0x108  }
0x21: {  	s3 =	sadd.s32 s3, s9;
	s6 =	sadd.s32 @!p0 $0x88, s6;
	s7 =	simm.s32 @p2 $0x1082  }
0x22: {  	[simem:s7], [sflag:s8] =	dma.local @!p0 [hbm:s6], $0xF7A  }
0x23: {  	s9 =	sor.u32 $0xD0000000, s2;
	s6 =	simm.s32 $0x108;
	_ =	swait.ge @!p0 [sflag:s8], $0x0  }
0x24: {  	s3 =	sadd.s32 $0x88, s3;
	s6 =	simm.s32 @!p1 $0x1082;
	[sflag:s4] =	ssyncset.s32 $0xFFFFF086  }
0x25: {  	[simem:s6], [sflag:s4] =	dma.local [hbm:s3], $0xF7A  }
0x26: {  	[smem:$0x3F9E] =	sst s1;
	(tag) =	ssettag s2;
	_ =	strace s9  }
0x27: {  	s1 =	sld [smem:$0x3FAE]  }
0x28: {  	s2 =	sld [smem:$0x3FAF]  }
0x29: {  	s4 =	sld [smem:$0x3FB1]  }
0x2a: {  	p0 =	seq.s32 s5, $0x0;
	s5 =	sld [smem:$0x3FB2]  }
0x2b: {  	s6 =	sld [smem:$0x3FB3]  }
0x2c: {  	s7 =	sld [smem:$0x3FB4]  }
0x2d: {  	s3 =	simm.s32 $0x108;
	s8 =	sld [smem:$0x3FB5]  }
0x2e: {  	s3 =	simm.s32 @!p0 $0x1082;
	s9 =	sld [smem:$0x3FB6]  }
0x2f: {  	lr =	sadd.s32 s0, s3;
	s0 =	sld [smem:$0x3FAD]  }
0x30: {  	s3 =	sld [smem:$0x3FB0]  }
0x31: {  	[smem:$0x3FB9] =	sst s10  }
0x32: {  	s10 =	sld [smem:$0x3FB7];
	_ =	sdelay $0x3  }
0x33: {  	p0 =	seq.s32 s10, $0x1;
	s10 =	sld [smem:$0x3FB9];
	_ =	sdelay $0x3  }
0x34: {  	[smem:$0x3FB9] =	sst s10  }
0x35: {  	s10 =	sld [smem:$0x3FB8];
	_ =	sdelay $0x3  }
0x36: {  	p1 =	seq.s32 s10, $0x1;
	s10 =	sld [smem:$0x3FB9];
	_ =	sdelay $0x3  }
0x37: {  	[smem:$0x3FB9] =	sst s10  }
0x38: {  	s10 =	sld [smem:$0x3FBA]  }
0x39: {  	_ = 	snop;
	(pc) =	sbr.ind lr, $3  }
0x3a: {  	_ = 	snop  }
0x3b: {  	_ = 	snop  }
0x3c: {  	p2 =	seq.s32 s10, $0x1;
	s10 =	sld [smem:$0x3FB9]  }
0x3d: {  	_ =	shalt  }
0x3e: {  	_ =	shalt  }
0x3f: {  	_ =	shalt  }
0x40: {  	_ =	shalt  }
0x41: {  	_ =	shalt  }
0x42: {  	_ =	shalt  }
0x43: {  	_ =	shalt  }
0x44: {  	_ =	shalt  }
0x45: {  	_ =	shalt  }
0x46: {  	_ =	shalt  }
0x47: {  	_ =	shalt  }
0x48: {  	_ =	shalt  }
0x49: {  	_ =	shalt  }
0x4a: {  	_ =	shalt  }
0x4b: {  	_ =	shalt  }
0x4c: {  	_ =	shalt  }
0x4d: {  	_ =	shalt  }
0x4e: {  	_ =	shalt  }
0x4f: {  	_ =	shalt  }
0x50: {  	_ =	shalt  }
0x51: {  	_ =	shalt  }
0x52: {  	_ =	shalt  }
0x53: {  	_ =	shalt  }
0x54: {  	_ =	shalt  }
0x55: {  	_ =	shalt  }
0x56: {  	_ =	shalt  }
0x57: {  	_ =	shalt  }
0x58: {  	_ =	shalt  }
0x59: {  	_ =	shalt  }
0x5a: {  	_ =	shalt  }
0x5b: {  	_ =	shalt  }
0x5c: {  	_ =	shalt  }
0x5d: {  	_ =	shalt  }
0x5e: {  	_ =	shalt  }
0x5f: {  	_ =	shalt  }
0x60: {  	_ =	shalt  }
0x61: {  	_ =	shalt  }
0x62: {  	_ =	shalt  }
0x63: {  	_ =	shalt  }
0x64: {  	_ =	shalt  }
0x65: {  	_ =	shalt  }
0x66: {  	_ =	shalt  }
0x67: {  	_ =	shalt  }
0x68: {  	_ =	shalt  }
0x69: {  	_ =	shalt  }
0x6a: {  	_ =	shalt  }
0x6b: {  	_ =	shalt  }
0x6c: {  	_ =	shalt  }
0x6d: {  	_ =	shalt  }
0x6e: {  	_ =	shalt  }
0x6f: {  	_ =	shalt  }
0x70: {  	_ =	shalt  }
0x71: {  	_ =	shalt  }
0x72: {  	_ =	shalt  }
0x73: {  	_ =	shalt  }
0x74: {  	_ =	shalt  }
0x75: {  	_ =	shalt  }
0x76: {  	_ =	shalt  }
0x77: {  	_ =	shalt  }
0x78: {  	_ =	shalt  }
0x79: {  	_ =	shalt  }
0x7a: {  	_ =	shalt  }
0x7b: {  	_ =	shalt  }
0x7c: {  	_ =	shalt  }
0x7d: {  	_ =	shalt  }
0x7e: {  	_ =	shalt  }
0x7f: {  	_ =	shalt  }
0x80: {  	_ =	shalt  }
0x81: {  	_ =	shalt  }
0x82: {  	_ =	shalt  }
0x83: {  	_ =	shalt  }
0x84: {  	_ =	shalt  }
0x85: {  	_ =	shalt  }
0x86: {  	_ =	shalt  }
0x87: {  	_ =	shalt  }
.Lfunc_end0:
.L_simem_size_0:
called_computation.1_lowered:
.L_overlay_start_0:
0x88: {  	s2 =	sld [smem:$0x3FD9]  }
0x89: {  	s3 =	sld [smem:$0x3FFE];
	_ =	sdelay $0x1  }
0x8a: {  	s1 =	srdreg.scid  }
0x8b: {  	s0 =	sand.u32 $0x1, s1  }
0x8c: {  	s17 =	sshll.u32 s0, $0xA;
	s2 =	sadd.s32 s3, s2  }
0x8d: {  	s2 =	sadd.s32 s2, s17  }
0x8e: {  	[smem:$0x3FC5] =	sst s2  }
0x8f: {  	_ = 	snop  }
0x90: {  	(tm) =	ssettm $0x1  }
0x91: {  	s18 =	sld [smem:$0x3FFB];
	_ =	sdelay $0x3  }
0x92: {  	_ =	strace s18  }
0x93: {  	s2 =	sld [smem:$0x3FFC];
	_ =	sdelay $0x3  }
0x94: {  	_ =	strace s2  }
0x95: {  	s2 =	sld [smem:$0x3FFD];
	_ =	sdelay $0x3  }
0x96: {  	_ =	strace s2  }
0x97: {  	_ =	strace $0x8FFFFFFF  }
0x98: {  	s19 =	sld [smem:$0x3FDB];
	_ =	sdelay $0x1  }
0x99: {  	s20 =	simm.s32 $_scs_section_size  }
0x9a: {  	s4 =	simm.s32 $_size__tile_overlayer_lowered;
	s5 =	simm.s32 $_tile_overlayer_lowered  }
0x9b: {  	s6 =	simm.s32 $0x1BFF;
	s21 =	sshll.u32 s5, $0x1;
	s3 =	sadd.s32 s20, s19  }
0x9c: {  	s22 =	simm.s32 $0x0;
	s4 =	sshll.u32 s4, $0x1;
	s5 =	sadd.s32 s21, s3  }
0x9d: {  	[timem:s22], [sflag:s6] =	dma.local [hbm:s5], s4  }
0x9e: {  	_ =	swait.ge [sflag:s6], s4  }
0x9f: {  	s4 =	ssub.s32 $0x0, s4;
	[sflag:s6] =	ssyncset.done $0x0  }
0xa0: {  	[sflag:s6] =	ssyncadd.s32 s4;
	_ =	sdelay $0x1  }
0xa1: {  	s23 =	simm.s32 $0x1B8B  }
0xa2: {  	_ =	swait.ge [sflag:s23], $0x1  }
0xa3: {  	[sflag:s23] =	ssyncset.done $0x0  }
0xa4: {  	[sflag:s23] =	ssyncadd.s32 $0xFFFFFFFF  }
0xa5: {  	s4 =	sld [smem:$0x0]  }
0xa6: {  	s5 =	sand.u32 $0xFFFFFFFE, s1  }
0xa7: {  	p0 =	sne.s32 s1, s5  }
0xa8: {  	s5 =	sshll.u32 @p0 s5, $0xE  }
0xa9: {  	s5 =	sadd.s32 @p0 $0x11B8D, s5;
	s6 =	sshll.u32 @p0 s4, $0x11  }
0xaa: {  	s5 =	sor.u32 @p0 s6, s5  }
0xab: {  	[sflag:s5] =	ssyncadd.remote.s32 @p0 $0x1;
	_ =	sdelay $0x1  }
0xac: {  	s5 =	simm.s32 @p0 $0x1B8D  }
0xad: {  	_ =	swait.eq @p0 [sflag:s5], $0x1  }
0xae: {  	[sflag:s5] =	ssyncadd.s32 @p0 $0xFFFFFFFF  }
0xaf: {  	s6 =	sshll.u32 @!p0 s1, $0xE  }
0xb0: {  	s6 =	sor.u32 @!p0 $0x4000, s6;
	s5 =	simm.s32 @!p0 $0x1B8D  }
0xb1: {  	s4 =	sshll.u32 @!p0 s4, $0x11;
	s6 =	sadd.s32 @!p0 $0x11B8D, s6;
	_ =	swait.eq @!p0 [sflag:s5], $0x1  }
0xb2: {  	s4 =	sor.u32 @!p0 s4, s6;
	[sflag:s5] =	ssyncadd.s32 @!p0 $0xFFFFFFFF  }
0xb3: {  	s25 =	simm.s32 $0x1B8E;
	s24 =	sld [smem:$0x3FFE];
	[sflag:s4] =	ssyncadd.remote.s32 @!p0 $0x1  }
0xb4: {  	s26 =	simm.s32 $execute0_lowered;
	[smem:$0x3FD2] =	sst s25  }
0xb5: {  	s5 =	sshll.u32 s26, $0x1;
	_ =	strace $0x80000049;
	[dreg:$0x1] =	wrdreg $0xFFFFFFFF  }
0xb6: {  	s28 =	simm.s32 $_size_execute0_lowered;
	s3 =	sadd.s32 s3, s5;
	[dreg:$0x0] =	wrdreg $0x0  }
0xb7: {  	s5 =	sshll.u32 s28, $0x1;
	[dreg:$0x2] =	wrdreg s3  }
0xb8: {  	[dreg:$0x3] =	wrdreg s5  }
0xb9: {  	[dreg:$0x4] =	wrdreg $0xC0  }
0xba: {  	_ =	task [dreg:s22], $0x5FFFF  }
0xbb: {  	[dreg:$0x1] =	wrdreg $0xFFFFFFFF  }
0xbc: {  	[dreg:$0x0] =	wrdreg $0x60  }
0xbd: {  	[dreg:$0x2] =	wrdreg s24  }
0xbe: {  	[dreg:$0x3] =	wrdreg $0xA  }
0xbf: {  	_ =	task.clear_ibuf [dreg:s22], $0x4FFFF;
	_ =	strace $0x90000049  }
0xc0: {  	s29 =	simm.s32 $0xA;
	_ =	strace $0x8000004B  }
0xc1: {  	_ =	swait.ge [sflag:s29], $0x1  }
0xc2: {  	[sflag:s29] =	ssyncadd.s32 $0xFFFFFFFF  }
0xc3: {  	_ =	strace $0x9000004B  }
0xc4: {  	_ =	sfence  }
0xc5: {  	s30 =	sld [smem:$0x0];
	_ =	sdelay $0x2  }
0xc6: {  	s31 =	sshll.u32 s1, $0xD;
	s1 =	sshrl.u32 s1, $0x2  }
0xc7: {  	s4 =	sand.u32 $0x4000, s31;
	s1 =	sadd.s32 s1, s30  }
0xc8: {  	s0 =	sor.u32 s4, s0;
	s1 =	sshll.u32 s1, $0x11  }
0xc9: {  	s0 =	sor.u32 s1, s0  }
0xca: {  	s0 =	sadd.s32 $0x8F2B, s0  }
0xcb: {  	[sflag:s0] =	ssyncadd.remote.s32 $0x1  }
0xcc: {  	_ =	sfence.sel $0xFFFF  }
0xcd: {  	[dreg:$0x0] =	wrdreg $0xFFFFFFFF;
	(pc) =	sbr.abs _section_cstart, $3  }
0xce: {  	[dreg:$0x1] =	wrdreg $0xFFFFFFFF  }
0xcf: {  	_ =	task.clear_ibuf [dreg:s22], $0x2FFFF;
	_ =	strace $0x9FFFFFFF  }
0xd0: {  	(tm) =	ssettm $0x7FFFFFFF  }
0xd1: {  	_ =	shalt  }
tec
execute0_lowered:
.L_overlay_start_1:
0x0: {  	(tag) =	ssettag $0x1  }
0x1: {  	s0 =	rddreg [dreg:$0x0];
	s1 =	simm.s32 $0x0;
	s2 =	srdreg.scid  }
0x2: {  	s13 =	stileid.u32;
	s29 =	simm.s32 $0xA0A0;
	s30 =	simm.s32 $0xC8A0  }
0x3: {  	s31 =	simm.s32 $0xF0A0;
	[smem:$0x7FF] =	sst s1;
	s3 =	sadd.s32 $0x30FA00, s0  }
0x4: {  	s28 =	simm.s32 $0x1;
	s4 =	sadd.s32 $0x496400, s0;
	s5 =	sadd.s32 $0x93CE00, s0  }
0x5: {  	s2 =	sand.u32 $0x1, s2;
	s9 =	sadd.s32 $0x941C00, s0;
	s11 =	sadd.s32 $0xA09C00, s0  }
0x6: {  	s6 =	sshll.u32 s13, $0x1;
	s12 =	sadd.s32 $0xAD1C00, s0;
	s13 =	smul.u32 $0xC80, s13  }
0x7: {  	s10 =	sor.u32 s2, s6;
	s14 =	ssub.s32 $0x2, s2;
	s2 =	smul.u32 $0x640, s2  }
0x8: {  	s7 =	sadd.s32 $0x189000, s0;
	_ =	strace $0x8000004A;
	s16 =	smul.u32 $0x6400, s10  }
0x9: {  	s6 =	sadd.s32 $0x2600, s0;
	s0 =	sadd.s32 $0xB99C00, s0;
	s8 =	smul.u32 $0x640, s10  }
0xa: {  	s15 =	sshrl.u32 s14, $0x1;
	s10 =	smul.u32 $0x32000, s10;
	s23 =	sadd.s32 s9, s16  }
0xb: {  	s14 =	ssub.s32 s14, s15;
	s24 =	sadd.s32 s11, s16;
	[dreg:$0xb] =	wrdreg s23  }
0xc: {  	s2 =	sadd.s32 s2, s13;
	s25 =	sadd.s32 s12, s16;
	[dreg:$0xc] =	wrdreg s24  }
0xd: {  	s8 =	sshrl.u32 s8, $0x3;
	s16 =	sadd.s32 s0, s16;
	[dreg:$0xd] =	wrdreg s25  }
0xe: {  	s10 =	sshrl.u32 s10, $0x3;
	s22 =	sadd.s32 s5, s8;
	[dreg:$0xe] =	wrdreg s16  }
0xf: {  	s10 =	sadd.s32 $0x5F00, s10;
	[dreg:$0xa] =	wrdreg s22;
	s15 =	sadd.s32 $0xA, s22  }
0x10: {  	s21 =	sshll.u32 s2, $0x4;
	s20 =	sadd.s32 s9, s10;
	[dreg:$0xf] =	wrdreg s15  }
0x11: {  	s8 =	sadd.s32 $0xA0, s2;
	s22 =	sadd.s32 s11, s10;
	[dreg:$0x10] =	wrdreg s20  }
0x12: {  	s2 =	sadd.s32 $0xF0, s2;
	s23 =	sadd.s32 s12, s10;
	[dreg:$0x11] =	wrdreg s22  }
0x13: {  	s26 =	sshll.u32 s8, $0x4;
	s10 =	sadd.s32 s0, s10;
	[dreg:$0x12] =	wrdreg s23  }
0x14: {  	s2 =	sshrl.u32 s2, $0x3;
	s17 =	sadd.s32 s26, s9;
	[dreg:$0x13] =	wrdreg s10  }
0x15: {  	s18 =	sadd.s32 s26, s11;
	s19 =	sadd.s32 s26, s12;
	[dreg:$0x2] =	wrdreg s17  }
0x16: {  	s13 =	sadd.s32 s26, s0;
	s15 =	sadd.s32 $0x500, s21;
	[dreg:$0x3] =	wrdreg s18  }
0x17: {  	s26 =	smax.u32 s14, $0x1;
	s21 =	simm.s32 $0x5;
	[dreg:$0x4] =	wrdreg s19  }
0x18: {  	s22 =	simm.s32 $0x50;
	s23 =	simm.s32 $0xA0;
	[dreg:$0x5] =	wrdreg s13  }
0x19: {  	s10 =	simm.s32 $0x4;
	s9 =	sadd.s32 s15, s9;
	[dreg:$0x14] =	wrdreg s26  }
0x1a: {  	s24 =	sadd.s32 s15, s11;
	s25 =	sadd.s32 s15, s12;
	[dreg:$0x6] =	wrdreg s9  }
0x1b: {  	s0 =	sadd.s32 s15, s0;
	s13 =	sadd.s32 s2, s5;
	[dreg:$0x7] =	wrdreg s24  }
0x1c: {  	s26 =	simm.s32 $0x78A0;
	s2 =	simm.s32 $0x2;
	[dreg:$0x8] =	wrdreg s25  }
0x1d: {  	s12 =	simm.s32 $0x0;
	[dreg:$0x9] =	wrdreg s0;
	s24 =	simm.s32 $0x28A0  }
0x1e: {  	s25 =	simm.s32 $0x50A0;
	s0 =	simm.s32 $0x118A0;
	s9 =	simm.s32 $0x3  }
.LBB2_1:
0x1f: {  	s11 =	rddreg [dreg:$0xa]  }
0x20: {  	[tilespmem:s1], [sflag:$0x5] =	stream.linear.gather [hbm4b:s11+s1], $0x50, $0x38;
	[tilespmem:$0x140A0] =	vst v63  }
0x21: {  	_ =	swait.ge [sflag:s21], $0x50  }
0x22: {  	[sflag:s21] =	ssyncset.done $0x0  }
0x23: {  	[sflag:s21] =	ssyncadd.s32 $0xFFFFFFB0  }
0x24: {  	[tilespmem:s23], [sflag:$0x1] =	stream.indirect.gather [hbm4b:s6+s22], $0x80, s1, s22, $0xb8;
	[tilespmem:$0x140A0] =	vst v63  }
0x25: {  	_ = 	snop  }
0x26: {  	[tilespmem:s24], [sflag:$0x1] =	stream.indirect.gather [hbm4b:s7+s22], $0x80, s1, s22, $0xb8;
	[tilespmem:$0x140A0] =	vst v63  }
0x27: {  	_ = 	snop  }
0x28: {  	[tilespmem:s25], [sflag:$0x1] =	stream.indirect.gather [hbm4b:s3+s22], $0x80, s1, s22, $0xb8;
	[tilespmem:$0x140A0] =	vst v63  }
0x29: {  	_ = 	snop  }
0x2a: {  	[tilespmem:s26], [sflag:$0x1] =	stream.indirect.gather [hbm4b:s4+s22], $0x80, s1, s22, $0xb8;
	[tilespmem:$0x140A0] =	vst v63  }
0x2b: {  	_ =	swait.ge [sflag:s28], $0x2800  }
0x2c: {  	[sflag:s28] =	ssyncset.done $0x0  }
0x2d: {  	[sflag:s28] =	ssyncadd.s32 $0xFFFFD800  }
0x2e: {  	_ =	swait.ge [sflag:s28], $0x2800  }
0x2f: {  	[sflag:s28] =	ssyncset.done $0x0  }
0x30: {  	[sflag:s28] =	ssyncadd.s32 $0xFFFFD800  }
0x31: {  	_ =	swait.ge [sflag:s28], $0x2800  }
0x32: {  	[sflag:s28] =	ssyncset.done $0x0  }
0x33: {  	[sflag:s28] =	ssyncadd.s32 $0xFFFFD800  }
0x34: {  	_ =	swait.ge [sflag:s28], $0x2800  }
0x35: {  	[sflag:s28] =	ssyncset.done $0x0  }
0x36: {  	s17 =	rddreg [dreg:$0xb];
	[sflag:s28] =	ssyncadd.s32 $0xFFFFD800  }
0x37: {  	[hbm4b:s17+s1] =	stream.linear.scatter [tilespmem:s23], [sflag:$0x3], $0x2800, $0x38;
	[tilespmem:$0x140A0] =	vst v63  }
0x38: {  	s18 =	rddreg [dreg:$0xc]  }
0x39: {  	[hbm4b:s18+s1] =	stream.linear.scatter [tilespmem:s24], [sflag:$0x3], $0x2800, $0x38;
	[tilespmem:$0x140A0] =	vst v63  }
0x3a: {  	s19 =	rddreg [dreg:$0xd]  }
0x3b: {  	[hbm4b:s19+s1] =	stream.linear.scatter [tilespmem:s25], [sflag:$0x3], $0x2800, $0x38;
	[tilespmem:$0x140A0] =	vst v63  }
0x3c: {  	s20 =	rddreg [dreg:$0xe]  }
0x3d: {  	[hbm4b:s20+s1] =	stream.linear.scatter [tilespmem:s26], [sflag:$0x3], $0x2800, $0x38;
	[tilespmem:$0x140A0] =	vst v63  }
0x3e: {  	s14 =	rddreg [dreg:$0xf]  }
0x3f: {  	[tilespmem:s22], [sflag:$0x5] =	stream.linear.gather [hbm4b:s14+s1], $0x50, $0x38;
	[tilespmem:$0x140A0] =	vst v63  }
0x40: {  	_ =	swait.ge [sflag:s21], $0x50  }
0x41: {  	[sflag:s21] =	ssyncset.done $0x0  }
0x42: {  	[sflag:s21] =	ssyncadd.s32 $0xFFFFFFB0  }
0x43: {  	[tilespmem:s29], [sflag:$0x2] =	stream.indirect.gather [hbm4b:s6+s22], $0x80, s22, s22, $0xb8;
	[tilespmem:$0x140A0] =	vst v63  }
0x44: {  	_ = 	snop  }
0x45: {  	[tilespmem:s30], [sflag:$0x2] =	stream.indirect.gather [hbm4b:s7+s22], $0x80, s22, s22, $0xb8;
	[tilespmem:$0x140A0] =	vst v63  }
0x46: {  	_ = 	snop  }
0x47: {  	[tilespmem:s31], [sflag:$0x2] =	stream.indirect.gather [hbm4b:s3+s22], $0x80, s22, s22, $0xb8;
	[tilespmem:$0x140A0] =	vst v63  }
0x48: {  	_ = 	snop  }
0x49: {  	[tilespmem:s0], [sflag:$0x2] =	stream.indirect.gather [hbm4b:s4+s22], $0x80, s22, s22, $0xb8;
	[tilespmem:$0x140A0] =	vst v63  }
0x4a: {  	_ =	swait.ge [sflag:s2], $0x2800  }
0x4b: {  	[sflag:s2] =	ssyncset.done $0x0  }
0x4c: {  	[sflag:s2] =	ssyncadd.s32 $0xFFFFD800  }
0x4d: {  	_ =	swait.ge [sflag:s2], $0x2800  }
0x4e: {  	[sflag:s2] =	ssyncset.done $0x0  }
0x4f: {  	[sflag:s2] =	ssyncadd.s32 $0xFFFFD800  }
0x50: {  	_ =	swait.ge [sflag:s2], $0x2800  }
0x51: {  	[sflag:s2] =	ssyncset.done $0x0  }
0x52: {  	[sflag:s2] =	ssyncadd.s32 $0xFFFFD800  }
0x53: {  	_ =	swait.ge [sflag:s2], $0x2800  }
0x54: {  	s15 =	rddreg [dreg:$0x6];
	[sflag:s2] =	ssyncset.done $0x0  }
0x55: {  	s14 =	rddreg [dreg:$0x7];
	[sflag:s2] =	ssyncadd.s32 $0xFFFFD800;
	s11 =	sadd.s32 $0x0, s15  }
0x56: {  	[hbm4b:s11+s1] =	stream.linear.scatter [tilespmem:s29], [sflag:$0x4], $0x2800, $0x38;
	[tilespmem:$0x140A0] =	vst v63  }
0x57: {  	s15 =	rddreg [dreg:$0x8];
	s16 =	sadd.s32 $0x0, s14  }
0x58: {  	[hbm4b:s16+s1] =	stream.linear.scatter [tilespmem:s30], [sflag:$0x4], $0x2800, $0x38;
	[tilespmem:$0x140A0] =	vst v63  }
0x59: {  	s17 =	rddreg [dreg:$0x9];
	s18 =	sadd.s32 $0x0, s15  }
0x5a: {  	[hbm4b:s18+s1] =	stream.linear.scatter [tilespmem:s31], [sflag:$0x4], $0x2800, $0x38;
	[tilespmem:$0x140A0] =	vst v63  }
0x5b: {  	s19 =	sadd.s32 $0x0, s17  }
0x5c: {  	[hbm4b:s19+s1] =	stream.linear.scatter [tilespmem:s0], [sflag:$0x4], $0x2800, $0x38;
	[tilespmem:$0x140A0] =	vst v63  }
0x5d: {  	_ =	swait.ge [sflag:s9], $0x2800  }
0x5e: {  	[sflag:s9] =	ssyncset.done $0x0  }
0x5f: {  	[sflag:s9] =	ssyncadd.s32 $0xFFFFD800  }
0x60: {  	_ =	swait.ge [sflag:s9], $0x2800  }
0x61: {  	[sflag:s9] =	ssyncset.done $0x0  }
0x62: {  	[sflag:s9] =	ssyncadd.s32 $0xFFFFD800  }
0x63: {  	_ =	swait.ge [sflag:s9], $0x2800  }
0x64: {  	[sflag:s9] =	ssyncset.done $0x0  }
0x65: {  	[sflag:s9] =	ssyncadd.s32 $0xFFFFD800  }
0x66: {  	_ =	swait.ge [sflag:s9], $0x2800  }
0x67: {  	s20 =	sshrl.u32 s8, $0x3;
	[sflag:s9] =	ssyncset.done $0x0  }
0x68: {  	s11 =	sadd.s32 s5, s20;
	[sflag:s9] =	ssyncadd.s32 $0xFFFFD800  }
0x69: {  	[tilespmem:s1], [sflag:$0x5] =	stream.linear.gather [hbm4b:s11+s1], $0x50, $0x38;
	[tilespmem:$0x140A0] =	vst v63  }
0x6a: {  	_ =	swait.ge [sflag:s21], $0x50  }
0x6b: {  	[sflag:s21] =	ssyncset.done $0x0  }
0x6c: {  	[sflag:s21] =	ssyncadd.s32 $0xFFFFFFB0  }
0x6d: {  	[tilespmem:s23], [sflag:$0x1] =	stream.indirect.gather [hbm4b:s6+s22], $0x80, s1, s22, $0xb8;
	[tilespmem:$0x140A0] =	vst v63  }
0x6e: {  	_ = 	snop  }
0x6f: {  	[tilespmem:s24], [sflag:$0x1] =	stream.indirect.gather [hbm4b:s7+s22], $0x80, s1, s22, $0xb8;
	[tilespmem:$0x140A0] =	vst v63  }
0x70: {  	_ = 	snop  }
0x71: {  	[tilespmem:s25], [sflag:$0x1] =	stream.indirect.gather [hbm4b:s3+s22], $0x80, s1, s22, $0xb8;
	[tilespmem:$0x140A0] =	vst v63  }
0x72: {  	_ = 	snop  }
0x73: {  	[tilespmem:s26], [sflag:$0x1] =	stream.indirect.gather [hbm4b:s4+s22], $0x80, s1, s22, $0xb8;
	[tilespmem:$0x140A0] =	vst v63  }
0x74: {  	_ =	swait.ge [sflag:s28], $0x2800  }
0x75: {  	[sflag:s28] =	ssyncset.done $0x0  }
0x76: {  	[sflag:s28] =	ssyncadd.s32 $0xFFFFD800  }
0x77: {  	_ =	swait.ge [sflag:s28], $0x2800  }
0x78: {  	[sflag:s28] =	ssyncset.done $0x0  }
0x79: {  	[sflag:s28] =	ssyncadd.s32 $0xFFFFD800  }
0x7a: {  	_ =	swait.ge [sflag:s28], $0x2800  }
0x7b: {  	[sflag:s28] =	ssyncset.done $0x0  }
0x7c: {  	[sflag:s28] =	ssyncadd.s32 $0xFFFFD800  }
0x7d: {  	_ =	swait.ge [sflag:s28], $0x2800  }
0x7e: {  	s14 =	rddreg [dreg:$0x2];
	[sflag:s28] =	ssyncset.done $0x0  }
0x7f: {  	s15 =	rddreg [dreg:$0x3];
	[sflag:s28] =	ssyncadd.s32 $0xFFFFD800;
	s11 =	sadd.s32 $0x0, s14  }
0x80: {  	[hbm4b:s11+s1] =	stream.linear.scatter [tilespmem:s23], [sflag:$0x3], $0x2800, $0x38;
	[tilespmem:$0x140A0] =	vst v63  }
0x81: {  	s16 =	rddreg [dreg:$0x4];
	s17 =	sadd.s32 $0x0, s15  }
0x82: {  	[hbm4b:s17+s1] =	stream.linear.scatter [tilespmem:s24], [sflag:$0x3], $0x2800, $0x38;
	[tilespmem:$0x140A0] =	vst v63  }
0x83: {  	s18 =	rddreg [dreg:$0x5];
	s19 =	sadd.s32 $0x0, s16  }
0x84: {  	[hbm4b:s19+s1] =	stream.linear.scatter [tilespmem:s25], [sflag:$0x3], $0x2800, $0x38;
	[tilespmem:$0x140A0] =	vst v63  }
0x85: {  	s20 =	sadd.s32 $0x0, s18  }
0x86: {  	[hbm4b:s20+s1] =	stream.linear.scatter [tilespmem:s26], [sflag:$0x3], $0x2800, $0x38;
	[tilespmem:$0x140A0] =	vst v63  }
0x87: {  	_ =	swait.ge [sflag:s10], $0x2800  }
0x88: {  	[sflag:s10] =	ssyncset.done $0x0  }
0x89: {  	[sflag:s10] =	ssyncadd.s32 $0xFFFFD800  }
0x8a: {  	_ =	swait.ge [sflag:s10], $0x2800  }
0x8b: {  	[sflag:s10] =	ssyncset.done $0x0  }
0x8c: {  	[sflag:s10] =	ssyncadd.s32 $0xFFFFD800  }
0x8d: {  	_ =	swait.ge [sflag:s10], $0x2800  }
0x8e: {  	[sflag:s10] =	ssyncset.done $0x0  }
0x8f: {  	[sflag:s10] =	ssyncadd.s32 $0xFFFFD800  }
0x90: {  	_ =	swait.ge [sflag:s10], $0x2800  }
0x91: {  	[sflag:s10] =	ssyncset.done $0x0  }
0x92: {  	[sflag:s10] =	ssyncadd.s32 $0xFFFFD800  }
0x93: {  	[tilespmem:s22], [sflag:$0x5] =	stream.linear.gather [hbm4b:s13+s1], $0x50, $0x38;
	[tilespmem:$0x140A0] =	vst v63  }
0x94: {  	_ =	swait.ge [sflag:s21], $0x50  }
0x95: {  	[sflag:s21] =	ssyncset.done $0x0  }
0x96: {  	[sflag:s21] =	ssyncadd.s32 $0xFFFFFFB0  }
0x97: {  	[tilespmem:s29], [sflag:$0x2] =	stream.indirect.gather [hbm4b:s6+s22], $0x80, s22, s22, $0xb8;
	[tilespmem:$0x140A0] =	vst v63  }
0x98: {  	_ = 	snop  }
0x99: {  	[tilespmem:s30], [sflag:$0x2] =	stream.indirect.gather [hbm4b:s7+s22], $0x80, s22, s22, $0xb8;
	[tilespmem:$0x140A0] =	vst v63  }
0x9a: {  	_ = 	snop  }
0x9b: {  	[tilespmem:s31], [sflag:$0x2] =	stream.indirect.gather [hbm4b:s3+s22], $0x80, s22, s22, $0xb8;
	[tilespmem:$0x140A0] =	vst v63  }
0x9c: {  	_ = 	snop  }
0x9d: {  	[tilespmem:s0], [sflag:$0x2] =	stream.indirect.gather [hbm4b:s4+s22], $0x80, s22, s22, $0xb8;
	[tilespmem:$0x140A0] =	vst v63  }
0x9e: {  	_ =	swait.ge [sflag:s2], $0x2800  }
0x9f: {  	[sflag:s2] =	ssyncset.done $0x0  }
0xa0: {  	[sflag:s2] =	ssyncadd.s32 $0xFFFFD800  }
0xa1: {  	_ =	swait.ge [sflag:s2], $0x2800  }
0xa2: {  	[sflag:s2] =	ssyncset.done $0x0  }
0xa3: {  	[sflag:s2] =	ssyncadd.s32 $0xFFFFD800  }
0xa4: {  	_ =	swait.ge [sflag:s2], $0x2800  }
0xa5: {  	[sflag:s2] =	ssyncset.done $0x0  }
0xa6: {  	s14 =	simm.s32 $0xA00;
	[sflag:s2] =	ssyncadd.s32 $0xFFFFD800  }
0xa7: {  	s15 =	simm.s32 $0x1400;
	s11 =	smov.u32 s8;
	_ =	swait.ge [sflag:s2], $0x2800  }
0xa8: {  	s20 =	smov.u32 s13;
	s17 =	rddreg [dreg:$0x6];
	[sflag:s2] =	ssyncset.done $0x0  }
.LBB2_2:
0xa9: {  	[sflag:s2] =	ssyncadd.s32 $0xFFFFD800;
	s18 =	rddreg [dreg:$0x7];
	s17 =	sadd.s32 s14, s17  }
0xaa: {  	[hbm4b:s17+s1] =	stream.linear.scatter [tilespmem:s29], [sflag:$0x4], $0x2800, $0x38;
	[tilespmem:$0x140A0] =	vst v63  }
0xab: {  	s19 =	rddreg [dreg:$0x8];
	s17 =	sadd.s32 s14, s18  }
0xac: {  	[hbm4b:s17+s1] =	stream.linear.scatter [tilespmem:s30], [sflag:$0x4], $0x2800, $0x38;
	[tilespmem:$0x140A0] =	vst v63  }
0xad: {  	s18 =	rddreg [dreg:$0x9];
	s19 =	sadd.s32 s14, s19  }
0xae: {  	[hbm4b:s19+s1] =	stream.linear.scatter [tilespmem:s31], [sflag:$0x4], $0x2800, $0x38;
	[tilespmem:$0x140A0] =	vst v63  }
0xaf: {  	s19 =	sadd.s32 s14, s18  }
0xb0: {  	[hbm4b:s19+s1] =	stream.linear.scatter [tilespmem:s0], [sflag:$0x4], $0x2800, $0x38;
	[tilespmem:$0x140A0] =	vst v63  }
0xb1: {  	_ =	swait.ge [sflag:s9], $0x2800  }
0xb2: {  	[sflag:s9] =	ssyncset.done $0x0  }
0xb3: {  	[sflag:s9] =	ssyncadd.s32 $0xFFFFD800  }
0xb4: {  	_ =	swait.ge [sflag:s9], $0x2800  }
0xb5: {  	[sflag:s9] =	ssyncset.done $0x0  }
0xb6: {  	[sflag:s9] =	ssyncadd.s32 $0xFFFFD800  }
0xb7: {  	_ =	swait.ge [sflag:s9], $0x2800  }
0xb8: {  	[sflag:s9] =	ssyncset.done $0x0  }
0xb9: {  	[sflag:s9] =	ssyncadd.s32 $0xFFFFD800  }
0xba: {  	s11 =	sadd.s32 $0xA0, s11;
	_ =	swait.ge [sflag:s9], $0x2800  }
0xbb: {  	s18 =	sshrl.u32 s11, $0x3;
	[sflag:s9] =	ssyncset.done $0x0  }
0xbc: {  	s17 =	sadd.s32 s5, s18;
	[sflag:s9] =	ssyncadd.s32 $0xFFFFD800  }
0xbd: {  	[tilespmem:s1], [sflag:$0x5] =	stream.linear.gather [hbm4b:s17+s1], $0x50, $0x38;
	[tilespmem:$0x140A0] =	vst v63  }
0xbe: {  	_ =	swait.ge [sflag:s21], $0x50  }
0xbf: {  	[sflag:s21] =	ssyncset.done $0x0  }
0xc0: {  	[sflag:s21] =	ssyncadd.s32 $0xFFFFFFB0  }
0xc1: {  	[tilespmem:s23], [sflag:$0x1] =	stream.indirect.gather [hbm4b:s6+s22], $0x80, s1, s22, $0xb8;
	[tilespmem:$0x140A0] =	vst v63  }
0xc2: {  	_ = 	snop  }
0xc3: {  	[tilespmem:s24], [sflag:$0x1] =	stream.indirect.gather [hbm4b:s7+s22], $0x80, s1, s22, $0xb8;
	[tilespmem:$0x140A0] =	vst v63  }
0xc4: {  	_ = 	snop  }
0xc5: {  	[tilespmem:s25], [sflag:$0x1] =	stream.indirect.gather [hbm4b:s3+s22], $0x80, s1, s22, $0xb8;
	[tilespmem:$0x140A0] =	vst v63  }
0xc6: {  	_ = 	snop  }
0xc7: {  	[tilespmem:s26], [sflag:$0x1] =	stream.indirect.gather [hbm4b:s4+s22], $0x80, s1, s22, $0xb8;
	[tilespmem:$0x140A0] =	vst v63  }
0xc8: {  	_ =	swait.ge [sflag:s28], $0x2800  }
0xc9: {  	[sflag:s28] =	ssyncset.done $0x0  }
0xca: {  	[sflag:s28] =	ssyncadd.s32 $0xFFFFD800  }
0xcb: {  	_ =	swait.ge [sflag:s28], $0x2800  }
0xcc: {  	[sflag:s28] =	ssyncset.done $0x0  }
0xcd: {  	[sflag:s28] =	ssyncadd.s32 $0xFFFFD800  }
0xce: {  	_ =	swait.ge [sflag:s28], $0x2800  }
0xcf: {  	[sflag:s28] =	ssyncset.done $0x0  }
0xd0: {  	[sflag:s28] =	ssyncadd.s32 $0xFFFFD800  }
0xd1: {  	_ =	swait.ge [sflag:s28], $0x2800  }
0xd2: {  	s19 =	rddreg [dreg:$0x2];
	[sflag:s28] =	ssyncset.done $0x0  }
0xd3: {  	s18 =	rddreg [dreg:$0x3];
	[sflag:s28] =	ssyncadd.s32 $0xFFFFD800;
	s17 =	sadd.s32 s14, s19  }
0xd4: {  	[hbm4b:s17+s1] =	stream.linear.scatter [tilespmem:s23], [sflag:$0x3], $0x2800, $0x38;
	[tilespmem:$0x140A0] =	vst v63  }
0xd5: {  	s19 =	rddreg [dreg:$0x4];
	s17 =	sadd.s32 s14, s18  }
0xd6: {  	[hbm4b:s17+s1] =	stream.linear.scatter [tilespmem:s24], [sflag:$0x3], $0x2800, $0x38;
	[tilespmem:$0x140A0] =	vst v63  }
0xd7: {  	s18 =	rddreg [dreg:$0x5];
	s19 =	sadd.s32 s14, s19  }
0xd8: {  	[hbm4b:s19+s1] =	stream.linear.scatter [tilespmem:s25], [sflag:$0x3], $0x2800, $0x38;
	[tilespmem:$0x140A0] =	vst v63  }
0xd9: {  	s19 =	sadd.s32 s14, s18  }
0xda: {  	[hbm4b:s19+s1] =	stream.linear.scatter [tilespmem:s26], [sflag:$0x3], $0x2800, $0x38;
	[tilespmem:$0x140A0] =	vst v63  }
0xdb: {  	_ =	swait.ge [sflag:s10], $0x2800  }
0xdc: {  	[sflag:s10] =	ssyncset.done $0x0  }
0xdd: {  	[sflag:s10] =	ssyncadd.s32 $0xFFFFD800  }
0xde: {  	_ =	swait.ge [sflag:s10], $0x2800  }
0xdf: {  	[sflag:s10] =	ssyncset.done $0x0  }
0xe0: {  	[sflag:s10] =	ssyncadd.s32 $0xFFFFD800  }
0xe1: {  	_ =	swait.ge [sflag:s10], $0x2800  }
0xe2: {  	[sflag:s10] =	ssyncset.done $0x0  }
0xe3: {  	[sflag:s10] =	ssyncadd.s32 $0xFFFFD800  }
0xe4: {  	_ =	swait.ge [sflag:s10], $0x2800  }
0xe5: {  	[sflag:s10] =	ssyncset.done $0x0  }
0xe6: {  	s20 =	sadd.s32 $0x14, s20;
	[sflag:s10] =	ssyncadd.s32 $0xFFFFD800  }
0xe7: {  	[tilespmem:s22], [sflag:$0x5] =	stream.linear.gather [hbm4b:s20+s1], $0x50, $0x38;
	[tilespmem:$0x140A0] =	vst v63  }
0xe8: {  	_ =	swait.ge [sflag:s21], $0x50  }
0xe9: {  	[sflag:s21] =	ssyncset.done $0x0  }
0xea: {  	[sflag:s21] =	ssyncadd.s32 $0xFFFFFFB0  }
0xeb: {  	[tilespmem:s29], [sflag:$0x2] =	stream.indirect.gather [hbm4b:s6+s22], $0x80, s22, s22, $0xb8;
	[tilespmem:$0x140A0] =	vst v63  }
0xec: {  	_ = 	snop  }
0xed: {  	[tilespmem:s30], [sflag:$0x2] =	stream.indirect.gather [hbm4b:s7+s22], $0x80, s22, s22, $0xb8;
	[tilespmem:$0x140A0] =	vst v63  }
0xee: {  	_ = 	snop  }
0xef: {  	[tilespmem:s31], [sflag:$0x2] =	stream.indirect.gather [hbm4b:s3+s22], $0x80, s22, s22, $0xb8;
	[tilespmem:$0x140A0] =	vst v63  }
0xf0: {  	_ = 	snop  }
0xf1: {  	[tilespmem:s0], [sflag:$0x2] =	stream.indirect.gather [hbm4b:s4+s22], $0x80, s22, s22, $0xb8;
	[tilespmem:$0x140A0] =	vst v63  }
0xf2: {  	_ =	swait.ge [sflag:s2], $0x2800  }
0xf3: {  	[sflag:s2] =	ssyncset.done $0x0  }
0xf4: {  	[sflag:s2] =	ssyncadd.s32 $0xFFFFD800  }
0xf5: {  	_ =	swait.ge [sflag:s2], $0x2800  }
0xf6: {  	[sflag:s2] =	ssyncset.done $0x0  }
0xf7: {  	p0 =	sne.s32 s15, $0x5000;
	[sflag:s2] =	ssyncadd.s32 $0xFFFFD800  }
.Ltmp0:
0xf8: {  	_ =	swait.ge [sflag:s2], $0x2800;
	(pc) =	sbr.rel @p0 .LBB2_2-.Ltmp0, $4  }
0xf9: {  	[sflag:s2] =	ssyncset.done $0x0  }
0xfa: {  	[sflag:s2] =	ssyncadd.s32 $0xFFFFD800  }
0xfb: {  	s16 =	smov.u32 s15;
	s15 =	sadd.s32 $0xA00, s15;
	_ =	swait.ge [sflag:s2], $0x2800  }
0xfc: {  	s14 =	smov.u32 s16;
	s17 =	rddreg [dreg:$0x6];
	[sflag:s2] =	ssyncset.done $0x0  }
0xfd: {  	s15 =	rddreg [dreg:$0x7];
	[sflag:s2] =	ssyncadd.s32 $0xFFFFD800;
	s16 =	sadd.s32 s14, s17  }
0xfe: {  	[hbm4b:s16+s1] =	stream.linear.scatter [tilespmem:s29], [sflag:$0x4], $0x2800, $0x38;
	[tilespmem:$0x140A0] =	vst v63  }
0xff: {  	s18 =	rddreg [dreg:$0x8];
	s15 =	sadd.s32 s14, s15  }
0x100: {  	[hbm4b:s15+s1] =	stream.linear.scatter [tilespmem:s30], [sflag:$0x4], $0x2800, $0x38;
	[tilespmem:$0x140A0] =	vst v63  }
0x101: {  	s19 =	rddreg [dreg:$0x9];
	s16 =	sadd.s32 s14, s18  }
0x102: {  	[hbm4b:s16+s1] =	stream.linear.scatter [tilespmem:s31], [sflag:$0x4], $0x2800, $0x38;
	[tilespmem:$0x140A0] =	vst v63  }
0x103: {  	s15 =	sadd.s32 s14, s19  }
0x104: {  	[hbm4b:s15+s1] =	stream.linear.scatter [tilespmem:s0], [sflag:$0x4], $0x2800, $0x38;
	[tilespmem:$0x140A0] =	vst v63  }
0x105: {  	_ =	swait.ge [sflag:s9], $0x2800  }
0x106: {  	[sflag:s9] =	ssyncset.done $0x0  }
0x107: {  	[sflag:s9] =	ssyncadd.s32 $0xFFFFD800  }
0x108: {  	_ =	swait.ge [sflag:s9], $0x2800  }
0x109: {  	[sflag:s9] =	ssyncset.done $0x0  }
0x10a: {  	[sflag:s9] =	ssyncadd.s32 $0xFFFFD800  }
0x10b: {  	_ =	swait.ge [sflag:s9], $0x2800  }
0x10c: {  	[sflag:s9] =	ssyncset.done $0x0  }
0x10d: {  	[sflag:s9] =	ssyncadd.s32 $0xFFFFD800  }
0x10e: {  	s11 =	sadd.s32 $0xA0, s11;
	_ =	swait.ge [sflag:s9], $0x2800  }
0x10f: {  	s11 =	sshrl.u32 s11, $0x3;
	[sflag:s9] =	ssyncset.done $0x0  }
0x110: {  	s11 =	sadd.s32 s5, s11;
	[sflag:s9] =	ssyncadd.s32 $0xFFFFD800  }
0x111: {  	[tilespmem:s1], [sflag:$0x5] =	stream.linear.gather [hbm4b:s11+s1], $0x50, $0x38;
	[tilespmem:$0x140A0] =	vst v63  }
0x112: {  	_ =	swait.ge [sflag:s21], $0x50  }
0x113: {  	[sflag:s21] =	ssyncset.done $0x0  }
0x114: {  	[sflag:s21] =	ssyncadd.s32 $0xFFFFFFB0  }
0x115: {  	[tilespmem:s23], [sflag:$0x1] =	stream.indirect.gather [hbm4b:s6+s22], $0x80, s1, s22, $0xb8;
	[tilespmem:$0x140A0] =	vst v63  }
0x116: {  	_ = 	snop  }
0x117: {  	[tilespmem:s24], [sflag:$0x1] =	stream.indirect.gather [hbm4b:s7+s22], $0x80, s1, s22, $0xb8;
	[tilespmem:$0x140A0] =	vst v63  }
0x118: {  	_ = 	snop  }
0x119: {  	[tilespmem:s25], [sflag:$0x1] =	stream.indirect.gather [hbm4b:s3+s22], $0x80, s1, s22, $0xb8;
	[tilespmem:$0x140A0] =	vst v63  }
0x11a: {  	_ = 	snop  }
0x11b: {  	[tilespmem:s26], [sflag:$0x1] =	stream.indirect.gather [hbm4b:s4+s22], $0x80, s1, s22, $0xb8;
	[tilespmem:$0x140A0] =	vst v63  }
0x11c: {  	_ =	swait.ge [sflag:s28], $0x2800  }
0x11d: {  	[sflag:s28] =	ssyncset.done $0x0  }
0x11e: {  	[sflag:s28] =	ssyncadd.s32 $0xFFFFD800  }
0x11f: {  	_ =	swait.ge [sflag:s28], $0x2800  }
0x120: {  	[sflag:s28] =	ssyncset.done $0x0  }
0x121: {  	[sflag:s28] =	ssyncadd.s32 $0xFFFFD800  }
0x122: {  	_ =	swait.ge [sflag:s28], $0x2800  }
0x123: {  	[sflag:s28] =	ssyncset.done $0x0  }
0x124: {  	[sflag:s28] =	ssyncadd.s32 $0xFFFFD800  }
0x125: {  	_ =	swait.ge [sflag:s28], $0x2800  }
0x126: {  	s16 =	rddreg [dreg:$0x2];
	[sflag:s28] =	ssyncset.done $0x0  }
0x127: {  	s17 =	rddreg [dreg:$0x3];
	[sflag:s28] =	ssyncadd.s32 $0xFFFFD800;
	s11 =	sadd.s32 s14, s16  }
0x128: {  	[hbm4b:s11+s1] =	stream.linear.scatter [tilespmem:s23], [sflag:$0x3], $0x2800, $0x38;
	[tilespmem:$0x140A0] =	vst v63  }
0x129: {  	s18 =	rddreg [dreg:$0x4];
	s15 =	sadd.s32 s14, s17  }
0x12a: {  	[hbm4b:s15+s1] =	stream.linear.scatter [tilespmem:s24], [sflag:$0x3], $0x2800, $0x38;
	[tilespmem:$0x140A0] =	vst v63  }
0x12b: {  	s19 =	rddreg [dreg:$0x5];
	s11 =	sadd.s32 s14, s18  }
0x12c: {  	[hbm4b:s11+s1] =	stream.linear.scatter [tilespmem:s25], [sflag:$0x3], $0x2800, $0x38;
	[tilespmem:$0x140A0] =	vst v63  }
0x12d: {  	s14 =	sadd.s32 s14, s19  }
0x12e: {  	[hbm4b:s14+s1] =	stream.linear.scatter [tilespmem:s26], [sflag:$0x3], $0x2800, $0x38;
	[tilespmem:$0x140A0] =	vst v63  }
0x12f: {  	_ =	swait.ge [sflag:s10], $0x2800  }
0x130: {  	[sflag:s10] =	ssyncset.done $0x0  }
0x131: {  	[sflag:s10] =	ssyncadd.s32 $0xFFFFD800  }
0x132: {  	_ =	swait.ge [sflag:s10], $0x2800  }
0x133: {  	[sflag:s10] =	ssyncset.done $0x0  }
0x134: {  	[sflag:s10] =	ssyncadd.s32 $0xFFFFD800  }
0x135: {  	_ =	swait.ge [sflag:s10], $0x2800  }
0x136: {  	[sflag:s10] =	ssyncset.done $0x0  }
0x137: {  	[sflag:s10] =	ssyncadd.s32 $0xFFFFD800  }
0x138: {  	_ =	swait.ge [sflag:s10], $0x2800  }
0x139: {  	[sflag:s10] =	ssyncset.done $0x0  }
0x13a: {  	s15 =	sadd.s32 $0x14, s20;
	[sflag:s10] =	ssyncadd.s32 $0xFFFFD800  }
0x13b: {  	[tilespmem:s22], [sflag:$0x5] =	stream.linear.gather [hbm4b:s15+s1], $0x50, $0x38;
	[tilespmem:$0x140A0] =	vst v63  }
0x13c: {  	_ =	swait.ge [sflag:s21], $0x50  }
0x13d: {  	[sflag:s21] =	ssyncset.done $0x0  }
0x13e: {  	[sflag:s21] =	ssyncadd.s32 $0xFFFFFFB0  }
0x13f: {  	[tilespmem:s29], [sflag:$0x2] =	stream.indirect.gather [hbm4b:s6+s22], $0x80, s22, s22, $0xb8;
	[tilespmem:$0x140A0] =	vst v63  }
0x140: {  	_ = 	snop  }
0x141: {  	[tilespmem:s30], [sflag:$0x2] =	stream.indirect.gather [hbm4b:s7+s22], $0x80, s22, s22, $0xb8;
	[tilespmem:$0x140A0] =	vst v63  }
0x142: {  	_ = 	snop  }
0x143: {  	[tilespmem:s31], [sflag:$0x2] =	stream.indirect.gather [hbm4b:s3+s22], $0x80, s22, s22, $0xb8;
	[tilespmem:$0x140A0] =	vst v63  }
0x144: {  	_ = 	snop  }
0x145: {  	[tilespmem:s0], [sflag:$0x2] =	stream.indirect.gather [hbm4b:s4+s22], $0x80, s22, s22, $0xb8;
	[tilespmem:$0x140A0] =	vst v63  }
0x146: {  	_ =	swait.ge [sflag:s2], $0x2800  }
0x147: {  	[sflag:s2] =	ssyncset.done $0x0  }
0x148: {  	[sflag:s2] =	ssyncadd.s32 $0xFFFFD800  }
0x149: {  	_ =	swait.ge [sflag:s2], $0x2800  }
0x14a: {  	[sflag:s2] =	ssyncset.done $0x0  }
0x14b: {  	[sflag:s2] =	ssyncadd.s32 $0xFFFFD800  }
0x14c: {  	_ =	swait.ge [sflag:s2], $0x2800  }
0x14d: {  	[sflag:s2] =	ssyncset.done $0x0  }
0x14e: {  	[sflag:s2] =	ssyncadd.s32 $0xFFFFD800  }
0x14f: {  	_ =	swait.ge [sflag:s2], $0x2800  }
0x150: {  	[sflag:s2] =	ssyncset.done $0x0  }
0x151: {  	s16 =	rddreg [dreg:$0x10];
	[sflag:s2] =	ssyncadd.s32 $0xFFFFD800  }
0x152: {  	[hbm4b:s16+s1] =	stream.linear.scatter [tilespmem:s29], [sflag:$0x4], $0x2800, $0x38;
	[tilespmem:$0x140A0] =	vst v63  }
0x153: {  	s17 =	rddreg [dreg:$0x11]  }
0x154: {  	[hbm4b:s17+s1] =	stream.linear.scatter [tilespmem:s30], [sflag:$0x4], $0x2800, $0x38;
	[tilespmem:$0x140A0] =	vst v63  }
0x155: {  	s18 =	rddreg [dreg:$0x12]  }
0x156: {  	[hbm4b:s18+s1] =	stream.linear.scatter [tilespmem:s31], [sflag:$0x4], $0x2800, $0x38;
	[tilespmem:$0x140A0] =	vst v63  }
0x157: {  	s19 =	rddreg [dreg:$0x13]  }
0x158: {  	[hbm4b:s19+s1] =	stream.linear.scatter [tilespmem:s0], [sflag:$0x4], $0x2800, $0x38;
	[tilespmem:$0x140A0] =	vst v63  }
0x159: {  	_ =	swait.ge [sflag:s9], $0x2800  }
0x15a: {  	[sflag:s9] =	ssyncset.done $0x0  }
0x15b: {  	[sflag:s9] =	ssyncadd.s32 $0xFFFFD800  }
0x15c: {  	_ =	swait.ge [sflag:s9], $0x2800  }
0x15d: {  	[sflag:s9] =	ssyncset.done $0x0  }
0x15e: {  	[sflag:s9] =	ssyncadd.s32 $0xFFFFD800  }
0x15f: {  	_ =	swait.ge [sflag:s9], $0x2800  }
0x160: {  	[sflag:s9] =	ssyncset.done $0x0  }
0x161: {  	[sflag:s9] =	ssyncadd.s32 $0xFFFFD800  }
0x162: {  	_ =	swait.ge [sflag:s9], $0x2800  }
0x163: {  	[sflag:s9] =	ssyncset.done $0x0  }
0x164: {  	[sflag:s9] =	ssyncadd.s32 $0xFFFFD800  }
0x165: {  	_ =	swait.ge [sflag:s10], $0x2800  }
0x166: {  	[sflag:s10] =	ssyncset.done $0x0  }
0x167: {  	[sflag:s10] =	ssyncadd.s32 $0xFFFFD800  }
0x168: {  	_ =	swait.ge [sflag:s10], $0x2800  }
0x169: {  	[sflag:s10] =	ssyncset.done $0x0  }
0x16a: {  	[sflag:s10] =	ssyncadd.s32 $0xFFFFD800  }
0x16b: {  	_ =	swait.ge [sflag:s10], $0x2800  }
0x16c: {  	[sflag:s10] =	ssyncset.done $0x0  }
0x16d: {  	[sflag:s10] =	ssyncadd.s32 $0xFFFFD800  }
0x16e: {  	_ =	swait.ge [sflag:s10], $0x2800  }
0x16f: {  	s12 =	sadd.s32 $0x1, s12;
	s20 =	rddreg [dreg:$0x14]  }
0x170: {  	p0 =	sne.s32 s12, s20  }
.Ltmp1:
0x171: {  	_ = 	snop;
	(pc) =	sbr.rel @p0 .LBB2_1-.Ltmp1, $3  }
0x172: {  	_ =	sdelay $0x1  }
0x173: {  	[sflag:s10] =	ssyncset.done $0x0  }
0x174: {  	[sflag:s10] =	ssyncadd.s32 $0xFFFFD800  }
0x175: {  	_ =	sfence.sel $0x180000  }
0x176: {  	[bflag:$0x0] =	sbarrier.arrive $0xFFFF  }
0x177: {  	_ =	strace $0x9000004A  }
0x178: {  	s0 =	stileid.u32;
	[bflag:$0x2] =	sbarrier.arrive $0xFFFF  }
0x179: {  	p0 =	sne.s32 s0, $0x0;
	s0 =	rddreg [dreg:$0x1]  }
0x17a: {  	s0 =	sadd.s32 @!p0 $0x100000, s0  }
0x17b: {  	[sflag:s0] =	ssyncadd.tile.s32 @!p0 $0x1;
	_ =	shalt  }
.Lfunc_end2:
_tile_overlayer_lowered:
.L_overlay_start_2:
0x17c: {  	(tag) =	ssettag $0x2  }
0x17d: {  	s0 =	rddreg [dreg:$0x0];
	s2 =	stileid.u32  }
0x17e: {  	s1 =	rddreg [dreg:$0x1];
	p0 =	sne.s32 s2, $0x0  }
0x17f: {  	s3 =	rddreg [dreg:$0x2];
	[bflag:$0x3] =	sbarrier.arrive $0xFFFF;
	s2 =	simm.s32 @!p0 $0x1C05  }
0x180: {  	[timem:s3], [sflag:s2] =	dma.local @!p0 [hbm:s0], s1  }
0x181: {  	s0 =	simm.s32 @!p0 $0x5  }
0x182: {  	_ =	swait.ge @!p0 [sflag:s0], s1  }
0x183: {  	s1 =	ssub.s32 @!p0 $0x0, s1;
	[sflag:s0] =	ssyncset.done @!p0 $0x0  }
0x184: {  	[sflag:s0] =	ssyncadd.s32 @!p0 s1  }
0x185: {  	[bflag:$0x3] =	sbarrier.arrive $0xFFFF  }
0x186: {  	_ =	shalt  }

// kernel: kernel.17.cloned.1.call-start
scs
__scs_entry_jumppad:
0x0: {  	(pc) =	sbr.rel $0x88, $3  }
0x1: {  	(tag) =	ssettag $0x0;
	lr =	simm.s32 $0x1  }
0x2: {  	[smem:$0x3F9E] =	sst lr;
	_ =	strace $0xD0000000  }
0x3: {  	_ = 	snop  }
0x4: {  	_ = 	snop  }
0x5: {  	_ = 	snop  }
0x6: {  	_ = 	snop  }
0x7: {  	_ = 	snop  }
__scs_overlays_trampoline_lowered:
0x8: {  	[smem:$0x3FAD] =	sst s0  }
0x9: {  	[smem:$0x3FAE] =	sst s1  }
0xa: {  	[smem:$0x3FAF] =	sst s2  }
0xb: {  	[smem:$0x3FB0] =	sst s3  }
0xc: {  	[smem:$0x3FB1] =	sst s4  }
0xd: {  	[smem:$0x3FB2] =	sst s5  }
0xe: {  	[smem:$0x3FB3] =	sst s6  }
0xf: {  	[smem:$0x3FB4] =	sst s7  }
0x10: {  	[smem:$0x3FB5] =	sst s8  }
0x11: {  	[smem:$0x3FB6] =	sst s9;
	s0 =	simm.s32 @!p0 $0x0  }
0x12: {  	s1 =	sld [smem:$0x3F9C];
	s0 =	simm.s32 @p0 $0x1  }
0x13: {  	[smem:$0x3FB7] =	sst s0;
	s0 =	simm.s32 @!p1 $0x0  }
0x14: {  	s2 =	sld [smem:$0x3F9B];
	s0 =	simm.s32 @p1 $0x1  }
0x15: {  	[smem:$0x3FB8] =	sst s0;
	s0 =	simm.s32 @!p2 $0x0  }
0x16: {  	s3 =	sld [smem:$0x3FDB];
	s0 =	simm.s32 @p2 $0x1  }
0x17: {  	s4 =	simm.s32 $0x1BF5;
	[smem:$0x3FBA] =	sst s0  }
0x18: {  	s0 =	sld [smem:$0x3F9D];
	_ =	swait.ge [sflag:s4], $0x0  }
0x19: {  	s7 =	sld [smem:$0x3F9E]  }
0x1a: {  	s8 =	sadd.s32 $0xFFFFE003, lr  }
0x1b: {  	s9 =	sadd.s32 $0xFFFFFEF7, lr;
	s5 =	simm.s32 $0xFFFFFFFF;
	p2 =	slt.u32 s8, $0xFFFFF086  }
0x1c: {  	p1 =	slt.u32 s9, $0xF7A;
	s5 =	simm.s32 @!p2 $0x0  }
0x1d: {  	s5 =	simm.s32 @p1 $0x1;
	p0 =	seq.s32 s7, s2  }
0x1e: {  	s7 =	smul.u32 @!p0 $0xF7A, s2;
	p2 =	seq.s32 @!p0 s5, $0x0  }
0x1f: {  	s9 =	smul.u32 $0xF7A, s1;
	s8 =	simm.s32 @!p0 $0x1BF5;
	p2 =	por !p2, p0  }
0x20: {  	[sflag:s8] =	ssyncset.s32 @!p0 $0xFFFFF086;
	s6 =	sadd.s32 @!p0 s3, s7;
	s7 =	simm.s32 @!p0 $0x108  }
0x21: {  	s3 =	sadd.s32 s3, s9;
	s6 =	sadd.s32 @!p0 $0x88, s6;
	s7 =	simm.s32 @p2 $0x1082  }
0x22: {  	[simem:s7], [sflag:s8] =	dma.local @!p0 [hbm:s6], $0xF7A  }
0x23: {  	s9 =	sor.u32 $0xD0000000, s2;
	s6 =	simm.s32 $0x108;
	_ =	swait.ge @!p0 [sflag:s8], $0x0  }
0x24: {  	s3 =	sadd.s32 $0x88, s3;
	s6 =	simm.s32 @!p1 $0x1082;
	[sflag:s4] =	ssyncset.s32 $0xFFFFF086  }
0x25: {  	[simem:s6], [sflag:s4] =	dma.local [hbm:s3], $0xF7A  }
0x26: {  	[smem:$0x3F9E] =	sst s1;
	(tag) =	ssettag s2;
	_ =	strace s9  }
0x27: {  	s1 =	sld [smem:$0x3FAE]  }
0x28: {  	s2 =	sld [smem:$0x3FAF]  }
0x29: {  	s4 =	sld [smem:$0x3FB1]  }
0x2a: {  	p0 =	seq.s32 s5, $0x0;
	s5 =	sld [smem:$0x3FB2]  }
0x2b: {  	s6 =	sld [smem:$0x3FB3]  }
0x2c: {  	s7 =	sld [smem:$0x3FB4]  }
0x2d: {  	s3 =	simm.s32 $0x108;
	s8 =	sld [smem:$0x3FB5]  }
0x2e: {  	s3 =	simm.s32 @!p0 $0x1082;
	s9 =	sld [smem:$0x3FB6]  }
0x2f: {  	lr =	sadd.s32 s0, s3;
	s0 =	sld [smem:$0x3FAD]  }
0x30: {  	s3 =	sld [smem:$0x3FB0]  }
0x31: {  	[smem:$0x3FB9] =	sst s10  }
0x32: {  	s10 =	sld [smem:$0x3FB7];
	_ =	sdelay $0x3  }
0x33: {  	p0 =	seq.s32 s10, $0x1;
	s10 =	sld [smem:$0x3FB9];
	_ =	sdelay $0x3  }
0x34: {  	[smem:$0x3FB9] =	sst s10  }
0x35: {  	s10 =	sld [smem:$0x3FB8];
	_ =	sdelay $0x3  }
0x36: {  	p1 =	seq.s32 s10, $0x1;
	s10 =	sld [smem:$0x3FB9];
	_ =	sdelay $0x3  }
0x37: {  	[smem:$0x3FB9] =	sst s10  }
0x38: {  	s10 =	sld [smem:$0x3FBA]  }
0x39: {  	_ = 	snop;
	(pc) =	sbr.ind lr, $3  }
0x3a: {  	_ = 	snop  }
0x3b: {  	_ = 	snop  }
0x3c: {  	p2 =	seq.s32 s10, $0x1;
	s10 =	sld [smem:$0x3FB9]  }
0x3d: {  	_ =	shalt  }
0x3e: {  	_ =	shalt  }
0x3f: {  	_ =	shalt  }
0x40: {  	_ =	shalt  }
0x41: {  	_ =	shalt  }
0x42: {  	_ =	shalt  }
0x43: {  	_ =	shalt  }
0x44: {  	_ =	shalt  }
0x45: {  	_ =	shalt  }
0x46: {  	_ =	shalt  }
0x47: {  	_ =	shalt  }
0x48: {  	_ =	shalt  }
0x49: {  	_ =	shalt  }
0x4a: {  	_ =	shalt  }
0x4b: {  	_ =	shalt  }
0x4c: {  	_ =	shalt  }
0x4d: {  	_ =	shalt  }
0x4e: {  	_ =	shalt  }
0x4f: {  	_ =	shalt  }
0x50: {  	_ =	shalt  }
0x51: {  	_ =	shalt  }
0x52: {  	_ =	shalt  }
0x53: {  	_ =	shalt  }
0x54: {  	_ =	shalt  }
0x55: {  	_ =	shalt  }
0x56: {  	_ =	shalt  }
0x57: {  	_ =	shalt  }
0x58: {  	_ =	shalt  }
0x59: {  	_ =	shalt  }
0x5a: {  	_ =	shalt  }
0x5b: {  	_ =	shalt  }
0x5c: {  	_ =	shalt  }
0x5d: {  	_ =	shalt  }
0x5e: {  	_ =	shalt  }
0x5f: {  	_ =	shalt  }
0x60: {  	_ =	shalt  }
0x61: {  	_ =	shalt  }
0x62: {  	_ =	shalt  }
0x63: {  	_ =	shalt  }
0x64: {  	_ =	shalt  }
0x65: {  	_ =	shalt  }
0x66: {  	_ =	shalt  }
0x67: {  	_ =	shalt  }
0x68: {  	_ =	shalt  }
0x69: {  	_ =	shalt  }
0x6a: {  	_ =	shalt  }
0x6b: {  	_ =	shalt  }
0x6c: {  	_ =	shalt  }
0x6d: {  	_ =	shalt  }
0x6e: {  	_ =	shalt  }
0x6f: {  	_ =	shalt  }
0x70: {  	_ =	shalt  }
0x71: {  	_ =	shalt  }
0x72: {  	_ =	shalt  }
0x73: {  	_ =	shalt  }
0x74: {  	_ =	shalt  }
0x75: {  	_ =	shalt  }
0x76: {  	_ =	shalt  }
0x77: {  	_ =	shalt  }
0x78: {  	_ =	shalt  }
0x79: {  	_ =	shalt  }
0x7a: {  	_ =	shalt  }
0x7b: {  	_ =	shalt  }
0x7c: {  	_ =	shalt  }
0x7d: {  	_ =	shalt  }
0x7e: {  	_ =	shalt  }
0x7f: {  	_ =	shalt  }
0x80: {  	_ =	shalt  }
0x81: {  	_ =	shalt  }
0x82: {  	_ =	shalt  }
0x83: {  	_ =	shalt  }
0x84: {  	_ =	shalt  }
0x85: {  	_ =	shalt  }
0x86: {  	_ =	shalt  }
0x87: {  	_ =	shalt  }
.Lfunc_end0:
.L_simem_size_0:
called_computation.2_lowered:
.L_overlay_start_0:
0x88: {  	s2 =	sld [smem:$0x3FD9]  }
0x89: {  	s3 =	sld [smem:$0x3FFE];
	_ =	sdelay $0x1  }
0x8a: {  	s1 =	srdreg.scid  }
0x8b: {  	s0 =	sand.u32 $0x1, s1  }
0x8c: {  	s17 =	sshll.u32 s0, $0xA;
	s2 =	sadd.s32 s3, s2  }
0x8d: {  	s2 =	sadd.s32 s2, s17  }
0x8e: {  	[smem:$0x3FC5] =	sst s2  }
0x8f: {  	_ = 	snop  }
0x90: {  	(tm) =	ssettm $0x1  }
0x91: {  	s18 =	sld [smem:$0x3FFB];
	_ =	sdelay $0x3  }
0x92: {  	_ =	strace s18  }
0x93: {  	s2 =	sld [smem:$0x3FFC];
	_ =	sdelay $0x3  }
0x94: {  	_ =	strace s2  }
0x95: {  	s2 =	sld [smem:$0x3FFD];
	_ =	sdelay $0x3  }
0x96: {  	_ =	strace s2  }
0x97: {  	_ =	strace $0x8FFFFFFF  }
0x98: {  	s19 =	sld [smem:$0x3FDB];
	_ =	sdelay $0x1  }
0x99: {  	s20 =	simm.s32 $_scs_section_size  }
0x9a: {  	s4 =	simm.s32 $_size__tile_overlayer_lowered;
	s5 =	simm.s32 $_tile_overlayer_lowered  }
0x9b: {  	s6 =	simm.s32 $0x1BFF;
	s21 =	sshll.u32 s5, $0x1;
	s3 =	sadd.s32 s20, s19  }
0x9c: {  	s22 =	simm.s32 $0x0;
	s4 =	sshll.u32 s4, $0x1;
	s5 =	sadd.s32 s21, s3  }
0x9d: {  	[timem:s22], [sflag:s6] =	dma.local [hbm:s5], s4  }
0x9e: {  	_ =	swait.ge [sflag:s6], s4  }
0x9f: {  	s4 =	ssub.s32 $0x0, s4;
	[sflag:s6] =	ssyncset.done $0x0  }
0xa0: {  	[sflag:s6] =	ssyncadd.s32 s4;
	_ =	sdelay $0x1  }
0xa1: {  	s23 =	simm.s32 $0x1B8B  }
0xa2: {  	_ =	swait.ge [sflag:s23], $0x1  }
0xa3: {  	[sflag:s23] =	ssyncset.done $0x0  }
0xa4: {  	[sflag:s23] =	ssyncadd.s32 $0xFFFFFFFF  }
0xa5: {  	s4 =	sld [smem:$0x0]  }
0xa6: {  	s5 =	sand.u32 $0xFFFFFFFE, s1  }
0xa7: {  	p0 =	sne.s32 s1, s5  }
0xa8: {  	s5 =	sshll.u32 @p0 s5, $0xE  }
0xa9: {  	s5 =	sadd.s32 @p0 $0x11B8D, s5;
	s6 =	sshll.u32 @p0 s4, $0x11  }
0xaa: {  	s5 =	sor.u32 @p0 s6, s5  }
0xab: {  	[sflag:s5] =	ssyncadd.remote.s32 @p0 $0x1;
	_ =	sdelay $0x1  }
0xac: {  	s5 =	simm.s32 @p0 $0x1B8D  }
0xad: {  	_ =	swait.eq @p0 [sflag:s5], $0x1  }
0xae: {  	[sflag:s5] =	ssyncadd.s32 @p0 $0xFFFFFFFF  }
0xaf: {  	s6 =	sshll.u32 @!p0 s1, $0xE  }
0xb0: {  	s6 =	sor.u32 @!p0 $0x4000, s6;
	s5 =	simm.s32 @!p0 $0x1B8D  }
0xb1: {  	s4 =	sshll.u32 @!p0 s4, $0x11;
	s6 =	sadd.s32 @!p0 $0x11B8D, s6;
	_ =	swait.eq @!p0 [sflag:s5], $0x1  }
0xb2: {  	s4 =	sor.u32 @!p0 s4, s6;
	[sflag:s5] =	ssyncadd.s32 @!p0 $0xFFFFFFFF  }
0xb3: {  	s25 =	simm.s32 $0x1B8E;
	s24 =	sld [smem:$0x3FFE];
	[sflag:s4] =	ssyncadd.remote.s32 @!p0 $0x1  }
0xb4: {  	s26 =	simm.s32 $execute0_lowered;
	[smem:$0x3FD2] =	sst s25  }
0xb5: {  	s5 =	sshll.u32 s26, $0x1;
	_ =	strace $0x8000004C;
	[dreg:$0x1] =	wrdreg $0xFFFFFFFF  }
0xb6: {  	s28 =	simm.s32 $_size_execute0_lowered;
	s3 =	sadd.s32 s3, s5;
	[dreg:$0x0] =	wrdreg $0x0  }
0xb7: {  	s5 =	sshll.u32 s28, $0x1;
	[dreg:$0x2] =	wrdreg s3  }
0xb8: {  	[dreg:$0x3] =	wrdreg s5  }
0xb9: {  	[dreg:$0x4] =	wrdreg $0xC0  }
0xba: {  	_ =	task [dreg:s22], $0x5FFFF  }
0xbb: {  	[dreg:$0x1] =	wrdreg $0xFFFFFFFF  }
0xbc: {  	[dreg:$0x0] =	wrdreg $0x60  }
0xbd: {  	[dreg:$0x2] =	wrdreg s24  }
0xbe: {  	[dreg:$0x3] =	wrdreg $0xB  }
0xbf: {  	_ =	task.clear_ibuf [dreg:s22], $0x4FFFF;
	_ =	strace $0x9000004C  }
0xc0: {  	s29 =	simm.s32 $0xB;
	_ =	strace $0x8000004E  }
0xc1: {  	_ =	swait.ge [sflag:s29], $0x1  }
0xc2: {  	[sflag:s29] =	ssyncadd.s32 $0xFFFFFFFF  }
0xc3: {  	_ =	strace $0x9000004E  }
0xc4: {  	_ =	sfence  }
0xc5: {  	s30 =	sld [smem:$0x0];
	_ =	sdelay $0x2  }
0xc6: {  	s31 =	sshll.u32 s1, $0xD;
	s1 =	sshrl.u32 s1, $0x2  }
0xc7: {  	s4 =	sand.u32 $0x4000, s31;
	s1 =	sadd.s32 s1, s30  }
0xc8: {  	s0 =	sor.u32 s4, s0;
	s1 =	sshll.u32 s1, $0x11  }
0xc9: {  	s0 =	sor.u32 s1, s0  }
0xca: {  	s0 =	sadd.s32 $0x8F2B, s0  }
0xcb: {  	[sflag:s0] =	ssyncadd.remote.s32 $0x1  }
0xcc: {  	_ =	sfence.sel $0xFFFF  }
0xcd: {  	[dreg:$0x0] =	wrdreg $0xFFFFFFFF;
	(pc) =	sbr.abs _section_cstart, $3  }
0xce: {  	[dreg:$0x1] =	wrdreg $0xFFFFFFFF  }
0xcf: {  	_ =	task.clear_ibuf [dreg:s22], $0x2FFFF;
	_ =	strace $0x9FFFFFFF  }
0xd0: {  	(tm) =	ssettm $0x7FFFFFFF  }
0xd1: {  	_ =	shalt  }
tec
execute0_lowered:
.L_overlay_start_1:
0x0: {  	(tag) =	ssettag $0x1  }
0x1: {  	s0 =	rddreg [dreg:$0x0];
	s1 =	simm.s32 $0x0;
	s2 =	srdreg.scid  }
0x2: {  	s13 =	stileid.u32;
	s29 =	simm.s32 $0xA0A0;
	s30 =	simm.s32 $0xC8A0  }
0x3: {  	s31 =	simm.s32 $0xF0A0;
	[smem:$0x7FF] =	sst s1;
	s3 =	sadd.s32 $0x30FA00, s0  }
0x4: {  	s28 =	simm.s32 $0x1;
	s4 =	sadd.s32 $0x496400, s0;
	s5 =	sadd.s32 $0x93E800, s0  }
0x5: {  	s2 =	sand.u32 $0x1, s2;
	s9 =	sadd.s32 $0xC61C00, s0;
	s11 =	sadd.s32 $0xD29C00, s0  }
0x6: {  	s6 =	sshll.u32 s13, $0x1;
	s12 =	sadd.s32 $0xDF1C00, s0;
	s13 =	smul.u32 $0xC80, s13  }
0x7: {  	s10 =	sor.u32 s2, s6;
	s14 =	ssub.s32 $0x2, s2;
	s2 =	smul.u32 $0x640, s2  }
0x8: {  	s7 =	sadd.s32 $0x189000, s0;
	_ =	strace $0x8000004D;
	s16 =	smul.u32 $0x6400, s10  }
0x9: {  	s6 =	sadd.s32 $0x2600, s0;
	s0 =	sadd.s32 $0xEB9C00, s0;
	s8 =	smul.u32 $0x640, s10  }
0xa: {  	s15 =	sshrl.u32 s14, $0x1;
	s10 =	smul.u32 $0x32000, s10;
	s23 =	sadd.s32 s9, s16  }
0xb: {  	s14 =	ssub.s32 s14, s15;
	s24 =	sadd.s32 s11, s16;
	[dreg:$0xb] =	wrdreg s23  }
0xc: {  	s2 =	sadd.s32 s2, s13;
	s25 =	sadd.s32 s12, s16;
	[dreg:$0xc] =	wrdreg s24  }
0xd: {  	s8 =	sshrl.u32 s8, $0x3;
	s16 =	sadd.s32 s0, s16;
	[dreg:$0xd] =	wrdreg s25  }
0xe: {  	s10 =	sshrl.u32 s10, $0x3;
	s22 =	sadd.s32 s5, s8;
	[dreg:$0xe] =	wrdreg s16  }
0xf: {  	s10 =	sadd.s32 $0x5F00, s10;
	[dreg:$0xa] =	wrdreg s22;
	s15 =	sadd.s32 $0xA, s22  }
0x10: {  	s21 =	sshll.u32 s2, $0x4;
	s20 =	sadd.s32 s9, s10;
	[dreg:$0xf] =	wrdreg s15  }
0x11: {  	s8 =	sadd.s32 $0xA0, s2;
	s22 =	sadd.s32 s11, s10;
	[dreg:$0x10] =	wrdreg s20  }
0x12: {  	s2 =	sadd.s32 $0xF0, s2;
	s23 =	sadd.s32 s12, s10;
	[dreg:$0x11] =	wrdreg s22  }
0x13: {  	s26 =	sshll.u32 s8, $0x4;
	s10 =	sadd.s32 s0, s10;
	[dreg:$0x12] =	wrdreg s23  }
0x14: {  	s2 =	sshrl.u32 s2, $0x3;
	s17 =	sadd.s32 s26, s9;
	[dreg:$0x13] =	wrdreg s10  }
0x15: {  	s18 =	sadd.s32 s26, s11;
	s19 =	sadd.s32 s26, s12;
	[dreg:$0x2] =	wrdreg s17  }
0x16: {  	s13 =	sadd.s32 s26, s0;
	s15 =	sadd.s32 $0x500, s21;
	[dreg:$0x3] =	wrdreg s18  }
0x17: {  	s26 =	smax.u32 s14, $0x1;
	s21 =	simm.s32 $0x5;
	[dreg:$0x4] =	wrdreg s19  }
0x18: {  	s22 =	simm.s32 $0x50;
	s23 =	simm.s32 $0xA0;
	[dreg:$0x5] =	wrdreg s13  }
0x19: {  	s10 =	simm.s32 $0x4;
	s9 =	sadd.s32 s15, s9;
	[dreg:$0x14] =	wrdreg s26  }
0x1a: {  	s24 =	sadd.s32 s15, s11;
	s25 =	sadd.s32 s15, s12;
	[dreg:$0x6] =	wrdreg s9  }
0x1b: {  	s0 =	sadd.s32 s15, s0;
	s13 =	sadd.s32 s2, s5;
	[dreg:$0x7] =	wrdreg s24  }
0x1c: {  	s26 =	simm.s32 $0x78A0;
	s2 =	simm.s32 $0x2;
	[dreg:$0x8] =	wrdreg s25  }
0x1d: {  	s12 =	simm.s32 $0x0;
	[dreg:$0x9] =	wrdreg s0;
	s24 =	simm.s32 $0x28A0  }
0x1e: {  	s25 =	simm.s32 $0x50A0;
	s0 =	simm.s32 $0x118A0;
	s9 =	simm.s32 $0x3  }
.LBB2_1:
0x1f: {  	s11 =	rddreg [dreg:$0xa]  }
0x20: {  	[tilespmem:s1], [sflag:$0x5] =	stream.linear.gather [hbm4b:s11+s1], $0x50, $0x38;
	[tilespmem:$0x140A0] =	vst v63  }
0x21: {  	_ =	swait.ge [sflag:s21], $0x50  }
0x22: {  	[sflag:s21] =	ssyncset.done $0x0  }
0x23: {  	[sflag:s21] =	ssyncadd.s32 $0xFFFFFFB0  }
0x24: {  	[tilespmem:s23], [sflag:$0x1] =	stream.indirect.gather [hbm4b:s6+s22], $0x80, s1, s22, $0xb8;
	[tilespmem:$0x140A0] =	vst v63  }
0x25: {  	_ = 	snop  }
0x26: {  	[tilespmem:s24], [sflag:$0x1] =	stream.indirect.gather [hbm4b:s7+s22], $0x80, s1, s22, $0xb8;
	[tilespmem:$0x140A0] =	vst v63  }
0x27: {  	_ = 	snop  }
0x28: {  	[tilespmem:s25], [sflag:$0x1] =	stream.indirect.gather [hbm4b:s3+s22], $0x80, s1, s22, $0xb8;
	[tilespmem:$0x140A0] =	vst v63  }
0x29: {  	_ = 	snop  }
0x2a: {  	[tilespmem:s26], [sflag:$0x1] =	stream.indirect.gather [hbm4b:s4+s22], $0x80, s1, s22, $0xb8;
	[tilespmem:$0x140A0] =	vst v63  }
0x2b: {  	_ =	swait.ge [sflag:s28], $0x2800  }
0x2c: {  	[sflag:s28] =	ssyncset.done $0x0  }
0x2d: {  	[sflag:s28] =	ssyncadd.s32 $0xFFFFD800  }
0x2e: {  	_ =	swait.ge [sflag:s28], $0x2800  }
0x2f: {  	[sflag:s28] =	ssyncset.done $0x0  }
0x30: {  	[sflag:s28] =	ssyncadd.s32 $0xFFFFD800  }
0x31: {  	_ =	swait.ge [sflag:s28], $0x2800  }
0x32: {  	[sflag:s28] =	ssyncset.done $0x0  }
0x33: {  	[sflag:s28] =	ssyncadd.s32 $0xFFFFD800  }
0x34: {  	_ =	swait.ge [sflag:s28], $0x2800  }
0x35: {  	[sflag:s28] =	ssyncset.done $0x0  }
0x36: {  	s17 =	rddreg [dreg:$0xb];
	[sflag:s28] =	ssyncadd.s32 $0xFFFFD800  }
0x37: {  	[hbm4b:s17+s1] =	stream.linear.scatter [tilespmem:s23], [sflag:$0x3], $0x2800, $0x38;
	[tilespmem:$0x140A0] =	vst v63  }
0x38: {  	s18 =	rddreg [dreg:$0xc]  }
0x39: {  	[hbm4b:s18+s1] =	stream.linear.scatter [tilespmem:s24], [sflag:$0x3], $0x2800, $0x38;
	[tilespmem:$0x140A0] =	vst v63  }
0x3a: {  	s19 =	rddreg [dreg:$0xd]  }
0x3b: {  	[hbm4b:s19+s1] =	stream.linear.scatter [tilespmem:s25], [sflag:$0x3], $0x2800, $0x38;
	[tilespmem:$0x140A0] =	vst v63  }
0x3c: {  	s20 =	rddreg [dreg:$0xe]  }
0x3d: {  	[hbm4b:s20+s1] =	stream.linear.scatter [tilespmem:s26], [sflag:$0x3], $0x2800, $0x38;
	[tilespmem:$0x140A0] =	vst v63  }
0x3e: {  	s14 =	rddreg [dreg:$0xf]  }
0x3f: {  	[tilespmem:s22], [sflag:$0x5] =	stream.linear.gather [hbm4b:s14+s1], $0x50, $0x38;
	[tilespmem:$0x140A0] =	vst v63  }
0x40: {  	_ =	swait.ge [sflag:s21], $0x50  }
0x41: {  	[sflag:s21] =	ssyncset.done $0x0  }
0x42: {  	[sflag:s21] =	ssyncadd.s32 $0xFFFFFFB0  }
0x43: {  	[tilespmem:s29], [sflag:$0x2] =	stream.indirect.gather [hbm4b:s6+s22], $0x80, s22, s22, $0xb8;
	[tilespmem:$0x140A0] =	vst v63  }
0x44: {  	_ = 	snop  }
0x45: {  	[tilespmem:s30], [sflag:$0x2] =	stream.indirect.gather [hbm4b:s7+s22], $0x80, s22, s22, $0xb8;
	[tilespmem:$0x140A0] =	vst v63  }
0x46: {  	_ = 	snop  }
0x47: {  	[tilespmem:s31], [sflag:$0x2] =	stream.indirect.gather [hbm4b:s3+s22], $0x80, s22, s22, $0xb8;
	[tilespmem:$0x140A0] =	vst v63  }
0x48: {  	_ = 	snop  }
0x49: {  	[tilespmem:s0], [sflag:$0x2] =	stream.indirect.gather [hbm4b:s4+s22], $0x80, s22, s22, $0xb8;
	[tilespmem:$0x140A0] =	vst v63  }
0x4a: {  	_ =	swait.ge [sflag:s2], $0x2800  }
0x4b: {  	[sflag:s2] =	ssyncset.done $0x0  }
0x4c: {  	[sflag:s2] =	ssyncadd.s32 $0xFFFFD800  }
0x4d: {  	_ =	swait.ge [sflag:s2], $0x2800  }
0x4e: {  	[sflag:s2] =	ssyncset.done $0x0  }
0x4f: {  	[sflag:s2] =	ssyncadd.s32 $0xFFFFD800  }
0x50: {  	_ =	swait.ge [sflag:s2], $0x2800  }
0x51: {  	[sflag:s2] =	ssyncset.done $0x0  }
0x52: {  	[sflag:s2] =	ssyncadd.s32 $0xFFFFD800  }
0x53: {  	_ =	swait.ge [sflag:s2], $0x2800  }
0x54: {  	s15 =	rddreg [dreg:$0x6];
	[sflag:s2] =	ssyncset.done $0x0  }
0x55: {  	s14 =	rddreg [dreg:$0x7];
	[sflag:s2] =	ssyncadd.s32 $0xFFFFD800;
	s11 =	sadd.s32 $0x0, s15  }
0x56: {  	[hbm4b:s11+s1] =	stream.linear.scatter [tilespmem:s29], [sflag:$0x4], $0x2800, $0x38;
	[tilespmem:$0x140A0] =	vst v63  }
0x57: {  	s15 =	rddreg [dreg:$0x8];
	s16 =	sadd.s32 $0x0, s14  }
0x58: {  	[hbm4b:s16+s1] =	stream.linear.scatter [tilespmem:s30], [sflag:$0x4], $0x2800, $0x38;
	[tilespmem:$0x140A0] =	vst v63  }
0x59: {  	s17 =	rddreg [dreg:$0x9];
	s18 =	sadd.s32 $0x0, s15  }
0x5a: {  	[hbm4b:s18+s1] =	stream.linear.scatter [tilespmem:s31], [sflag:$0x4], $0x2800, $0x38;
	[tilespmem:$0x140A0] =	vst v63  }
0x5b: {  	s19 =	sadd.s32 $0x0, s17  }
0x5c: {  	[hbm4b:s19+s1] =	stream.linear.scatter [tilespmem:s0], [sflag:$0x4], $0x2800, $0x38;
	[tilespmem:$0x140A0] =	vst v63  }
0x5d: {  	_ =	swait.ge [sflag:s9], $0x2800  }
0x5e: {  	[sflag:s9] =	ssyncset.done $0x0  }
0x5f: {  	[sflag:s9] =	ssyncadd.s32 $0xFFFFD800  }
0x60: {  	_ =	swait.ge [sflag:s9], $0x2800  }
0x61: {  	[sflag:s9] =	ssyncset.done $0x0  }
0x62: {  	[sflag:s9] =	ssyncadd.s32 $0xFFFFD800  }
0x63: {  	_ =	swait.ge [sflag:s9], $0x2800  }
0x64: {  	[sflag:s9] =	ssyncset.done $0x0  }
0x65: {  	[sflag:s9] =	ssyncadd.s32 $0xFFFFD800  }
0x66: {  	_ =	swait.ge [sflag:s9], $0x2800  }
0x67: {  	s20 =	sshrl.u32 s8, $0x3;
	[sflag:s9] =	ssyncset.done $0x0  }
0x68: {  	s11 =	sadd.s32 s5, s20;
	[sflag:s9] =	ssyncadd.s32 $0xFFFFD800  }
0x69: {  	[tilespmem:s1], [sflag:$0x5] =	stream.linear.gather [hbm4b:s11+s1], $0x50, $0x38;
	[tilespmem:$0x140A0] =	vst v63  }
0x6a: {  	_ =	swait.ge [sflag:s21], $0x50  }
0x6b: {  	[sflag:s21] =	ssyncset.done $0x0  }
0x6c: {  	[sflag:s21] =	ssyncadd.s32 $0xFFFFFFB0  }
0x6d: {  	[tilespmem:s23], [sflag:$0x1] =	stream.indirect.gather [hbm4b:s6+s22], $0x80, s1, s22, $0xb8;
	[tilespmem:$0x140A0] =	vst v63  }
0x6e: {  	_ = 	snop  }
0x6f: {  	[tilespmem:s24], [sflag:$0x1] =	stream.indirect.gather [hbm4b:s7+s22], $0x80, s1, s22, $0xb8;
	[tilespmem:$0x140A0] =	vst v63  }
0x70: {  	_ = 	snop  }
0x71: {  	[tilespmem:s25], [sflag:$0x1] =	stream.indirect.gather [hbm4b:s3+s22], $0x80, s1, s22, $0xb8;
	[tilespmem:$0x140A0] =	vst v63  }
0x72: {  	_ = 	snop  }
0x73: {  	[tilespmem:s26], [sflag:$0x1] =	stream.indirect.gather [hbm4b:s4+s22], $0x80, s1, s22, $0xb8;
	[tilespmem:$0x140A0] =	vst v63  }
0x74: {  	_ =	swait.ge [sflag:s28], $0x2800  }
0x75: {  	[sflag:s28] =	ssyncset.done $0x0  }
0x76: {  	[sflag:s28] =	ssyncadd.s32 $0xFFFFD800  }
0x77: {  	_ =	swait.ge [sflag:s28], $0x2800  }
0x78: {  	[sflag:s28] =	ssyncset.done $0x0  }
0x79: {  	[sflag:s28] =	ssyncadd.s32 $0xFFFFD800  }
0x7a: {  	_ =	swait.ge [sflag:s28], $0x2800  }
0x7b: {  	[sflag:s28] =	ssyncset.done $0x0  }
0x7c: {  	[sflag:s28] =	ssyncadd.s32 $0xFFFFD800  }
0x7d: {  	_ =	swait.ge [sflag:s28], $0x2800  }
0x7e: {  	s14 =	rddreg [dreg:$0x2];
	[sflag:s28] =	ssyncset.done $0x0  }
0x7f: {  	s15 =	rddreg [dreg:$0x3];
	[sflag:s28] =	ssyncadd.s32 $0xFFFFD800;
	s11 =	sadd.s32 $0x0, s14  }
0x80: {  	[hbm4b:s11+s1] =	stream.linear.scatter [tilespmem:s23], [sflag:$0x3], $0x2800, $0x38;
	[tilespmem:$0x140A0] =	vst v63  }
0x81: {  	s16 =	rddreg [dreg:$0x4];
	s17 =	sadd.s32 $0x0, s15  }
0x82: {  	[hbm4b:s17+s1] =	stream.linear.scatter [tilespmem:s24], [sflag:$0x3], $0x2800, $0x38;
	[tilespmem:$0x140A0] =	vst v63  }
0x83: {  	s18 =	rddreg [dreg:$0x5];
	s19 =	sadd.s32 $0x0, s16  }
0x84: {  	[hbm4b:s19+s1] =	stream.linear.scatter [tilespmem:s25], [sflag:$0x3], $0x2800, $0x38;
	[tilespmem:$0x140A0] =	vst v63  }
0x85: {  	s20 =	sadd.s32 $0x0, s18  }
0x86: {  	[hbm4b:s20+s1] =	stream.linear.scatter [tilespmem:s26], [sflag:$0x3], $0x2800, $0x38;
	[tilespmem:$0x140A0] =	vst v63  }
0x87: {  	_ =	swait.ge [sflag:s10], $0x2800  }
0x88: {  	[sflag:s10] =	ssyncset.done $0x0  }
0x89: {  	[sflag:s10] =	ssyncadd.s32 $0xFFFFD800  }
0x8a: {  	_ =	swait.ge [sflag:s10], $0x2800  }
0x8b: {  	[sflag:s10] =	ssyncset.done $0x0  }
0x8c: {  	[sflag:s10] =	ssyncadd.s32 $0xFFFFD800  }
0x8d: {  	_ =	swait.ge [sflag:s10], $0x2800  }
0x8e: {  	[sflag:s10] =	ssyncset.done $0x0  }
0x8f: {  	[sflag:s10] =	ssyncadd.s32 $0xFFFFD800  }
0x90: {  	_ =	swait.ge [sflag:s10], $0x2800  }
0x91: {  	[sflag:s10] =	ssyncset.done $0x0  }
0x92: {  	[sflag:s10] =	ssyncadd.s32 $0xFFFFD800  }
0x93: {  	[tilespmem:s22], [sflag:$0x5] =	stream.linear.gather [hbm4b:s13+s1], $0x50, $0x38;
	[tilespmem:$0x140A0] =	vst v63  }
0x94: {  	_ =	swait.ge [sflag:s21], $0x50  }
0x95: {  	[sflag:s21] =	ssyncset.done $0x0  }
0x96: {  	[sflag:s21] =	ssyncadd.s32 $0xFFFFFFB0  }
0x97: {  	[tilespmem:s29], [sflag:$0x2] =	stream.indirect.gather [hbm4b:s6+s22], $0x80, s22, s22, $0xb8;
	[tilespmem:$0x140A0] =	vst v63  }
0x98: {  	_ = 	snop  }
0x99: {  	[tilespmem:s30], [sflag:$0x2] =	stream.indirect.gather [hbm4b:s7+s22], $0x80, s22, s22, $0xb8;
	[tilespmem:$0x140A0] =	vst v63  }
0x9a: {  	_ = 	snop  }
0x9b: {  	[tilespmem:s31], [sflag:$0x2] =	stream.indirect.gather [hbm4b:s3+s22], $0x80, s22, s22, $0xb8;
	[tilespmem:$0x140A0] =	vst v63  }
0x9c: {  	_ = 	snop  }
0x9d: {  	[tilespmem:s0], [sflag:$0x2] =	stream.indirect.gather [hbm4b:s4+s22], $0x80, s22, s22, $0xb8;
	[tilespmem:$0x140A0] =	vst v63  }
0x9e: {  	_ =	swait.ge [sflag:s2], $0x2800  }
0x9f: {  	[sflag:s2] =	ssyncset.done $0x0  }
0xa0: {  	[sflag:s2] =	ssyncadd.s32 $0xFFFFD800  }
0xa1: {  	_ =	swait.ge [sflag:s2], $0x2800  }
0xa2: {  	[sflag:s2] =	ssyncset.done $0x0  }
0xa3: {  	[sflag:s2] =	ssyncadd.s32 $0xFFFFD800  }
0xa4: {  	_ =	swait.ge [sflag:s2], $0x2800  }
0xa5: {  	[sflag:s2] =	ssyncset.done $0x0  }
0xa6: {  	s14 =	simm.s32 $0xA00;
	[sflag:s2] =	ssyncadd.s32 $0xFFFFD800  }
0xa7: {  	s15 =	simm.s32 $0x1400;
	s11 =	smov.u32 s8;
	_ =	swait.ge [sflag:s2], $0x2800  }
0xa8: {  	s20 =	smov.u32 s13;
	s17 =	rddreg [dreg:$0x6];
	[sflag:s2] =	ssyncset.done $0x0  }
.LBB2_2:
0xa9: {  	[sflag:s2] =	ssyncadd.s32 $0xFFFFD800;
	s18 =	rddreg [dreg:$0x7];
	s17 =	sadd.s32 s14, s17  }
0xaa: {  	[hbm4b:s17+s1] =	stream.linear.scatter [tilespmem:s29], [sflag:$0x4], $0x2800, $0x38;
	[tilespmem:$0x140A0] =	vst v63  }
0xab: {  	s19 =	rddreg [dreg:$0x8];
	s17 =	sadd.s32 s14, s18  }
0xac: {  	[hbm4b:s17+s1] =	stream.linear.scatter [tilespmem:s30], [sflag:$0x4], $0x2800, $0x38;
	[tilespmem:$0x140A0] =	vst v63  }
0xad: {  	s18 =	rddreg [dreg:$0x9];
	s19 =	sadd.s32 s14, s19  }
0xae: {  	[hbm4b:s19+s1] =	stream.linear.scatter [tilespmem:s31], [sflag:$0x4], $0x2800, $0x38;
	[tilespmem:$0x140A0] =	vst v63  }
0xaf: {  	s19 =	sadd.s32 s14, s18  }
0xb0: {  	[hbm4b:s19+s1] =	stream.linear.scatter [tilespmem:s0], [sflag:$0x4], $0x2800, $0x38;
	[tilespmem:$0x140A0] =	vst v63  }
0xb1: {  	_ =	swait.ge [sflag:s9], $0x2800  }
0xb2: {  	[sflag:s9] =	ssyncset.done $0x0  }
0xb3: {  	[sflag:s9] =	ssyncadd.s32 $0xFFFFD800  }
0xb4: {  	_ =	swait.ge [sflag:s9], $0x2800  }
0xb5: {  	[sflag:s9] =	ssyncset.done $0x0  }
0xb6: {  	[sflag:s9] =	ssyncadd.s32 $0xFFFFD800  }
0xb7: {  	_ =	swait.ge [sflag:s9], $0x2800  }
0xb8: {  	[sflag:s9] =	ssyncset.done $0x0  }
0xb9: {  	[sflag:s9] =	ssyncadd.s32 $0xFFFFD800  }
0xba: {  	s11 =	sadd.s32 $0xA0, s11;
	_ =	swait.ge [sflag:s9], $0x2800  }
0xbb: {  	s18 =	sshrl.u32 s11, $0x3;
	[sflag:s9] =	ssyncset.done $0x0  }
0xbc: {  	s17 =	sadd.s32 s5, s18;
	[sflag:s9] =	ssyncadd.s32 $0xFFFFD800  }
0xbd: {  	[tilespmem:s1], [sflag:$0x5] =	stream.linear.gather [hbm4b:s17+s1], $0x50, $0x38;
	[tilespmem:$0x140A0] =	vst v63  }
0xbe: {  	_ =	swait.ge [sflag:s21], $0x50  }
0xbf: {  	[sflag:s21] =	ssyncset.done $0x0  }
0xc0: {  	[sflag:s21] =	ssyncadd.s32 $0xFFFFFFB0  }
0xc1: {  	[tilespmem:s23], [sflag:$0x1] =	stream.indirect.gather [hbm4b:s6+s22], $0x80, s1, s22, $0xb8;
	[tilespmem:$0x140A0] =	vst v63  }
0xc2: {  	_ = 	snop  }
0xc3: {  	[tilespmem:s24], [sflag:$0x1] =	stream.indirect.gather [hbm4b:s7+s22], $0x80, s1, s22, $0xb8;
	[tilespmem:$0x140A0] =	vst v63  }
0xc4: {  	_ = 	snop  }
0xc5: {  	[tilespmem:s25], [sflag:$0x1] =	stream.indirect.gather [hbm4b:s3+s22], $0x80, s1, s22, $0xb8;
	[tilespmem:$0x140A0] =	vst v63  }
0xc6: {  	_ = 	snop  }
0xc7: {  	[tilespmem:s26], [sflag:$0x1] =	stream.indirect.gather [hbm4b:s4+s22], $0x80, s1, s22, $0xb8;
	[tilespmem:$0x140A0] =	vst v63  }
0xc8: {  	_ =	swait.ge [sflag:s28], $0x2800  }
0xc9: {  	[sflag:s28] =	ssyncset.done $0x0  }
0xca: {  	[sflag:s28] =	ssyncadd.s32 $0xFFFFD800  }
0xcb: {  	_ =	swait.ge [sflag:s28], $0x2800  }
0xcc: {  	[sflag:s28] =	ssyncset.done $0x0  }
0xcd: {  	[sflag:s28] =	ssyncadd.s32 $0xFFFFD800  }
0xce: {  	_ =	swait.ge [sflag:s28], $0x2800  }
0xcf: {  	[sflag:s28] =	ssyncset.done $0x0  }
0xd0: {  	[sflag:s28] =	ssyncadd.s32 $0xFFFFD800  }
0xd1: {  	_ =	swait.ge [sflag:s28], $0x2800  }
0xd2: {  	s19 =	rddreg [dreg:$0x2];
	[sflag:s28] =	ssyncset.done $0x0  }
0xd3: {  	s18 =	rddreg [dreg:$0x3];
	[sflag:s28] =	ssyncadd.s32 $0xFFFFD800;
	s17 =	sadd.s32 s14, s19  }
0xd4: {  	[hbm4b:s17+s1] =	stream.linear.scatter [tilespmem:s23], [sflag:$0x3], $0x2800, $0x38;
	[tilespmem:$0x140A0] =	vst v63  }
0xd5: {  	s19 =	rddreg [dreg:$0x4];
	s17 =	sadd.s32 s14, s18  }
0xd6: {  	[hbm4b:s17+s1] =	stream.linear.scatter [tilespmem:s24], [sflag:$0x3], $0x2800, $0x38;
	[tilespmem:$0x140A0] =	vst v63  }
0xd7: {  	s18 =	rddreg [dreg:$0x5];
	s19 =	sadd.s32 s14, s19  }
0xd8: {  	[hbm4b:s19+s1] =	stream.linear.scatter [tilespmem:s25], [sflag:$0x3], $0x2800, $0x38;
	[tilespmem:$0x140A0] =	vst v63  }
0xd9: {  	s19 =	sadd.s32 s14, s18  }
0xda: {  	[hbm4b:s19+s1] =	stream.linear.scatter [tilespmem:s26], [sflag:$0x3], $0x2800, $0x38;
	[tilespmem:$0x140A0] =	vst v63  }
0xdb: {  	_ =	swait.ge [sflag:s10], $0x2800  }
0xdc: {  	[sflag:s10] =	ssyncset.done $0x0  }
0xdd: {  	[sflag:s10] =	ssyncadd.s32 $0xFFFFD800  }
0xde: {  	_ =	swait.ge [sflag:s10], $0x2800  }
0xdf: {  	[sflag:s10] =	ssyncset.done $0x0  }
0xe0: {  	[sflag:s10] =	ssyncadd.s32 $0xFFFFD800  }
0xe1: {  	_ =	swait.ge [sflag:s10], $0x2800  }
0xe2: {  	[sflag:s10] =	ssyncset.done $0x0  }
0xe3: {  	[sflag:s10] =	ssyncadd.s32 $0xFFFFD800  }
0xe4: {  	_ =	swait.ge [sflag:s10], $0x2800  }
0xe5: {  	[sflag:s10] =	ssyncset.done $0x0  }
0xe6: {  	s20 =	sadd.s32 $0x14, s20;
	[sflag:s10] =	ssyncadd.s32 $0xFFFFD800  }
0xe7: {  	[tilespmem:s22], [sflag:$0x5] =	stream.linear.gather [hbm4b:s20+s1], $0x50, $0x38;
	[tilespmem:$0x140A0] =	vst v63  }
0xe8: {  	_ =	swait.ge [sflag:s21], $0x50  }
0xe9: {  	[sflag:s21] =	ssyncset.done $0x0  }
0xea: {  	[sflag:s21] =	ssyncadd.s32 $0xFFFFFFB0  }
0xeb: {  	[tilespmem:s29], [sflag:$0x2] =	stream.indirect.gather [hbm4b:s6+s22], $0x80, s22, s22, $0xb8;
	[tilespmem:$0x140A0] =	vst v63  }
0xec: {  	_ = 	snop  }
0xed: {  	[tilespmem:s30], [sflag:$0x2] =	stream.indirect.gather [hbm4b:s7+s22], $0x80, s22, s22, $0xb8;
	[tilespmem:$0x140A0] =	vst v63  }
0xee: {  	_ = 	snop  }
0xef: {  	[tilespmem:s31], [sflag:$0x2] =	stream.indirect.gather [hbm4b:s3+s22], $0x80, s22, s22, $0xb8;
	[tilespmem:$0x140A0] =	vst v63  }
0xf0: {  	_ = 	snop  }
0xf1: {  	[tilespmem:s0], [sflag:$0x2] =	stream.indirect.gather [hbm4b:s4+s22], $0x80, s22, s22, $0xb8;
	[tilespmem:$0x140A0] =	vst v63  }
0xf2: {  	_ =	swait.ge [sflag:s2], $0x2800  }
0xf3: {  	[sflag:s2] =	ssyncset.done $0x0  }
0xf4: {  	[sflag:s2] =	ssyncadd.s32 $0xFFFFD800  }
0xf5: {  	_ =	swait.ge [sflag:s2], $0x2800  }
0xf6: {  	[sflag:s2] =	ssyncset.done $0x0  }
0xf7: {  	p0 =	sne.s32 s15, $0x5000;
	[sflag:s2] =	ssyncadd.s32 $0xFFFFD800  }
.Ltmp0:
0xf8: {  	_ =	swait.ge [sflag:s2], $0x2800;
	(pc) =	sbr.rel @p0 .LBB2_2-.Ltmp0, $4  }
0xf9: {  	[sflag:s2] =	ssyncset.done $0x0  }
0xfa: {  	[sflag:s2] =	ssyncadd.s32 $0xFFFFD800  }
0xfb: {  	s16 =	smov.u32 s15;
	s15 =	sadd.s32 $0xA00, s15;
	_ =	swait.ge [sflag:s2], $0x2800  }
0xfc: {  	s14 =	smov.u32 s16;
	s17 =	rddreg [dreg:$0x6];
	[sflag:s2] =	ssyncset.done $0x0  }
0xfd: {  	s15 =	rddreg [dreg:$0x7];
	[sflag:s2] =	ssyncadd.s32 $0xFFFFD800;
	s16 =	sadd.s32 s14, s17  }
0xfe: {  	[hbm4b:s16+s1] =	stream.linear.scatter [tilespmem:s29], [sflag:$0x4], $0x2800, $0x38;
	[tilespmem:$0x140A0] =	vst v63  }
0xff: {  	s18 =	rddreg [dreg:$0x8];
	s15 =	sadd.s32 s14, s15  }
0x100: {  	[hbm4b:s15+s1] =	stream.linear.scatter [tilespmem:s30], [sflag:$0x4], $0x2800, $0x38;
	[tilespmem:$0x140A0] =	vst v63  }
0x101: {  	s19 =	rddreg [dreg:$0x9];
	s16 =	sadd.s32 s14, s18  }
0x102: {  	[hbm4b:s16+s1] =	stream.linear.scatter [tilespmem:s31], [sflag:$0x4], $0x2800, $0x38;
	[tilespmem:$0x140A0] =	vst v63  }
0x103: {  	s15 =	sadd.s32 s14, s19  }
0x104: {  	[hbm4b:s15+s1] =	stream.linear.scatter [tilespmem:s0], [sflag:$0x4], $0x2800, $0x38;
	[tilespmem:$0x140A0] =	vst v63  }
0x105: {  	_ =	swait.ge [sflag:s9], $0x2800  }
0x106: {  	[sflag:s9] =	ssyncset.done $0x0  }
0x107: {  	[sflag:s9] =	ssyncadd.s32 $0xFFFFD800  }
0x108: {  	_ =	swait.ge [sflag:s9], $0x2800  }
0x109: {  	[sflag:s9] =	ssyncset.done $0x0  }
0x10a: {  	[sflag:s9] =	ssyncadd.s32 $0xFFFFD800  }
0x10b: {  	_ =	swait.ge [sflag:s9], $0x2800  }
0x10c: {  	[sflag:s9] =	ssyncset.done $0x0  }
0x10d: {  	[sflag:s9] =	ssyncadd.s32 $0xFFFFD800  }
0x10e: {  	s11 =	sadd.s32 $0xA0, s11;
	_ =	swait.ge [sflag:s9], $0x2800  }
0x10f: {  	s11 =	sshrl.u32 s11, $0x3;
	[sflag:s9] =	ssyncset.done $0x0  }
0x110: {  	s11 =	sadd.s32 s5, s11;
	[sflag:s9] =	ssyncadd.s32 $0xFFFFD800  }
0x111: {  	[tilespmem:s1], [sflag:$0x5] =	stream.linear.gather [hbm4b:s11+s1], $0x50, $0x38;
	[tilespmem:$0x140A0] =	vst v63  }
0x112: {  	_ =	swait.ge [sflag:s21], $0x50  }
0x113: {  	[sflag:s21] =	ssyncset.done $0x0  }
0x114: {  	[sflag:s21] =	ssyncadd.s32 $0xFFFFFFB0  }
0x115: {  	[tilespmem:s23], [sflag:$0x1] =	stream.indirect.gather [hbm4b:s6+s22], $0x80, s1, s22, $0xb8;
	[tilespmem:$0x140A0] =	vst v63  }
0x116: {  	_ = 	snop  }
0x117: {  	[tilespmem:s24], [sflag:$0x1] =	stream.indirect.gather [hbm4b:s7+s22], $0x80, s1, s22, $0xb8;
	[tilespmem:$0x140A0] =	vst v63  }
0x118: {  	_ = 	snop  }
0x119: {  	[tilespmem:s25], [sflag:$0x1] =	stream.indirect.gather [hbm4b:s3+s22], $0x80, s1, s22, $0xb8;
	[tilespmem:$0x140A0] =	vst v63  }
0x11a: {  	_ = 	snop  }
0x11b: {  	[tilespmem:s26], [sflag:$0x1] =	stream.indirect.gather [hbm4b:s4+s22], $0x80, s1, s22, $0xb8;
	[tilespmem:$0x140A0] =	vst v63  }
0x11c: {  	_ =	swait.ge [sflag:s28], $0x2800  }
0x11d: {  	[sflag:s28] =	ssyncset.done $0x0  }
0x11e: {  	[sflag:s28] =	ssyncadd.s32 $0xFFFFD800  }
0x11f: {  	_ =	swait.ge [sflag:s28], $0x2800  }
0x120: {  	[sflag:s28] =	ssyncset.done $0x0  }
0x121: {  	[sflag:s28] =	ssyncadd.s32 $0xFFFFD800  }
0x122: {  	_ =	swait.ge [sflag:s28], $0x2800  }
0x123: {  	[sflag:s28] =	ssyncset.done $0x0  }
0x124: {  	[sflag:s28] =	ssyncadd.s32 $0xFFFFD800  }
0x125: {  	_ =	swait.ge [sflag:s28], $0x2800  }
0x126: {  	s16 =	rddreg [dreg:$0x2];
	[sflag:s28] =	ssyncset.done $0x0  }
0x127: {  	s17 =	rddreg [dreg:$0x3];
	[sflag:s28] =	ssyncadd.s32 $0xFFFFD800;
	s11 =	sadd.s32 s14, s16  }
0x128: {  	[hbm4b:s11+s1] =	stream.linear.scatter [tilespmem:s23], [sflag:$0x3], $0x2800, $0x38;
	[tilespmem:$0x140A0] =	vst v63  }
0x129: {  	s18 =	rddreg [dreg:$0x4];
	s15 =	sadd.s32 s14, s17  }
0x12a: {  	[hbm4b:s15+s1] =	stream.linear.scatter [tilespmem:s24], [sflag:$0x3], $0x2800, $0x38;
	[tilespmem:$0x140A0] =	vst v63  }
0x12b: {  	s19 =	rddreg [dreg:$0x5];
	s11 =	sadd.s32 s14, s18  }
0x12c: {  	[hbm4b:s11+s1] =	stream.linear.scatter [tilespmem:s25], [sflag:$0x3], $0x2800, $0x38;
	[tilespmem:$0x140A0] =	vst v63  }
0x12d: {  	s14 =	sadd.s32 s14, s19  }
0x12e: {  	[hbm4b:s14+s1] =	stream.linear.scatter [tilespmem:s26], [sflag:$0x3], $0x2800, $0x38;
	[tilespmem:$0x140A0] =	vst v63  }
0x12f: {  	_ =	swait.ge [sflag:s10], $0x2800  }
0x130: {  	[sflag:s10] =	ssyncset.done $0x0  }
0x131: {  	[sflag:s10] =	ssyncadd.s32 $0xFFFFD800  }
0x132: {  	_ =	swait.ge [sflag:s10], $0x2800  }
0x133: {  	[sflag:s10] =	ssyncset.done $0x0  }
0x134: {  	[sflag:s10] =	ssyncadd.s32 $0xFFFFD800  }
0x135: {  	_ =	swait.ge [sflag:s10], $0x2800  }
0x136: {  	[sflag:s10] =	ssyncset.done $0x0  }
0x137: {  	[sflag:s10] =	ssyncadd.s32 $0xFFFFD800  }
0x138: {  	_ =	swait.ge [sflag:s10], $0x2800  }
0x139: {  	[sflag:s10] =	ssyncset.done $0x0  }
0x13a: {  	s15 =	sadd.s32 $0x14, s20;
	[sflag:s10] =	ssyncadd.s32 $0xFFFFD800  }
0x13b: {  	[tilespmem:s22], [sflag:$0x5] =	stream.linear.gather [hbm4b:s15+s1], $0x50, $0x38;
	[tilespmem:$0x140A0] =	vst v63  }
0x13c: {  	_ =	swait.ge [sflag:s21], $0x50  }
0x13d: {  	[sflag:s21] =	ssyncset.done $0x0  }
0x13e: {  	[sflag:s21] =	ssyncadd.s32 $0xFFFFFFB0  }
0x13f: {  	[tilespmem:s29], [sflag:$0x2] =	stream.indirect.gather [hbm4b:s6+s22], $0x80, s22, s22, $0xb8;
	[tilespmem:$0x140A0] =	vst v63  }
0x140: {  	_ = 	snop  }
0x141: {  	[tilespmem:s30], [sflag:$0x2] =	stream.indirect.gather [hbm4b:s7+s22], $0x80, s22, s22, $0xb8;
	[tilespmem:$0x140A0] =	vst v63  }
0x142: {  	_ = 	snop  }
0x143: {  	[tilespmem:s31], [sflag:$0x2] =	stream.indirect.gather [hbm4b:s3+s22], $0x80, s22, s22, $0xb8;
	[tilespmem:$0x140A0] =	vst v63  }
0x144: {  	_ = 	snop  }
0x145: {  	[tilespmem:s0], [sflag:$0x2] =	stream.indirect.gather [hbm4b:s4+s22], $0x80, s22, s22, $0xb8;
	[tilespmem:$0x140A0] =	vst v63  }
0x146: {  	_ =	swait.ge [sflag:s2], $0x2800  }
0x147: {  	[sflag:s2] =	ssyncset.done $0x0  }
0x148: {  	[sflag:s2] =	ssyncadd.s32 $0xFFFFD800  }
0x149: {  	_ =	swait.ge [sflag:s2], $0x2800  }
0x14a: {  	[sflag:s2] =	ssyncset.done $0x0  }
0x14b: {  	[sflag:s2] =	ssyncadd.s32 $0xFFFFD800  }
0x14c: {  	_ =	swait.ge [sflag:s2], $0x2800  }
0x14d: {  	[sflag:s2] =	ssyncset.done $0x0  }
0x14e: {  	[sflag:s2] =	ssyncadd.s32 $0xFFFFD800  }
0x14f: {  	_ =	swait.ge [sflag:s2], $0x2800  }
0x150: {  	[sflag:s2] =	ssyncset.done $0x0  }
0x151: {  	s16 =	rddreg [dreg:$0x10];
	[sflag:s2] =	ssyncadd.s32 $0xFFFFD800  }
0x152: {  	[hbm4b:s16+s1] =	stream.linear.scatter [tilespmem:s29], [sflag:$0x4], $0x2800, $0x38;
	[tilespmem:$0x140A0] =	vst v63  }
0x153: {  	s17 =	rddreg [dreg:$0x11]  }
0x154: {  	[hbm4b:s17+s1] =	stream.linear.scatter [tilespmem:s30], [sflag:$0x4], $0x2800, $0x38;
	[tilespmem:$0x140A0] =	vst v63  }
0x155: {  	s18 =	rddreg [dreg:$0x12]  }
0x156: {  	[hbm4b:s18+s1] =	stream.linear.scatter [tilespmem:s31], [sflag:$0x4], $0x2800, $0x38;
	[tilespmem:$0x140A0] =	vst v63  }
0x157: {  	s19 =	rddreg [dreg:$0x13]  }
0x158: {  	[hbm4b:s19+s1] =	stream.linear.scatter [tilespmem:s0], [sflag:$0x4], $0x2800, $0x38;
	[tilespmem:$0x140A0] =	vst v63  }
0x159: {  	_ =	swait.ge [sflag:s9], $0x2800  }
0x15a: {  	[sflag:s9] =	ssyncset.done $0x0  }
0x15b: {  	[sflag:s9] =	ssyncadd.s32 $0xFFFFD800  }
0x15c: {  	_ =	swait.ge [sflag:s9], $0x2800  }
0x15d: {  	[sflag:s9] =	ssyncset.done $0x0  }
0x15e: {  	[sflag:s9] =	ssyncadd.s32 $0xFFFFD800  }
0x15f: {  	_ =	swait.ge [sflag:s9], $0x2800  }
0x160: {  	[sflag:s9] =	ssyncset.done $0x0  }
0x161: {  	[sflag:s9] =	ssyncadd.s32 $0xFFFFD800  }
0x162: {  	_ =	swait.ge [sflag:s9], $0x2800  }
0x163: {  	[sflag:s9] =	ssyncset.done $0x0  }
0x164: {  	[sflag:s9] =	ssyncadd.s32 $0xFFFFD800  }
0x165: {  	_ =	swait.ge [sflag:s10], $0x2800  }
0x166: {  	[sflag:s10] =	ssyncset.done $0x0  }
0x167: {  	[sflag:s10] =	ssyncadd.s32 $0xFFFFD800  }
0x168: {  	_ =	swait.ge [sflag:s10], $0x2800  }
0x169: {  	[sflag:s10] =	ssyncset.done $0x0  }
0x16a: {  	[sflag:s10] =	ssyncadd.s32 $0xFFFFD800  }
0x16b: {  	_ =	swait.ge [sflag:s10], $0x2800  }
0x16c: {  	[sflag:s10] =	ssyncset.done $0x0  }
0x16d: {  	[sflag:s10] =	ssyncadd.s32 $0xFFFFD800  }
0x16e: {  	_ =	swait.ge [sflag:s10], $0x2800  }
0x16f: {  	s12 =	sadd.s32 $0x1, s12;
	s20 =	rddreg [dreg:$0x14]  }
0x170: {  	p0 =	sne.s32 s12, s20  }
.Ltmp1:
0x171: {  	_ = 	snop;
	(pc) =	sbr.rel @p0 .LBB2_1-.Ltmp1, $3  }
0x172: {  	_ =	sdelay $0x1  }
0x173: {  	[sflag:s10] =	ssyncset.done $0x0  }
0x174: {  	[sflag:s10] =	ssyncadd.s32 $0xFFFFD800  }
0x175: {  	_ =	sfence.sel $0x180000  }
0x176: {  	[bflag:$0x0] =	sbarrier.arrive $0xFFFF  }
0x177: {  	_ =	strace $0x9000004D  }
0x178: {  	s0 =	stileid.u32;
	[bflag:$0x2] =	sbarrier.arrive $0xFFFF  }
0x179: {  	p0 =	sne.s32 s0, $0x0;
	s0 =	rddreg [dreg:$0x1]  }
0x17a: {  	s0 =	sadd.s32 @!p0 $0x100000, s0  }
0x17b: {  	[sflag:s0] =	ssyncadd.tile.s32 @!p0 $0x1;
	_ =	shalt  }
.Lfunc_end2:
_tile_overlayer_lowered:
.L_overlay_start_2:
0x17c: {  	(tag) =	ssettag $0x2  }
0x17d: {  	s0 =	rddreg [dreg:$0x0];
	s2 =	stileid.u32  }
0x17e: {  	s1 =	rddreg [dreg:$0x1];
	p0 =	sne.s32 s2, $0x0  }
0x17f: {  	s3 =	rddreg [dreg:$0x2];
	[bflag:$0x3] =	sbarrier.arrive $0xFFFF;
	s2 =	simm.s32 @!p0 $0x1C05  }
0x180: {  	[timem:s3], [sflag:s2] =	dma.local @!p0 [hbm:s0], s1  }
0x181: {  	s0 =	simm.s32 @!p0 $0x5  }
0x182: {  	_ =	swait.ge @!p0 [sflag:s0], s1  }
0x183: {  	s1 =	ssub.s32 @!p0 $0x0, s1;
	[sflag:s0] =	ssyncset.done @!p0 $0x0  }
0x184: {  	[sflag:s0] =	ssyncadd.s32 @!p0 s1  }
0x185: {  	[bflag:$0x3] =	sbarrier.arrive $0xFFFF  }
0x186: {  	_ =	shalt  }

// kernel: kernel.20.cloned.1.call-start
scs
__scs_entry_jumppad:
0x0: {  	(pc) =	sbr.rel $0x88, $3  }
0x1: {  	(tag) =	ssettag $0x0;
	lr =	simm.s32 $0x1  }
0x2: {  	[smem:$0x3F9E] =	sst lr;
	_ =	strace $0xD0000000  }
0x3: {  	_ = 	snop  }
0x4: {  	_ = 	snop  }
0x5: {  	_ = 	snop  }
0x6: {  	_ = 	snop  }
0x7: {  	_ = 	snop  }
__scs_overlays_trampoline_lowered:
0x8: {  	[smem:$0x3FAD] =	sst s0  }
0x9: {  	[smem:$0x3FAE] =	sst s1  }
0xa: {  	[smem:$0x3FAF] =	sst s2  }
0xb: {  	[smem:$0x3FB0] =	sst s3  }
0xc: {  	[smem:$0x3FB1] =	sst s4  }
0xd: {  	[smem:$0x3FB2] =	sst s5  }
0xe: {  	[smem:$0x3FB3] =	sst s6  }
0xf: {  	[smem:$0x3FB4] =	sst s7  }
0x10: {  	[smem:$0x3FB5] =	sst s8  }
0x11: {  	[smem:$0x3FB6] =	sst s9;
	s0 =	simm.s32 @!p0 $0x0  }
0x12: {  	s1 =	sld [smem:$0x3F9C];
	s0 =	simm.s32 @p0 $0x1  }
0x13: {  	[smem:$0x3FB7] =	sst s0;
	s0 =	simm.s32 @!p1 $0x0  }
0x14: {  	s2 =	sld [smem:$0x3F9B];
	s0 =	simm.s32 @p1 $0x1  }
0x15: {  	[smem:$0x3FB8] =	sst s0;
	s0 =	simm.s32 @!p2 $0x0  }
0x16: {  	s3 =	sld [smem:$0x3FDB];
	s0 =	simm.s32 @p2 $0x1  }
0x17: {  	s4 =	simm.s32 $0x1BF5;
	[smem:$0x3FBA] =	sst s0  }
0x18: {  	s0 =	sld [smem:$0x3F9D];
	_ =	swait.ge [sflag:s4], $0x0  }
0x19: {  	s7 =	sld [smem:$0x3F9E]  }
0x1a: {  	s8 =	sadd.s32 $0xFFFFE003, lr  }
0x1b: {  	s9 =	sadd.s32 $0xFFFFFEF7, lr;
	s5 =	simm.s32 $0xFFFFFFFF;
	p2 =	slt.u32 s8, $0xFFFFF086  }
0x1c: {  	p1 =	slt.u32 s9, $0xF7A;
	s5 =	simm.s32 @!p2 $0x0  }
0x1d: {  	s5 =	simm.s32 @p1 $0x1;
	p0 =	seq.s32 s7, s2  }
0x1e: {  	s7 =	smul.u32 @!p0 $0xF7A, s2;
	p2 =	seq.s32 @!p0 s5, $0x0  }
0x1f: {  	s9 =	smul.u32 $0xF7A, s1;
	s8 =	simm.s32 @!p0 $0x1BF5;
	p2 =	por !p2, p0  }
0x20: {  	[sflag:s8] =	ssyncset.s32 @!p0 $0xFFFFF086;
	s6 =	sadd.s32 @!p0 s3, s7;
	s7 =	simm.s32 @!p0 $0x108  }
0x21: {  	s3 =	sadd.s32 s3, s9;
	s6 =	sadd.s32 @!p0 $0x88, s6;
	s7 =	simm.s32 @p2 $0x1082  }
0x22: {  	[simem:s7], [sflag:s8] =	dma.local @!p0 [hbm:s6], $0xF7A  }
0x23: {  	s9 =	sor.u32 $0xD0000000, s2;
	s6 =	simm.s32 $0x108;
	_ =	swait.ge @!p0 [sflag:s8], $0x0  }
0x24: {  	s3 =	sadd.s32 $0x88, s3;
	s6 =	simm.s32 @!p1 $0x1082;
	[sflag:s4] =	ssyncset.s32 $0xFFFFF086  }
0x25: {  	[simem:s6], [sflag:s4] =	dma.local [hbm:s3], $0xF7A  }
0x26: {  	[smem:$0x3F9E] =	sst s1;
	(tag) =	ssettag s2;
	_ =	strace s9  }
0x27: {  	s1 =	sld [smem:$0x3FAE]  }
0x28: {  	s2 =	sld [smem:$0x3FAF]  }
0x29: {  	s4 =	sld [smem:$0x3FB1]  }
0x2a: {  	p0 =	seq.s32 s5, $0x0;
	s5 =	sld [smem:$0x3FB2]  }
0x2b: {  	s6 =	sld [smem:$0x3FB3]  }
0x2c: {  	s7 =	sld [smem:$0x3FB4]  }
0x2d: {  	s3 =	simm.s32 $0x108;
	s8 =	sld [smem:$0x3FB5]  }
0x2e: {  	s3 =	simm.s32 @!p0 $0x1082;
	s9 =	sld [smem:$0x3FB6]  }
0x2f: {  	lr =	sadd.s32 s0, s3;
	s0 =	sld [smem:$0x3FAD]  }
0x30: {  	s3 =	sld [smem:$0x3FB0]  }
0x31: {  	[smem:$0x3FB9] =	sst s10  }
0x32: {  	s10 =	sld [smem:$0x3FB7];
	_ =	sdelay $0x3  }
0x33: {  	p0 =	seq.s32 s10, $0x1;
	s10 =	sld [smem:$0x3FB9];
	_ =	sdelay $0x3  }
0x34: {  	[smem:$0x3FB9] =	sst s10  }
0x35: {  	s10 =	sld [smem:$0x3FB8];
	_ =	sdelay $0x3  }
0x36: {  	p1 =	seq.s32 s10, $0x1;
	s10 =	sld [smem:$0x3FB9];
	_ =	sdelay $0x3  }
0x37: {  	[smem:$0x3FB9] =	sst s10  }
0x38: {  	s10 =	sld [smem:$0x3FBA]  }
0x39: {  	_ = 	snop;
	(pc) =	sbr.ind lr, $3  }
0x3a: {  	_ = 	snop  }
0x3b: {  	_ = 	snop  }
0x3c: {  	p2 =	seq.s32 s10, $0x1;
	s10 =	sld [smem:$0x3FB9]  }
0x3d: {  	_ =	shalt  }
0x3e: {  	_ =	shalt  }
0x3f: {  	_ =	shalt  }
0x40: {  	_ =	shalt  }
0x41: {  	_ =	shalt  }
0x42: {  	_ =	shalt  }
0x43: {  	_ =	shalt  }
0x44: {  	_ =	shalt  }
0x45: {  	_ =	shalt  }
0x46: {  	_ =	shalt  }
0x47: {  	_ =	shalt  }
0x48: {  	_ =	shalt  }
0x49: {  	_ =	shalt  }
0x4a: {  	_ =	shalt  }
0x4b: {  	_ =	shalt  }
0x4c: {  	_ =	shalt  }
0x4d: {  	_ =	shalt  }
0x4e: {  	_ =	shalt  }
0x4f: {  	_ =	shalt  }
0x50: {  	_ =	shalt  }
0x51: {  	_ =	shalt  }
0x52: {  	_ =	shalt  }
0x53: {  	_ =	shalt  }
0x54: {  	_ =	shalt  }
0x55: {  	_ =	shalt  }
0x56: {  	_ =	shalt  }
0x57: {  	_ =	shalt  }
0x58: {  	_ =	shalt  }
0x59: {  	_ =	shalt  }
0x5a: {  	_ =	shalt  }
0x5b: {  	_ =	shalt  }
0x5c: {  	_ =	shalt  }
0x5d: {  	_ =	shalt  }
0x5e: {  	_ =	shalt  }
0x5f: {  	_ =	shalt  }
0x60: {  	_ =	shalt  }
0x61: {  	_ =	shalt  }
0x62: {  	_ =	shalt  }
0x63: {  	_ =	shalt  }
0x64: {  	_ =	shalt  }
0x65: {  	_ =	shalt  }
0x66: {  	_ =	shalt  }
0x67: {  	_ =	shalt  }
0x68: {  	_ =	shalt  }
0x69: {  	_ =	shalt  }
0x6a: {  	_ =	shalt  }
0x6b: {  	_ =	shalt  }
0x6c: {  	_ =	shalt  }
0x6d: {  	_ =	shalt  }
0x6e: {  	_ =	shalt  }
0x6f: {  	_ =	shalt  }
0x70: {  	_ =	shalt  }
0x71: {  	_ =	shalt  }
0x72: {  	_ =	shalt  }
0x73: {  	_ =	shalt  }
0x74: {  	_ =	shalt  }
0x75: {  	_ =	shalt  }
0x76: {  	_ =	shalt  }
0x77: {  	_ =	shalt  }
0x78: {  	_ =	shalt  }
0x79: {  	_ =	shalt  }
0x7a: {  	_ =	shalt  }
0x7b: {  	_ =	shalt  }
0x7c: {  	_ =	shalt  }
0x7d: {  	_ =	shalt  }
0x7e: {  	_ =	shalt  }
0x7f: {  	_ =	shalt  }
0x80: {  	_ =	shalt  }
0x81: {  	_ =	shalt  }
0x82: {  	_ =	shalt  }
0x83: {  	_ =	shalt  }
0x84: {  	_ =	shalt  }
0x85: {  	_ =	shalt  }
0x86: {  	_ =	shalt  }
0x87: {  	_ =	shalt  }
.Lfunc_end0:
.L_simem_size_0:
called_computation.3_lowered:
.L_overlay_start_0:
0x88: {  	s2 =	sld [smem:$0x3FD9]  }
0x89: {  	s3 =	sld [smem:$0x3FFE];
	_ =	sdelay $0x1  }
0x8a: {  	s1 =	srdreg.scid  }
0x8b: {  	s0 =	sand.u32 $0x1, s1  }
0x8c: {  	s17 =	sshll.u32 s0, $0xA;
	s2 =	sadd.s32 s3, s2  }
0x8d: {  	s2 =	sadd.s32 s2, s17  }
0x8e: {  	[smem:$0x3FC5] =	sst s2  }
0x8f: {  	_ = 	snop  }
0x90: {  	(tm) =	ssettm $0x1  }
0x91: {  	s18 =	sld [smem:$0x3FFB];
	_ =	sdelay $0x3  }
0x92: {  	_ =	strace s18  }
0x93: {  	s2 =	sld [smem:$0x3FFC];
	_ =	sdelay $0x3  }
0x94: {  	_ =	strace s2  }
0x95: {  	s2 =	sld [smem:$0x3FFD];
	_ =	sdelay $0x3  }
0x96: {  	_ =	strace s2  }
0x97: {  	_ =	strace $0x8FFFFFFF  }
0x98: {  	s19 =	sld [smem:$0x3FDB];
	_ =	sdelay $0x1  }
0x99: {  	s20 =	simm.s32 $_scs_section_size  }
0x9a: {  	s4 =	simm.s32 $_size__tile_overlayer_lowered;
	s5 =	simm.s32 $_tile_overlayer_lowered  }
0x9b: {  	s6 =	simm.s32 $0x1BFF;
	s21 =	sshll.u32 s5, $0x1;
	s3 =	sadd.s32 s20, s19  }
0x9c: {  	s22 =	simm.s32 $0x0;
	s4 =	sshll.u32 s4, $0x1;
	s5 =	sadd.s32 s21, s3  }
0x9d: {  	[timem:s22], [sflag:s6] =	dma.local [hbm:s5], s4  }
0x9e: {  	_ =	swait.ge [sflag:s6], s4  }
0x9f: {  	s4 =	ssub.s32 $0x0, s4;
	[sflag:s6] =	ssyncset.done $0x0  }
0xa0: {  	[sflag:s6] =	ssyncadd.s32 s4;
	_ =	sdelay $0x1  }
0xa1: {  	s23 =	simm.s32 $0x1B8B  }
0xa2: {  	_ =	swait.ge [sflag:s23], $0x1  }
0xa3: {  	[sflag:s23] =	ssyncset.done $0x0  }
0xa4: {  	[sflag:s23] =	ssyncadd.s32 $0xFFFFFFFF  }
0xa5: {  	s4 =	sld [smem:$0x0]  }
0xa6: {  	s5 =	sand.u32 $0xFFFFFFFE, s1  }
0xa7: {  	p0 =	sne.s32 s1, s5  }
0xa8: {  	s5 =	sshll.u32 @p0 s5, $0xE  }
0xa9: {  	s5 =	sadd.s32 @p0 $0x11B8D, s5;
	s6 =	sshll.u32 @p0 s4, $0x11  }
0xaa: {  	s5 =	sor.u32 @p0 s6, s5  }
0xab: {  	[sflag:s5] =	ssyncadd.remote.s32 @p0 $0x1;
	_ =	sdelay $0x1  }
0xac: {  	s5 =	simm.s32 @p0 $0x1B8D  }
0xad: {  	_ =	swait.eq @p0 [sflag:s5], $0x1  }
0xae: {  	[sflag:s5] =	ssyncadd.s32 @p0 $0xFFFFFFFF  }
0xaf: {  	s6 =	sshll.u32 @!p0 s1, $0xE  }
0xb0: {  	s6 =	sor.u32 @!p0 $0x4000, s6;
	s5 =	simm.s32 @!p0 $0x1B8D  }
0xb1: {  	s4 =	sshll.u32 @!p0 s4, $0x11;
	s6 =	sadd.s32 @!p0 $0x11B8D, s6;
	_ =	swait.eq @!p0 [sflag:s5], $0x1  }
0xb2: {  	s4 =	sor.u32 @!p0 s4, s6;
	[sflag:s5] =	ssyncadd.s32 @!p0 $0xFFFFFFFF  }
0xb3: {  	s25 =	simm.s32 $0x1B8E;
	s24 =	sld [smem:$0x3FFE];
	[sflag:s4] =	ssyncadd.remote.s32 @!p0 $0x1  }
0xb4: {  	s26 =	simm.s32 $execute0_lowered;
	[smem:$0x3FD2] =	sst s25  }
0xb5: {  	s5 =	sshll.u32 s26, $0x1;
	_ =	strace $0x8000004F;
	[dreg:$0x1] =	wrdreg $0xFFFFFFFF  }
0xb6: {  	s28 =	simm.s32 $_size_execute0_lowered;
	s3 =	sadd.s32 s3, s5;
	[dreg:$0x0] =	wrdreg $0x0  }
0xb7: {  	s5 =	sshll.u32 s28, $0x1;
	[dreg:$0x2] =	wrdreg s3  }
0xb8: {  	[dreg:$0x3] =	wrdreg s5  }
0xb9: {  	[dreg:$0x4] =	wrdreg $0xC0  }
0xba: {  	_ =	task [dreg:s22], $0x5FFFF  }
0xbb: {  	[dreg:$0x1] =	wrdreg $0xFFFFFFFF  }
0xbc: {  	[dreg:$0x0] =	wrdreg $0x60  }
0xbd: {  	[dreg:$0x2] =	wrdreg s24  }
0xbe: {  	[dreg:$0x3] =	wrdreg $0xC  }
0xbf: {  	_ =	task.clear_ibuf [dreg:s22], $0x4FFFF;
	_ =	strace $0x9000004F  }
0xc0: {  	s29 =	simm.s32 $0xC;
	_ =	strace $0x80000051  }
0xc1: {  	_ =	swait.ge [sflag:s29], $0x1  }
0xc2: {  	[sflag:s29] =	ssyncadd.s32 $0xFFFFFFFF  }
0xc3: {  	_ =	strace $0x90000051  }
0xc4: {  	_ =	sfence  }
0xc5: {  	s30 =	sld [smem:$0x0];
	_ =	sdelay $0x2  }
0xc6: {  	s31 =	sshll.u32 s1, $0xD;
	s1 =	sshrl.u32 s1, $0x2  }
0xc7: {  	s4 =	sand.u32 $0x4000, s31;
	s1 =	sadd.s32 s1, s30  }
0xc8: {  	s0 =	sor.u32 s4, s0;
	s1 =	sshll.u32 s1, $0x11  }
0xc9: {  	s0 =	sor.u32 s1, s0  }
0xca: {  	s0 =	sadd.s32 $0x8F2B, s0  }
0xcb: {  	[sflag:s0] =	ssyncadd.remote.s32 $0x1  }
0xcc: {  	_ =	sfence.sel $0xFFFF  }
0xcd: {  	[dreg:$0x0] =	wrdreg $0xFFFFFFFF;
	(pc) =	sbr.abs _section_cstart, $3  }
0xce: {  	[dreg:$0x1] =	wrdreg $0xFFFFFFFF  }
0xcf: {  	_ =	task.clear_ibuf [dreg:s22], $0x2FFFF;
	_ =	strace $0x9FFFFFFF  }
0xd0: {  	(tm) =	ssettm $0x7FFFFFFF  }
0xd1: {  	_ =	shalt  }
tec
execute0_lowered:
.L_overlay_start_1:
0x0: {  	(tag) =	ssettag $0x1  }
0x1: {  	s0 =	rddreg [dreg:$0x0];
	s1 =	simm.s32 $0x0;
	s2 =	srdreg.scid  }
0x2: {  	s13 =	stileid.u32;
	s29 =	simm.s32 $0xA0A0;
	s30 =	simm.s32 $0xC8A0  }
0x3: {  	s31 =	simm.s32 $0xF0A0;
	[smem:$0x7FF] =	sst s1;
	s3 =	sadd.s32 $0x30FA00, s0  }
0x4: {  	s28 =	simm.s32 $0x1;
	s4 =	sadd.s32 $0x496400, s0;
	s5 =	sadd.s32 $0x940200, s0  }
0x5: {  	s2 =	sand.u32 $0x1, s2;
	s9 =	sadd.s32 $0xF81C00, s0;
	s11 =	sadd.s32 $0x1049C00, s0  }
0x6: {  	s6 =	sshll.u32 s13, $0x1;
	s12 =	sadd.s32 $0x1111C00, s0;
	s13 =	smul.u32 $0xC80, s13  }
0x7: {  	s10 =	sor.u32 s2, s6;
	s14 =	ssub.s32 $0x2, s2;
	s2 =	smul.u32 $0x640, s2  }
0x8: {  	s7 =	sadd.s32 $0x189000, s0;
	_ =	strace $0x80000050;
	s16 =	smul.u32 $0x6400, s10  }
0x9: {  	s6 =	sadd.s32 $0x2600, s0;
	s0 =	sadd.s32 $0x11D9C00, s0;
	s8 =	smul.u32 $0x640, s10  }
0xa: {  	s15 =	sshrl.u32 s14, $0x1;
	s10 =	smul.u32 $0x32000, s10;
	s23 =	sadd.s32 s9, s16  }
0xb: {  	s14 =	ssub.s32 s14, s15;
	s24 =	sadd.s32 s11, s16;
	[dreg:$0xb] =	wrdreg s23  }
0xc: {  	s2 =	sadd.s32 s2, s13;
	s25 =	sadd.s32 s12, s16;
	[dreg:$0xc] =	wrdreg s24  }
0xd: {  	s8 =	sshrl.u32 s8, $0x3;
	s16 =	sadd.s32 s0, s16;
	[dreg:$0xd] =	wrdreg s25  }
0xe: {  	s10 =	sshrl.u32 s10, $0x3;
	s22 =	sadd.s32 s5, s8;
	[dreg:$0xe] =	wrdreg s16  }
0xf: {  	s10 =	sadd.s32 $0x5F00, s10;
	[dreg:$0xa] =	wrdreg s22;
	s15 =	sadd.s32 $0xA, s22  }
0x10: {  	s21 =	sshll.u32 s2, $0x4;
	s20 =	sadd.s32 s9, s10;
	[dreg:$0xf] =	wrdreg s15  }
0x11: {  	s8 =	sadd.s32 $0xA0, s2;
	s22 =	sadd.s32 s11, s10;
	[dreg:$0x10] =	wrdreg s20  }
0x12: {  	s2 =	sadd.s32 $0xF0, s2;
	s23 =	sadd.s32 s12, s10;
	[dreg:$0x11] =	wrdreg s22  }
0x13: {  	s26 =	sshll.u32 s8, $0x4;
	s10 =	sadd.s32 s0, s10;
	[dreg:$0x12] =	wrdreg s23  }
0x14: {  	s2 =	sshrl.u32 s2, $0x3;
	s17 =	sadd.s32 s26, s9;
	[dreg:$0x13] =	wrdreg s10  }
0x15: {  	s18 =	sadd.s32 s26, s11;
	s19 =	sadd.s32 s26, s12;
	[dreg:$0x2] =	wrdreg s17  }
0x16: {  	s13 =	sadd.s32 s26, s0;
	s15 =	sadd.s32 $0x500, s21;
	[dreg:$0x3] =	wrdreg s18  }
0x17: {  	s26 =	smax.u32 s14, $0x1;
	s21 =	simm.s32 $0x5;
	[dreg:$0x4] =	wrdreg s19  }
0x18: {  	s22 =	simm.s32 $0x50;
	s23 =	simm.s32 $0xA0;
	[dreg:$0x5] =	wrdreg s13  }
0x19: {  	s10 =	simm.s32 $0x4;
	s9 =	sadd.s32 s15, s9;
	[dreg:$0x14] =	wrdreg s26  }
0x1a: {  	s24 =	sadd.s32 s15, s11;
	s25 =	sadd.s32 s15, s12;
	[dreg:$0x6] =	wrdreg s9  }
0x1b: {  	s0 =	sadd.s32 s15, s0;
	s13 =	sadd.s32 s2, s5;
	[dreg:$0x7] =	wrdreg s24  }
0x1c: {  	s26 =	simm.s32 $0x78A0;
	s2 =	simm.s32 $0x2;
	[dreg:$0x8] =	wrdreg s25  }
0x1d: {  	s12 =	simm.s32 $0x0;
	[dreg:$0x9] =	wrdreg s0;
	s24 =	simm.s32 $0x28A0  }
0x1e: {  	s25 =	simm.s32 $0x50A0;
	s0 =	simm.s32 $0x118A0;
	s9 =	simm.s32 $0x3  }
.LBB2_1:
0x1f: {  	s11 =	rddreg [dreg:$0xa]  }
0x20: {  	[tilespmem:s1], [sflag:$0x5] =	stream.linear.gather [hbm4b:s11+s1], $0x50, $0x38;
	[tilespmem:$0x140A0] =	vst v63  }
0x21: {  	_ =	swait.ge [sflag:s21], $0x50  }
0x22: {  	[sflag:s21] =	ssyncset.done $0x0  }
0x23: {  	[sflag:s21] =	ssyncadd.s32 $0xFFFFFFB0  }
0x24: {  	[tilespmem:s23], [sflag:$0x1] =	stream.indirect.gather [hbm4b:s6+s22], $0x80, s1, s22, $0xb8;
	[tilespmem:$0x140A0] =	vst v63  }
0x25: {  	_ = 	snop  }
0x26: {  	[tilespmem:s24], [sflag:$0x1] =	stream.indirect.gather [hbm4b:s7+s22], $0x80, s1, s22, $0xb8;
	[tilespmem:$0x140A0] =	vst v63  }
0x27: {  	_ = 	snop  }
0x28: {  	[tilespmem:s25], [sflag:$0x1] =	stream.indirect.gather [hbm4b:s3+s22], $0x80, s1, s22, $0xb8;
	[tilespmem:$0x140A0] =	vst v63  }
0x29: {  	_ = 	snop  }
0x2a: {  	[tilespmem:s26], [sflag:$0x1] =	stream.indirect.gather [hbm4b:s4+s22], $0x80, s1, s22, $0xb8;
	[tilespmem:$0x140A0] =	vst v63  }
0x2b: {  	_ =	swait.ge [sflag:s28], $0x2800  }
0x2c: {  	[sflag:s28] =	ssyncset.done $0x0  }
0x2d: {  	[sflag:s28] =	ssyncadd.s32 $0xFFFFD800  }
0x2e: {  	_ =	swait.ge [sflag:s28], $0x2800  }
0x2f: {  	[sflag:s28] =	ssyncset.done $0x0  }
0x30: {  	[sflag:s28] =	ssyncadd.s32 $0xFFFFD800  }
0x31: {  	_ =	swait.ge [sflag:s28], $0x2800  }
0x32: {  	[sflag:s28] =	ssyncset.done $0x0  }
0x33: {  	[sflag:s28] =	ssyncadd.s32 $0xFFFFD800  }
0x34: {  	_ =	swait.ge [sflag:s28], $0x2800  }
0x35: {  	[sflag:s28] =	ssyncset.done $0x0  }
0x36: {  	s17 =	rddreg [dreg:$0xb];
	[sflag:s28] =	ssyncadd.s32 $0xFFFFD800  }
0x37: {  	[hbm4b:s17+s1] =	stream.linear.scatter [tilespmem:s23], [sflag:$0x3], $0x2800, $0x38;
	[tilespmem:$0x140A0] =	vst v63  }
0x38: {  	s18 =	rddreg [dreg:$0xc]  }
0x39: {  	[hbm4b:s18+s1] =	stream.linear.scatter [tilespmem:s24], [sflag:$0x3], $0x2800, $0x38;
	[tilespmem:$0x140A0] =	vst v63  }
0x3a: {  	s19 =	rddreg [dreg:$0xd]  }
0x3b: {  	[hbm4b:s19+s1] =	stream.linear.scatter [tilespmem:s25], [sflag:$0x3], $0x2800, $0x38;
	[tilespmem:$0x140A0] =	vst v63  }
0x3c: {  	s20 =	rddreg [dreg:$0xe]  }
0x3d: {  	[hbm4b:s20+s1] =	stream.linear.scatter [tilespmem:s26], [sflag:$0x3], $0x2800, $0x38;
	[tilespmem:$0x140A0] =	vst v63  }
0x3e: {  	s14 =	rddreg [dreg:$0xf]  }
0x3f: {  	[tilespmem:s22], [sflag:$0x5] =	stream.linear.gather [hbm4b:s14+s1], $0x50, $0x38;
	[tilespmem:$0x140A0] =	vst v63  }
0x40: {  	_ =	swait.ge [sflag:s21], $0x50  }
0x41: {  	[sflag:s21] =	ssyncset.done $0x0  }
0x42: {  	[sflag:s21] =	ssyncadd.s32 $0xFFFFFFB0  }
0x43: {  	[tilespmem:s29], [sflag:$0x2] =	stream.indirect.gather [hbm4b:s6+s22], $0x80, s22, s22, $0xb8;
	[tilespmem:$0x140A0] =	vst v63  }
0x44: {  	_ = 	snop  }
0x45: {  	[tilespmem:s30], [sflag:$0x2] =	stream.indirect.gather [hbm4b:s7+s22], $0x80, s22, s22, $0xb8;
	[tilespmem:$0x140A0] =	vst v63  }
0x46: {  	_ = 	snop  }
0x47: {  	[tilespmem:s31], [sflag:$0x2] =	stream.indirect.gather [hbm4b:s3+s22], $0x80, s22, s22, $0xb8;
	[tilespmem:$0x140A0] =	vst v63  }
0x48: {  	_ = 	snop  }
0x49: {  	[tilespmem:s0], [sflag:$0x2] =	stream.indirect.gather [hbm4b:s4+s22], $0x80, s22, s22, $0xb8;
	[tilespmem:$0x140A0] =	vst v63  }
0x4a: {  	_ =	swait.ge [sflag:s2], $0x2800  }
0x4b: {  	[sflag:s2] =	ssyncset.done $0x0  }
0x4c: {  	[sflag:s2] =	ssyncadd.s32 $0xFFFFD800  }
0x4d: {  	_ =	swait.ge [sflag:s2], $0x2800  }
0x4e: {  	[sflag:s2] =	ssyncset.done $0x0  }
0x4f: {  	[sflag:s2] =	ssyncadd.s32 $0xFFFFD800  }
0x50: {  	_ =	swait.ge [sflag:s2], $0x2800  }
0x51: {  	[sflag:s2] =	ssyncset.done $0x0  }
0x52: {  	[sflag:s2] =	ssyncadd.s32 $0xFFFFD800  }
0x53: {  	_ =	swait.ge [sflag:s2], $0x2800  }
0x54: {  	s15 =	rddreg [dreg:$0x6];
	[sflag:s2] =	ssyncset.done $0x0  }
0x55: {  	s14 =	rddreg [dreg:$0x7];
	[sflag:s2] =	ssyncadd.s32 $0xFFFFD800;
	s11 =	sadd.s32 $0x0, s15  }
0x56: {  	[hbm4b:s11+s1] =	stream.linear.scatter [tilespmem:s29], [sflag:$0x4], $0x2800, $0x38;
	[tilespmem:$0x140A0] =	vst v63  }
0x57: {  	s15 =	rddreg [dreg:$0x8];
	s16 =	sadd.s32 $0x0, s14  }
0x58: {  	[hbm4b:s16+s1] =	stream.linear.scatter [tilespmem:s30], [sflag:$0x4], $0x2800, $0x38;
	[tilespmem:$0x140A0] =	vst v63  }
0x59: {  	s17 =	rddreg [dreg:$0x9];
	s18 =	sadd.s32 $0x0, s15  }
0x5a: {  	[hbm4b:s18+s1] =	stream.linear.scatter [tilespmem:s31], [sflag:$0x4], $0x2800, $0x38;
	[tilespmem:$0x140A0] =	vst v63  }
0x5b: {  	s19 =	sadd.s32 $0x0, s17  }
0x5c: {  	[hbm4b:s19+s1] =	stream.linear.scatter [tilespmem:s0], [sflag:$0x4], $0x2800, $0x38;
	[tilespmem:$0x140A0] =	vst v63  }
0x5d: {  	_ =	swait.ge [sflag:s9], $0x2800  }
0x5e: {  	[sflag:s9] =	ssyncset.done $0x0  }
0x5f: {  	[sflag:s9] =	ssyncadd.s32 $0xFFFFD800  }
0x60: {  	_ =	swait.ge [sflag:s9], $0x2800  }
0x61: {  	[sflag:s9] =	ssyncset.done $0x0  }
0x62: {  	[sflag:s9] =	ssyncadd.s32 $0xFFFFD800  }
0x63: {  	_ =	swait.ge [sflag:s9], $0x2800  }
0x64: {  	[sflag:s9] =	ssyncset.done $0x0  }
0x65: {  	[sflag:s9] =	ssyncadd.s32 $0xFFFFD800  }
0x66: {  	_ =	swait.ge [sflag:s9], $0x2800  }
0x67: {  	s20 =	sshrl.u32 s8, $0x3;
	[sflag:s9] =	ssyncset.done $0x0  }
0x68: {  	s11 =	sadd.s32 s5, s20;
	[sflag:s9] =	ssyncadd.s32 $0xFFFFD800  }
0x69: {  	[tilespmem:s1], [sflag:$0x5] =	stream.linear.gather [hbm4b:s11+s1], $0x50, $0x38;
	[tilespmem:$0x140A0] =	vst v63  }
0x6a: {  	_ =	swait.ge [sflag:s21], $0x50  }
0x6b: {  	[sflag:s21] =	ssyncset.done $0x0  }
0x6c: {  	[sflag:s21] =	ssyncadd.s32 $0xFFFFFFB0  }
0x6d: {  	[tilespmem:s23], [sflag:$0x1] =	stream.indirect.gather [hbm4b:s6+s22], $0x80, s1, s22, $0xb8;
	[tilespmem:$0x140A0] =	vst v63  }
0x6e: {  	_ = 	snop  }
0x6f: {  	[tilespmem:s24], [sflag:$0x1] =	stream.indirect.gather [hbm4b:s7+s22], $0x80, s1, s22, $0xb8;
	[tilespmem:$0x140A0] =	vst v63  }
0x70: {  	_ = 	snop  }
0x71: {  	[tilespmem:s25], [sflag:$0x1] =	stream.indirect.gather [hbm4b:s3+s22], $0x80, s1, s22, $0xb8;
	[tilespmem:$0x140A0] =	vst v63  }
0x72: {  	_ = 	snop  }
0x73: {  	[tilespmem:s26], [sflag:$0x1] =	stream.indirect.gather [hbm4b:s4+s22], $0x80, s1, s22, $0xb8;
	[tilespmem:$0x140A0] =	vst v63  }
0x74: {  	_ =	swait.ge [sflag:s28], $0x2800  }
0x75: {  	[sflag:s28] =	ssyncset.done $0x0  }
0x76: {  	[sflag:s28] =	ssyncadd.s32 $0xFFFFD800  }
0x77: {  	_ =	swait.ge [sflag:s28], $0x2800  }
0x78: {  	[sflag:s28] =	ssyncset.done $0x0  }
0x79: {  	[sflag:s28] =	ssyncadd.s32 $0xFFFFD800  }
0x7a: {  	_ =	swait.ge [sflag:s28], $0x2800  }
0x7b: {  	[sflag:s28] =	ssyncset.done $0x0  }
0x7c: {  	[sflag:s28] =	ssyncadd.s32 $0xFFFFD800  }
0x7d: {  	_ =	swait.ge [sflag:s28], $0x2800  }
0x7e: {  	s14 =	rddreg [dreg:$0x2];
	[sflag:s28] =	ssyncset.done $0x0  }
0x7f: {  	s15 =	rddreg [dreg:$0x3];
	[sflag:s28] =	ssyncadd.s32 $0xFFFFD800;
	s11 =	sadd.s32 $0x0, s14  }
0x80: {  	[hbm4b:s11+s1] =	stream.linear.scatter [tilespmem:s23], [sflag:$0x3], $0x2800, $0x38;
	[tilespmem:$0x140A0] =	vst v63  }
0x81: {  	s16 =	rddreg [dreg:$0x4];
	s17 =	sadd.s32 $0x0, s15  }
0x82: {  	[hbm4b:s17+s1] =	stream.linear.scatter [tilespmem:s24], [sflag:$0x3], $0x2800, $0x38;
	[tilespmem:$0x140A0] =	vst v63  }
0x83: {  	s18 =	rddreg [dreg:$0x5];
	s19 =	sadd.s32 $0x0, s16  }
0x84: {  	[hbm4b:s19+s1] =	stream.linear.scatter [tilespmem:s25], [sflag:$0x3], $0x2800, $0x38;
	[tilespmem:$0x140A0] =	vst v63  }
0x85: {  	s20 =	sadd.s32 $0x0, s18  }
0x86: {  	[hbm4b:s20+s1] =	stream.linear.scatter [tilespmem:s26], [sflag:$0x3], $0x2800, $0x38;
	[tilespmem:$0x140A0] =	vst v63  }
0x87: {  	_ =	swait.ge [sflag:s10], $0x2800  }
0x88: {  	[sflag:s10] =	ssyncset.done $0x0  }
0x89: {  	[sflag:s10] =	ssyncadd.s32 $0xFFFFD800  }
0x8a: {  	_ =	swait.ge [sflag:s10], $0x2800  }
0x8b: {  	[sflag:s10] =	ssyncset.done $0x0  }
0x8c: {  	[sflag:s10] =	ssyncadd.s32 $0xFFFFD800  }
0x8d: {  	_ =	swait.ge [sflag:s10], $0x2800  }
0x8e: {  	[sflag:s10] =	ssyncset.done $0x0  }
0x8f: {  	[sflag:s10] =	ssyncadd.s32 $0xFFFFD800  }
0x90: {  	_ =	swait.ge [sflag:s10], $0x2800  }
0x91: {  	[sflag:s10] =	ssyncset.done $0x0  }
0x92: {  	[sflag:s10] =	ssyncadd.s32 $0xFFFFD800  }
0x93: {  	[tilespmem:s22], [sflag:$0x5] =	stream.linear.gather [hbm4b:s13+s1], $0x50, $0x38;
	[tilespmem:$0x140A0] =	vst v63  }
0x94: {  	_ =	swait.ge [sflag:s21], $0x50  }
0x95: {  	[sflag:s21] =	ssyncset.done $0x0  }
0x96: {  	[sflag:s21] =	ssyncadd.s32 $0xFFFFFFB0  }
0x97: {  	[tilespmem:s29], [sflag:$0x2] =	stream.indirect.gather [hbm4b:s6+s22], $0x80, s22, s22, $0xb8;
	[tilespmem:$0x140A0] =	vst v63  }
0x98: {  	_ = 	snop  }
0x99: {  	[tilespmem:s30], [sflag:$0x2] =	stream.indirect.gather [hbm4b:s7+s22], $0x80, s22, s22, $0xb8;
	[tilespmem:$0x140A0] =	vst v63  }
0x9a: {  	_ = 	snop  }
0x9b: {  	[tilespmem:s31], [sflag:$0x2] =	stream.indirect.gather [hbm4b:s3+s22], $0x80, s22, s22, $0xb8;
	[tilespmem:$0x140A0] =	vst v63  }
0x9c: {  	_ = 	snop  }
0x9d: {  	[tilespmem:s0], [sflag:$0x2] =	stream.indirect.gather [hbm4b:s4+s22], $0x80, s22, s22, $0xb8;
	[tilespmem:$0x140A0] =	vst v63  }
0x9e: {  	_ =	swait.ge [sflag:s2], $0x2800  }
0x9f: {  	[sflag:s2] =	ssyncset.done $0x0  }
0xa0: {  	[sflag:s2] =	ssyncadd.s32 $0xFFFFD800  }
0xa1: {  	_ =	swait.ge [sflag:s2], $0x2800  }
0xa2: {  	[sflag:s2] =	ssyncset.done $0x0  }
0xa3: {  	[sflag:s2] =	ssyncadd.s32 $0xFFFFD800  }
0xa4: {  	_ =	swait.ge [sflag:s2], $0x2800  }
0xa5: {  	[sflag:s2] =	ssyncset.done $0x0  }
0xa6: {  	s14 =	simm.s32 $0xA00;
	[sflag:s2] =	ssyncadd.s32 $0xFFFFD800  }
0xa7: {  	s15 =	simm.s32 $0x1400;
	s11 =	smov.u32 s8;
	_ =	swait.ge [sflag:s2], $0x2800  }
0xa8: {  	s20 =	smov.u32 s13;
	s17 =	rddreg [dreg:$0x6];
	[sflag:s2] =	ssyncset.done $0x0  }
.LBB2_2:
0xa9: {  	[sflag:s2] =	ssyncadd.s32 $0xFFFFD800;
	s18 =	rddreg [dreg:$0x7];
	s17 =	sadd.s32 s14, s17  }
0xaa: {  	[hbm4b:s17+s1] =	stream.linear.scatter [tilespmem:s29], [sflag:$0x4], $0x2800, $0x38;
	[tilespmem:$0x140A0] =	vst v63  }
0xab: {  	s19 =	rddreg [dreg:$0x8];
	s17 =	sadd.s32 s14, s18  }
0xac: {  	[hbm4b:s17+s1] =	stream.linear.scatter [tilespmem:s30], [sflag:$0x4], $0x2800, $0x38;
	[tilespmem:$0x140A0] =	vst v63  }
0xad: {  	s18 =	rddreg [dreg:$0x9];
	s19 =	sadd.s32 s14, s19  }
0xae: {  	[hbm4b:s19+s1] =	stream.linear.scatter [tilespmem:s31], [sflag:$0x4], $0x2800, $0x38;
	[tilespmem:$0x140A0] =	vst v63  }
0xaf: {  	s19 =	sadd.s32 s14, s18  }
0xb0: {  	[hbm4b:s19+s1] =	stream.linear.scatter [tilespmem:s0], [sflag:$0x4], $0x2800, $0x38;
	[tilespmem:$0x140A0] =	vst v63  }
0xb1: {  	_ =	swait.ge [sflag:s9], $0x2800  }
0xb2: {  	[sflag:s9] =	ssyncset.done $0x0  }
0xb3: {  	[sflag:s9] =	ssyncadd.s32 $0xFFFFD800  }
0xb4: {  	_ =	swait.ge [sflag:s9], $0x2800  }
0xb5: {  	[sflag:s9] =	ssyncset.done $0x0  }
0xb6: {  	[sflag:s9] =	ssyncadd.s32 $0xFFFFD800  }
0xb7: {  	_ =	swait.ge [sflag:s9], $0x2800  }
0xb8: {  	[sflag:s9] =	ssyncset.done $0x0  }
0xb9: {  	[sflag:s9] =	ssyncadd.s32 $0xFFFFD800  }
0xba: {  	s11 =	sadd.s32 $0xA0, s11;
	_ =	swait.ge [sflag:s9], $0x2800  }
0xbb: {  	s18 =	sshrl.u32 s11, $0x3;
	[sflag:s9] =	ssyncset.done $0x0  }
0xbc: {  	s17 =	sadd.s32 s5, s18;
	[sflag:s9] =	ssyncadd.s32 $0xFFFFD800  }
0xbd: {  	[tilespmem:s1], [sflag:$0x5] =	stream.linear.gather [hbm4b:s17+s1], $0x50, $0x38;
	[tilespmem:$0x140A0] =	vst v63  }
0xbe: {  	_ =	swait.ge [sflag:s21], $0x50  }
0xbf: {  	[sflag:s21] =	ssyncset.done $0x0  }
0xc0: {  	[sflag:s21] =	ssyncadd.s32 $0xFFFFFFB0  }
0xc1: {  	[tilespmem:s23], [sflag:$0x1] =	stream.indirect.gather [hbm4b:s6+s22], $0x80, s1, s22, $0xb8;
	[tilespmem:$0x140A0] =	vst v63  }
0xc2: {  	_ = 	snop  }
0xc3: {  	[tilespmem:s24], [sflag:$0x1] =	stream.indirect.gather [hbm4b:s7+s22], $0x80, s1, s22, $0xb8;
	[tilespmem:$0x140A0] =	vst v63  }
0xc4: {  	_ = 	snop  }
0xc5: {  	[tilespmem:s25], [sflag:$0x1] =	stream.indirect.gather [hbm4b:s3+s22], $0x80, s1, s22, $0xb8;
	[tilespmem:$0x140A0] =	vst v63  }
0xc6: {  	_ = 	snop  }
0xc7: {  	[tilespmem:s26], [sflag:$0x1] =	stream.indirect.gather [hbm4b:s4+s22], $0x80, s1, s22, $0xb8;
	[tilespmem:$0x140A0] =	vst v63  }
0xc8: {  	_ =	swait.ge [sflag:s28], $0x2800  }
0xc9: {  	[sflag:s28] =	ssyncset.done $0x0  }
0xca: {  	[sflag:s28] =	ssyncadd.s32 $0xFFFFD800  }
0xcb: {  	_ =	swait.ge [sflag:s28], $0x2800  }
0xcc: {  	[sflag:s28] =	ssyncset.done $0x0  }
0xcd: {  	[sflag:s28] =	ssyncadd.s32 $0xFFFFD800  }
0xce: {  	_ =	swait.ge [sflag:s28], $0x2800  }
0xcf: {  	[sflag:s28] =	ssyncset.done $0x0  }
0xd0: {  	[sflag:s28] =	ssyncadd.s32 $0xFFFFD800  }
0xd1: {  	_ =	swait.ge [sflag:s28], $0x2800  }
0xd2: {  	s19 =	rddreg [dreg:$0x2];
	[sflag:s28] =	ssyncset.done $0x0  }
0xd3: {  	s18 =	rddreg [dreg:$0x3];
	[sflag:s28] =	ssyncadd.s32 $0xFFFFD800;
	s17 =	sadd.s32 s14, s19  }
0xd4: {  	[hbm4b:s17+s1] =	stream.linear.scatter [tilespmem:s23], [sflag:$0x3], $0x2800, $0x38;
	[tilespmem:$0x140A0] =	vst v63  }
0xd5: {  	s19 =	rddreg [dreg:$0x4];
	s17 =	sadd.s32 s14, s18  }
0xd6: {  	[hbm4b:s17+s1] =	stream.linear.scatter [tilespmem:s24], [sflag:$0x3], $0x2800, $0x38;
	[tilespmem:$0x140A0] =	vst v63  }
0xd7: {  	s18 =	rddreg [dreg:$0x5];
	s19 =	sadd.s32 s14, s19  }
0xd8: {  	[hbm4b:s19+s1] =	stream.linear.scatter [tilespmem:s25], [sflag:$0x3], $0x2800, $0x38;
	[tilespmem:$0x140A0] =	vst v63  }
0xd9: {  	s19 =	sadd.s32 s14, s18  }
0xda: {  	[hbm4b:s19+s1] =	stream.linear.scatter [tilespmem:s26], [sflag:$0x3], $0x2800, $0x38;
	[tilespmem:$0x140A0] =	vst v63  }
0xdb: {  	_ =	swait.ge [sflag:s10], $0x2800  }
0xdc: {  	[sflag:s10] =	ssyncset.done $0x0  }
0xdd: {  	[sflag:s10] =	ssyncadd.s32 $0xFFFFD800  }
0xde: {  	_ =	swait.ge [sflag:s10], $0x2800  }
0xdf: {  	[sflag:s10] =	ssyncset.done $0x0  }
0xe0: {  	[sflag:s10] =	ssyncadd.s32 $0xFFFFD800  }
0xe1: {  	_ =	swait.ge [sflag:s10], $0x2800  }
0xe2: {  	[sflag:s10] =	ssyncset.done $0x0  }
0xe3: {  	[sflag:s10] =	ssyncadd.s32 $0xFFFFD800  }
0xe4: {  	_ =	swait.ge [sflag:s10], $0x2800  }
0xe5: {  	[sflag:s10] =	ssyncset.done $0x0  }
0xe6: {  	s20 =	sadd.s32 $0x14, s20;
	[sflag:s10] =	ssyncadd.s32 $0xFFFFD800  }
0xe7: {  	[tilespmem:s22], [sflag:$0x5] =	stream.linear.gather [hbm4b:s20+s1], $0x50, $0x38;
	[tilespmem:$0x140A0] =	vst v63  }
0xe8: {  	_ =	swait.ge [sflag:s21], $0x50  }
0xe9: {  	[sflag:s21] =	ssyncset.done $0x0  }
0xea: {  	[sflag:s21] =	ssyncadd.s32 $0xFFFFFFB0  }
0xeb: {  	[tilespmem:s29], [sflag:$0x2] =	stream.indirect.gather [hbm4b:s6+s22], $0x80, s22, s22, $0xb8;
	[tilespmem:$0x140A0] =	vst v63  }
0xec: {  	_ = 	snop  }
0xed: {  	[tilespmem:s30], [sflag:$0x2] =	stream.indirect.gather [hbm4b:s7+s22], $0x80, s22, s22, $0xb8;
	[tilespmem:$0x140A0] =	vst v63  }
0xee: {  	_ = 	snop  }
0xef: {  	[tilespmem:s31], [sflag:$0x2] =	stream.indirect.gather [hbm4b:s3+s22], $0x80, s22, s22, $0xb8;
	[tilespmem:$0x140A0] =	vst v63  }
0xf0: {  	_ = 	snop  }
0xf1: {  	[tilespmem:s0], [sflag:$0x2] =	stream.indirect.gather [hbm4b:s4+s22], $0x80, s22, s22, $0xb8;
	[tilespmem:$0x140A0] =	vst v63  }
0xf2: {  	_ =	swait.ge [sflag:s2], $0x2800  }
0xf3: {  	[sflag:s2] =	ssyncset.done $0x0  }
0xf4: {  	[sflag:s2] =	ssyncadd.s32 $0xFFFFD800  }
0xf5: {  	_ =	swait.ge [sflag:s2], $0x2800  }
0xf6: {  	[sflag:s2] =	ssyncset.done $0x0  }
0xf7: {  	p0 =	sne.s32 s15, $0x5000;
	[sflag:s2] =	ssyncadd.s32 $0xFFFFD800  }
.Ltmp0:
0xf8: {  	_ =	swait.ge [sflag:s2], $0x2800;
	(pc) =	sbr.rel @p0 .LBB2_2-.Ltmp0, $4  }
0xf9: {  	[sflag:s2] =	ssyncset.done $0x0  }
0xfa: {  	[sflag:s2] =	ssyncadd.s32 $0xFFFFD800  }
0xfb: {  	s16 =	smov.u32 s15;
	s15 =	sadd.s32 $0xA00, s15;
	_ =	swait.ge [sflag:s2], $0x2800  }
0xfc: {  	s14 =	smov.u32 s16;
	s17 =	rddreg [dreg:$0x6];
	[sflag:s2] =	ssyncset.done $0x0  }
0xfd: {  	s15 =	rddreg [dreg:$0x7];
	[sflag:s2] =	ssyncadd.s32 $0xFFFFD800;
	s16 =	sadd.s32 s14, s17  }
0xfe: {  	[hbm4b:s16+s1] =	stream.linear.scatter [tilespmem:s29], [sflag:$0x4], $0x2800, $0x38;
	[tilespmem:$0x140A0] =	vst v63  }
0xff: {  	s18 =	rddreg [dreg:$0x8];
	s15 =	sadd.s32 s14, s15  }
0x100: {  	[hbm4b:s15+s1] =	stream.linear.scatter [tilespmem:s30], [sflag:$0x4], $0x2800, $0x38;
	[tilespmem:$0x140A0] =	vst v63  }
0x101: {  	s19 =	rddreg [dreg:$0x9];
	s16 =	sadd.s32 s14, s18  }
0x102: {  	[hbm4b:s16+s1] =	stream.linear.scatter [tilespmem:s31], [sflag:$0x4], $0x2800, $0x38;
	[tilespmem:$0x140A0] =	vst v63  }
0x103: {  	s15 =	sadd.s32 s14, s19  }
0x104: {  	[hbm4b:s15+s1] =	stream.linear.scatter [tilespmem:s0], [sflag:$0x4], $0x2800, $0x38;
	[tilespmem:$0x140A0] =	vst v63  }
0x105: {  	_ =	swait.ge [sflag:s9], $0x2800  }
0x106: {  	[sflag:s9] =	ssyncset.done $0x0  }
0x107: {  	[sflag:s9] =	ssyncadd.s32 $0xFFFFD800  }
0x108: {  	_ =	swait.ge [sflag:s9], $0x2800  }
0x109: {  	[sflag:s9] =	ssyncset.done $0x0  }
0x10a: {  	[sflag:s9] =	ssyncadd.s32 $0xFFFFD800  }
0x10b: {  	_ =	swait.ge [sflag:s9], $0x2800  }
0x10c: {  	[sflag:s9] =	ssyncset.done $0x0  }
0x10d: {  	[sflag:s9] =	ssyncadd.s32 $0xFFFFD800  }
0x10e: {  	s11 =	sadd.s32 $0xA0, s11;
	_ =	swait.ge [sflag:s9], $0x2800  }
0x10f: {  	s11 =	sshrl.u32 s11, $0x3;
	[sflag:s9] =	ssyncset.done $0x0  }
0x110: {  	s11 =	sadd.s32 s5, s11;
	[sflag:s9] =	ssyncadd.s32 $0xFFFFD800  }
0x111: {  	[tilespmem:s1], [sflag:$0x5] =	stream.linear.gather [hbm4b:s11+s1], $0x50, $0x38;
	[tilespmem:$0x140A0] =	vst v63  }
0x112: {  	_ =	swait.ge [sflag:s21], $0x50  }
0x113: {  	[sflag:s21] =	ssyncset.done $0x0  }
0x114: {  	[sflag:s21] =	ssyncadd.s32 $0xFFFFFFB0  }
0x115: {  	[tilespmem:s23], [sflag:$0x1] =	stream.indirect.gather [hbm4b:s6+s22], $0x80, s1, s22, $0xb8;
	[tilespmem:$0x140A0] =	vst v63  }
0x116: {  	_ = 	snop  }
0x117: {  	[tilespmem:s24], [sflag:$0x1] =	stream.indirect.gather [hbm4b:s7+s22], $0x80, s1, s22, $0xb8;
	[tilespmem:$0x140A0] =	vst v63  }
0x118: {  	_ = 	snop  }
0x119: {  	[tilespmem:s25], [sflag:$0x1] =	stream.indirect.gather [hbm4b:s3+s22], $0x80, s1, s22, $0xb8;
	[tilespmem:$0x140A0] =	vst v63  }
0x11a: {  	_ = 	snop  }
0x11b: {  	[tilespmem:s26], [sflag:$0x1] =	stream.indirect.gather [hbm4b:s4+s22], $0x80, s1, s22, $0xb8;
	[tilespmem:$0x140A0] =	vst v63  }
0x11c: {  	_ =	swait.ge [sflag:s28], $0x2800  }
0x11d: {  	[sflag:s28] =	ssyncset.done $0x0  }
0x11e: {  	[sflag:s28] =	ssyncadd.s32 $0xFFFFD800  }
0x11f: {  	_ =	swait.ge [sflag:s28], $0x2800  }
0x120: {  	[sflag:s28] =	ssyncset.done $0x0  }
0x121: {  	[sflag:s28] =	ssyncadd.s32 $0xFFFFD800  }
0x122: {  	_ =	swait.ge [sflag:s28], $0x2800  }
0x123: {  	[sflag:s28] =	ssyncset.done $0x0  }
0x124: {  	[sflag:s28] =	ssyncadd.s32 $0xFFFFD800  }
0x125: {  	_ =	swait.ge [sflag:s28], $0x2800  }
0x126: {  	s16 =	rddreg [dreg:$0x2];
	[sflag:s28] =	ssyncset.done $0x0  }
0x127: {  	s17 =	rddreg [dreg:$0x3];
	[sflag:s28] =	ssyncadd.s32 $0xFFFFD800;
	s11 =	sadd.s32 s14, s16  }
0x128: {  	[hbm4b:s11+s1] =	stream.linear.scatter [tilespmem:s23], [sflag:$0x3], $0x2800, $0x38;
	[tilespmem:$0x140A0] =	vst v63  }
0x129: {  	s18 =	rddreg [dreg:$0x4];
	s15 =	sadd.s32 s14, s17  }
0x12a: {  	[hbm4b:s15+s1] =	stream.linear.scatter [tilespmem:s24], [sflag:$0x3], $0x2800, $0x38;
	[tilespmem:$0x140A0] =	vst v63  }
0x12b: {  	s19 =	rddreg [dreg:$0x5];
	s11 =	sadd.s32 s14, s18  }
0x12c: {  	[hbm4b:s11+s1] =	stream.linear.scatter [tilespmem:s25], [sflag:$0x3], $0x2800, $0x38;
	[tilespmem:$0x140A0] =	vst v63  }
0x12d: {  	s14 =	sadd.s32 s14, s19  }
0x12e: {  	[hbm4b:s14+s1] =	stream.linear.scatter [tilespmem:s26], [sflag:$0x3], $0x2800, $0x38;
	[tilespmem:$0x140A0] =	vst v63  }
0x12f: {  	_ =	swait.ge [sflag:s10], $0x2800  }
0x130: {  	[sflag:s10] =	ssyncset.done $0x0  }
0x131: {  	[sflag:s10] =	ssyncadd.s32 $0xFFFFD800  }
0x132: {  	_ =	swait.ge [sflag:s10], $0x2800  }
0x133: {  	[sflag:s10] =	ssyncset.done $0x0  }
0x134: {  	[sflag:s10] =	ssyncadd.s32 $0xFFFFD800  }
0x135: {  	_ =	swait.ge [sflag:s10], $0x2800  }
0x136: {  	[sflag:s10] =	ssyncset.done $0x0  }
0x137: {  	[sflag:s10] =	ssyncadd.s32 $0xFFFFD800  }
0x138: {  	_ =	swait.ge [sflag:s10], $0x2800  }
0x139: {  	[sflag:s10] =	ssyncset.done $0x0  }
0x13a: {  	s15 =	sadd.s32 $0x14, s20;
	[sflag:s10] =	ssyncadd.s32 $0xFFFFD800  }
0x13b: {  	[tilespmem:s22], [sflag:$0x5] =	stream.linear.gather [hbm4b:s15+s1], $0x50, $0x38;
	[tilespmem:$0x140A0] =	vst v63  }
0x13c: {  	_ =	swait.ge [sflag:s21], $0x50  }
0x13d: {  	[sflag:s21] =	ssyncset.done $0x0  }
0x13e: {  	[sflag:s21] =	ssyncadd.s32 $0xFFFFFFB0  }
0x13f: {  	[tilespmem:s29], [sflag:$0x2] =	stream.indirect.gather [hbm4b:s6+s22], $0x80, s22, s22, $0xb8;
	[tilespmem:$0x140A0] =	vst v63  }
0x140: {  	_ = 	snop  }
0x141: {  	[tilespmem:s30], [sflag:$0x2] =	stream.indirect.gather [hbm4b:s7+s22], $0x80, s22, s22, $0xb8;
	[tilespmem:$0x140A0] =	vst v63  }
0x142: {  	_ = 	snop  }
0x143: {  	[tilespmem:s31], [sflag:$0x2] =	stream.indirect.gather [hbm4b:s3+s22], $0x80, s22, s22, $0xb8;
	[tilespmem:$0x140A0] =	vst v63  }
0x144: {  	_ = 	snop  }
0x145: {  	[tilespmem:s0], [sflag:$0x2] =	stream.indirect.gather [hbm4b:s4+s22], $0x80, s22, s22, $0xb8;
	[tilespmem:$0x140A0] =	vst v63  }
0x146: {  	_ =	swait.ge [sflag:s2], $0x2800  }
0x147: {  	[sflag:s2] =	ssyncset.done $0x0  }
0x148: {  	[sflag:s2] =	ssyncadd.s32 $0xFFFFD800  }
0x149: {  	_ =	swait.ge [sflag:s2], $0x2800  }
0x14a: {  	[sflag:s2] =	ssyncset.done $0x0  }
0x14b: {  	[sflag:s2] =	ssyncadd.s32 $0xFFFFD800  }
0x14c: {  	_ =	swait.ge [sflag:s2], $0x2800  }
0x14d: {  	[sflag:s2] =	ssyncset.done $0x0  }
0x14e: {  	[sflag:s2] =	ssyncadd.s32 $0xFFFFD800  }
0x14f: {  	_ =	swait.ge [sflag:s2], $0x2800  }
0x150: {  	[sflag:s2] =	ssyncset.done $0x0  }
0x151: {  	s16 =	rddreg [dreg:$0x10];
	[sflag:s2] =	ssyncadd.s32 $0xFFFFD800  }
0x152: {  	[hbm4b:s16+s1] =	stream.linear.scatter [tilespmem:s29], [sflag:$0x4], $0x2800, $0x38;
	[tilespmem:$0x140A0] =	vst v63  }
0x153: {  	s17 =	rddreg [dreg:$0x11]  }
0x154: {  	[hbm4b:s17+s1] =	stream.linear.scatter [tilespmem:s30], [sflag:$0x4], $0x2800, $0x38;
	[tilespmem:$0x140A0] =	vst v63  }
0x155: {  	s18 =	rddreg [dreg:$0x12]  }
0x156: {  	[hbm4b:s18+s1] =	stream.linear.scatter [tilespmem:s31], [sflag:$0x4], $0x2800, $0x38;
	[tilespmem:$0x140A0] =	vst v63  }
0x157: {  	s19 =	rddreg [dreg:$0x13]  }
0x158: {  	[hbm4b:s19+s1] =	stream.linear.scatter [tilespmem:s0], [sflag:$0x4], $0x2800, $0x38;
	[tilespmem:$0x140A0] =	vst v63  }
0x159: {  	_ =	swait.ge [sflag:s9], $0x2800  }
0x15a: {  	[sflag:s9] =	ssyncset.done $0x0  }
0x15b: {  	[sflag:s9] =	ssyncadd.s32 $0xFFFFD800  }
0x15c: {  	_ =	swait.ge [sflag:s9], $0x2800  }
0x15d: {  	[sflag:s9] =	ssyncset.done $0x0  }
0x15e: {  	[sflag:s9] =	ssyncadd.s32 $0xFFFFD800  }
0x15f: {  	_ =	swait.ge [sflag:s9], $0x2800  }
0x160: {  	[sflag:s9] =	ssyncset.done $0x0  }
0x161: {  	[sflag:s9] =	ssyncadd.s32 $0xFFFFD800  }
0x162: {  	_ =	swait.ge [sflag:s9], $0x2800  }
0x163: {  	[sflag:s9] =	ssyncset.done $0x0  }
0x164: {  	[sflag:s9] =	ssyncadd.s32 $0xFFFFD800  }
0x165: {  	_ =	swait.ge [sflag:s10], $0x2800  }
0x166: {  	[sflag:s10] =	ssyncset.done $0x0  }
0x167: {  	[sflag:s10] =	ssyncadd.s32 $0xFFFFD800  }
0x168: {  	_ =	swait.ge [sflag:s10], $0x2800  }
0x169: {  	[sflag:s10] =	ssyncset.done $0x0  }
0x16a: {  	[sflag:s10] =	ssyncadd.s32 $0xFFFFD800  }
0x16b: {  	_ =	swait.ge [sflag:s10], $0x2800  }
0x16c: {  	[sflag:s10] =	ssyncset.done $0x0  }
0x16d: {  	[sflag:s10] =	ssyncadd.s32 $0xFFFFD800  }
0x16e: {  	_ =	swait.ge [sflag:s10], $0x2800  }
0x16f: {  	s12 =	sadd.s32 $0x1, s12;
	s20 =	rddreg [dreg:$0x14]  }
0x170: {  	p0 =	sne.s32 s12, s20  }
.Ltmp1:
0x171: {  	_ = 	snop;
	(pc) =	sbr.rel @p0 .LBB2_1-.Ltmp1, $3  }
0x172: {  	_ =	sdelay $0x1  }
0x173: {  	[sflag:s10] =	ssyncset.done $0x0  }
0x174: {  	[sflag:s10] =	ssyncadd.s32 $0xFFFFD800  }
0x175: {  	_ =	sfence.sel $0x180000  }
0x176: {  	[bflag:$0x0] =	sbarrier.arrive $0xFFFF  }
0x177: {  	_ =	strace $0x90000050  }
0x178: {  	s0 =	stileid.u32;
	[bflag:$0x2] =	sbarrier.arrive $0xFFFF  }
0x179: {  	p0 =	sne.s32 s0, $0x0;
	s0 =	rddreg [dreg:$0x1]  }
0x17a: {  	s0 =	sadd.s32 @!p0 $0x100000, s0  }
0x17b: {  	[sflag:s0] =	ssyncadd.tile.s32 @!p0 $0x1;
	_ =	shalt  }
.Lfunc_end2:
_tile_overlayer_lowered:
.L_overlay_start_2:
0x17c: {  	(tag) =	ssettag $0x2  }
0x17d: {  	s0 =	rddreg [dreg:$0x0];
	s2 =	stileid.u32  }
0x17e: {  	s1 =	rddreg [dreg:$0x1];
	p0 =	sne.s32 s2, $0x0  }
0x17f: {  	s3 =	rddreg [dreg:$0x2];
	[bflag:$0x3] =	sbarrier.arrive $0xFFFF;
	s2 =	simm.s32 @!p0 $0x1C05  }
0x180: {  	[timem:s3], [sflag:s2] =	dma.local @!p0 [hbm:s0], s1  }
0x181: {  	s0 =	simm.s32 @!p0 $0x5  }
0x182: {  	_ =	swait.ge @!p0 [sflag:s0], s1  }
0x183: {  	s1 =	ssub.s32 @!p0 $0x0, s1;
	[sflag:s0] =	ssyncset.done @!p0 $0x0  }
0x184: {  	[sflag:s0] =	ssyncadd.s32 @!p0 s1  }
0x185: {  	[bflag:$0x3] =	sbarrier.arrive $0xFFFF  }
0x186: {  	_ =	shalt  }

</sc_bundles>
